<compile_context>
chip_gen: v7x
topology: tpu7x:2x2x1
jax: 0.10.2.dev20260603
libtpu: 0.0.44.dev20260713+nightly
codegen_flags: <defaults>
</compile_context>

<pallas_src>
import functools

import jax
import jax.numpy as jnp
from jax import lax
from jax.experimental import pallas as pl
from jax.experimental.pallas import tpu as pltpu
from jax.experimental.pallas import tpu_sc as plsc

NUM_UNITS = 16
NUM_TACTICS = 16
ACTION_DIM = 32
HEAD_HIDDEN = 128
TRUNK_HIDDEN = 256
OUT_W = 128
_SC_CORES = 2
_SC_SUBCORES = 16
_SC_WORKERS = _SC_CORES * _SC_SUBCORES
_CHUNK = 128


def _dot(a, b, precision=None):
    return lax.dot_general(a, b, (((1,), (0,)), ((), ())),
                           preferred_element_type=jnp.float32,
                           precision=precision)


def _dotb(a, b):
    return lax.dot_general(a, b, (((1,), (0,)), ((), ())),
                           preferred_element_type=jnp.bfloat16)



def _sort_body(uohT_ref, tacT_ref, pos_ref, offs_ref, tacpad_ref, *, N, C):
    i32 = jnp.int32
    bf = jnp.bfloat16
    uohT = uohT_ref[...]
    mx = jnp.max(uohT, axis=0, keepdims=True)
    rows16 = lax.broadcasted_iota(i32, (NUM_UNITS, N), 0)
    idxT = jnp.min(jnp.where(uohT == mx, rows16, NUM_UNITS), axis=0,
                   keepdims=True)
    ohT = rows16 == idxT
    ohbf = ohT.astype(bf)

    a = lax.broadcasted_iota(i32, (C, C), 0)
    b = lax.broadcasted_iota(i32, (C, C), 1)
    U = (a <= b).astype(bf)
    cum = jnp.zeros((NUM_UNITS, 1), jnp.float32)
    parts = []
    for ci in range(N // C):
        ohc = ohbf[:, ci * C:(ci + 1) * C]
        incl = lax.dot_general(ohc, U, (((1,), (0,)), ((), ())),
                               preferred_element_type=jnp.float32)
        parts.append(incl - ohc.astype(jnp.float32) + cum)
        cum = cum + incl[:, C - 1:C]
    partT = jnp.concatenate(parts, axis=1)

    t1 = lax.broadcasted_iota(i32, (NUM_UNITS, NUM_UNITS), 0)
    t2 = lax.broadcasted_iota(i32, (NUM_UNITS, NUM_UNITS), 1)
    TL = (t2 < t1).astype(jnp.float32)
    offs = lax.dot_general(TL, cum, (((1,), (0,)), ((), ())),
                           preferred_element_type=jnp.float32,
                           precision=lax.Precision.HIGHEST)
    posT = jnp.sum(jnp.where(ohT, partT + offs, 0.0), axis=0,
                   keepdims=True).astype(i32)
    for k in range(N // 128):
        pos_ref[k:k + 1, :] = posT[:, k * 128:(k + 1) * 128]
    offs_ref[...] = offs.astype(i32)

    E = (lax.broadcasted_iota(i32, (NUM_UNITS, 128), 0)
         == lax.broadcasted_iota(i32, (NUM_UNITS, 128), 1)).astype(bf)
    tacpad_ref[...] = lax.dot_general(
        tacT_ref[...].astype(bf), E, (((0,), (0,)), ((), ())),
        preferred_element_type=jnp.float32)


def _sort_call(uohT, tacT, *, N, interpret=False):
    return pl.pallas_call(
        functools.partial(_sort_body, N=N, C=256),
        out_shape=[jax.ShapeDtypeStruct((N // 128, 128), jnp.int32),
                   jax.ShapeDtypeStruct((NUM_UNITS, 1), jnp.int32),
                   jax.ShapeDtypeStruct((N, 128), jnp.float32)],
        interpret=interpret,
    )(uohT, tacT)



def _route_in(obs, tacpad, pos2d):
    N = obs.shape[0]
    rows_per_w = N // _SC_WORKERS
    nch = rows_per_w // _CHUNK
    mesh = plsc.VectorSubcoreMesh(core_axis_name="c", subcore_axis_name="s")

    @functools.partial(
        pl.kernel, mesh=mesh,
        out_type=[jax.ShapeDtypeStruct((N, 128), jnp.float32),
                  jax.ShapeDtypeStruct((N, 128), jnp.float32)],
        scratch_types=[pltpu.VMEM((nch, _CHUNK), jnp.int32),
                       pltpu.VMEM((_CHUNK, 128), jnp.float32),
                       pltpu.VMEM((_CHUNK, 128), jnp.float32),
                       pltpu.VMEM((_CHUNK, 128), jnp.float32),
                       pltpu.VMEM((_CHUNK, 128), jnp.float32),
                       pltpu.SemaphoreType.DMA],
    )
    def k(obs_hbm, tac_hbm, pos_hbm, obs_out, tac_out, idx_v, ob0, ob1, tb0,
          tb1, sem):
        wid = lax.axis_index("s") * _SC_CORES + lax.axis_index("c")
        rbase = wid * nch
        pltpu.sync_copy(pos_hbm.at[pl.ds(rbase, nch)], idx_v)
        obufs, tbufs = [ob0, ob1], [tb0, tb1]
        pend = [None, None]
        for j in range(nch):
            bi = j % 2
            if pend[bi] is not None:
                for c in pend[bi]:
                    c.wait()
            r0 = (rbase + j) * _CHUNK
            pltpu.sync_copy(obs_hbm.at[pl.ds(r0, _CHUNK)], obufs[bi])
            c1 = pltpu.async_copy(obufs[bi], obs_out.at[idx_v.at[j]], sem)
            pltpu.sync_copy(tac_hbm.at[pl.ds(r0, _CHUNK)], tbufs[bi])
            c2 = pltpu.async_copy(tbufs[bi], tac_out.at[idx_v.at[j]], sem)
            pend[bi] = (c1, c2)
        for p in pend:
            if p is not None:
                for c in p:
                    c.wait()

    return k(obs, tacpad, pos2d)


def _route_out(comb_s, pos2d):
    N = comb_s.shape[0]
    rows_per_w = N // _SC_WORKERS
    nch = rows_per_w // _CHUNK
    mesh = plsc.VectorSubcoreMesh(core_axis_name="c", subcore_axis_name="s")

    @functools.partial(
        pl.kernel, mesh=mesh,
        out_type=jax.ShapeDtypeStruct((N, OUT_W), jnp.float32),
        scratch_types=[pltpu.VMEM((nch, _CHUNK), jnp.int32)]
        + [pltpu.VMEM((_CHUNK, OUT_W), jnp.float32)] * 4
        + [pltpu.SemaphoreType.DMA],
    )
    def k(comb_hbm, pos_hbm, out_hbm, idx_v, g0, g1, g2, g3, sem):
        wid = lax.axis_index("s") * _SC_CORES + lax.axis_index("c")
        rbase = wid * nch
        pltpu.sync_copy(pos_hbm.at[pl.ds(rbase, nch)], idx_v)
        bufs = [g0, g1, g2, g3]
        pend = []
        for j in range(nch):
            pend.append(pltpu.async_copy(comb_hbm.at[idx_v.at[j]], bufs[j],
                                         sem))
        for j in range(nch):
            pend[j].wait()
            r0 = (rbase + j) * _CHUNK
            pltpu.sync_copy(bufs[j], out_hbm.at[pl.ds(r0, _CHUNK)])

    return k(comb_s, pos2d)



def _heads_body(obs_ref, tac_ref, offs_ref, W1a_ref, W1b_ref, b1_ref, W2_ref,
                b2_ref, pW1_ref, pb1_ref, pW2_ref, pb2_ref, vW1_ref, vb1_ref,
                vW2_ref, vb2_ref, comb_ref, Wh1_s, bh1_s, Wh2_s, bh2_s,
                *, B, N):
    bf = jnp.bfloat16
    H2 = 2 * HEAD_HIDDEN

    @pl.when(pl.program_id(0) == 0)
    def _pack():
        lane = lax.broadcasted_iota(jnp.int32, (HEAD_HIDDEN, OUT_W), 1)
        lane1 = lax.broadcasted_iota(jnp.int32, (1, OUT_W), 1)
        zpad = jnp.zeros((HEAD_HIDDEN, OUT_W - ACTION_DIM), bf)
        zpadb = jnp.zeros((1, OUT_W - ACTION_DIM), jnp.float32)
        for u in range(NUM_UNITS):
            Wh1_s[u, :, 0:HEAD_HIDDEN] = pW1_ref[u].astype(bf)
            Wh1_s[u, :, HEAD_HIDDEN:H2] = vW1_ref[u].astype(bf)
            bh1_s[u:u + 1, 0:HEAD_HIDDEN] = pb1_ref[u:u + 1].astype(bf)
            bh1_s[u:u + 1, HEAD_HIDDEN:H2] = vb1_ref[u:u + 1].astype(bf)
            Wh2_s[u, 0:HEAD_HIDDEN, :] = jnp.concatenate(
                [pW2_ref[u].astype(bf), zpad], axis=1)
            vcol = jnp.broadcast_to(vW2_ref[u], (HEAD_HIDDEN, OUT_W))
            Wh2_s[u, HEAD_HIDDEN:H2, :] = jnp.where(
                lane == ACTION_DIM, vcol, 0.0).astype(bf)
            bh2_s[u:u + 1, :] = jnp.concatenate(
                [pb2_ref[u:u + 1], zpadb], axis=1) + jnp.where(
                    lane1 == ACTION_DIM,
                    jnp.broadcast_to(vb2_ref[u:u + 1], (1, OUT_W)), 0.0)

    h1 = _dot(obs_ref[...].astype(bf), W1a_ref[...]) \
        + _dot(tac_ref[...].astype(bf), W1b_ref[...])
    h1 = jnp.maximum(h1 + b1_ref[...].astype(jnp.float32), 0.0)
    h = jnp.maximum(_dot(h1.astype(bf), W2_ref[...])
                    + b2_ref[...].astype(jnp.float32), 0.0)
    hb = h.astype(bf)

    row0 = pl.program_id(0) * B
    jrow = lax.broadcasted_iota(jnp.int32, (B, 1), 0) + row0
    for u in range(NUM_UNITS):
        lo = offs_ref[u, 0]
        hi = offs_ref[u + 1, 0] if u < NUM_UNITS - 1 else N

        @pl.when(jnp.logical_and(lo < row0 + B, hi > row0))
        def _run(u=u, lo=lo, hi=hi):
            hv = jnp.maximum(_dot(hb, Wh1_s[u])
                             + bh1_s[u:u + 1].astype(jnp.float32), 0.0)
            out = _dot(hv.astype(bf), Wh2_s[u]) + bh2_s[u:u + 1]
            comb_ref[...] = jnp.where(jrow >= lo, out, comb_ref[...])


def _heads_call(obs_s, tac_s, offs, W1a, W1b, b1, W2, b2, pW1, pb1, pW2, pb2,
                vW1, vb1, vW2, vb2, *, block_rows, interpret=False):
    N = obs_s.shape[0]
    B = block_rows
    grid = (N // B,)

    def rows(i):
        return (i, 0)

    def full2(i):
        return (0, 0)

    def full3(i):
        return (0, 0, 0)

    H2 = 2 * HEAD_HIDDEN
    return pl.pallas_call(
        functools.partial(_heads_body, B=B, N=N),
        grid=grid,
        in_specs=[
            pl.BlockSpec((B, 128), rows),
            pl.BlockSpec((B, 128), rows),
            pl.BlockSpec(offs.shape, full2),
            pl.BlockSpec(W1a.shape, full2),
            pl.BlockSpec(W1b.shape, full2),
            pl.BlockSpec(b1.shape, full2),
            pl.BlockSpec(W2.shape, full2),
            pl.BlockSpec(b2.shape, full2),
            pl.BlockSpec(pW1.shape, full3),
            pl.BlockSpec(pb1.shape, full2),
            pl.BlockSpec(pW2.shape, full3),
            pl.BlockSpec(pb2.shape, full2),
            pl.BlockSpec(vW1.shape, full3),
            pl.BlockSpec(vb1.shape, full2),
            pl.BlockSpec(vW2.shape, full3),
            pl.BlockSpec(vb2.shape, full2),
        ],
        out_specs=pl.BlockSpec((B, OUT_W), rows),
        out_shape=jax.ShapeDtypeStruct((N, OUT_W), jnp.float32),
        scratch_shapes=[
            pltpu.VMEM((NUM_UNITS, TRUNK_HIDDEN, H2), jnp.bfloat16),
            pltpu.VMEM((NUM_UNITS, H2), jnp.bfloat16),
            pltpu.VMEM((NUM_UNITS, H2, OUT_W), jnp.bfloat16),
            pltpu.VMEM((NUM_UNITS, OUT_W), jnp.float32),
        ],
        interpret=interpret,
    )(obs_s, tac_s, offs, W1a, W1b, b1, W2, b2, pW1, pb1, pW2, pb2, vW1, vb1,
      vW2, vb2)


def _split_body(comb_ref, lgT_ref, val_ref, *, B):
    blk = comb_ref[...]
    lgT_ref[...] = lax.transpose(blk[:, 0:ACTION_DIM], (1, 0))
    valT = lax.transpose(blk[:, ACTION_DIM:ACTION_DIM + 1], (1, 0))
    val_ref[...] = jnp.broadcast_to(valT, (8, B))


def _split_call(comb, *, block_rows=2048, interpret=False):
    N = comb.shape[0]
    B = block_rows
    return pl.pallas_call(
        functools.partial(_split_body, B=B),
        grid=(N // B,),
        in_specs=[pl.BlockSpec((B, OUT_W), lambda i: (i, 0))],
        out_specs=[pl.BlockSpec((ACTION_DIM, B), lambda i: (0, i)),
                   pl.BlockSpec((8, B), lambda i: (0, i))],
        out_shape=[jax.ShapeDtypeStruct((ACTION_DIM, N), jnp.float32),
                   jax.ShapeDtypeStruct((8, N), jnp.float32)],
        interpret=interpret,
    )(comb)



def kernel(team_obs_rep, tactic_onehot_rep, unit_ids_onehot, W1, b1, W2, b2,
           pW1, pb1, pW2, pb2, vW1, vb1, vW2, vb2, *, block_rows=2048,
           interpret=False):
    bf = jnp.bfloat16
    N = team_obs_rep.shape[0]

    pos2d, offs, tacpad = _sort_call(unit_ids_onehot.T, tactic_onehot_rep.T,
                                     N=N, interpret=interpret)

    obs_s, tac_s = _route_in(team_obs_rep, tacpad, pos2d)

    W1bp = jnp.pad(W1[128:], ((0, 128 - NUM_TACTICS), (0, 0)))
    comb_s = _heads_call(
        obs_s, tac_s, offs,
        W1[:128].astype(bf), W1bp.astype(bf), b1.reshape(1, -1).astype(bf),
        W2.astype(bf), b2.reshape(1, -1).astype(bf),
        pW1, pb1, pW2, pb2, vW1, vb1, vW2, vb2,
        block_rows=block_rows, interpret=interpret)

    comb = _route_out(comb_s, pos2d)
    lgT, vals8 = _split_call(comb, interpret=interpret)
    return lgT.T, vals8[0]

# --- scband reference (transcript-rebuilt; emitter-appended) ---
"""Pipeline reference for scband-unit-actor-critic-multi-head-22016002359967 (READ-ONLY COPY).

The authoritative reference and input builder live on the scoring server;
editing this copy changes nothing except your own understanding.
"""

import jax, jax.numpy as jnp
import numpy as np

N = 16384
UNIT_OBS_DIM = 128
NUM_TACTICS = 16
NUM_UNITS = 16
ACTION_DIM = 32
TRUNK_HIDDEN = 256
HEAD_HIDDEN = 128
IN_DIM = UNIT_OBS_DIM + NUM_TACTICS


def setup_inputs(seed: int = 0) -> dict:
    key = jax.random.key(seed)
    ks = jax.random.split(key, 16)
    inp = {}
    inp['team_obs_rep'] = jax.random.normal(ks[0], (N, UNIT_OBS_DIM), dtype=jnp.float32)
    inp['tactic_onehot_rep'] = jax.random.uniform(ks[1], (N, NUM_TACTICS), dtype=jnp.float32)
    inp['unit_ids_onehot'] = jax.random.uniform(ks[2], (N, NUM_UNITS), dtype=jnp.float32)
    s = 0.05
    inp['W1'] = jax.random.normal(ks[3], (IN_DIM, TRUNK_HIDDEN), dtype=jnp.float32) * s
    inp['b1'] = jnp.zeros((TRUNK_HIDDEN,), dtype=jnp.float32)
    inp['W2'] = jax.random.normal(ks[4], (TRUNK_HIDDEN, TRUNK_HIDDEN), dtype=jnp.float32) * s
    inp['b2'] = jnp.zeros((TRUNK_HIDDEN,), dtype=jnp.float32)
    inp['pW1'] = jax.random.normal(ks[5], (NUM_UNITS, TRUNK_HIDDEN, HEAD_HIDDEN), dtype=jnp.float32) * s
    inp['pb1'] = jnp.zeros((NUM_UNITS, HEAD_HIDDEN), dtype=jnp.float32)
    inp['pW2'] = jax.random.normal(ks[6], (NUM_UNITS, HEAD_HIDDEN, ACTION_DIM), dtype=jnp.float32) * s
    inp['pb2'] = jnp.zeros((NUM_UNITS, ACTION_DIM), dtype=jnp.float32)
    inp['vW1'] = jax.random.normal(ks[7], (NUM_UNITS, TRUNK_HIDDEN, HEAD_HIDDEN), dtype=jnp.float32) * s
    inp['vb1'] = jnp.zeros((NUM_UNITS, HEAD_HIDDEN), dtype=jnp.float32)
    inp['vW2'] = jax.random.normal(ks[8], (NUM_UNITS, HEAD_HIDDEN, 1), dtype=jnp.float32) * s
    inp['vb2'] = jnp.zeros((NUM_UNITS, 1), dtype=jnp.float32)
    return inp


def reference(team_obs_rep, tactic_onehot_rep, unit_ids_onehot, W1, b1, W2, b2, pW1, pb1, pW2, pb2, vW1, vb1, vW2, vb2):
    x = jnp.concatenate([team_obs_rep, tactic_onehot_rep], axis=-1)
    h = jnp.maximum(x @ W1 + b1, 0.0)
    h = jnp.maximum(h @ W2 + b2, 0.0)
    idx = jnp.argmax(unit_ids_onehot, axis=-1)
    logits = jnp.zeros((h.shape[0], ACTION_DIM), dtype=h.dtype)
    values = jnp.zeros((h.shape[0],), dtype=h.dtype)
    for k in range(NUM_UNITS):
        mask = (idx == k).astype(h.dtype)
        hk = jnp.maximum(h @ pW1[k] + pb1[k], 0.0)
        logits_k = hk @ pW2[k] + pb2[k]
        vk = jnp.maximum(h @ vW1[k] + vb1[k], 0.0)
        v_k = (vk @ vW2[k] + vb2[k])[:, 0]
        logits = logits + mask[:, None] * logits_k
        values = values + mask * v_k
    return (logits, values)

if __name__ == "__main__":
    import jax
    _d = setup_inputs()
    print(jax.jit(kernel)(*tuple(_d.values())))

</pallas_src>

<mosaic_0001>
#map = affine_map<(d0, d1) -> (0, 0)>
module attributes {stable_mosaic.version = 14 : i64} {
  func.func @k(%arg0: i32, %arg1: i32, %arg2: memref<16384x128xf32, #tpu.memory_space<hbm>>, %arg3: memref<128x128xi32, #tpu.memory_space<hbm>>, %arg4: memref<16384x128xf32, #tpu.memory_space<hbm>>, %arg5: memref<4x128xi32, #tpu.memory_space<vmem>>, %arg6: memref<128x128xf32, #tpu.memory_space<vmem>>, %arg7: memref<128x128xf32, #tpu.memory_space<vmem>>, %arg8: memref<128x128xf32, #tpu.memory_space<vmem>>, %arg9: memref<128x128xf32, #tpu.memory_space<vmem>>, %arg10: memref<!tpu.dma_semaphore, #tpu.memory_space<semaphore_mem>>) attributes {dimension_semantics = [#tpu.dimension_semantics<core_parallel>, #tpu.dimension_semantics<subcore_parallel>], iteration_bounds = array<i64: 2, 16>, scalar_prefetch = 0 : i64, scratch_operands = 6 : i64, tpu.core_type = #tpu.core_type<sc_vector_subcore>, window_params = [{transform_indices = #map}, {transform_indices = #map}, {transform_indices = #map}]} {
    %mul3A = arith.constant 2 : i32
    %mul3A_0 = arith.muli %arg1, %mul3A : i32
    %add3A = arith.addi %mul3A_0, %arg0 : i32
    %mul3A_1 = arith.constant 4 : i32
    %mul3A_2 = arith.muli %add3A, %mul3A_1 : i32
    "tpu.region"() ({
      %run_scoped3A = tpu.sem_alloc : memref<!tpu.dma_semaphore, #tpu.memory_space<semaphore_mem>>
      %dma_start3A_73 = arith.constant 0 : i32
      %dma_start3A_74 = tpu.memref_slice %arg3[%mul3A_2, %dma_start3A_73] : memref<128x128xi32, #tpu.memory_space<hbm>> -> memref<4x128xi32, #tpu.memory_space<hbm>>
      %dma_start3A_75 = arith.constant 0 : i32
      %dma_start3A_76 = tpu.memref_slice %arg3[%mul3A_2, %dma_start3A_75] : memref<128x128xi32, #tpu.memory_space<hbm>> -> memref<4x128xi32, #tpu.memory_space<hbm>>
      tpu.enqueue_dma source(%dma_start3A_76 : memref<4x128xi32, #tpu.memory_space<hbm>>) target(%arg5 : memref<4x128xi32, #tpu.memory_space<vmem>>) target_semaphore(%run_scoped3A : memref<!tpu.dma_semaphore, #tpu.memory_space<semaphore_mem>>)
      %dma_wait3A_77 = arith.constant 0 : i32
      %dma_wait3A_78 = tpu.memref_slice %arg3[%mul3A_2, %dma_wait3A_77] : memref<128x128xi32, #tpu.memory_space<hbm>> -> memref<4x128xi32, #tpu.memory_space<hbm>>
      %dma_wait3A_79 = arith.constant 0 : i32
      %dma_wait3A_80 = tpu.memref_slice %arg3[%mul3A_2, %dma_wait3A_79] : memref<128x128xi32, #tpu.memory_space<hbm>> -> memref<4x128xi32, #tpu.memory_space<hbm>>
      tpu.wait_dma2 semaphore(%run_scoped3A : memref<!tpu.dma_semaphore, #tpu.memory_space<semaphore_mem>>) src(%dma_wait3A_80 : memref<4x128xi32, #tpu.memory_space<hbm>>) dst(%arg5 : memref<4x128xi32, #tpu.memory_space<vmem>>)
      tpu.yield
    }) : () -> ()
    %dma_start3A = arith.constant 0 : i32
    %dma_start3A_3 = arith.constant 0 : i32
    %dma_start3A_4 = tpu.memref_slice %arg5[%dma_start3A, %dma_start3A_3] : memref<4x128xi32, #tpu.memory_space<vmem>> -> memref<1x128xi32, #tpu.memory_space<vmem>>
    %dma_start3A_5 = tpu.memref_squeeze %dma_start3A_4 : memref<1x128xi32, #tpu.memory_space<vmem>> -> memref<128xi32, #tpu.memory_space<vmem>>
    %dma_start3A_6 = arith.constant 0 : i32
    %dma_start3A_7 = arith.constant 0 : i32
    %dma_start3A_8 = tpu.memref_slice %arg2[%dma_start3A_6, %dma_start3A_7] : memref<16384x128xf32, #tpu.memory_space<hbm>> -> memref<16384x128xf32, #tpu.memory_space<hbm>>
    tpu.enqueue_indirect_dma source(%dma_start3A_8 : memref<16384x128xf32, #tpu.memory_space<hbm>>) target(%arg6 : memref<128x128xf32, #tpu.memory_space<vmem>>) offsets(%dma_start3A_5 : memref<128xi32, #tpu.memory_space<vmem>>) semaphore(%arg10 : memref<!tpu.dma_semaphore, #tpu.memory_space<semaphore_mem>>)
    %dma_start3A_9 = arith.constant 1 : i32
    %dma_start3A_10 = arith.constant 0 : i32
    %dma_start3A_11 = tpu.memref_slice %arg5[%dma_start3A_9, %dma_start3A_10] : memref<4x128xi32, #tpu.memory_space<vmem>> -> memref<1x128xi32, #tpu.memory_space<vmem>>
    %dma_start3A_12 = tpu.memref_squeeze %dma_start3A_11 : memref<1x128xi32, #tpu.memory_space<vmem>> -> memref<128xi32, #tpu.memory_space<vmem>>
    %dma_start3A_13 = arith.constant 0 : i32
    %dma_start3A_14 = arith.constant 0 : i32
    %dma_start3A_15 = tpu.memref_slice %arg2[%dma_start3A_13, %dma_start3A_14] : memref<16384x128xf32, #tpu.memory_space<hbm>> -> memref<16384x128xf32, #tpu.memory_space<hbm>>
    tpu.enqueue_indirect_dma source(%dma_start3A_15 : memref<16384x128xf32, #tpu.memory_space<hbm>>) target(%arg7 : memref<128x128xf32, #tpu.memory_space<vmem>>) offsets(%dma_start3A_12 : memref<128xi32, #tpu.memory_space<vmem>>) semaphore(%arg10 : memref<!tpu.dma_semaphore, #tpu.memory_space<semaphore_mem>>)
    %dma_start3A_16 = arith.constant 2 : i32
    %dma_start3A_17 = arith.constant 0 : i32
    %dma_start3A_18 = tpu.memref_slice %arg5[%dma_start3A_16, %dma_start3A_17] : memref<4x128xi32, #tpu.memory_space<vmem>> -> memref<1x128xi32, #tpu.memory_space<vmem>>
    %dma_start3A_19 = tpu.memref_squeeze %dma_start3A_18 : memref<1x128xi32, #tpu.memory_space<vmem>> -> memref<128xi32, #tpu.memory_space<vmem>>
    %dma_start3A_20 = arith.constant 0 : i32
    %dma_start3A_21 = arith.constant 0 : i32
    %dma_start3A_22 = tpu.memref_slice %arg2[%dma_start3A_20, %dma_start3A_21] : memref<16384x128xf32, #tpu.memory_space<hbm>> -> memref<16384x128xf32, #tpu.memory_space<hbm>>
    tpu.enqueue_indirect_dma source(%dma_start3A_22 : memref<16384x128xf32, #tpu.memory_space<hbm>>) target(%arg8 : memref<128x128xf32, #tpu.memory_space<vmem>>) offsets(%dma_start3A_19 : memref<128xi32, #tpu.memory_space<vmem>>) semaphore(%arg10 : memref<!tpu.dma_semaphore, #tpu.memory_space<semaphore_mem>>)
    %dma_start3A_23 = arith.constant 3 : i32
    %dma_start3A_24 = arith.constant 0 : i32
    %dma_start3A_25 = tpu.memref_slice %arg5[%dma_start3A_23, %dma_start3A_24] : memref<4x128xi32, #tpu.memory_space<vmem>> -> memref<1x128xi32, #tpu.memory_space<vmem>>
    %dma_start3A_26 = tpu.memref_squeeze %dma_start3A_25 : memref<1x128xi32, #tpu.memory_space<vmem>> -> memref<128xi32, #tpu.memory_space<vmem>>
    %dma_start3A_27 = arith.constant 0 : i32
    %dma_start3A_28 = arith.constant 0 : i32
    %dma_start3A_29 = tpu.memref_slice %arg2[%dma_start3A_27, %dma_start3A_28] : memref<16384x128xf32, #tpu.memory_space<hbm>> -> memref<16384x128xf32, #tpu.memory_space<hbm>>
    tpu.enqueue_indirect_dma source(%dma_start3A_29 : memref<16384x128xf32, #tpu.memory_space<hbm>>) target(%arg9 : memref<128x128xf32, #tpu.memory_space<vmem>>) offsets(%dma_start3A_26 : memref<128xi32, #tpu.memory_space<vmem>>) semaphore(%arg10 : memref<!tpu.dma_semaphore, #tpu.memory_space<semaphore_mem>>)
    %dma_wait3A = arith.constant 0 : i32
    %dma_wait3A_30 = arith.constant 0 : i32
    %dma_wait3A_31 = tpu.memref_slice %arg5[%dma_wait3A, %dma_wait3A_30] : memref<4x128xi32, #tpu.memory_space<vmem>> -> memref<1x128xi32, #tpu.memory_space<vmem>>
    %dma_wait3A_32 = tpu.memref_squeeze %dma_wait3A_31 : memref<1x128xi32, #tpu.memory_space<vmem>> -> memref<128xi32, #tpu.memory_space<vmem>>
    %dma_wait3A_33 = arith.constant 0 : i32
    %dma_wait3A_34 = arith.constant 0 : i32
    %dma_wait3A_35 = tpu.memref_slice %arg2[%dma_wait3A_33, %dma_wait3A_34] : memref<16384x128xf32, #tpu.memory_space<hbm>> -> memref<16384x128xf32, #tpu.memory_space<hbm>>
    tpu.wait_indirect_dma semaphore(%arg10 : memref<!tpu.dma_semaphore, #tpu.memory_space<semaphore_mem>>) src(%dma_wait3A_35 : memref<16384x128xf32, #tpu.memory_space<hbm>>) dst(%arg6 : memref<128x128xf32, #tpu.memory_space<vmem>>)
    %add3A_36 = arith.constant 0 : i32
    %add3A_37 = arith.addi %mul3A_2, %add3A_36 : i32
    %mul3A_38 = arith.constant 128 : i32
    %mul3A_39 = arith.muli %add3A_37, %mul3A_38 : i32
    "tpu.region"() ({
      %run_scoped3A = tpu.sem_alloc : memref<!tpu.dma_semaphore, #tpu.memory_space<semaphore_mem>>
      %dma_start3A_73 = arith.constant 0 : i32
      %dma_start3A_74 = tpu.memref_slice %arg4[%mul3A_39, %dma_start3A_73] : memref<16384x128xf32, #tpu.memory_space<hbm>> -> memref<128x128xf32, #tpu.memory_space<hbm>>
      %dma_start3A_75 = arith.constant 0 : i32
      %dma_start3A_76 = tpu.memref_slice %arg4[%mul3A_39, %dma_start3A_75] : memref<16384x128xf32, #tpu.memory_space<hbm>> -> memref<128x128xf32, #tpu.memory_space<hbm>>
      tpu.enqueue_dma source(%arg6 : memref<128x128xf32, #tpu.memory_space<vmem>>) target(%dma_start3A_76 : memref<128x128xf32, #tpu.memory_space<hbm>>) target_semaphore(%run_scoped3A : memref<!tpu.dma_semaphore, #tpu.memory_space<semaphore_mem>>)
      %dma_wait3A_77 = arith.constant 0 : i32
      %dma_wait3A_78 = tpu.memref_slice %arg4[%mul3A_39, %dma_wait3A_77] : memref<16384x128xf32, #tpu.memory_space<hbm>> -> memref<128x128xf32, #tpu.memory_space<hbm>>
      %dma_wait3A_79 = arith.constant 0 : i32
      %dma_wait3A_80 = tpu.memref_slice %arg4[%mul3A_39, %dma_wait3A_79] : memref<16384x128xf32, #tpu.memory_space<hbm>> -> memref<128x128xf32, #tpu.memory_space<hbm>>
      tpu.wait_dma2 semaphore(%run_scoped3A : memref<!tpu.dma_semaphore, #tpu.memory_space<semaphore_mem>>) src(%arg6 : memref<128x128xf32, #tpu.memory_space<vmem>>) dst(%dma_wait3A_80 : memref<128x128xf32, #tpu.memory_space<hbm>>)
      tpu.yield
    }) : () -> ()
    %dma_wait3A_40 = arith.constant 1 : i32
    %dma_wait3A_41 = arith.constant 0 : i32
    %dma_wait3A_42 = tpu.memref_slice %arg5[%dma_wait3A_40, %dma_wait3A_41] : memref<4x128xi32, #tpu.memory_space<vmem>> -> memref<1x128xi32, #tpu.memory_space<vmem>>
    %dma_wait3A_43 = tpu.memref_squeeze %dma_wait3A_42 : memref<1x128xi32, #tpu.memory_space<vmem>> -> memref<128xi32, #tpu.memory_space<vmem>>
    %dma_wait3A_44 = arith.constant 0 : i32
    %dma_wait3A_45 = arith.constant 0 : i32
    %dma_wait3A_46 = tpu.memref_slice %arg2[%dma_wait3A_44, %dma_wait3A_45] : memref<16384x128xf32, #tpu.memory_space<hbm>> -> memref<16384x128xf32, #tpu.memory_space<hbm>>
    tpu.wait_indirect_dma semaphore(%arg10 : memref<!tpu.dma_semaphore, #tpu.memory_space<semaphore_mem>>) src(%dma_wait3A_46 : memref<16384x128xf32, #tpu.memory_space<hbm>>) dst(%arg7 : memref<128x128xf32, #tpu.memory_space<vmem>>)
    %add3A_47 = arith.constant 1 : i32
    %add3A_48 = arith.addi %mul3A_2, %add3A_47 : i32
    %mul3A_49 = arith.constant 128 : i32
    %mul3A_50 = arith.muli %add3A_48, %mul3A_49 : i32
    "tpu.region"() ({
      %run_scoped3A = tpu.sem_alloc : memref<!tpu.dma_semaphore, #tpu.memory_space<semaphore_mem>>
      %dma_start3A_73 = arith.constant 0 : i32
      %dma_start3A_74 = tpu.memref_slice %arg4[%mul3A_50, %dma_start3A_73] : memref<16384x128xf32, #tpu.memory_space<hbm>> -> memref<128x128xf32, #tpu.memory_space<hbm>>
      %dma_start3A_75 = arith.constant 0 : i32
      %dma_start3A_76 = tpu.memref_slice %arg4[%mul3A_50, %dma_start3A_75] : memref<16384x128xf32, #tpu.memory_space<hbm>> -> memref<128x128xf32, #tpu.memory_space<hbm>>
      tpu.enqueue_dma source(%arg7 : memref<128x128xf32, #tpu.memory_space<vmem>>) target(%dma_start3A_76 : memref<128x128xf32, #tpu.memory_space<hbm>>) target_semaphore(%run_scoped3A : memref<!tpu.dma_semaphore, #tpu.memory_space<semaphore_mem>>)
      %dma_wait3A_77 = arith.constant 0 : i32
      %dma_wait3A_78 = tpu.memref_slice %arg4[%mul3A_50, %dma_wait3A_77] : memref<16384x128xf32, #tpu.memory_space<hbm>> -> memref<128x128xf32, #tpu.memory_space<hbm>>
      %dma_wait3A_79 = arith.constant 0 : i32
      %dma_wait3A_80 = tpu.memref_slice %arg4[%mul3A_50, %dma_wait3A_79] : memref<16384x128xf32, #tpu.memory_space<hbm>> -> memref<128x128xf32, #tpu.memory_space<hbm>>
      tpu.wait_dma2 semaphore(%run_scoped3A : memref<!tpu.dma_semaphore, #tpu.memory_space<semaphore_mem>>) src(%arg7 : memref<128x128xf32, #tpu.memory_space<vmem>>) dst(%dma_wait3A_80 : memref<128x128xf32, #tpu.memory_space<hbm>>)
      tpu.yield
    }) : () -> ()
    %dma_wait3A_51 = arith.constant 2 : i32
    %dma_wait3A_52 = arith.constant 0 : i32
    %dma_wait3A_53 = tpu.memref_slice %arg5[%dma_wait3A_51, %dma_wait3A_52] : memref<4x128xi32, #tpu.memory_space<vmem>> -> memref<1x128xi32, #tpu.memory_space<vmem>>
    %dma_wait3A_54 = tpu.memref_squeeze %dma_wait3A_53 : memref<1x128xi32, #tpu.memory_space<vmem>> -> memref<128xi32, #tpu.memory_space<vmem>>
    %dma_wait3A_55 = arith.constant 0 : i32
    %dma_wait3A_56 = arith.constant 0 : i32
    %dma_wait3A_57 = tpu.memref_slice %arg2[%dma_wait3A_55, %dma_wait3A_56] : memref<16384x128xf32, #tpu.memory_space<hbm>> -> memref<16384x128xf32, #tpu.memory_space<hbm>>
    tpu.wait_indirect_dma semaphore(%arg10 : memref<!tpu.dma_semaphore, #tpu.memory_space<semaphore_mem>>) src(%dma_wait3A_57 : memref<16384x128xf32, #tpu.memory_space<hbm>>) dst(%arg8 : memref<128x128xf32, #tpu.memory_space<vmem>>)
    %add3A_58 = arith.constant 2 : i32
    %add3A_59 = arith.addi %mul3A_2, %add3A_58 : i32
    %mul3A_60 = arith.constant 128 : i32
    %mul3A_61 = arith.muli %add3A_59, %mul3A_60 : i32
    "tpu.region"() ({
      %run_scoped3A = tpu.sem_alloc : memref<!tpu.dma_semaphore, #tpu.memory_space<semaphore_mem>>
      %dma_start3A_73 = arith.constant 0 : i32
      %dma_start3A_74 = tpu.memref_slice %arg4[%mul3A_61, %dma_start3A_73] : memref<16384x128xf32, #tpu.memory_space<hbm>> -> memref<128x128xf32, #tpu.memory_space<hbm>>
      %dma_start3A_75 = arith.constant 0 : i32
      %dma_start3A_76 = tpu.memref_slice %arg4[%mul3A_61, %dma_start3A_75] : memref<16384x128xf32, #tpu.memory_space<hbm>> -> memref<128x128xf32, #tpu.memory_space<hbm>>
      tpu.enqueue_dma source(%arg8 : memref<128x128xf32, #tpu.memory_space<vmem>>) target(%dma_start3A_76 : memref<128x128xf32, #tpu.memory_space<hbm>>) target_semaphore(%run_scoped3A : memref<!tpu.dma_semaphore, #tpu.memory_space<semaphore_mem>>)
      %dma_wait3A_77 = arith.constant 0 : i32
      %dma_wait3A_78 = tpu.memref_slice %arg4[%mul3A_61, %dma_wait3A_77] : memref<16384x128xf32, #tpu.memory_space<hbm>> -> memref<128x128xf32, #tpu.memory_space<hbm>>
      %dma_wait3A_79 = arith.constant 0 : i32
      %dma_wait3A_80 = tpu.memref_slice %arg4[%mul3A_61, %dma_wait3A_79] : memref<16384x128xf32, #tpu.memory_space<hbm>> -> memref<128x128xf32, #tpu.memory_space<hbm>>
      tpu.wait_dma2 semaphore(%run_scoped3A : memref<!tpu.dma_semaphore, #tpu.memory_space<semaphore_mem>>) src(%arg8 : memref<128x128xf32, #tpu.memory_space<vmem>>) dst(%dma_wait3A_80 : memref<128x128xf32, #tpu.memory_space<hbm>>)
      tpu.yield
    }) : () -> ()
    %dma_wait3A_62 = arith.constant 3 : i32
    %dma_wait3A_63 = arith.constant 0 : i32
    %dma_wait3A_64 = tpu.memref_slice %arg5[%dma_wait3A_62, %dma_wait3A_63] : memref<4x128xi32, #tpu.memory_space<vmem>> -> memref<1x128xi32, #tpu.memory_space<vmem>>
    %dma_wait3A_65 = tpu.memref_squeeze %dma_wait3A_64 : memref<1x128xi32, #tpu.memory_space<vmem>> -> memref<128xi32, #tpu.memory_space<vmem>>
    %dma_wait3A_66 = arith.constant 0 : i32
    %dma_wait3A_67 = arith.constant 0 : i32
    %dma_wait3A_68 = tpu.memref_slice %arg2[%dma_wait3A_66, %dma_wait3A_67] : memref<16384x128xf32, #tpu.memory_space<hbm>> -> memref<16384x128xf32, #tpu.memory_space<hbm>>
    tpu.wait_indirect_dma semaphore(%arg10 : memref<!tpu.dma_semaphore, #tpu.memory_space<semaphore_mem>>) src(%dma_wait3A_68 : memref<16384x128xf32, #tpu.memory_space<hbm>>) dst(%arg9 : memref<128x128xf32, #tpu.memory_space<vmem>>)
    %add3A_69 = arith.constant 3 : i32
    %add3A_70 = arith.addi %mul3A_2, %add3A_69 : i32
    %mul3A_71 = arith.constant 128 : i32
    %mul3A_72 = arith.muli %add3A_70, %mul3A_71 : i32
    "tpu.region"() ({
      %run_scoped3A = tpu.sem_alloc : memref<!tpu.dma_semaphore, #tpu.memory_space<semaphore_mem>>
      %dma_start3A_73 = arith.constant 0 : i32
      %dma_start3A_74 = tpu.memref_slice %arg4[%mul3A_72, %dma_start3A_73] : memref<16384x128xf32, #tpu.memory_space<hbm>> -> memref<128x128xf32, #tpu.memory_space<hbm>>
      %dma_start3A_75 = arith.constant 0 : i32
      %dma_start3A_76 = tpu.memref_slice %arg4[%mul3A_72, %dma_start3A_75] : memref<16384x128xf32, #tpu.memory_space<hbm>> -> memref<128x128xf32, #tpu.memory_space<hbm>>
      tpu.enqueue_dma source(%arg9 : memref<128x128xf32, #tpu.memory_space<vmem>>) target(%dma_start3A_76 : memref<128x128xf32, #tpu.memory_space<hbm>>) target_semaphore(%run_scoped3A : memref<!tpu.dma_semaphore, #tpu.memory_space<semaphore_mem>>)
      %dma_wait3A_77 = arith.constant 0 : i32
      %dma_wait3A_78 = tpu.memref_slice %arg4[%mul3A_72, %dma_wait3A_77] : memref<16384x128xf32, #tpu.memory_space<hbm>> -> memref<128x128xf32, #tpu.memory_space<hbm>>
      %dma_wait3A_79 = arith.constant 0 : i32
      %dma_wait3A_80 = tpu.memref_slice %arg4[%mul3A_72, %dma_wait3A_79] : memref<16384x128xf32, #tpu.memory_space<hbm>> -> memref<128x128xf32, #tpu.memory_space<hbm>>
      tpu.wait_dma2 semaphore(%run_scoped3A : memref<!tpu.dma_semaphore, #tpu.memory_space<semaphore_mem>>) src(%arg9 : memref<128x128xf32, #tpu.memory_space<vmem>>) dst(%dma_wait3A_80 : memref<128x128xf32, #tpu.memory_space<hbm>>)
      tpu.yield
    }) : () -> ()
    return
  }
}

#map = affine_map<(d0, d1) -> (0, 0)>
module attributes {stable_mosaic.version = 14 : i64} {
  func.func @k(%arg0: i32, %arg1: i32, %arg2: memref<16384x128xf32, #tpu.memory_space<hbm>>, %arg3: memref<16384x128xf32, #tpu.memory_space<hbm>>, %arg4: memref<128x128xi32, #tpu.memory_space<hbm>>, %arg5: memref<16384x128xf32, #tpu.memory_space<hbm>>, %arg6: memref<16384x128xf32, #tpu.memory_space<hbm>>, %arg7: memref<4x128xi32, #tpu.memory_space<vmem>>, %arg8: memref<128x128xf32, #tpu.memory_space<vmem>>, %arg9: memref<128x128xf32, #tpu.memory_space<vmem>>, %arg10: memref<128x128xf32, #tpu.memory_space<vmem>>, %arg11: memref<128x128xf32, #tpu.memory_space<vmem>>, %arg12: memref<!tpu.dma_semaphore, #tpu.memory_space<semaphore_mem>>) attributes {dimension_semantics = [#tpu.dimension_semantics<core_parallel>, #tpu.dimension_semantics<subcore_parallel>], iteration_bounds = array<i64: 2, 16>, scalar_prefetch = 0 : i64, scratch_operands = 6 : i64, tpu.core_type = #tpu.core_type<sc_vector_subcore>, window_params = [{transform_indices = #map}, {transform_indices = #map}, {transform_indices = #map}, {transform_indices = #map}, {transform_indices = #map}]} {
    %mul3A = arith.constant 2 : i32
    %mul3A_0 = arith.muli %arg1, %mul3A : i32
    %add3A = arith.addi %mul3A_0, %arg0 : i32
    %mul3A_1 = arith.constant 4 : i32
    %mul3A_2 = arith.muli %add3A, %mul3A_1 : i32
    "tpu.region"() ({
      %run_scoped3A = tpu.sem_alloc : memref<!tpu.dma_semaphore, #tpu.memory_space<semaphore_mem>>
      %dma_start3A_129 = arith.constant 0 : i32
      %dma_start3A_130 = tpu.memref_slice %arg4[%mul3A_2, %dma_start3A_129] : memref<128x128xi32, #tpu.memory_space<hbm>> -> memref<4x128xi32, #tpu.memory_space<hbm>>
      %dma_start3A_131 = arith.constant 0 : i32
      %dma_start3A_132 = tpu.memref_slice %arg4[%mul3A_2, %dma_start3A_131] : memref<128x128xi32, #tpu.memory_space<hbm>> -> memref<4x128xi32, #tpu.memory_space<hbm>>
      tpu.enqueue_dma source(%dma_start3A_132 : memref<4x128xi32, #tpu.memory_space<hbm>>) target(%arg7 : memref<4x128xi32, #tpu.memory_space<vmem>>) target_semaphore(%run_scoped3A : memref<!tpu.dma_semaphore, #tpu.memory_space<semaphore_mem>>)
      %dma_wait3A_133 = arith.constant 0 : i32
      %dma_wait3A_134 = tpu.memref_slice %arg4[%mul3A_2, %dma_wait3A_133] : memref<128x128xi32, #tpu.memory_space<hbm>> -> memref<4x128xi32, #tpu.memory_space<hbm>>
      %dma_wait3A_135 = arith.constant 0 : i32
      %dma_wait3A_136 = tpu.memref_slice %arg4[%mul3A_2, %dma_wait3A_135] : memref<128x128xi32, #tpu.memory_space<hbm>> -> memref<4x128xi32, #tpu.memory_space<hbm>>
      tpu.wait_dma2 semaphore(%run_scoped3A : memref<!tpu.dma_semaphore, #tpu.memory_space<semaphore_mem>>) src(%dma_wait3A_136 : memref<4x128xi32, #tpu.memory_space<hbm>>) dst(%arg7 : memref<4x128xi32, #tpu.memory_space<vmem>>)
      tpu.yield
    }) : () -> ()
    %add3A_3 = arith.constant 0 : i32
    %add3A_4 = arith.addi %mul3A_2, %add3A_3 : i32
    %mul3A_5 = arith.constant 128 : i32
    %mul3A_6 = arith.muli %add3A_4, %mul3A_5 : i32
    "tpu.region"() ({
      %run_scoped3A = tpu.sem_alloc : memref<!tpu.dma_semaphore, #tpu.memory_space<semaphore_mem>>
      %dma_start3A_129 = arith.constant 0 : i32
      %dma_start3A_130 = tpu.memref_slice %arg2[%mul3A_6, %dma_start3A_129] : memref<16384x128xf32, #tpu.memory_space<hbm>> -> memref<128x128xf32, #tpu.memory_space<hbm>>
      %dma_start3A_131 = arith.constant 0 : i32
      %dma_start3A_132 = tpu.memref_slice %arg2[%mul3A_6, %dma_start3A_131] : memref<16384x128xf32, #tpu.memory_space<hbm>> -> memref<128x128xf32, #tpu.memory_space<hbm>>
      tpu.enqueue_dma source(%dma_start3A_132 : memref<128x128xf32, #tpu.memory_space<hbm>>) target(%arg8 : memref<128x128xf32, #tpu.memory_space<vmem>>) target_semaphore(%run_scoped3A : memref<!tpu.dma_semaphore, #tpu.memory_space<semaphore_mem>>)
      %dma_wait3A_133 = arith.constant 0 : i32
      %dma_wait3A_134 = tpu.memref_slice %arg2[%mul3A_6, %dma_wait3A_133] : memref<16384x128xf32, #tpu.memory_space<hbm>> -> memref<128x128xf32, #tpu.memory_space<hbm>>
      %dma_wait3A_135 = arith.constant 0 : i32
      %dma_wait3A_136 = tpu.memref_slice %arg2[%mul3A_6, %dma_wait3A_135] : memref<16384x128xf32, #tpu.memory_space<hbm>> -> memref<128x128xf32, #tpu.memory_space<hbm>>
      tpu.wait_dma2 semaphore(%run_scoped3A : memref<!tpu.dma_semaphore, #tpu.memory_space<semaphore_mem>>) src(%dma_wait3A_136 : memref<128x128xf32, #tpu.memory_space<hbm>>) dst(%arg8 : memref<128x128xf32, #tpu.memory_space<vmem>>)
      tpu.yield
    }) : () -> ()
    %dma_start3A = arith.constant 0 : i32
    %dma_start3A_7 = arith.constant 0 : i32
    %dma_start3A_8 = tpu.memref_slice %arg7[%dma_start3A, %dma_start3A_7] : memref<4x128xi32, #tpu.memory_space<vmem>> -> memref<1x128xi32, #tpu.memory_space<vmem>>
    %dma_start3A_9 = tpu.memref_squeeze %dma_start3A_8 : memref<1x128xi32, #tpu.memory_space<vmem>> -> memref<128xi32, #tpu.memory_space<vmem>>
    %dma_start3A_10 = arith.constant 0 : i32
    %dma_start3A_11 = arith.constant 0 : i32
    %dma_start3A_12 = tpu.memref_slice %arg5[%dma_start3A_10, %dma_start3A_11] : memref<16384x128xf32, #tpu.memory_space<hbm>> -> memref<16384x128xf32, #tpu.memory_space<hbm>>
    tpu.enqueue_indirect_dma source(%arg8 : memref<128x128xf32, #tpu.memory_space<vmem>>) target(%dma_start3A_12 : memref<16384x128xf32, #tpu.memory_space<hbm>>) offsets(%dma_start3A_9 : memref<128xi32, #tpu.memory_space<vmem>>) semaphore(%arg12 : memref<!tpu.dma_semaphore, #tpu.memory_space<semaphore_mem>>)
    "tpu.region"() ({
      %run_scoped3A = tpu.sem_alloc : memref<!tpu.dma_semaphore, #tpu.memory_space<semaphore_mem>>
      %dma_start3A_129 = arith.constant 0 : i32
      %dma_start3A_130 = tpu.memref_slice %arg3[%mul3A_6, %dma_start3A_129] : memref<16384x128xf32, #tpu.memory_space<hbm>> -> memref<128x128xf32, #tpu.memory_space<hbm>>
      %dma_start3A_131 = arith.constant 0 : i32
      %dma_start3A_132 = tpu.memref_slice %arg3[%mul3A_6, %dma_start3A_131] : memref<16384x128xf32, #tpu.memory_space<hbm>> -> memref<128x128xf32, #tpu.memory_space<hbm>>
      tpu.enqueue_dma source(%dma_start3A_132 : memref<128x128xf32, #tpu.memory_space<hbm>>) target(%arg10 : memref<128x128xf32, #tpu.memory_space<vmem>>) target_semaphore(%run_scoped3A : memref<!tpu.dma_semaphore, #tpu.memory_space<semaphore_mem>>)
      %dma_wait3A_133 = arith.constant 0 : i32
      %dma_wait3A_134 = tpu.memref_slice %arg3[%mul3A_6, %dma_wait3A_133] : memref<16384x128xf32, #tpu.memory_space<hbm>> -> memref<128x128xf32, #tpu.memory_space<hbm>>
      %dma_wait3A_135 = arith.constant 0 : i32
      %dma_wait3A_136 = tpu.memref_slice %arg3[%mul3A_6, %dma_wait3A_135] : memref<16384x128xf32, #tpu.memory_space<hbm>> -> memref<128x128xf32, #tpu.memory_space<hbm>>
      tpu.wait_dma2 semaphore(%run_scoped3A : memref<!tpu.dma_semaphore, #tpu.memory_space<semaphore_mem>>) src(%dma_wait3A_136 : memref<128x128xf32, #tpu.memory_space<hbm>>) dst(%arg10 : memref<128x128xf32, #tpu.memory_space<vmem>>)
      tpu.yield
    }) : () -> ()
    %dma_start3A_13 = arith.constant 0 : i32
    %dma_start3A_14 = arith.constant 0 : i32
    %dma_start3A_15 = tpu.memref_slice %arg7[%dma_start3A_13, %dma_start3A_14] : memref<4x128xi32, #tpu.memory_space<vmem>> -> memref<1x128xi32, #tpu.memory_space<vmem>>
    %dma_start3A_16 = tpu.memref_squeeze %dma_start3A_15 : memref<1x128xi32, #tpu.memory_space<vmem>> -> memref<128xi32, #tpu.memory_space<vmem>>
    %dma_start3A_17 = arith.constant 0 : i32
    %dma_start3A_18 = arith.constant 0 : i32
    %dma_start3A_19 = tpu.memref_slice %arg6[%dma_start3A_17, %dma_start3A_18] : memref<16384x128xf32, #tpu.memory_space<hbm>> -> memref<16384x128xf32, #tpu.memory_space<hbm>>
    tpu.enqueue_indirect_dma source(%arg10 : memref<128x128xf32, #tpu.memory_space<vmem>>) target(%dma_start3A_19 : memref<16384x128xf32, #tpu.memory_space<hbm>>) offsets(%dma_start3A_16 : memref<128xi32, #tpu.memory_space<vmem>>) semaphore(%arg12 : memref<!tpu.dma_semaphore, #tpu.memory_space<semaphore_mem>>)
    %add3A_20 = arith.constant 1 : i32
    %add3A_21 = arith.addi %mul3A_2, %add3A_20 : i32
    %mul3A_22 = arith.constant 128 : i32
    %mul3A_23 = arith.muli %add3A_21, %mul3A_22 : i32
    "tpu.region"() ({
      %run_scoped3A = tpu.sem_alloc : memref<!tpu.dma_semaphore, #tpu.memory_space<semaphore_mem>>
      %dma_start3A_129 = arith.constant 0 : i32
      %dma_start3A_130 = tpu.memref_slice %arg2[%mul3A_23, %dma_start3A_129] : memref<16384x128xf32, #tpu.memory_space<hbm>> -> memref<128x128xf32, #tpu.memory_space<hbm>>
      %dma_start3A_131 = arith.constant 0 : i32
      %dma_start3A_132 = tpu.memref_slice %arg2[%mul3A_23, %dma_start3A_131] : memref<16384x128xf32, #tpu.memory_space<hbm>> -> memref<128x128xf32, #tpu.memory_space<hbm>>
      tpu.enqueue_dma source(%dma_start3A_132 : memref<128x128xf32, #tpu.memory_space<hbm>>) target(%arg9 : memref<128x128xf32, #tpu.memory_space<vmem>>) target_semaphore(%run_scoped3A : memref<!tpu.dma_semaphore, #tpu.memory_space<semaphore_mem>>)
      %dma_wait3A_133 = arith.constant 0 : i32
      %dma_wait3A_134 = tpu.memref_slice %arg2[%mul3A_23, %dma_wait3A_133] : memref<16384x128xf32, #tpu.memory_space<hbm>> -> memref<128x128xf32, #tpu.memory_space<hbm>>
      %dma_wait3A_135 = arith.constant 0 : i32
      %dma_wait3A_136 = tpu.memref_slice %arg2[%mul3A_23, %dma_wait3A_135] : memref<16384x128xf32, #tpu.memory_space<hbm>> -> memref<128x128xf32, #tpu.memory_space<hbm>>
      tpu.wait_dma2 semaphore(%run_scoped3A : memref<!tpu.dma_semaphore, #tpu.memory_space<semaphore_mem>>) src(%dma_wait3A_136 : memref<128x128xf32, #tpu.memory_space<hbm>>) dst(%arg9 : memref<128x128xf32, #tpu.memory_space<vmem>>)
      tpu.yield
    }) : () -> ()
    %dma_start3A_24 = arith.constant 1 : i32
    %dma_start3A_25 = arith.constant 0 : i32
    %dma_start3A_26 = tpu.memref_slice %arg7[%dma_start3A_24, %dma_start3A_25] : memref<4x128xi32, #tpu.memory_space<vmem>> -> memref<1x128xi32, #tpu.memory_space<vmem>>
    %dma_start3A_27 = tpu.memref_squeeze %dma_start3A_26 : memref<1x128xi32, #tpu.memory_space<vmem>> -> memref<128xi32, #tpu.memory_space<vmem>>
    %dma_start3A_28 = arith.constant 0 : i32
    %dma_start3A_29 = arith.constant 0 : i32
    %dma_start3A_30 = tpu.memref_slice %arg5[%dma_start3A_28, %dma_start3A_29] : memref<16384x128xf32, #tpu.memory_space<hbm>> -> memref<16384x128xf32, #tpu.memory_space<hbm>>
    tpu.enqueue_indirect_dma source(%arg9 : memref<128x128xf32, #tpu.memory_space<vmem>>) target(%dma_start3A_30 : memref<16384x128xf32, #tpu.memory_space<hbm>>) offsets(%dma_start3A_27 : memref<128xi32, #tpu.memory_space<vmem>>) semaphore(%arg12 : memref<!tpu.dma_semaphore, #tpu.memory_space<semaphore_mem>>)
    "tpu.region"() ({
      %run_scoped3A = tpu.sem_alloc : memref<!tpu.dma_semaphore, #tpu.memory_space<semaphore_mem>>
      %dma_start3A_129 = arith.constant 0 : i32
      %dma_start3A_130 = tpu.memref_slice %arg3[%mul3A_23, %dma_start3A_129] : memref<16384x128xf32, #tpu.memory_space<hbm>> -> memref<128x128xf32, #tpu.memory_space<hbm>>
      %dma_start3A_131 = arith.constant 0 : i32
      %dma_start3A_132 = tpu.memref_slice %arg3[%mul3A_23, %dma_start3A_131] : memref<16384x128xf32, #tpu.memory_space<hbm>> -> memref<128x128xf32, #tpu.memory_space<hbm>>
      tpu.enqueue_dma source(%dma_start3A_132 : memref<128x128xf32, #tpu.memory_space<hbm>>) target(%arg11 : memref<128x128xf32, #tpu.memory_space<vmem>>) target_semaphore(%run_scoped3A : memref<!tpu.dma_semaphore, #tpu.memory_space<semaphore_mem>>)
      %dma_wait3A_133 = arith.constant 0 : i32
      %dma_wait3A_134 = tpu.memref_slice %arg3[%mul3A_23, %dma_wait3A_133] : memref<16384x128xf32, #tpu.memory_space<hbm>> -> memref<128x128xf32, #tpu.memory_space<hbm>>
      %dma_wait3A_135 = arith.constant 0 : i32
      %dma_wait3A_136 = tpu.memref_slice %arg3[%mul3A_23, %dma_wait3A_135] : memref<16384x128xf32, #tpu.memory_space<hbm>> -> memref<128x128xf32, #tpu.memory_space<hbm>>
      tpu.wait_dma2 semaphore(%run_scoped3A : memref<!tpu.dma_semaphore, #tpu.memory_space<semaphore_mem>>) src(%dma_wait3A_136 : memref<128x128xf32, #tpu.memory_space<hbm>>) dst(%arg11 : memref<128x128xf32, #tpu.memory_space<vmem>>)
      tpu.yield
    }) : () -> ()
    %dma_start3A_31 = arith.constant 1 : i32
    %dma_start3A_32 = arith.constant 0 : i32
    %dma_start3A_33 = tpu.memref_slice %arg7[%dma_start3A_31, %dma_start3A_32] : memref<4x128xi32, #tpu.memory_space<vmem>> -> memref<1x128xi32, #tpu.memory_space<vmem>>
    %dma_start3A_34 = tpu.memref_squeeze %dma_start3A_33 : memref<1x128xi32, #tpu.memory_space<vmem>> -> memref<128xi32, #tpu.memory_space<vmem>>
    %dma_start3A_35 = arith.constant 0 : i32
    %dma_start3A_36 = arith.constant 0 : i32
    %dma_start3A_37 = tpu.memref_slice %arg6[%dma_start3A_35, %dma_start3A_36] : memref<16384x128xf32, #tpu.memory_space<hbm>> -> memref<16384x128xf32, #tpu.memory_space<hbm>>
    tpu.enqueue_indirect_dma source(%arg11 : memref<128x128xf32, #tpu.memory_space<vmem>>) target(%dma_start3A_37 : memref<16384x128xf32, #tpu.memory_space<hbm>>) offsets(%dma_start3A_34 : memref<128xi32, #tpu.memory_space<vmem>>) semaphore(%arg12 : memref<!tpu.dma_semaphore, #tpu.memory_space<semaphore_mem>>)
    %dma_wait3A = arith.constant 0 : i32
    %dma_wait3A_38 = arith.constant 0 : i32
    %dma_wait3A_39 = tpu.memref_slice %arg7[%dma_wait3A, %dma_wait3A_38] : memref<4x128xi32, #tpu.memory_space<vmem>> -> memref<1x128xi32, #tpu.memory_space<vmem>>
    %dma_wait3A_40 = tpu.memref_squeeze %dma_wait3A_39 : memref<1x128xi32, #tpu.memory_space<vmem>> -> memref<128xi32, #tpu.memory_space<vmem>>
    %dma_wait3A_41 = arith.constant 0 : i32
    %dma_wait3A_42 = arith.constant 0 : i32
    %dma_wait3A_43 = tpu.memref_slice %arg5[%dma_wait3A_41, %dma_wait3A_42] : memref<16384x128xf32, #tpu.memory_space<hbm>> -> memref<16384x128xf32, #tpu.memory_space<hbm>>
    tpu.wait_indirect_dma semaphore(%arg12 : memref<!tpu.dma_semaphore, #tpu.memory_space<semaphore_mem>>) src(%arg8 : memref<128x128xf32, #tpu.memory_space<vmem>>) dst(%dma_wait3A_43 : memref<16384x128xf32, #tpu.memory_space<hbm>>)
    %dma_wait3A_44 = arith.constant 0 : i32
    %dma_wait3A_45 = arith.constant 0 : i32
    %dma_wait3A_46 = tpu.memref_slice %arg7[%dma_wait3A_44, %dma_wait3A_45] : memref<4x128xi32, #tpu.memory_space<vmem>> -> memref<1x128xi32, #tpu.memory_space<vmem>>
    %dma_wait3A_47 = tpu.memref_squeeze %dma_wait3A_46 : memref<1x128xi32, #tpu.memory_space<vmem>> -> memref<128xi32, #tpu.memory_space<vmem>>
    %dma_wait3A_48 = arith.constant 0 : i32
    %dma_wait3A_49 = arith.constant 0 : i32
    %dma_wait3A_50 = tpu.memref_slice %arg6[%dma_wait3A_48, %dma_wait3A_49] : memref<16384x128xf32, #tpu.memory_space<hbm>> -> memref<16384x128xf32, #tpu.memory_space<hbm>>
    tpu.wait_indirect_dma semaphore(%arg12 : memref<!tpu.dma_semaphore, #tpu.memory_space<semaphore_mem>>) src(%arg10 : memref<128x128xf32, #tpu.memory_space<vmem>>) dst(%dma_wait3A_50 : memref<16384x128xf32, #tpu.memory_space<hbm>>)
    %add3A_51 = arith.constant 2 : i32
    %add3A_52 = arith.addi %mul3A_2, %add3A_51 : i32
    %mul3A_53 = arith.constant 128 : i32
    %mul3A_54 = arith.muli %add3A_52, %mul3A_53 : i32
    "tpu.region"() ({
      %run_scoped3A = tpu.sem_alloc : memref<!tpu.dma_semaphore, #tpu.memory_space<semaphore_mem>>
      %dma_start3A_129 = arith.constant 0 : i32
      %dma_start3A_130 = tpu.memref_slice %arg2[%mul3A_54, %dma_start3A_129] : memref<16384x128xf32, #tpu.memory_space<hbm>> -> memref<128x128xf32, #tpu.memory_space<hbm>>
      %dma_start3A_131 = arith.constant 0 : i32
      %dma_start3A_132 = tpu.memref_slice %arg2[%mul3A_54, %dma_start3A_131] : memref<16384x128xf32, #tpu.memory_space<hbm>> -> memref<128x128xf32, #tpu.memory_space<hbm>>
      tpu.enqueue_dma source(%dma_start3A_132 : memref<128x128xf32, #tpu.memory_space<hbm>>) target(%arg8 : memref<128x128xf32, #tpu.memory_space<vmem>>) target_semaphore(%run_scoped3A : memref<!tpu.dma_semaphore, #tpu.memory_space<semaphore_mem>>)
      %dma_wait3A_133 = arith.constant 0 : i32
      %dma_wait3A_134 = tpu.memref_slice %arg2[%mul3A_54, %dma_wait3A_133] : memref<16384x128xf32, #tpu.memory_space<hbm>> -> memref<128x128xf32, #tpu.memory_space<hbm>>
      %dma_wait3A_135 = arith.constant 0 : i32
      %dma_wait3A_136 = tpu.memref_slice %arg2[%mul3A_54, %dma_wait3A_135] : memref<16384x128xf32, #tpu.memory_space<hbm>> -> memref<128x128xf32, #tpu.memory_space<hbm>>
      tpu.wait_dma2 semaphore(%run_scoped3A : memref<!tpu.dma_semaphore, #tpu.memory_space<semaphore_mem>>) src(%dma_wait3A_136 : memref<128x128xf32, #tpu.memory_space<hbm>>) dst(%arg8 : memref<128x128xf32, #tpu.memory_space<vmem>>)
      tpu.yield
    }) : () -> ()
    %dma_start3A_55 = arith.constant 2 : i32
    %dma_start3A_56 = arith.constant 0 : i32
    %dma_start3A_57 = tpu.memref_slice %arg7[%dma_start3A_55, %dma_start3A_56] : memref<4x128xi32, #tpu.memory_space<vmem>> -> memref<1x128xi32, #tpu.memory_space<vmem>>
    %dma_start3A_58 = tpu.memref_squeeze %dma_start3A_57 : memref<1x128xi32, #tpu.memory_space<vmem>> -> memref<128xi32, #tpu.memory_space<vmem>>
    %dma_start3A_59 = arith.constant 0 : i32
    %dma_start3A_60 = arith.constant 0 : i32
    %dma_start3A_61 = tpu.memref_slice %arg5[%dma_start3A_59, %dma_start3A_60] : memref<16384x128xf32, #tpu.memory_space<hbm>> -> memref<16384x128xf32, #tpu.memory_space<hbm>>
    tpu.enqueue_indirect_dma source(%arg8 : memref<128x128xf32, #tpu.memory_space<vmem>>) target(%dma_start3A_61 : memref<16384x128xf32, #tpu.memory_space<hbm>>) offsets(%dma_start3A_58 : memref<128xi32, #tpu.memory_space<vmem>>) semaphore(%arg12 : memref<!tpu.dma_semaphore, #tpu.memory_space<semaphore_mem>>)
    "tpu.region"() ({
      %run_scoped3A = tpu.sem_alloc : memref<!tpu.dma_semaphore, #tpu.memory_space<semaphore_mem>>
      %dma_start3A_129 = arith.constant 0 : i32
      %dma_start3A_130 = tpu.memref_slice %arg3[%mul3A_54, %dma_start3A_129] : memref<16384x128xf32, #tpu.memory_space<hbm>> -> memref<128x128xf32, #tpu.memory_space<hbm>>
      %dma_start3A_131 = arith.constant 0 : i32
      %dma_start3A_132 = tpu.memref_slice %arg3[%mul3A_54, %dma_start3A_131] : memref<16384x128xf32, #tpu.memory_space<hbm>> -> memref<128x128xf32, #tpu.memory_space<hbm>>
      tpu.enqueue_dma source(%dma_start3A_132 : memref<128x128xf32, #tpu.memory_space<hbm>>) target(%arg10 : memref<128x128xf32, #tpu.memory_space<vmem>>) target_semaphore(%run_scoped3A : memref<!tpu.dma_semaphore, #tpu.memory_space<semaphore_mem>>)
      %dma_wait3A_133 = arith.constant 0 : i32
      %dma_wait3A_134 = tpu.memref_slice %arg3[%mul3A_54, %dma_wait3A_133] : memref<16384x128xf32, #tpu.memory_space<hbm>> -> memref<128x128xf32, #tpu.memory_space<hbm>>
      %dma_wait3A_135 = arith.constant 0 : i32
      %dma_wait3A_136 = tpu.memref_slice %arg3[%mul3A_54, %dma_wait3A_135] : memref<16384x128xf32, #tpu.memory_space<hbm>> -> memref<128x128xf32, #tpu.memory_space<hbm>>
      tpu.wait_dma2 semaphore(%run_scoped3A : memref<!tpu.dma_semaphore, #tpu.memory_space<semaphore_mem>>) src(%dma_wait3A_136 : memref<128x128xf32, #tpu.memory_space<hbm>>) dst(%arg10 : memref<128x128xf32, #tpu.memory_space<vmem>>)
      tpu.yield
    }) : () -> ()
    %dma_start3A_62 = arith.constant 2 : i32
    %dma_start3A_63 = arith.constant 0 : i32
    %dma_start3A_64 = tpu.memref_slice %arg7[%dma_start3A_62, %dma_start3A_63] : memref<4x128xi32, #tpu.memory_space<vmem>> -> memref<1x128xi32, #tpu.memory_space<vmem>>
    %dma_start3A_65 = tpu.memref_squeeze %dma_start3A_64 : memref<1x128xi32, #tpu.memory_space<vmem>> -> memref<128xi32, #tpu.memory_space<vmem>>
    %dma_start3A_66 = arith.constant 0 : i32
    %dma_start3A_67 = arith.constant 0 : i32
    %dma_start3A_68 = tpu.memref_slice %arg6[%dma_start3A_66, %dma_start3A_67] : memref<16384x128xf32, #tpu.memory_space<hbm>> -> memref<16384x128xf32, #tpu.memory_space<hbm>>
    tpu.enqueue_indirect_dma source(%arg10 : memref<128x128xf32, #tpu.memory_space<vmem>>) target(%dma_start3A_68 : memref<16384x128xf32, #tpu.memory_space<hbm>>) offsets(%dma_start3A_65 : memref<128xi32, #tpu.memory_space<vmem>>) semaphore(%arg12 : memref<!tpu.dma_semaphore, #tpu.memory_space<semaphore_mem>>)
    %dma_wait3A_69 = arith.constant 1 : i32
    %dma_wait3A_70 = arith.constant 0 : i32
    %dma_wait3A_71 = tpu.memref_slice %arg7[%dma_wait3A_69, %dma_wait3A_70] : memref<4x128xi32, #tpu.memory_space<vmem>> -> memref<1x128xi32, #tpu.memory_space<vmem>>
    %dma_wait3A_72 = tpu.memref_squeeze %dma_wait3A_71 : memref<1x128xi32, #tpu.memory_space<vmem>> -> memref<128xi32, #tpu.memory_space<vmem>>
    %dma_wait3A_73 = arith.constant 0 : i32
    %dma_wait3A_74 = arith.constant 0 : i32
    %dma_wait3A_75 = tpu.memref_slice %arg5[%dma_wait3A_73, %dma_wait3A_74] : memref<16384x128xf32, #tpu.memory_space<hbm>> -> memref<16384x128xf32, #tpu.memory_space<hbm>>
    tpu.wait_indirect_dma semaphore(%arg12 : memref<!tpu.dma_semaphore, #tpu.memory_space<semaphore_mem>>) src(%arg9 : memref<128x128xf32, #tpu.memory_space<vmem>>) dst(%dma_wait3A_75 : memref<16384x128xf32, #tpu.memory_space<hbm>>)
    %dma_wait3A_76 = arith.constant 1 : i32
    %dma_wait3A_77 = arith.constant 0 : i32
    %dma_wait3A_78 = tpu.memref_slice %arg7[%dma_wait3A_76, %dma_wait3A_77] : memref<4x128xi32, #tpu.memory_space<vmem>> -> memref<1x128xi32, #tpu.memory_space<vmem>>
    %dma_wait3A_79 = tpu.memref_squeeze %dma_wait3A_78 : memref<1x128xi32, #tpu.memory_space<vmem>> -> memref<128xi32, #tpu.memory_space<vmem>>
    %dma_wait3A_80 = arith.constant 0 : i32
    %dma_wait3A_81 = arith.constant 0 : i32
    %dma_wait3A_82 = tpu.memref_slice %arg6[%dma_wait3A_80, %dma_wait3A_81] : memref<16384x128xf32, #tpu.memory_space<hbm>> -> memref<16384x128xf32, #tpu.memory_space<hbm>>
    tpu.wait_indirect_dma semaphore(%arg12 : memref<!tpu.dma_semaphore, #tpu.memory_space<semaphore_mem>>) src(%arg11 : memref<128x128xf32, #tpu.memory_space<vmem>>) dst(%dma_wait3A_82 : memref<16384x128xf32, #tpu.memory_space<hbm>>)
    %add3A_83 = arith.constant 3 : i32
    %add3A_84 = arith.addi %mul3A_2, %add3A_83 : i32
    %mul3A_85 = arith.constant 128 : i32
    %mul3A_86 = arith.muli %add3A_84, %mul3A_85 : i32
    "tpu.region"() ({
      %run_scoped3A = tpu.sem_alloc : memref<!tpu.dma_semaphore, #tpu.memory_space<semaphore_mem>>
      %dma_start3A_129 = arith.constant 0 : i32
      %dma_start3A_130 = tpu.memref_slice %arg2[%mul3A_86, %dma_start3A_129] : memref<16384x128xf32, #tpu.memory_space<hbm>> -> memref<128x128xf32, #tpu.memory_space<hbm>>
      %dma_start3A_131 = arith.constant 0 : i32
      %dma_start3A_132 = tpu.memref_slice %arg2[%mul3A_86, %dma_start3A_131] : memref<16384x128xf32, #tpu.memory_space<hbm>> -> memref<128x128xf32, #tpu.memory_space<hbm>>
      tpu.enqueue_dma source(%dma_start3A_132 : memref<128x128xf32, #tpu.memory_space<hbm>>) target(%arg9 : memref<128x128xf32, #tpu.memory_space<vmem>>) target_semaphore(%run_scoped3A : memref<!tpu.dma_semaphore, #tpu.memory_space<semaphore_mem>>)
      %dma_wait3A_133 = arith.constant 0 : i32
      %dma_wait3A_134 = tpu.memref_slice %arg2[%mul3A_86, %dma_wait3A_133] : memref<16384x128xf32, #tpu.memory_space<hbm>> -> memref<128x128xf32, #tpu.memory_space<hbm>>
      %dma_wait3A_135 = arith.constant 0 : i32
      %dma_wait3A_136 = tpu.memref_slice %arg2[%mul3A_86, %dma_wait3A_135] : memref<16384x128xf32, #tpu.memory_space<hbm>> -> memref<128x128xf32, #tpu.memory_space<hbm>>
      tpu.wait_dma2 semaphore(%run_scoped3A : memref<!tpu.dma_semaphore, #tpu.memory_space<semaphore_mem>>) src(%dma_wait3A_136 : memref<128x128xf32, #tpu.memory_space<hbm>>) dst(%arg9 : memref<128x128xf32, #tpu.memory_space<vmem>>)
      tpu.yield
    }) : () -> ()
    %dma_start3A_87 = arith.constant 3 : i32
    %dma_start3A_88 = arith.constant 0 : i32
    %dma_start3A_89 = tpu.memref_slice %arg7[%dma_start3A_87, %dma_start3A_88] : memref<4x128xi32, #tpu.memory_space<vmem>> -> memref<1x128xi32, #tpu.memory_space<vmem>>
    %dma_start3A_90 = tpu.memref_squeeze %dma_start3A_89 : memref<1x128xi32, #tpu.memory_space<vmem>> -> memref<128xi32, #tpu.memory_space<vmem>>
    %dma_start3A_91 = arith.constant 0 : i32
    %dma_start3A_92 = arith.constant 0 : i32
    %dma_start3A_93 = tpu.memref_slice %arg5[%dma_start3A_91, %dma_start3A_92] : memref<16384x128xf32, #tpu.memory_space<hbm>> -> memref<16384x128xf32, #tpu.memory_space<hbm>>
    tpu.enqueue_indirect_dma source(%arg9 : memref<128x128xf32, #tpu.memory_space<vmem>>) target(%dma_start3A_93 : memref<16384x128xf32, #tpu.memory_space<hbm>>) offsets(%dma_start3A_90 : memref<128xi32, #tpu.memory_space<vmem>>) semaphore(%arg12 : memref<!tpu.dma_semaphore, #tpu.memory_space<semaphore_mem>>)
    "tpu.region"() ({
      %run_scoped3A = tpu.sem_alloc : memref<!tpu.dma_semaphore, #tpu.memory_space<semaphore_mem>>
      %dma_start3A_129 = arith.constant 0 : i32
      %dma_start3A_130 = tpu.memref_slice %arg3[%mul3A_86, %dma_start3A_129] : memref<16384x128xf32, #tpu.memory_space<hbm>> -> memref<128x128xf32, #tpu.memory_space<hbm>>
      %dma_start3A_131 = arith.constant 0 : i32
      %dma_start3A_132 = tpu.memref_slice %arg3[%mul3A_86, %dma_start3A_131] : memref<16384x128xf32, #tpu.memory_space<hbm>> -> memref<128x128xf32, #tpu.memory_space<hbm>>
      tpu.enqueue_dma source(%dma_start3A_132 : memref<128x128xf32, #tpu.memory_space<hbm>>) target(%arg11 : memref<128x128xf32, #tpu.memory_space<vmem>>) target_semaphore(%run_scoped3A : memref<!tpu.dma_semaphore, #tpu.memory_space<semaphore_mem>>)
      %dma_wait3A_133 = arith.constant 0 : i32
      %dma_wait3A_134 = tpu.memref_slice %arg3[%mul3A_86, %dma_wait3A_133] : memref<16384x128xf32, #tpu.memory_space<hbm>> -> memref<128x128xf32, #tpu.memory_space<hbm>>
      %dma_wait3A_135 = arith.constant 0 : i32
      %dma_wait3A_136 = tpu.memref_slice %arg3[%mul3A_86, %dma_wait3A_135] : memref<16384x128xf32, #tpu.memory_space<hbm>> -> memref<128x128xf32, #tpu.memory_space<hbm>>
      tpu.wait_dma2 semaphore(%run_scoped3A : memref<!tpu.dma_semaphore, #tpu.memory_space<semaphore_mem>>) src(%dma_wait3A_136 : memref<128x128xf32, #tpu.memory_space<hbm>>) dst(%arg11 : memref<128x128xf32, #tpu.memory_space<vmem>>)
      tpu.yield
    }) : () -> ()
    %dma_start3A_94 = arith.constant 3 : i32
    %dma_start3A_95 = arith.constant 0 : i32
    %dma_start3A_96 = tpu.memref_slice %arg7[%dma_start3A_94, %dma_start3A_95] : memref<4x128xi32, #tpu.memory_space<vmem>> -> memref<1x128xi32, #tpu.memory_space<vmem>>
    %dma_start3A_97 = tpu.memref_squeeze %dma_start3A_96 : memref<1x128xi32, #tpu.memory_space<vmem>> -> memref<128xi32, #tpu.memory_space<vmem>>
    %dma_start3A_98 = arith.constant 0 : i32
    %dma_start3A_99 = arith.constant 0 : i32
    %dma_start3A_100 = tpu.memref_slice %arg6[%dma_start3A_98, %dma_start3A_99] : memref<16384x128xf32, #tpu.memory_space<hbm>> -> memref<16384x128xf32, #tpu.memory_space<hbm>>
    tpu.enqueue_indirect_dma source(%arg11 : memref<128x128xf32, #tpu.memory_space<vmem>>) target(%dma_start3A_100 : memref<16384x128xf32, #tpu.memory_space<hbm>>) offsets(%dma_start3A_97 : memref<128xi32, #tpu.memory_space<vmem>>) semaphore(%arg12 : memref<!tpu.dma_semaphore, #tpu.memory_space<semaphore_mem>>)
    %dma_wait3A_101 = arith.constant 2 : i32
    %dma_wait3A_102 = arith.constant 0 : i32
    %dma_wait3A_103 = tpu.memref_slice %arg7[%dma_wait3A_101, %dma_wait3A_102] : memref<4x128xi32, #tpu.memory_space<vmem>> -> memref<1x128xi32, #tpu.memory_space<vmem>>
    %dma_wait3A_104 = tpu.memref_squeeze %dma_wait3A_103 : memref<1x128xi32, #tpu.memory_space<vmem>> -> memref<128xi32, #tpu.memory_space<vmem>>
    %dma_wait3A_105 = arith.constant 0 : i32
    %dma_wait3A_106 = arith.constant 0 : i32
    %dma_wait3A_107 = tpu.memref_slice %arg5[%dma_wait3A_105, %dma_wait3A_106] : memref<16384x128xf32, #tpu.memory_space<hbm>> -> memref<16384x128xf32, #tpu.memory_space<hbm>>
    tpu.wait_indirect_dma semaphore(%arg12 : memref<!tpu.dma_semaphore, #tpu.memory_space<semaphore_mem>>) src(%arg8 : memref<128x128xf32, #tpu.memory_space<vmem>>) dst(%dma_wait3A_107 : memref<16384x128xf32, #tpu.memory_space<hbm>>)
    %dma_wait3A_108 = arith.constant 2 : i32
    %dma_wait3A_109 = arith.constant 0 : i32
    %dma_wait3A_110 = tpu.memref_slice %arg7[%dma_wait3A_108, %dma_wait3A_109] : memref<4x128xi32, #tpu.memory_space<vmem>> -> memref<1x128xi32, #tpu.memory_space<vmem>>
    %dma_wait3A_111 = tpu.memref_squeeze %dma_wait3A_110 : memref<1x128xi32, #tpu.memory_space<vmem>> -> memref<128xi32, #tpu.memory_space<vmem>>
    %dma_wait3A_112 = arith.constant 0 : i32
    %dma_wait3A_113 = arith.constant 0 : i32
    %dma_wait3A_114 = tpu.memref_slice %arg6[%dma_wait3A_112, %dma_wait3A_113] : memref<16384x128xf32, #tpu.memory_space<hbm>> -> memref<16384x128xf32, #tpu.memory_space<hbm>>
    tpu.wait_indirect_dma semaphore(%arg12 : memref<!tpu.dma_semaphore, #tpu.memory_space<semaphore_mem>>) src(%arg10 : memref<128x128xf32, #tpu.memory_space<vmem>>) dst(%dma_wait3A_114 : memref<16384x128xf32, #tpu.memory_space<hbm>>)
    %dma_wait3A_115 = arith.constant 3 : i32
    %dma_wait3A_116 = arith.constant 0 : i32
    %dma_wait3A_117 = tpu.memref_slice %arg7[%dma_wait3A_115, %dma_wait3A_116] : memref<4x128xi32, #tpu.memory_space<vmem>> -> memref<1x128xi32, #tpu.memory_space<vmem>>
    %dma_wait3A_118 = tpu.memref_squeeze %dma_wait3A_117 : memref<1x128xi32, #tpu.memory_space<vmem>> -> memref<128xi32, #tpu.memory_space<vmem>>
    %dma_wait3A_119 = arith.constant 0 : i32
    %dma_wait3A_120 = arith.constant 0 : i32
    %dma_wait3A_121 = tpu.memref_slice %arg5[%dma_wait3A_119, %dma_wait3A_120] : memref<16384x128xf32, #tpu.memory_space<hbm>> -> memref<16384x128xf32, #tpu.memory_space<hbm>>
    tpu.wait_indirect_dma semaphore(%arg12 : memref<!tpu.dma_semaphore, #tpu.memory_space<semaphore_mem>>) src(%arg9 : memref<128x128xf32, #tpu.memory_space<vmem>>) dst(%dma_wait3A_121 : memref<16384x128xf32, #tpu.memory_space<hbm>>)
    %dma_wait3A_122 = arith.constant 3 : i32
    %dma_wait3A_123 = arith.constant 0 : i32
    %dma_wait3A_124 = tpu.memref_slice %arg7[%dma_wait3A_122, %dma_wait3A_123] : memref<4x128xi32, #tpu.memory_space<vmem>> -> memref<1x128xi32, #tpu.memory_space<vmem>>
    %dma_wait3A_125 = tpu.memref_squeeze %dma_wait3A_124 : memref<1x128xi32, #tpu.memory_space<vmem>> -> memref<128xi32, #tpu.memory_space<vmem>>
    %dma_wait3A_126 = arith.constant 0 : i32
    %dma_wait3A_127 = arith.constant 0 : i32
    %dma_wait3A_128 = tpu.memref_slice %arg6[%dma_wait3A_126, %dma_wait3A_127] : memref<16384x128xf32, #tpu.memory_space<hbm>> -> memref<16384x128xf32, #tpu.memory_space<hbm>>
    tpu.wait_indirect_dma semaphore(%arg12 : memref<!tpu.dma_semaphore, #tpu.memory_space<semaphore_mem>>) src(%arg11 : memref<128x128xf32, #tpu.memory_space<vmem>>) dst(%dma_wait3A_128 : memref<16384x128xf32, #tpu.memory_space<hbm>>)
    return
  }
}

module attributes {stable_mosaic.version = 14 : i64} {
  func.func @_sort_body(%arg0: memref<16x16384xf32, #tpu.memory_space<vmem>>, %arg1: memref<16x16384xf32, #tpu.memory_space<vmem>>, %arg2: memref<128x128xi32, #tpu.memory_space<vmem>>, %arg3: memref<16x1xi32, #tpu.memory_space<vmem>>, %arg4: memref<16384x128xf32, #tpu.memory_space<vmem>>) attributes {dimension_semantics = [], scalar_prefetch = 0 : i64, scratch_operands = 0 : i64, tpu.core_type = #tpu.core_type<tc>} {
    %get3A = arith.constant 0 : index
    %get3A_0 = arith.constant 0 : index
    %get3A_1 = vector.load %arg0[%get3A, %get3A_0] : memref<16x16384xf32, #tpu.memory_space<vmem>>, vector<16x16384xf32>
    %reduce_max3A = arith.constant dense<0xFF800000> : vector<16384xf32>
    %reduce_max3A_2 = vector.multi_reduction <maximumf>, %get3A_1, %reduce_max3A [0] : vector<16x16384xf32> to vector<16384xf32>
    %broadcast_in_dim3A = vector.shape_cast %reduce_max3A_2 : vector<16384xf32> to vector<1x16384xf32>
    %iota3A = tpu.iota {dimensions = array<i32: 0>} : vector<16x16384xi32>
    %eq3A = vector.broadcast %broadcast_in_dim3A : vector<1x16384xf32> to vector<16x16384xf32>
    %eq3A_3 = arith.cmpf oeq, %get3A_1, %eq3A : vector<16x16384xf32>
    %jit3A = arith.constant 16 : i32
    %broadcast_in_dim3A_4 = vector.broadcast %jit3A : i32 to vector<16x16384xi32>
    %select_n3A = arith.select %eq3A_3, %iota3A, %broadcast_in_dim3A_4 : vector<16x16384xi1>, vector<16x16384xi32>
    %reduce_min3A = arith.constant dense<2147483647> : vector<16384xi32>
    %reduce_min3A_5 = vector.multi_reduction <minsi>, %select_n3A, %reduce_min3A [0] : vector<16x16384xi32> to vector<16384xi32>
    %broadcast_in_dim3A_6 = vector.shape_cast %reduce_min3A_5 : vector<16384xi32> to vector<1x16384xi32>
    %eq3A_7 = vector.broadcast %broadcast_in_dim3A_6 : vector<1x16384xi32> to vector<16x16384xi32>
    %eq3A_8 = arith.cmpi eq, %iota3A, %eq3A_7 : vector<16x16384xi32>
    %convert_element_type3A = arith.extui %eq3A_8 : vector<16x16384xi1> to vector<16x16384xi32>
    %convert_element_type3A_9 = arith.sitofp %convert_element_type3A : vector<16x16384xi32> to vector<16x16384xf32>
    %convert_element_type3A_10 = arith.truncf %convert_element_type3A_9 : vector<16x16384xf32> to vector<16x16384xbf16>
    %iota3A_11 = tpu.iota {dimensions = array<i32: 0>} : vector<256x256xi32>
    %iota3A_12 = tpu.iota {dimensions = array<i32: 1>} : vector<256x256xi32>
    %le3A = arith.cmpi sle, %iota3A_11, %iota3A_12 : vector<256x256xi32>
    %convert_element_type3A_13 = arith.extui %le3A : vector<256x256xi1> to vector<256x256xi32>
    %convert_element_type3A_14 = arith.sitofp %convert_element_type3A_13 : vector<256x256xi32> to vector<256x256xf32>
    %convert_element_type3A_15 = arith.truncf %convert_element_type3A_14 : vector<256x256xf32> to vector<256x256xbf16>
    %broadcast_in_dim3A_16 = arith.constant 0.000000e+00 : f32
    %broadcast_in_dim3A_17 = vector.broadcast %broadcast_in_dim3A_16 : f32 to vector<16x1xf32>
    %slice3A = vector.extract_strided_slice %convert_element_type3A_10 {offsets = [0, 0], sizes = [16, 256], strides = [1, 1]} : vector<16x16384xbf16> to vector<16x256xbf16>
    %dot_general3A = arith.constant dense<0.000000e+00> : vector<16x256xf32>
    %dot_general3A_18 = tpu.matmul %slice3A, %convert_element_type3A_15, %dot_general3A {dimension_numbers = #tpu.dot_dimension_numbers<[1], [0], [0], [1], [0, 0, 1, 1], [], []>, transpose_lhs_hint = false} : vector<16x256xbf16>, vector<256x256xbf16>, vector<16x256xf32> -> vector<16x256xf32>
    %convert_element_type3A_19 = arith.extf %slice3A : vector<16x256xbf16> to vector<16x256xf32>
    %sub3A = arith.subf %dot_general3A_18, %convert_element_type3A_19 : vector<16x256xf32>
    %add3A = vector.broadcast %broadcast_in_dim3A_17 : vector<16x1xf32> to vector<16x256xf32>
    %add3A_20 = arith.addf %sub3A, %add3A : vector<16x256xf32>
    %slice3A_21 = vector.extract_strided_slice %dot_general3A_18 {offsets = [0, 255], sizes = [16, 1], strides = [1, 1]} : vector<16x256xf32> to vector<16x1xf32>
    %add3A_22 = arith.addf %broadcast_in_dim3A_17, %slice3A_21 : vector<16x1xf32>
    %slice3A_23 = vector.extract_strided_slice %convert_element_type3A_10 {offsets = [0, 256], sizes = [16, 256], strides = [1, 1]} : vector<16x16384xbf16> to vector<16x256xbf16>
    %dot_general3A_24 = arith.constant dense<0.000000e+00> : vector<16x256xf32>
    %dot_general3A_25 = tpu.matmul %slice3A_23, %convert_element_type3A_15, %dot_general3A_24 {dimension_numbers = #tpu.dot_dimension_numbers<[1], [0], [0], [1], [0, 0, 1, 1], [], []>, transpose_lhs_hint = false} : vector<16x256xbf16>, vector<256x256xbf16>, vector<16x256xf32> -> vector<16x256xf32>
    %convert_element_type3A_26 = arith.extf %slice3A_23 : vector<16x256xbf16> to vector<16x256xf32>
    %sub3A_27 = arith.subf %dot_general3A_25, %convert_element_type3A_26 : vector<16x256xf32>
    %add3A_28 = vector.broadcast %add3A_22 : vector<16x1xf32> to vector<16x256xf32>
    %add3A_29 = arith.addf %sub3A_27, %add3A_28 : vector<16x256xf32>
    %slice3A_30 = vector.extract_strided_slice %dot_general3A_25 {offsets = [0, 255], sizes = [16, 1], strides = [1, 1]} : vector<16x256xf32> to vector<16x1xf32>
    %add3A_31 = arith.addf %add3A_22, %slice3A_30 : vector<16x1xf32>
    %slice3A_32 = vector.extract_strided_slice %convert_element_type3A_10 {offsets = [0, 512], sizes = [16, 256], strides = [1, 1]} : vector<16x16384xbf16> to vector<16x256xbf16>
    %dot_general3A_33 = arith.constant dense<0.000000e+00> : vector<16x256xf32>
    %dot_general3A_34 = tpu.matmul %slice3A_32, %convert_element_type3A_15, %dot_general3A_33 {dimension_numbers = #tpu.dot_dimension_numbers<[1], [0], [0], [1], [0, 0, 1, 1], [], []>, transpose_lhs_hint = false} : vector<16x256xbf16>, vector<256x256xbf16>, vector<16x256xf32> -> vector<16x256xf32>
    %convert_element_type3A_35 = arith.extf %slice3A_32 : vector<16x256xbf16> to vector<16x256xf32>
    %sub3A_36 = arith.subf %dot_general3A_34, %convert_element_type3A_35 : vector<16x256xf32>
    %add3A_37 = vector.broadcast %add3A_31 : vector<16x1xf32> to vector<16x256xf32>
    %add3A_38 = arith.addf %sub3A_36, %add3A_37 : vector<16x256xf32>
    %slice3A_39 = vector.extract_strided_slice %dot_general3A_34 {offsets = [0, 255], sizes = [16, 1], strides = [1, 1]} : vector<16x256xf32> to vector<16x1xf32>
    %add3A_40 = arith.addf %add3A_31, %slice3A_39 : vector<16x1xf32>
    %slice3A_41 = vector.extract_strided_slice %convert_element_type3A_10 {offsets = [0, 768], sizes = [16, 256], strides = [1, 1]} : vector<16x16384xbf16> to vector<16x256xbf16>
    %dot_general3A_42 = arith.constant dense<0.000000e+00> : vector<16x256xf32>
    %dot_general3A_43 = tpu.matmul %slice3A_41, %convert_element_type3A_15, %dot_general3A_42 {dimension_numbers = #tpu.dot_dimension_numbers<[1], [0], [0], [1], [0, 0, 1, 1], [], []>, transpose_lhs_hint = false} : vector<16x256xbf16>, vector<256x256xbf16>, vector<16x256xf32> -> vector<16x256xf32>
    %convert_element_type3A_44 = arith.extf %slice3A_41 : vector<16x256xbf16> to vector<16x256xf32>
    %sub3A_45 = arith.subf %dot_general3A_43, %convert_element_type3A_44 : vector<16x256xf32>
    %add3A_46 = vector.broadcast %add3A_40 : vector<16x1xf32> to vector<16x256xf32>
    %add3A_47 = arith.addf %sub3A_45, %add3A_46 : vector<16x256xf32>
    %slice3A_48 = vector.extract_strided_slice %dot_general3A_43 {offsets = [0, 255], sizes = [16, 1], strides = [1, 1]} : vector<16x256xf32> to vector<16x1xf32>
    %add3A_49 = arith.addf %add3A_40, %slice3A_48 : vector<16x1xf32>
    %slice3A_50 = vector.extract_strided_slice %convert_element_type3A_10 {offsets = [0, 1024], sizes = [16, 256], strides = [1, 1]} : vector<16x16384xbf16> to vector<16x256xbf16>
    %dot_general3A_51 = arith.constant dense<0.000000e+00> : vector<16x256xf32>
    %dot_general3A_52 = tpu.matmul %slice3A_50, %convert_element_type3A_15, %dot_general3A_51 {dimension_numbers = #tpu.dot_dimension_numbers<[1], [0], [0], [1], [0, 0, 1, 1], [], []>, transpose_lhs_hint = false} : vector<16x256xbf16>, vector<256x256xbf16>, vector<16x256xf32> -> vector<16x256xf32>
    %convert_element_type3A_53 = arith.extf %slice3A_50 : vector<16x256xbf16> to vector<16x256xf32>
    %sub3A_54 = arith.subf %dot_general3A_52, %convert_element_type3A_53 : vector<16x256xf32>
    %add3A_55 = vector.broadcast %add3A_49 : vector<16x1xf32> to vector<16x256xf32>
    %add3A_56 = arith.addf %sub3A_54, %add3A_55 : vector<16x256xf32>
    %slice3A_57 = vector.extract_strided_slice %dot_general3A_52 {offsets = [0, 255], sizes = [16, 1], strides = [1, 1]} : vector<16x256xf32> to vector<16x1xf32>
    %add3A_58 = arith.addf %add3A_49, %slice3A_57 : vector<16x1xf32>
    %slice3A_59 = vector.extract_strided_slice %convert_element_type3A_10 {offsets = [0, 1280], sizes = [16, 256], strides = [1, 1]} : vector<16x16384xbf16> to vector<16x256xbf16>
    %dot_general3A_60 = arith.constant dense<0.000000e+00> : vector<16x256xf32>
    %dot_general3A_61 = tpu.matmul %slice3A_59, %convert_element_type3A_15, %dot_general3A_60 {dimension_numbers = #tpu.dot_dimension_numbers<[1], [0], [0], [1], [0, 0, 1, 1], [], []>, transpose_lhs_hint = false} : vector<16x256xbf16>, vector<256x256xbf16>, vector<16x256xf32> -> vector<16x256xf32>
    %convert_element_type3A_62 = arith.extf %slice3A_59 : vector<16x256xbf16> to vector<16x256xf32>
    %sub3A_63 = arith.subf %dot_general3A_61, %convert_element_type3A_62 : vector<16x256xf32>
    %add3A_64 = vector.broadcast %add3A_58 : vector<16x1xf32> to vector<16x256xf32>
    %add3A_65 = arith.addf %sub3A_63, %add3A_64 : vector<16x256xf32>
    %slice3A_66 = vector.extract_strided_slice %dot_general3A_61 {offsets = [0, 255], sizes = [16, 1], strides = [1, 1]} : vector<16x256xf32> to vector<16x1xf32>
    %add3A_67 = arith.addf %add3A_58, %slice3A_66 : vector<16x1xf32>
    %slice3A_68 = vector.extract_strided_slice %convert_element_type3A_10 {offsets = [0, 1536], sizes = [16, 256], strides = [1, 1]} : vector<16x16384xbf16> to vector<16x256xbf16>
    %dot_general3A_69 = arith.constant dense<0.000000e+00> : vector<16x256xf32>
    %dot_general3A_70 = tpu.matmul %slice3A_68, %convert_element_type3A_15, %dot_general3A_69 {dimension_numbers = #tpu.dot_dimension_numbers<[1], [0], [0], [1], [0, 0, 1, 1], [], []>, transpose_lhs_hint = false} : vector<16x256xbf16>, vector<256x256xbf16>, vector<16x256xf32> -> vector<16x256xf32>
    %convert_element_type3A_71 = arith.extf %slice3A_68 : vector<16x256xbf16> to vector<16x256xf32>
    %sub3A_72 = arith.subf %dot_general3A_70, %convert_element_type3A_71 : vector<16x256xf32>
    %add3A_73 = vector.broadcast %add3A_67 : vector<16x1xf32> to vector<16x256xf32>
    %add3A_74 = arith.addf %sub3A_72, %add3A_73 : vector<16x256xf32>
    %slice3A_75 = vector.extract_strided_slice %dot_general3A_70 {offsets = [0, 255], sizes = [16, 1], strides = [1, 1]} : vector<16x256xf32> to vector<16x1xf32>
    %add3A_76 = arith.addf %add3A_67, %slice3A_75 : vector<16x1xf32>
    %slice3A_77 = vector.extract_strided_slice %convert_element_type3A_10 {offsets = [0, 1792], sizes = [16, 256], strides = [1, 1]} : vector<16x16384xbf16> to vector<16x256xbf16>
    %dot_general3A_78 = arith.constant dense<0.000000e+00> : vector<16x256xf32>
    %dot_general3A_79 = tpu.matmul %slice3A_77, %convert_element_type3A_15, %dot_general3A_78 {dimension_numbers = #tpu.dot_dimension_numbers<[1], [0], [0], [1], [0, 0, 1, 1], [], []>, transpose_lhs_hint = false} : vector<16x256xbf16>, vector<256x256xbf16>, vector<16x256xf32> -> vector<16x256xf32>
    %convert_element_type3A_80 = arith.extf %slice3A_77 : vector<16x256xbf16> to vector<16x256xf32>
    %sub3A_81 = arith.subf %dot_general3A_79, %convert_element_type3A_80 : vector<16x256xf32>
    %add3A_82 = vector.broadcast %add3A_76 : vector<16x1xf32> to vector<16x256xf32>
    %add3A_83 = arith.addf %sub3A_81, %add3A_82 : vector<16x256xf32>
    %slice3A_84 = vector.extract_strided_slice %dot_general3A_79 {offsets = [0, 255], sizes = [16, 1], strides = [1, 1]} : vector<16x256xf32> to vector<16x1xf32>
    %add3A_85 = arith.addf %add3A_76, %slice3A_84 : vector<16x1xf32>
    %slice3A_86 = vector.extract_strided_slice %convert_element_type3A_10 {offsets = [0, 2048], sizes = [16, 256], strides = [1, 1]} : vector<16x16384xbf16> to vector<16x256xbf16>
    %dot_general3A_87 = arith.constant dense<0.000000e+00> : vector<16x256xf32>
    %dot_general3A_88 = tpu.matmul %slice3A_86, %convert_element_type3A_15, %dot_general3A_87 {dimension_numbers = #tpu.dot_dimension_numbers<[1], [0], [0], [1], [0, 0, 1, 1], [], []>, transpose_lhs_hint = false} : vector<16x256xbf16>, vector<256x256xbf16>, vector<16x256xf32> -> vector<16x256xf32>
    %convert_element_type3A_89 = arith.extf %slice3A_86 : vector<16x256xbf16> to vector<16x256xf32>
    %sub3A_90 = arith.subf %dot_general3A_88, %convert_element_type3A_89 : vector<16x256xf32>
    %add3A_91 = vector.broadcast %add3A_85 : vector<16x1xf32> to vector<16x256xf32>
    %add3A_92 = arith.addf %sub3A_90, %add3A_91 : vector<16x256xf32>
    %slice3A_93 = vector.extract_strided_slice %dot_general3A_88 {offsets = [0, 255], sizes = [16, 1], strides = [1, 1]} : vector<16x256xf32> to vector<16x1xf32>
    %add3A_94 = arith.addf %add3A_85, %slice3A_93 : vector<16x1xf32>
    %slice3A_95 = vector.extract_strided_slice %convert_element_type3A_10 {offsets = [0, 2304], sizes = [16, 256], strides = [1, 1]} : vector<16x16384xbf16> to vector<16x256xbf16>
    %dot_general3A_96 = arith.constant dense<0.000000e+00> : vector<16x256xf32>
    %dot_general3A_97 = tpu.matmul %slice3A_95, %convert_element_type3A_15, %dot_general3A_96 {dimension_numbers = #tpu.dot_dimension_numbers<[1], [0], [0], [1], [0, 0, 1, 1], [], []>, transpose_lhs_hint = false} : vector<16x256xbf16>, vector<256x256xbf16>, vector<16x256xf32> -> vector<16x256xf32>
    %convert_element_type3A_98 = arith.extf %slice3A_95 : vector<16x256xbf16> to vector<16x256xf32>
    %sub3A_99 = arith.subf %dot_general3A_97, %convert_element_type3A_98 : vector<16x256xf32>
    %add3A_100 = vector.broadcast %add3A_94 : vector<16x1xf32> to vector<16x256xf32>
    %add3A_101 = arith.addf %sub3A_99, %add3A_100 : vector<16x256xf32>
    %slice3A_102 = vector.extract_strided_slice %dot_general3A_97 {offsets = [0, 255], sizes = [16, 1], strides = [1, 1]} : vector<16x256xf32> to vector<16x1xf32>
    %add3A_103 = arith.addf %add3A_94, %slice3A_102 : vector<16x1xf32>
    %slice3A_104 = vector.extract_strided_slice %convert_element_type3A_10 {offsets = [0, 2560], sizes = [16, 256], strides = [1, 1]} : vector<16x16384xbf16> to vector<16x256xbf16>
    %dot_general3A_105 = arith.constant dense<0.000000e+00> : vector<16x256xf32>
    %dot_general3A_106 = tpu.matmul %slice3A_104, %convert_element_type3A_15, %dot_general3A_105 {dimension_numbers = #tpu.dot_dimension_numbers<[1], [0], [0], [1], [0, 0, 1, 1], [], []>, transpose_lhs_hint = false} : vector<16x256xbf16>, vector<256x256xbf16>, vector<16x256xf32> -> vector<16x256xf32>
    %convert_element_type3A_107 = arith.extf %slice3A_104 : vector<16x256xbf16> to vector<16x256xf32>
    %sub3A_108 = arith.subf %dot_general3A_106, %convert_element_type3A_107 : vector<16x256xf32>
    %add3A_109 = vector.broadcast %add3A_103 : vector<16x1xf32> to vector<16x256xf32>
    %add3A_110 = arith.addf %sub3A_108, %add3A_109 : vector<16x256xf32>
    %slice3A_111 = vector.extract_strided_slice %dot_general3A_106 {offsets = [0, 255], sizes = [16, 1], strides = [1, 1]} : vector<16x256xf32> to vector<16x1xf32>
    %add3A_112 = arith.addf %add3A_103, %slice3A_111 : vector<16x1xf32>
    %slice3A_113 = vector.extract_strided_slice %convert_element_type3A_10 {offsets = [0, 2816], sizes = [16, 256], strides = [1, 1]} : vector<16x16384xbf16> to vector<16x256xbf16>
    %dot_general3A_114 = arith.constant dense<0.000000e+00> : vector<16x256xf32>
    %dot_general3A_115 = tpu.matmul %slice3A_113, %convert_element_type3A_15, %dot_general3A_114 {dimension_numbers = #tpu.dot_dimension_numbers<[1], [0], [0], [1], [0, 0, 1, 1], [], []>, transpose_lhs_hint = false} : vector<16x256xbf16>, vector<256x256xbf16>, vector<16x256xf32> -> vector<16x256xf32>
    %convert_element_type3A_116 = arith.extf %slice3A_113 : vector<16x256xbf16> to vector<16x256xf32>
    %sub3A_117 = arith.subf %dot_general3A_115, %convert_element_type3A_116 : vector<16x256xf32>
    %add3A_118 = vector.broadcast %add3A_112 : vector<16x1xf32> to vector<16x256xf32>
    %add3A_119 = arith.addf %sub3A_117, %add3A_118 : vector<16x256xf32>
    %slice3A_120 = vector.extract_strided_slice %dot_general3A_115 {offsets = [0, 255], sizes = [16, 1], strides = [1, 1]} : vector<16x256xf32> to vector<16x1xf32>
    %add3A_121 = arith.addf %add3A_112, %slice3A_120 : vector<16x1xf32>
    %slice3A_122 = vector.extract_strided_slice %convert_element_type3A_10 {offsets = [0, 3072], sizes = [16, 256], strides = [1, 1]} : vector<16x16384xbf16> to vector<16x256xbf16>
    %dot_general3A_123 = arith.constant dense<0.000000e+00> : vector<16x256xf32>
    %dot_general3A_124 = tpu.matmul %slice3A_122, %convert_element_type3A_15, %dot_general3A_123 {dimension_numbers = #tpu.dot_dimension_numbers<[1], [0], [0], [1], [0, 0, 1, 1], [], []>, transpose_lhs_hint = false} : vector<16x256xbf16>, vector<256x256xbf16>, vector<16x256xf32> -> vector<16x256xf32>
    %convert_element_type3A_125 = arith.extf %slice3A_122 : vector<16x256xbf16> to vector<16x256xf32>
    %sub3A_126 = arith.subf %dot_general3A_124, %convert_element_type3A_125 : vector<16x256xf32>
    %add3A_127 = vector.broadcast %add3A_121 : vector<16x1xf32> to vector<16x256xf32>
    %add3A_128 = arith.addf %sub3A_126, %add3A_127 : vector<16x256xf32>
    %slice3A_129 = vector.extract_strided_slice %dot_general3A_124 {offsets = [0, 255], sizes = [16, 1], strides = [1, 1]} : vector<16x256xf32> to vector<16x1xf32>
    %add3A_130 = arith.addf %add3A_121, %slice3A_129 : vector<16x1xf32>
    %slice3A_131 = vector.extract_strided_slice %convert_element_type3A_10 {offsets = [0, 3328], sizes = [16, 256], strides = [1, 1]} : vector<16x16384xbf16> to vector<16x256xbf16>
    %dot_general3A_132 = arith.constant dense<0.000000e+00> : vector<16x256xf32>
    %dot_general3A_133 = tpu.matmul %slice3A_131, %convert_element_type3A_15, %dot_general3A_132 {dimension_numbers = #tpu.dot_dimension_numbers<[1], [0], [0], [1], [0, 0, 1, 1], [], []>, transpose_lhs_hint = false} : vector<16x256xbf16>, vector<256x256xbf16>, vector<16x256xf32> -> vector<16x256xf32>
    %convert_element_type3A_134 = arith.extf %slice3A_131 : vector<16x256xbf16> to vector<16x256xf32>
    %sub3A_135 = arith.subf %dot_general3A_133, %convert_element_type3A_134 : vector<16x256xf32>
    %add3A_136 = vector.broadcast %add3A_130 : vector<16x1xf32> to vector<16x256xf32>
    %add3A_137 = arith.addf %sub3A_135, %add3A_136 : vector<16x256xf32>
    %slice3A_138 = vector.extract_strided_slice %dot_general3A_133 {offsets = [0, 255], sizes = [16, 1], strides = [1, 1]} : vector<16x256xf32> to vector<16x1xf32>
    %add3A_139 = arith.addf %add3A_130, %slice3A_138 : vector<16x1xf32>
    %slice3A_140 = vector.extract_strided_slice %convert_element_type3A_10 {offsets = [0, 3584], sizes = [16, 256], strides = [1, 1]} : vector<16x16384xbf16> to vector<16x256xbf16>
    %dot_general3A_141 = arith.constant dense<0.000000e+00> : vector<16x256xf32>
    %dot_general3A_142 = tpu.matmul %slice3A_140, %convert_element_type3A_15, %dot_general3A_141 {dimension_numbers = #tpu.dot_dimension_numbers<[1], [0], [0], [1], [0, 0, 1, 1], [], []>, transpose_lhs_hint = false} : vector<16x256xbf16>, vector<256x256xbf16>, vector<16x256xf32> -> vector<16x256xf32>
    %convert_element_type3A_143 = arith.extf %slice3A_140 : vector<16x256xbf16> to vector<16x256xf32>
    %sub3A_144 = arith.subf %dot_general3A_142, %convert_element_type3A_143 : vector<16x256xf32>
    %add3A_145 = vector.broadcast %add3A_139 : vector<16x1xf32> to vector<16x256xf32>
    %add3A_146 = arith.addf %sub3A_144, %add3A_145 : vector<16x256xf32>
    %slice3A_147 = vector.extract_strided_slice %dot_general3A_142 {offsets = [0, 255], sizes = [16, 1], strides = [1, 1]} : vector<16x256xf32> to vector<16x1xf32>
    %add3A_148 = arith.addf %add3A_139, %slice3A_147 : vector<16x1xf32>
    %slice3A_149 = vector.extract_strided_slice %convert_element_type3A_10 {offsets = [0, 3840], sizes = [16, 256], strides = [1, 1]} : vector<16x16384xbf16> to vector<16x256xbf16>
    %dot_general3A_150 = arith.constant dense<0.000000e+00> : vector<16x256xf32>
    %dot_general3A_151 = tpu.matmul %slice3A_149, %convert_element_type3A_15, %dot_general3A_150 {dimension_numbers = #tpu.dot_dimension_numbers<[1], [0], [0], [1], [0, 0, 1, 1], [], []>, transpose_lhs_hint = false} : vector<16x256xbf16>, vector<256x256xbf16>, vector<16x256xf32> -> vector<16x256xf32>
    %convert_element_type3A_152 = arith.extf %slice3A_149 : vector<16x256xbf16> to vector<16x256xf32>
    %sub3A_153 = arith.subf %dot_general3A_151, %convert_element_type3A_152 : vector<16x256xf32>
    %add3A_154 = vector.broadcast %add3A_148 : vector<16x1xf32> to vector<16x256xf32>
    %add3A_155 = arith.addf %sub3A_153, %add3A_154 : vector<16x256xf32>
    %slice3A_156 = vector.extract_strided_slice %dot_general3A_151 {offsets = [0, 255], sizes = [16, 1], strides = [1, 1]} : vector<16x256xf32> to vector<16x1xf32>
    %add3A_157 = arith.addf %add3A_148, %slice3A_156 : vector<16x1xf32>
    %slice3A_158 = vector.extract_strided_slice %convert_element_type3A_10 {offsets = [0, 4096], sizes = [16, 256], strides = [1, 1]} : vector<16x16384xbf16> to vector<16x256xbf16>
    %dot_general3A_159 = arith.constant dense<0.000000e+00> : vector<16x256xf32>
    %dot_general3A_160 = tpu.matmul %slice3A_158, %convert_element_type3A_15, %dot_general3A_159 {dimension_numbers = #tpu.dot_dimension_numbers<[1], [0], [0], [1], [0, 0, 1, 1], [], []>, transpose_lhs_hint = false} : vector<16x256xbf16>, vector<256x256xbf16>, vector<16x256xf32> -> vector<16x256xf32>
    %convert_element_type3A_161 = arith.extf %slice3A_158 : vector<16x256xbf16> to vector<16x256xf32>
    %sub3A_162 = arith.subf %dot_general3A_160, %convert_element_type3A_161 : vector<16x256xf32>
    %add3A_163 = vector.broadcast %add3A_157 : vector<16x1xf32> to vector<16x256xf32>
    %add3A_164 = arith.addf %sub3A_162, %add3A_163 : vector<16x256xf32>
    %slice3A_165 = vector.extract_strided_slice %dot_general3A_160 {offsets = [0, 255], sizes = [16, 1], strides = [1, 1]} : vector<16x256xf32> to vector<16x1xf32>
    %add3A_166 = arith.addf %add3A_157, %slice3A_165 : vector<16x1xf32>
    %slice3A_167 = vector.extract_strided_slice %convert_element_type3A_10 {offsets = [0, 4352], sizes = [16, 256], strides = [1, 1]} : vector<16x16384xbf16> to vector<16x256xbf16>
    %dot_general3A_168 = arith.constant dense<0.000000e+00> : vector<16x256xf32>
    %dot_general3A_169 = tpu.matmul %slice3A_167, %convert_element_type3A_15, %dot_general3A_168 {dimension_numbers = #tpu.dot_dimension_numbers<[1], [0], [0], [1], [0, 0, 1, 1], [], []>, transpose_lhs_hint = false} : vector<16x256xbf16>, vector<256x256xbf16>, vector<16x256xf32> -> vector<16x256xf32>
    %convert_element_type3A_170 = arith.extf %slice3A_167 : vector<16x256xbf16> to vector<16x256xf32>
    %sub3A_171 = arith.subf %dot_general3A_169, %convert_element_type3A_170 : vector<16x256xf32>
    %add3A_172 = vector.broadcast %add3A_166 : vector<16x1xf32> to vector<16x256xf32>
    %add3A_173 = arith.addf %sub3A_171, %add3A_172 : vector<16x256xf32>
    %slice3A_174 = vector.extract_strided_slice %dot_general3A_169 {offsets = [0, 255], sizes = [16, 1], strides = [1, 1]} : vector<16x256xf32> to vector<16x1xf32>
    %add3A_175 = arith.addf %add3A_166, %slice3A_174 : vector<16x1xf32>
    %slice3A_176 = vector.extract_strided_slice %convert_element_type3A_10 {offsets = [0, 4608], sizes = [16, 256], strides = [1, 1]} : vector<16x16384xbf16> to vector<16x256xbf16>
    %dot_general3A_177 = arith.constant dense<0.000000e+00> : vector<16x256xf32>
    %dot_general3A_178 = tpu.matmul %slice3A_176, %convert_element_type3A_15, %dot_general3A_177 {dimension_numbers = #tpu.dot_dimension_numbers<[1], [0], [0], [1], [0, 0, 1, 1], [], []>, transpose_lhs_hint = false} : vector<16x256xbf16>, vector<256x256xbf16>, vector<16x256xf32> -> vector<16x256xf32>
    %convert_element_type3A_179 = arith.extf %slice3A_176 : vector<16x256xbf16> to vector<16x256xf32>
    %sub3A_180 = arith.subf %dot_general3A_178, %convert_element_type3A_179 : vector<16x256xf32>
    %add3A_181 = vector.broadcast %add3A_175 : vector<16x1xf32> to vector<16x256xf32>
    %add3A_182 = arith.addf %sub3A_180, %add3A_181 : vector<16x256xf32>
    %slice3A_183 = vector.extract_strided_slice %dot_general3A_178 {offsets = [0, 255], sizes = [16, 1], strides = [1, 1]} : vector<16x256xf32> to vector<16x1xf32>
    %add3A_184 = arith.addf %add3A_175, %slice3A_183 : vector<16x1xf32>
    %slice3A_185 = vector.extract_strided_slice %convert_element_type3A_10 {offsets = [0, 4864], sizes = [16, 256], strides = [1, 1]} : vector<16x16384xbf16> to vector<16x256xbf16>
    %dot_general3A_186 = arith.constant dense<0.000000e+00> : vector<16x256xf32>
    %dot_general3A_187 = tpu.matmul %slice3A_185, %convert_element_type3A_15, %dot_general3A_186 {dimension_numbers = #tpu.dot_dimension_numbers<[1], [0], [0], [1], [0, 0, 1, 1], [], []>, transpose_lhs_hint = false} : vector<16x256xbf16>, vector<256x256xbf16>, vector<16x256xf32> -> vector<16x256xf32>
    %convert_element_type3A_188 = arith.extf %slice3A_185 : vector<16x256xbf16> to vector<16x256xf32>
    %sub3A_189 = arith.subf %dot_general3A_187, %convert_element_type3A_188 : vector<16x256xf32>
    %add3A_190 = vector.broadcast %add3A_184 : vector<16x1xf32> to vector<16x256xf32>
    %add3A_191 = arith.addf %sub3A_189, %add3A_190 : vector<16x256xf32>
    %slice3A_192 = vector.extract_strided_slice %dot_general3A_187 {offsets = [0, 255], sizes = [16, 1], strides = [1, 1]} : vector<16x256xf32> to vector<16x1xf32>
    %add3A_193 = arith.addf %add3A_184, %slice3A_192 : vector<16x1xf32>
    %slice3A_194 = vector.extract_strided_slice %convert_element_type3A_10 {offsets = [0, 5120], sizes = [16, 256], strides = [1, 1]} : vector<16x16384xbf16> to vector<16x256xbf16>
    %dot_general3A_195 = arith.constant dense<0.000000e+00> : vector<16x256xf32>
    %dot_general3A_196 = tpu.matmul %slice3A_194, %convert_element_type3A_15, %dot_general3A_195 {dimension_numbers = #tpu.dot_dimension_numbers<[1], [0], [0], [1], [0, 0, 1, 1], [], []>, transpose_lhs_hint = false} : vector<16x256xbf16>, vector<256x256xbf16>, vector<16x256xf32> -> vector<16x256xf32>
    %convert_element_type3A_197 = arith.extf %slice3A_194 : vector<16x256xbf16> to vector<16x256xf32>
    %sub3A_198 = arith.subf %dot_general3A_196, %convert_element_type3A_197 : vector<16x256xf32>
    %add3A_199 = vector.broadcast %add3A_193 : vector<16x1xf32> to vector<16x256xf32>
    %add3A_200 = arith.addf %sub3A_198, %add3A_199 : vector<16x256xf32>
    %slice3A_201 = vector.extract_strided_slice %dot_general3A_196 {offsets = [0, 255], sizes = [16, 1], strides = [1, 1]} : vector<16x256xf32> to vector<16x1xf32>
    %add3A_202 = arith.addf %add3A_193, %slice3A_201 : vector<16x1xf32>
    %slice3A_203 = vector.extract_strided_slice %convert_element_type3A_10 {offsets = [0, 5376], sizes = [16, 256], strides = [1, 1]} : vector<16x16384xbf16> to vector<16x256xbf16>
    %dot_general3A_204 = arith.constant dense<0.000000e+00> : vector<16x256xf32>
    %dot_general3A_205 = tpu.matmul %slice3A_203, %convert_element_type3A_15, %dot_general3A_204 {dimension_numbers = #tpu.dot_dimension_numbers<[1], [0], [0], [1], [0, 0, 1, 1], [], []>, transpose_lhs_hint = false} : vector<16x256xbf16>, vector<256x256xbf16>, vector<16x256xf32> -> vector<16x256xf32>
    %convert_element_type3A_206 = arith.extf %slice3A_203 : vector<16x256xbf16> to vector<16x256xf32>
    %sub3A_207 = arith.subf %dot_general3A_205, %convert_element_type3A_206 : vector<16x256xf32>
    %add3A_208 = vector.broadcast %add3A_202 : vector<16x1xf32> to vector<16x256xf32>
    %add3A_209 = arith.addf %sub3A_207, %add3A_208 : vector<16x256xf32>
    %slice3A_210 = vector.extract_strided_slice %dot_general3A_205 {offsets = [0, 255], sizes = [16, 1], strides = [1, 1]} : vector<16x256xf32> to vector<16x1xf32>
    %add3A_211 = arith.addf %add3A_202, %slice3A_210 : vector<16x1xf32>
    %slice3A_212 = vector.extract_strided_slice %convert_element_type3A_10 {offsets = [0, 5632], sizes = [16, 256], strides = [1, 1]} : vector<16x16384xbf16> to vector<16x256xbf16>
    %dot_general3A_213 = arith.constant dense<0.000000e+00> : vector<16x256xf32>
    %dot_general3A_214 = tpu.matmul %slice3A_212, %convert_element_type3A_15, %dot_general3A_213 {dimension_numbers = #tpu.dot_dimension_numbers<[1], [0], [0], [1], [0, 0, 1, 1], [], []>, transpose_lhs_hint = false} : vector<16x256xbf16>, vector<256x256xbf16>, vector<16x256xf32> -> vector<16x256xf32>
    %convert_element_type3A_215 = arith.extf %slice3A_212 : vector<16x256xbf16> to vector<16x256xf32>
    %sub3A_216 = arith.subf %dot_general3A_214, %convert_element_type3A_215 : vector<16x256xf32>
    %add3A_217 = vector.broadcast %add3A_211 : vector<16x1xf32> to vector<16x256xf32>
    %add3A_218 = arith.addf %sub3A_216, %add3A_217 : vector<16x256xf32>
    %slice3A_219 = vector.extract_strided_slice %dot_general3A_214 {offsets = [0, 255], sizes = [16, 1], strides = [1, 1]} : vector<16x256xf32> to vector<16x1xf32>
    %add3A_220 = arith.addf %add3A_211, %slice3A_219 : vector<16x1xf32>
    %slice3A_221 = vector.extract_strided_slice %convert_element_type3A_10 {offsets = [0, 5888], sizes = [16, 256], strides = [1, 1]} : vector<16x16384xbf16> to vector<16x256xbf16>
    %dot_general3A_222 = arith.constant dense<0.000000e+00> : vector<16x256xf32>
    %dot_general3A_223 = tpu.matmul %slice3A_221, %convert_element_type3A_15, %dot_general3A_222 {dimension_numbers = #tpu.dot_dimension_numbers<[1], [0], [0], [1], [0, 0, 1, 1], [], []>, transpose_lhs_hint = false} : vector<16x256xbf16>, vector<256x256xbf16>, vector<16x256xf32> -> vector<16x256xf32>
    %convert_element_type3A_224 = arith.extf %slice3A_221 : vector<16x256xbf16> to vector<16x256xf32>
    %sub3A_225 = arith.subf %dot_general3A_223, %convert_element_type3A_224 : vector<16x256xf32>
    %add3A_226 = vector.broadcast %add3A_220 : vector<16x1xf32> to vector<16x256xf32>
    %add3A_227 = arith.addf %sub3A_225, %add3A_226 : vector<16x256xf32>
    %slice3A_228 = vector.extract_strided_slice %dot_general3A_223 {offsets = [0, 255], sizes = [16, 1], strides = [1, 1]} : vector<16x256xf32> to vector<16x1xf32>
    %add3A_229 = arith.addf %add3A_220, %slice3A_228 : vector<16x1xf32>
    %slice3A_230 = vector.extract_strided_slice %convert_element_type3A_10 {offsets = [0, 6144], sizes = [16, 256], strides = [1, 1]} : vector<16x16384xbf16> to vector<16x256xbf16>
    %dot_general3A_231 = arith.constant dense<0.000000e+00> : vector<16x256xf32>
    %dot_general3A_232 = tpu.matmul %slice3A_230, %convert_element_type3A_15, %dot_general3A_231 {dimension_numbers = #tpu.dot_dimension_numbers<[1], [0], [0], [1], [0, 0, 1, 1], [], []>, transpose_lhs_hint = false} : vector<16x256xbf16>, vector<256x256xbf16>, vector<16x256xf32> -> vector<16x256xf32>
    %convert_element_type3A_233 = arith.extf %slice3A_230 : vector<16x256xbf16> to vector<16x256xf32>
    %sub3A_234 = arith.subf %dot_general3A_232, %convert_element_type3A_233 : vector<16x256xf32>
    %add3A_235 = vector.broadcast %add3A_229 : vector<16x1xf32> to vector<16x256xf32>
    %add3A_236 = arith.addf %sub3A_234, %add3A_235 : vector<16x256xf32>
    %slice3A_237 = vector.extract_strided_slice %dot_general3A_232 {offsets = [0, 255], sizes = [16, 1], strides = [1, 1]} : vector<16x256xf32> to vector<16x1xf32>
    %add3A_238 = arith.addf %add3A_229, %slice3A_237 : vector<16x1xf32>
    %slice3A_239 = vector.extract_strided_slice %convert_element_type3A_10 {offsets = [0, 6400], sizes = [16, 256], strides = [1, 1]} : vector<16x16384xbf16> to vector<16x256xbf16>
    %dot_general3A_240 = arith.constant dense<0.000000e+00> : vector<16x256xf32>
    %dot_general3A_241 = tpu.matmul %slice3A_239, %convert_element_type3A_15, %dot_general3A_240 {dimension_numbers = #tpu.dot_dimension_numbers<[1], [0], [0], [1], [0, 0, 1, 1], [], []>, transpose_lhs_hint = false} : vector<16x256xbf16>, vector<256x256xbf16>, vector<16x256xf32> -> vector<16x256xf32>
    %convert_element_type3A_242 = arith.extf %slice3A_239 : vector<16x256xbf16> to vector<16x256xf32>
    %sub3A_243 = arith.subf %dot_general3A_241, %convert_element_type3A_242 : vector<16x256xf32>
    %add3A_244 = vector.broadcast %add3A_238 : vector<16x1xf32> to vector<16x256xf32>
    %add3A_245 = arith.addf %sub3A_243, %add3A_244 : vector<16x256xf32>
    %slice3A_246 = vector.extract_strided_slice %dot_general3A_241 {offsets = [0, 255], sizes = [16, 1], strides = [1, 1]} : vector<16x256xf32> to vector<16x1xf32>
    %add3A_247 = arith.addf %add3A_238, %slice3A_246 : vector<16x1xf32>
    %slice3A_248 = vector.extract_strided_slice %convert_element_type3A_10 {offsets = [0, 6656], sizes = [16, 256], strides = [1, 1]} : vector<16x16384xbf16> to vector<16x256xbf16>
    %dot_general3A_249 = arith.constant dense<0.000000e+00> : vector<16x256xf32>
    %dot_general3A_250 = tpu.matmul %slice3A_248, %convert_element_type3A_15, %dot_general3A_249 {dimension_numbers = #tpu.dot_dimension_numbers<[1], [0], [0], [1], [0, 0, 1, 1], [], []>, transpose_lhs_hint = false} : vector<16x256xbf16>, vector<256x256xbf16>, vector<16x256xf32> -> vector<16x256xf32>
    %convert_element_type3A_251 = arith.extf %slice3A_248 : vector<16x256xbf16> to vector<16x256xf32>
    %sub3A_252 = arith.subf %dot_general3A_250, %convert_element_type3A_251 : vector<16x256xf32>
    %add3A_253 = vector.broadcast %add3A_247 : vector<16x1xf32> to vector<16x256xf32>
    %add3A_254 = arith.addf %sub3A_252, %add3A_253 : vector<16x256xf32>
    %slice3A_255 = vector.extract_strided_slice %dot_general3A_250 {offsets = [0, 255], sizes = [16, 1], strides = [1, 1]} : vector<16x256xf32> to vector<16x1xf32>
    %add3A_256 = arith.addf %add3A_247, %slice3A_255 : vector<16x1xf32>
    %slice3A_257 = vector.extract_strided_slice %convert_element_type3A_10 {offsets = [0, 6912], sizes = [16, 256], strides = [1, 1]} : vector<16x16384xbf16> to vector<16x256xbf16>
    %dot_general3A_258 = arith.constant dense<0.000000e+00> : vector<16x256xf32>
    %dot_general3A_259 = tpu.matmul %slice3A_257, %convert_element_type3A_15, %dot_general3A_258 {dimension_numbers = #tpu.dot_dimension_numbers<[1], [0], [0], [1], [0, 0, 1, 1], [], []>, transpose_lhs_hint = false} : vector<16x256xbf16>, vector<256x256xbf16>, vector<16x256xf32> -> vector<16x256xf32>
    %convert_element_type3A_260 = arith.extf %slice3A_257 : vector<16x256xbf16> to vector<16x256xf32>
    %sub3A_261 = arith.subf %dot_general3A_259, %convert_element_type3A_260 : vector<16x256xf32>
    %add3A_262 = vector.broadcast %add3A_256 : vector<16x1xf32> to vector<16x256xf32>
    %add3A_263 = arith.addf %sub3A_261, %add3A_262 : vector<16x256xf32>
    %slice3A_264 = vector.extract_strided_slice %dot_general3A_259 {offsets = [0, 255], sizes = [16, 1], strides = [1, 1]} : vector<16x256xf32> to vector<16x1xf32>
    %add3A_265 = arith.addf %add3A_256, %slice3A_264 : vector<16x1xf32>
    %slice3A_266 = vector.extract_strided_slice %convert_element_type3A_10 {offsets = [0, 7168], sizes = [16, 256], strides = [1, 1]} : vector<16x16384xbf16> to vector<16x256xbf16>
    %dot_general3A_267 = arith.constant dense<0.000000e+00> : vector<16x256xf32>
    %dot_general3A_268 = tpu.matmul %slice3A_266, %convert_element_type3A_15, %dot_general3A_267 {dimension_numbers = #tpu.dot_dimension_numbers<[1], [0], [0], [1], [0, 0, 1, 1], [], []>, transpose_lhs_hint = false} : vector<16x256xbf16>, vector<256x256xbf16>, vector<16x256xf32> -> vector<16x256xf32>
    %convert_element_type3A_269 = arith.extf %slice3A_266 : vector<16x256xbf16> to vector<16x256xf32>
    %sub3A_270 = arith.subf %dot_general3A_268, %convert_element_type3A_269 : vector<16x256xf32>
    %add3A_271 = vector.broadcast %add3A_265 : vector<16x1xf32> to vector<16x256xf32>
    %add3A_272 = arith.addf %sub3A_270, %add3A_271 : vector<16x256xf32>
    %slice3A_273 = vector.extract_strided_slice %dot_general3A_268 {offsets = [0, 255], sizes = [16, 1], strides = [1, 1]} : vector<16x256xf32> to vector<16x1xf32>
    %add3A_274 = arith.addf %add3A_265, %slice3A_273 : vector<16x1xf32>
    %slice3A_275 = vector.extract_strided_slice %convert_element_type3A_10 {offsets = [0, 7424], sizes = [16, 256], strides = [1, 1]} : vector<16x16384xbf16> to vector<16x256xbf16>
    %dot_general3A_276 = arith.constant dense<0.000000e+00> : vector<16x256xf32>
    %dot_general3A_277 = tpu.matmul %slice3A_275, %convert_element_type3A_15, %dot_general3A_276 {dimension_numbers = #tpu.dot_dimension_numbers<[1], [0], [0], [1], [0, 0, 1, 1], [], []>, transpose_lhs_hint = false} : vector<16x256xbf16>, vector<256x256xbf16>, vector<16x256xf32> -> vector<16x256xf32>
    %convert_element_type3A_278 = arith.extf %slice3A_275 : vector<16x256xbf16> to vector<16x256xf32>
    %sub3A_279 = arith.subf %dot_general3A_277, %convert_element_type3A_278 : vector<16x256xf32>
    %add3A_280 = vector.broadcast %add3A_274 : vector<16x1xf32> to vector<16x256xf32>
    %add3A_281 = arith.addf %sub3A_279, %add3A_280 : vector<16x256xf32>
    %slice3A_282 = vector.extract_strided_slice %dot_general3A_277 {offsets = [0, 255], sizes = [16, 1], strides = [1, 1]} : vector<16x256xf32> to vector<16x1xf32>
    %add3A_283 = arith.addf %add3A_274, %slice3A_282 : vector<16x1xf32>
    %slice3A_284 = vector.extract_strided_slice %convert_element_type3A_10 {offsets = [0, 7680], sizes = [16, 256], strides = [1, 1]} : vector<16x16384xbf16> to vector<16x256xbf16>
    %dot_general3A_285 = arith.constant dense<0.000000e+00> : vector<16x256xf32>
    %dot_general3A_286 = tpu.matmul %slice3A_284, %convert_element_type3A_15, %dot_general3A_285 {dimension_numbers = #tpu.dot_dimension_numbers<[1], [0], [0], [1], [0, 0, 1, 1], [], []>, transpose_lhs_hint = false} : vector<16x256xbf16>, vector<256x256xbf16>, vector<16x256xf32> -> vector<16x256xf32>
    %convert_element_type3A_287 = arith.extf %slice3A_284 : vector<16x256xbf16> to vector<16x256xf32>
    %sub3A_288 = arith.subf %dot_general3A_286, %convert_element_type3A_287 : vector<16x256xf32>
    %add3A_289 = vector.broadcast %add3A_283 : vector<16x1xf32> to vector<16x256xf32>
    %add3A_290 = arith.addf %sub3A_288, %add3A_289 : vector<16x256xf32>
    %slice3A_291 = vector.extract_strided_slice %dot_general3A_286 {offsets = [0, 255], sizes = [16, 1], strides = [1, 1]} : vector<16x256xf32> to vector<16x1xf32>
    %add3A_292 = arith.addf %add3A_283, %slice3A_291 : vector<16x1xf32>
    %slice3A_293 = vector.extract_strided_slice %convert_element_type3A_10 {offsets = [0, 7936], sizes = [16, 256], strides = [1, 1]} : vector<16x16384xbf16> to vector<16x256xbf16>
    %dot_general3A_294 = arith.constant dense<0.000000e+00> : vector<16x256xf32>
    %dot_general3A_295 = tpu.matmul %slice3A_293, %convert_element_type3A_15, %dot_general3A_294 {dimension_numbers = #tpu.dot_dimension_numbers<[1], [0], [0], [1], [0, 0, 1, 1], [], []>, transpose_lhs_hint = false} : vector<16x256xbf16>, vector<256x256xbf16>, vector<16x256xf32> -> vector<16x256xf32>
    %convert_element_type3A_296 = arith.extf %slice3A_293 : vector<16x256xbf16> to vector<16x256xf32>
    %sub3A_297 = arith.subf %dot_general3A_295, %convert_element_type3A_296 : vector<16x256xf32>
    %add3A_298 = vector.broadcast %add3A_292 : vector<16x1xf32> to vector<16x256xf32>
    %add3A_299 = arith.addf %sub3A_297, %add3A_298 : vector<16x256xf32>
    %slice3A_300 = vector.extract_strided_slice %dot_general3A_295 {offsets = [0, 255], sizes = [16, 1], strides = [1, 1]} : vector<16x256xf32> to vector<16x1xf32>
    %add3A_301 = arith.addf %add3A_292, %slice3A_300 : vector<16x1xf32>
    %slice3A_302 = vector.extract_strided_slice %convert_element_type3A_10 {offsets = [0, 8192], sizes = [16, 256], strides = [1, 1]} : vector<16x16384xbf16> to vector<16x256xbf16>
    %dot_general3A_303 = arith.constant dense<0.000000e+00> : vector<16x256xf32>
    %dot_general3A_304 = tpu.matmul %slice3A_302, %convert_element_type3A_15, %dot_general3A_303 {dimension_numbers = #tpu.dot_dimension_numbers<[1], [0], [0], [1], [0, 0, 1, 1], [], []>, transpose_lhs_hint = false} : vector<16x256xbf16>, vector<256x256xbf16>, vector<16x256xf32> -> vector<16x256xf32>
    %convert_element_type3A_305 = arith.extf %slice3A_302 : vector<16x256xbf16> to vector<16x256xf32>
    %sub3A_306 = arith.subf %dot_general3A_304, %convert_element_type3A_305 : vector<16x256xf32>
    %add3A_307 = vector.broadcast %add3A_301 : vector<16x1xf32> to vector<16x256xf32>
    %add3A_308 = arith.addf %sub3A_306, %add3A_307 : vector<16x256xf32>
    %slice3A_309 = vector.extract_strided_slice %dot_general3A_304 {offsets = [0, 255], sizes = [16, 1], strides = [1, 1]} : vector<16x256xf32> to vector<16x1xf32>
    %add3A_310 = arith.addf %add3A_301, %slice3A_309 : vector<16x1xf32>
    %slice3A_311 = vector.extract_strided_slice %convert_element_type3A_10 {offsets = [0, 8448], sizes = [16, 256], strides = [1, 1]} : vector<16x16384xbf16> to vector<16x256xbf16>
    %dot_general3A_312 = arith.constant dense<0.000000e+00> : vector<16x256xf32>
    %dot_general3A_313 = tpu.matmul %slice3A_311, %convert_element_type3A_15, %dot_general3A_312 {dimension_numbers = #tpu.dot_dimension_numbers<[1], [0], [0], [1], [0, 0, 1, 1], [], []>, transpose_lhs_hint = false} : vector<16x256xbf16>, vector<256x256xbf16>, vector<16x256xf32> -> vector<16x256xf32>
    %convert_element_type3A_314 = arith.extf %slice3A_311 : vector<16x256xbf16> to vector<16x256xf32>
    %sub3A_315 = arith.subf %dot_general3A_313, %convert_element_type3A_314 : vector<16x256xf32>
    %add3A_316 = vector.broadcast %add3A_310 : vector<16x1xf32> to vector<16x256xf32>
    %add3A_317 = arith.addf %sub3A_315, %add3A_316 : vector<16x256xf32>
    %slice3A_318 = vector.extract_strided_slice %dot_general3A_313 {offsets = [0, 255], sizes = [16, 1], strides = [1, 1]} : vector<16x256xf32> to vector<16x1xf32>
    %add3A_319 = arith.addf %add3A_310, %slice3A_318 : vector<16x1xf32>
    %slice3A_320 = vector.extract_strided_slice %convert_element_type3A_10 {offsets = [0, 8704], sizes = [16, 256], strides = [1, 1]} : vector<16x16384xbf16> to vector<16x256xbf16>
    %dot_general3A_321 = arith.constant dense<0.000000e+00> : vector<16x256xf32>
    %dot_general3A_322 = tpu.matmul %slice3A_320, %convert_element_type3A_15, %dot_general3A_321 {dimension_numbers = #tpu.dot_dimension_numbers<[1], [0], [0], [1], [0, 0, 1, 1], [], []>, transpose_lhs_hint = false} : vector<16x256xbf16>, vector<256x256xbf16>, vector<16x256xf32> -> vector<16x256xf32>
    %convert_element_type3A_323 = arith.extf %slice3A_320 : vector<16x256xbf16> to vector<16x256xf32>
    %sub3A_324 = arith.subf %dot_general3A_322, %convert_element_type3A_323 : vector<16x256xf32>
    %add3A_325 = vector.broadcast %add3A_319 : vector<16x1xf32> to vector<16x256xf32>
    %add3A_326 = arith.addf %sub3A_324, %add3A_325 : vector<16x256xf32>
    %slice3A_327 = vector.extract_strided_slice %dot_general3A_322 {offsets = [0, 255], sizes = [16, 1], strides = [1, 1]} : vector<16x256xf32> to vector<16x1xf32>
    %add3A_328 = arith.addf %add3A_319, %slice3A_327 : vector<16x1xf32>
    %slice3A_329 = vector.extract_strided_slice %convert_element_type3A_10 {offsets = [0, 8960], sizes = [16, 256], strides = [1, 1]} : vector<16x16384xbf16> to vector<16x256xbf16>
    %dot_general3A_330 = arith.constant dense<0.000000e+00> : vector<16x256xf32>
    %dot_general3A_331 = tpu.matmul %slice3A_329, %convert_element_type3A_15, %dot_general3A_330 {dimension_numbers = #tpu.dot_dimension_numbers<[1], [0], [0], [1], [0, 0, 1, 1], [], []>, transpose_lhs_hint = false} : vector<16x256xbf16>, vector<256x256xbf16>, vector<16x256xf32> -> vector<16x256xf32>
    %convert_element_type3A_332 = arith.extf %slice3A_329 : vector<16x256xbf16> to vector<16x256xf32>
    %sub3A_333 = arith.subf %dot_general3A_331, %convert_element_type3A_332 : vector<16x256xf32>
    %add3A_334 = vector.broadcast %add3A_328 : vector<16x1xf32> to vector<16x256xf32>
    %add3A_335 = arith.addf %sub3A_333, %add3A_334 : vector<16x256xf32>
    %slice3A_336 = vector.extract_strided_slice %dot_general3A_331 {offsets = [0, 255], sizes = [16, 1], strides = [1, 1]} : vector<16x256xf32> to vector<16x1xf32>
    %add3A_337 = arith.addf %add3A_328, %slice3A_336 : vector<16x1xf32>
    %slice3A_338 = vector.extract_strided_slice %convert_element_type3A_10 {offsets = [0, 9216], sizes = [16, 256], strides = [1, 1]} : vector<16x16384xbf16> to vector<16x256xbf16>
    %dot_general3A_339 = arith.constant dense<0.000000e+00> : vector<16x256xf32>
    %dot_general3A_340 = tpu.matmul %slice3A_338, %convert_element_type3A_15, %dot_general3A_339 {dimension_numbers = #tpu.dot_dimension_numbers<[1], [0], [0], [1], [0, 0, 1, 1], [], []>, transpose_lhs_hint = false} : vector<16x256xbf16>, vector<256x256xbf16>, vector<16x256xf32> -> vector<16x256xf32>
    %convert_element_type3A_341 = arith.extf %slice3A_338 : vector<16x256xbf16> to vector<16x256xf32>
    %sub3A_342 = arith.subf %dot_general3A_340, %convert_element_type3A_341 : vector<16x256xf32>
    %add3A_343 = vector.broadcast %add3A_337 : vector<16x1xf32> to vector<16x256xf32>
    %add3A_344 = arith.addf %sub3A_342, %add3A_343 : vector<16x256xf32>
    %slice3A_345 = vector.extract_strided_slice %dot_general3A_340 {offsets = [0, 255], sizes = [16, 1], strides = [1, 1]} : vector<16x256xf32> to vector<16x1xf32>
    %add3A_346 = arith.addf %add3A_337, %slice3A_345 : vector<16x1xf32>
    %slice3A_347 = vector.extract_strided_slice %convert_element_type3A_10 {offsets = [0, 9472], sizes = [16, 256], strides = [1, 1]} : vector<16x16384xbf16> to vector<16x256xbf16>
    %dot_general3A_348 = arith.constant dense<0.000000e+00> : vector<16x256xf32>
    %dot_general3A_349 = tpu.matmul %slice3A_347, %convert_element_type3A_15, %dot_general3A_348 {dimension_numbers = #tpu.dot_dimension_numbers<[1], [0], [0], [1], [0, 0, 1, 1], [], []>, transpose_lhs_hint = false} : vector<16x256xbf16>, vector<256x256xbf16>, vector<16x256xf32> -> vector<16x256xf32>
    %convert_element_type3A_350 = arith.extf %slice3A_347 : vector<16x256xbf16> to vector<16x256xf32>
    %sub3A_351 = arith.subf %dot_general3A_349, %convert_element_type3A_350 : vector<16x256xf32>
    %add3A_352 = vector.broadcast %add3A_346 : vector<16x1xf32> to vector<16x256xf32>
    %add3A_353 = arith.addf %sub3A_351, %add3A_352 : vector<16x256xf32>
    %slice3A_354 = vector.extract_strided_slice %dot_general3A_349 {offsets = [0, 255], sizes = [16, 1], strides = [1, 1]} : vector<16x256xf32> to vector<16x1xf32>
    %add3A_355 = arith.addf %add3A_346, %slice3A_354 : vector<16x1xf32>
    %slice3A_356 = vector.extract_strided_slice %convert_element_type3A_10 {offsets = [0, 9728], sizes = [16, 256], strides = [1, 1]} : vector<16x16384xbf16> to vector<16x256xbf16>
    %dot_general3A_357 = arith.constant dense<0.000000e+00> : vector<16x256xf32>
    %dot_general3A_358 = tpu.matmul %slice3A_356, %convert_element_type3A_15, %dot_general3A_357 {dimension_numbers = #tpu.dot_dimension_numbers<[1], [0], [0], [1], [0, 0, 1, 1], [], []>, transpose_lhs_hint = false} : vector<16x256xbf16>, vector<256x256xbf16>, vector<16x256xf32> -> vector<16x256xf32>
    %convert_element_type3A_359 = arith.extf %slice3A_356 : vector<16x256xbf16> to vector<16x256xf32>
    %sub3A_360 = arith.subf %dot_general3A_358, %convert_element_type3A_359 : vector<16x256xf32>
    %add3A_361 = vector.broadcast %add3A_355 : vector<16x1xf32> to vector<16x256xf32>
    %add3A_362 = arith.addf %sub3A_360, %add3A_361 : vector<16x256xf32>
    %slice3A_363 = vector.extract_strided_slice %dot_general3A_358 {offsets = [0, 255], sizes = [16, 1], strides = [1, 1]} : vector<16x256xf32> to vector<16x1xf32>
    %add3A_364 = arith.addf %add3A_355, %slice3A_363 : vector<16x1xf32>
    %slice3A_365 = vector.extract_strided_slice %convert_element_type3A_10 {offsets = [0, 9984], sizes = [16, 256], strides = [1, 1]} : vector<16x16384xbf16> to vector<16x256xbf16>
    %dot_general3A_366 = arith.constant dense<0.000000e+00> : vector<16x256xf32>
    %dot_general3A_367 = tpu.matmul %slice3A_365, %convert_element_type3A_15, %dot_general3A_366 {dimension_numbers = #tpu.dot_dimension_numbers<[1], [0], [0], [1], [0, 0, 1, 1], [], []>, transpose_lhs_hint = false} : vector<16x256xbf16>, vector<256x256xbf16>, vector<16x256xf32> -> vector<16x256xf32>
    %convert_element_type3A_368 = arith.extf %slice3A_365 : vector<16x256xbf16> to vector<16x256xf32>
    %sub3A_369 = arith.subf %dot_general3A_367, %convert_element_type3A_368 : vector<16x256xf32>
    %add3A_370 = vector.broadcast %add3A_364 : vector<16x1xf32> to vector<16x256xf32>
    %add3A_371 = arith.addf %sub3A_369, %add3A_370 : vector<16x256xf32>
    %slice3A_372 = vector.extract_strided_slice %dot_general3A_367 {offsets = [0, 255], sizes = [16, 1], strides = [1, 1]} : vector<16x256xf32> to vector<16x1xf32>
    %add3A_373 = arith.addf %add3A_364, %slice3A_372 : vector<16x1xf32>
    %slice3A_374 = vector.extract_strided_slice %convert_element_type3A_10 {offsets = [0, 10240], sizes = [16, 256], strides = [1, 1]} : vector<16x16384xbf16> to vector<16x256xbf16>
    %dot_general3A_375 = arith.constant dense<0.000000e+00> : vector<16x256xf32>
    %dot_general3A_376 = tpu.matmul %slice3A_374, %convert_element_type3A_15, %dot_general3A_375 {dimension_numbers = #tpu.dot_dimension_numbers<[1], [0], [0], [1], [0, 0, 1, 1], [], []>, transpose_lhs_hint = false} : vector<16x256xbf16>, vector<256x256xbf16>, vector<16x256xf32> -> vector<16x256xf32>
    %convert_element_type3A_377 = arith.extf %slice3A_374 : vector<16x256xbf16> to vector<16x256xf32>
    %sub3A_378 = arith.subf %dot_general3A_376, %convert_element_type3A_377 : vector<16x256xf32>
    %add3A_379 = vector.broadcast %add3A_373 : vector<16x1xf32> to vector<16x256xf32>
    %add3A_380 = arith.addf %sub3A_378, %add3A_379 : vector<16x256xf32>
    %slice3A_381 = vector.extract_strided_slice %dot_general3A_376 {offsets = [0, 255], sizes = [16, 1], strides = [1, 1]} : vector<16x256xf32> to vector<16x1xf32>
    %add3A_382 = arith.addf %add3A_373, %slice3A_381 : vector<16x1xf32>
    %slice3A_383 = vector.extract_strided_slice %convert_element_type3A_10 {offsets = [0, 10496], sizes = [16, 256], strides = [1, 1]} : vector<16x16384xbf16> to vector<16x256xbf16>
    %dot_general3A_384 = arith.constant dense<0.000000e+00> : vector<16x256xf32>
    %dot_general3A_385 = tpu.matmul %slice3A_383, %convert_element_type3A_15, %dot_general3A_384 {dimension_numbers = #tpu.dot_dimension_numbers<[1], [0], [0], [1], [0, 0, 1, 1], [], []>, transpose_lhs_hint = false} : vector<16x256xbf16>, vector<256x256xbf16>, vector<16x256xf32> -> vector<16x256xf32>
    %convert_element_type3A_386 = arith.extf %slice3A_383 : vector<16x256xbf16> to vector<16x256xf32>
    %sub3A_387 = arith.subf %dot_general3A_385, %convert_element_type3A_386 : vector<16x256xf32>
    %add3A_388 = vector.broadcast %add3A_382 : vector<16x1xf32> to vector<16x256xf32>
    %add3A_389 = arith.addf %sub3A_387, %add3A_388 : vector<16x256xf32>
    %slice3A_390 = vector.extract_strided_slice %dot_general3A_385 {offsets = [0, 255], sizes = [16, 1], strides = [1, 1]} : vector<16x256xf32> to vector<16x1xf32>
    %add3A_391 = arith.addf %add3A_382, %slice3A_390 : vector<16x1xf32>
    %slice3A_392 = vector.extract_strided_slice %convert_element_type3A_10 {offsets = [0, 10752], sizes = [16, 256], strides = [1, 1]} : vector<16x16384xbf16> to vector<16x256xbf16>
    %dot_general3A_393 = arith.constant dense<0.000000e+00> : vector<16x256xf32>
    %dot_general3A_394 = tpu.matmul %slice3A_392, %convert_element_type3A_15, %dot_general3A_393 {dimension_numbers = #tpu.dot_dimension_numbers<[1], [0], [0], [1], [0, 0, 1, 1], [], []>, transpose_lhs_hint = false} : vector<16x256xbf16>, vector<256x256xbf16>, vector<16x256xf32> -> vector<16x256xf32>
    %convert_element_type3A_395 = arith.extf %slice3A_392 : vector<16x256xbf16> to vector<16x256xf32>
    %sub3A_396 = arith.subf %dot_general3A_394, %convert_element_type3A_395 : vector<16x256xf32>
    %add3A_397 = vector.broadcast %add3A_391 : vector<16x1xf32> to vector<16x256xf32>
    %add3A_398 = arith.addf %sub3A_396, %add3A_397 : vector<16x256xf32>
    %slice3A_399 = vector.extract_strided_slice %dot_general3A_394 {offsets = [0, 255], sizes = [16, 1], strides = [1, 1]} : vector<16x256xf32> to vector<16x1xf32>
    %add3A_400 = arith.addf %add3A_391, %slice3A_399 : vector<16x1xf32>
    %slice3A_401 = vector.extract_strided_slice %convert_element_type3A_10 {offsets = [0, 11008], sizes = [16, 256], strides = [1, 1]} : vector<16x16384xbf16> to vector<16x256xbf16>
    %dot_general3A_402 = arith.constant dense<0.000000e+00> : vector<16x256xf32>
    %dot_general3A_403 = tpu.matmul %slice3A_401, %convert_element_type3A_15, %dot_general3A_402 {dimension_numbers = #tpu.dot_dimension_numbers<[1], [0], [0], [1], [0, 0, 1, 1], [], []>, transpose_lhs_hint = false} : vector<16x256xbf16>, vector<256x256xbf16>, vector<16x256xf32> -> vector<16x256xf32>
    %convert_element_type3A_404 = arith.extf %slice3A_401 : vector<16x256xbf16> to vector<16x256xf32>
    %sub3A_405 = arith.subf %dot_general3A_403, %convert_element_type3A_404 : vector<16x256xf32>
    %add3A_406 = vector.broadcast %add3A_400 : vector<16x1xf32> to vector<16x256xf32>
    %add3A_407 = arith.addf %sub3A_405, %add3A_406 : vector<16x256xf32>
    %slice3A_408 = vector.extract_strided_slice %dot_general3A_403 {offsets = [0, 255], sizes = [16, 1], strides = [1, 1]} : vector<16x256xf32> to vector<16x1xf32>
    %add3A_409 = arith.addf %add3A_400, %slice3A_408 : vector<16x1xf32>
    %slice3A_410 = vector.extract_strided_slice %convert_element_type3A_10 {offsets = [0, 11264], sizes = [16, 256], strides = [1, 1]} : vector<16x16384xbf16> to vector<16x256xbf16>
    %dot_general3A_411 = arith.constant dense<0.000000e+00> : vector<16x256xf32>
    %dot_general3A_412 = tpu.matmul %slice3A_410, %convert_element_type3A_15, %dot_general3A_411 {dimension_numbers = #tpu.dot_dimension_numbers<[1], [0], [0], [1], [0, 0, 1, 1], [], []>, transpose_lhs_hint = false} : vector<16x256xbf16>, vector<256x256xbf16>, vector<16x256xf32> -> vector<16x256xf32>
    %convert_element_type3A_413 = arith.extf %slice3A_410 : vector<16x256xbf16> to vector<16x256xf32>
    %sub3A_414 = arith.subf %dot_general3A_412, %convert_element_type3A_413 : vector<16x256xf32>
    %add3A_415 = vector.broadcast %add3A_409 : vector<16x1xf32> to vector<16x256xf32>
    %add3A_416 = arith.addf %sub3A_414, %add3A_415 : vector<16x256xf32>
    %slice3A_417 = vector.extract_strided_slice %dot_general3A_412 {offsets = [0, 255], sizes = [16, 1], strides = [1, 1]} : vector<16x256xf32> to vector<16x1xf32>
    %add3A_418 = arith.addf %add3A_409, %slice3A_417 : vector<16x1xf32>
    %slice3A_419 = vector.extract_strided_slice %convert_element_type3A_10 {offsets = [0, 11520], sizes = [16, 256], strides = [1, 1]} : vector<16x16384xbf16> to vector<16x256xbf16>
    %dot_general3A_420 = arith.constant dense<0.000000e+00> : vector<16x256xf32>
    %dot_general3A_421 = tpu.matmul %slice3A_419, %convert_element_type3A_15, %dot_general3A_420 {dimension_numbers = #tpu.dot_dimension_numbers<[1], [0], [0], [1], [0, 0, 1, 1], [], []>, transpose_lhs_hint = false} : vector<16x256xbf16>, vector<256x256xbf16>, vector<16x256xf32> -> vector<16x256xf32>
    %convert_element_type3A_422 = arith.extf %slice3A_419 : vector<16x256xbf16> to vector<16x256xf32>
    %sub3A_423 = arith.subf %dot_general3A_421, %convert_element_type3A_422 : vector<16x256xf32>
    %add3A_424 = vector.broadcast %add3A_418 : vector<16x1xf32> to vector<16x256xf32>
    %add3A_425 = arith.addf %sub3A_423, %add3A_424 : vector<16x256xf32>
    %slice3A_426 = vector.extract_strided_slice %dot_general3A_421 {offsets = [0, 255], sizes = [16, 1], strides = [1, 1]} : vector<16x256xf32> to vector<16x1xf32>
    %add3A_427 = arith.addf %add3A_418, %slice3A_426 : vector<16x1xf32>
    %slice3A_428 = vector.extract_strided_slice %convert_element_type3A_10 {offsets = [0, 11776], sizes = [16, 256], strides = [1, 1]} : vector<16x16384xbf16> to vector<16x256xbf16>
    %dot_general3A_429 = arith.constant dense<0.000000e+00> : vector<16x256xf32>
    %dot_general3A_430 = tpu.matmul %slice3A_428, %convert_element_type3A_15, %dot_general3A_429 {dimension_numbers = #tpu.dot_dimension_numbers<[1], [0], [0], [1], [0, 0, 1, 1], [], []>, transpose_lhs_hint = false} : vector<16x256xbf16>, vector<256x256xbf16>, vector<16x256xf32> -> vector<16x256xf32>
    %convert_element_type3A_431 = arith.extf %slice3A_428 : vector<16x256xbf16> to vector<16x256xf32>
    %sub3A_432 = arith.subf %dot_general3A_430, %convert_element_type3A_431 : vector<16x256xf32>
    %add3A_433 = vector.broadcast %add3A_427 : vector<16x1xf32> to vector<16x256xf32>
    %add3A_434 = arith.addf %sub3A_432, %add3A_433 : vector<16x256xf32>
    %slice3A_435 = vector.extract_strided_slice %dot_general3A_430 {offsets = [0, 255], sizes = [16, 1], strides = [1, 1]} : vector<16x256xf32> to vector<16x1xf32>
    %add3A_436 = arith.addf %add3A_427, %slice3A_435 : vector<16x1xf32>
    %slice3A_437 = vector.extract_strided_slice %convert_element_type3A_10 {offsets = [0, 12032], sizes = [16, 256], strides = [1, 1]} : vector<16x16384xbf16> to vector<16x256xbf16>
    %dot_general3A_438 = arith.constant dense<0.000000e+00> : vector<16x256xf32>
    %dot_general3A_439 = tpu.matmul %slice3A_437, %convert_element_type3A_15, %dot_general3A_438 {dimension_numbers = #tpu.dot_dimension_numbers<[1], [0], [0], [1], [0, 0, 1, 1], [], []>, transpose_lhs_hint = false} : vector<16x256xbf16>, vector<256x256xbf16>, vector<16x256xf32> -> vector<16x256xf32>
    %convert_element_type3A_440 = arith.extf %slice3A_437 : vector<16x256xbf16> to vector<16x256xf32>
    %sub3A_441 = arith.subf %dot_general3A_439, %convert_element_type3A_440 : vector<16x256xf32>
    %add3A_442 = vector.broadcast %add3A_436 : vector<16x1xf32> to vector<16x256xf32>
    %add3A_443 = arith.addf %sub3A_441, %add3A_442 : vector<16x256xf32>
    %slice3A_444 = vector.extract_strided_slice %dot_general3A_439 {offsets = [0, 255], sizes = [16, 1], strides = [1, 1]} : vector<16x256xf32> to vector<16x1xf32>
    %add3A_445 = arith.addf %add3A_436, %slice3A_444 : vector<16x1xf32>
    %slice3A_446 = vector.extract_strided_slice %convert_element_type3A_10 {offsets = [0, 12288], sizes = [16, 256], strides = [1, 1]} : vector<16x16384xbf16> to vector<16x256xbf16>
    %dot_general3A_447 = arith.constant dense<0.000000e+00> : vector<16x256xf32>
    %dot_general3A_448 = tpu.matmul %slice3A_446, %convert_element_type3A_15, %dot_general3A_447 {dimension_numbers = #tpu.dot_dimension_numbers<[1], [0], [0], [1], [0, 0, 1, 1], [], []>, transpose_lhs_hint = false} : vector<16x256xbf16>, vector<256x256xbf16>, vector<16x256xf32> -> vector<16x256xf32>
    %convert_element_type3A_449 = arith.extf %slice3A_446 : vector<16x256xbf16> to vector<16x256xf32>
    %sub3A_450 = arith.subf %dot_general3A_448, %convert_element_type3A_449 : vector<16x256xf32>
    %add3A_451 = vector.broadcast %add3A_445 : vector<16x1xf32> to vector<16x256xf32>
    %add3A_452 = arith.addf %sub3A_450, %add3A_451 : vector<16x256xf32>
    %slice3A_453 = vector.extract_strided_slice %dot_general3A_448 {offsets = [0, 255], sizes = [16, 1], strides = [1, 1]} : vector<16x256xf32> to vector<16x1xf32>
    %add3A_454 = arith.addf %add3A_445, %slice3A_453 : vector<16x1xf32>
    %slice3A_455 = vector.extract_strided_slice %convert_element_type3A_10 {offsets = [0, 12544], sizes = [16, 256], strides = [1, 1]} : vector<16x16384xbf16> to vector<16x256xbf16>
    %dot_general3A_456 = arith.constant dense<0.000000e+00> : vector<16x256xf32>
    %dot_general3A_457 = tpu.matmul %slice3A_455, %convert_element_type3A_15, %dot_general3A_456 {dimension_numbers = #tpu.dot_dimension_numbers<[1], [0], [0], [1], [0, 0, 1, 1], [], []>, transpose_lhs_hint = false} : vector<16x256xbf16>, vector<256x256xbf16>, vector<16x256xf32> -> vector<16x256xf32>
    %convert_element_type3A_458 = arith.extf %slice3A_455 : vector<16x256xbf16> to vector<16x256xf32>
    %sub3A_459 = arith.subf %dot_general3A_457, %convert_element_type3A_458 : vector<16x256xf32>
    %add3A_460 = vector.broadcast %add3A_454 : vector<16x1xf32> to vector<16x256xf32>
    %add3A_461 = arith.addf %sub3A_459, %add3A_460 : vector<16x256xf32>
    %slice3A_462 = vector.extract_strided_slice %dot_general3A_457 {offsets = [0, 255], sizes = [16, 1], strides = [1, 1]} : vector<16x256xf32> to vector<16x1xf32>
    %add3A_463 = arith.addf %add3A_454, %slice3A_462 : vector<16x1xf32>
    %slice3A_464 = vector.extract_strided_slice %convert_element_type3A_10 {offsets = [0, 12800], sizes = [16, 256], strides = [1, 1]} : vector<16x16384xbf16> to vector<16x256xbf16>
    %dot_general3A_465 = arith.constant dense<0.000000e+00> : vector<16x256xf32>
    %dot_general3A_466 = tpu.matmul %slice3A_464, %convert_element_type3A_15, %dot_general3A_465 {dimension_numbers = #tpu.dot_dimension_numbers<[1], [0], [0], [1], [0, 0, 1, 1], [], []>, transpose_lhs_hint = false} : vector<16x256xbf16>, vector<256x256xbf16>, vector<16x256xf32> -> vector<16x256xf32>
    %convert_element_type3A_467 = arith.extf %slice3A_464 : vector<16x256xbf16> to vector<16x256xf32>
    %sub3A_468 = arith.subf %dot_general3A_466, %convert_element_type3A_467 : vector<16x256xf32>
    %add3A_469 = vector.broadcast %add3A_463 : vector<16x1xf32> to vector<16x256xf32>
    %add3A_470 = arith.addf %sub3A_468, %add3A_469 : vector<16x256xf32>
    %slice3A_471 = vector.extract_strided_slice %dot_general3A_466 {offsets = [0, 255], sizes = [16, 1], strides = [1, 1]} : vector<16x256xf32> to vector<16x1xf32>
    %add3A_472 = arith.addf %add3A_463, %slice3A_471 : vector<16x1xf32>
    %slice3A_473 = vector.extract_strided_slice %convert_element_type3A_10 {offsets = [0, 13056], sizes = [16, 256], strides = [1, 1]} : vector<16x16384xbf16> to vector<16x256xbf16>
    %dot_general3A_474 = arith.constant dense<0.000000e+00> : vector<16x256xf32>
    %dot_general3A_475 = tpu.matmul %slice3A_473, %convert_element_type3A_15, %dot_general3A_474 {dimension_numbers = #tpu.dot_dimension_numbers<[1], [0], [0], [1], [0, 0, 1, 1], [], []>, transpose_lhs_hint = false} : vector<16x256xbf16>, vector<256x256xbf16>, vector<16x256xf32> -> vector<16x256xf32>
    %convert_element_type3A_476 = arith.extf %slice3A_473 : vector<16x256xbf16> to vector<16x256xf32>
    %sub3A_477 = arith.subf %dot_general3A_475, %convert_element_type3A_476 : vector<16x256xf32>
    %add3A_478 = vector.broadcast %add3A_472 : vector<16x1xf32> to vector<16x256xf32>
    %add3A_479 = arith.addf %sub3A_477, %add3A_478 : vector<16x256xf32>
    %slice3A_480 = vector.extract_strided_slice %dot_general3A_475 {offsets = [0, 255], sizes = [16, 1], strides = [1, 1]} : vector<16x256xf32> to vector<16x1xf32>
    %add3A_481 = arith.addf %add3A_472, %slice3A_480 : vector<16x1xf32>
    %slice3A_482 = vector.extract_strided_slice %convert_element_type3A_10 {offsets = [0, 13312], sizes = [16, 256], strides = [1, 1]} : vector<16x16384xbf16> to vector<16x256xbf16>
    %dot_general3A_483 = arith.constant dense<0.000000e+00> : vector<16x256xf32>
    %dot_general3A_484 = tpu.matmul %slice3A_482, %convert_element_type3A_15, %dot_general3A_483 {dimension_numbers = #tpu.dot_dimension_numbers<[1], [0], [0], [1], [0, 0, 1, 1], [], []>, transpose_lhs_hint = false} : vector<16x256xbf16>, vector<256x256xbf16>, vector<16x256xf32> -> vector<16x256xf32>
    %convert_element_type3A_485 = arith.extf %slice3A_482 : vector<16x256xbf16> to vector<16x256xf32>
    %sub3A_486 = arith.subf %dot_general3A_484, %convert_element_type3A_485 : vector<16x256xf32>
    %add3A_487 = vector.broadcast %add3A_481 : vector<16x1xf32> to vector<16x256xf32>
    %add3A_488 = arith.addf %sub3A_486, %add3A_487 : vector<16x256xf32>
    %slice3A_489 = vector.extract_strided_slice %dot_general3A_484 {offsets = [0, 255], sizes = [16, 1], strides = [1, 1]} : vector<16x256xf32> to vector<16x1xf32>
    %add3A_490 = arith.addf %add3A_481, %slice3A_489 : vector<16x1xf32>
    %slice3A_491 = vector.extract_strided_slice %convert_element_type3A_10 {offsets = [0, 13568], sizes = [16, 256], strides = [1, 1]} : vector<16x16384xbf16> to vector<16x256xbf16>
    %dot_general3A_492 = arith.constant dense<0.000000e+00> : vector<16x256xf32>
    %dot_general3A_493 = tpu.matmul %slice3A_491, %convert_element_type3A_15, %dot_general3A_492 {dimension_numbers = #tpu.dot_dimension_numbers<[1], [0], [0], [1], [0, 0, 1, 1], [], []>, transpose_lhs_hint = false} : vector<16x256xbf16>, vector<256x256xbf16>, vector<16x256xf32> -> vector<16x256xf32>
    %convert_element_type3A_494 = arith.extf %slice3A_491 : vector<16x256xbf16> to vector<16x256xf32>
    %sub3A_495 = arith.subf %dot_general3A_493, %convert_element_type3A_494 : vector<16x256xf32>
    %add3A_496 = vector.broadcast %add3A_490 : vector<16x1xf32> to vector<16x256xf32>
    %add3A_497 = arith.addf %sub3A_495, %add3A_496 : vector<16x256xf32>
    %slice3A_498 = vector.extract_strided_slice %dot_general3A_493 {offsets = [0, 255], sizes = [16, 1], strides = [1, 1]} : vector<16x256xf32> to vector<16x1xf32>
    %add3A_499 = arith.addf %add3A_490, %slice3A_498 : vector<16x1xf32>
    %slice3A_500 = vector.extract_strided_slice %convert_element_type3A_10 {offsets = [0, 13824], sizes = [16, 256], strides = [1, 1]} : vector<16x16384xbf16> to vector<16x256xbf16>
    %dot_general3A_501 = arith.constant dense<0.000000e+00> : vector<16x256xf32>
    %dot_general3A_502 = tpu.matmul %slice3A_500, %convert_element_type3A_15, %dot_general3A_501 {dimension_numbers = #tpu.dot_dimension_numbers<[1], [0], [0], [1], [0, 0, 1, 1], [], []>, transpose_lhs_hint = false} : vector<16x256xbf16>, vector<256x256xbf16>, vector<16x256xf32> -> vector<16x256xf32>
    %convert_element_type3A_503 = arith.extf %slice3A_500 : vector<16x256xbf16> to vector<16x256xf32>
    %sub3A_504 = arith.subf %dot_general3A_502, %convert_element_type3A_503 : vector<16x256xf32>
    %add3A_505 = vector.broadcast %add3A_499 : vector<16x1xf32> to vector<16x256xf32>
    %add3A_506 = arith.addf %sub3A_504, %add3A_505 : vector<16x256xf32>
    %slice3A_507 = vector.extract_strided_slice %dot_general3A_502 {offsets = [0, 255], sizes = [16, 1], strides = [1, 1]} : vector<16x256xf32> to vector<16x1xf32>
    %add3A_508 = arith.addf %add3A_499, %slice3A_507 : vector<16x1xf32>
    %slice3A_509 = vector.extract_strided_slice %convert_element_type3A_10 {offsets = [0, 14080], sizes = [16, 256], strides = [1, 1]} : vector<16x16384xbf16> to vector<16x256xbf16>
    %dot_general3A_510 = arith.constant dense<0.000000e+00> : vector<16x256xf32>
    %dot_general3A_511 = tpu.matmul %slice3A_509, %convert_element_type3A_15, %dot_general3A_510 {dimension_numbers = #tpu.dot_dimension_numbers<[1], [0], [0], [1], [0, 0, 1, 1], [], []>, transpose_lhs_hint = false} : vector<16x256xbf16>, vector<256x256xbf16>, vector<16x256xf32> -> vector<16x256xf32>
    %convert_element_type3A_512 = arith.extf %slice3A_509 : vector<16x256xbf16> to vector<16x256xf32>
    %sub3A_513 = arith.subf %dot_general3A_511, %convert_element_type3A_512 : vector<16x256xf32>
    %add3A_514 = vector.broadcast %add3A_508 : vector<16x1xf32> to vector<16x256xf32>
    %add3A_515 = arith.addf %sub3A_513, %add3A_514 : vector<16x256xf32>
    %slice3A_516 = vector.extract_strided_slice %dot_general3A_511 {offsets = [0, 255], sizes = [16, 1], strides = [1, 1]} : vector<16x256xf32> to vector<16x1xf32>
    %add3A_517 = arith.addf %add3A_508, %slice3A_516 : vector<16x1xf32>
    %slice3A_518 = vector.extract_strided_slice %convert_element_type3A_10 {offsets = [0, 14336], sizes = [16, 256], strides = [1, 1]} : vector<16x16384xbf16> to vector<16x256xbf16>
    %dot_general3A_519 = arith.constant dense<0.000000e+00> : vector<16x256xf32>
    %dot_general3A_520 = tpu.matmul %slice3A_518, %convert_element_type3A_15, %dot_general3A_519 {dimension_numbers = #tpu.dot_dimension_numbers<[1], [0], [0], [1], [0, 0, 1, 1], [], []>, transpose_lhs_hint = false} : vector<16x256xbf16>, vector<256x256xbf16>, vector<16x256xf32> -> vector<16x256xf32>
    %convert_element_type3A_521 = arith.extf %slice3A_518 : vector<16x256xbf16> to vector<16x256xf32>
    %sub3A_522 = arith.subf %dot_general3A_520, %convert_element_type3A_521 : vector<16x256xf32>
    %add3A_523 = vector.broadcast %add3A_517 : vector<16x1xf32> to vector<16x256xf32>
    %add3A_524 = arith.addf %sub3A_522, %add3A_523 : vector<16x256xf32>
    %slice3A_525 = vector.extract_strided_slice %dot_general3A_520 {offsets = [0, 255], sizes = [16, 1], strides = [1, 1]} : vector<16x256xf32> to vector<16x1xf32>
    %add3A_526 = arith.addf %add3A_517, %slice3A_525 : vector<16x1xf32>
    %slice3A_527 = vector.extract_strided_slice %convert_element_type3A_10 {offsets = [0, 14592], sizes = [16, 256], strides = [1, 1]} : vector<16x16384xbf16> to vector<16x256xbf16>
    %dot_general3A_528 = arith.constant dense<0.000000e+00> : vector<16x256xf32>
    %dot_general3A_529 = tpu.matmul %slice3A_527, %convert_element_type3A_15, %dot_general3A_528 {dimension_numbers = #tpu.dot_dimension_numbers<[1], [0], [0], [1], [0, 0, 1, 1], [], []>, transpose_lhs_hint = false} : vector<16x256xbf16>, vector<256x256xbf16>, vector<16x256xf32> -> vector<16x256xf32>
    %convert_element_type3A_530 = arith.extf %slice3A_527 : vector<16x256xbf16> to vector<16x256xf32>
    %sub3A_531 = arith.subf %dot_general3A_529, %convert_element_type3A_530 : vector<16x256xf32>
    %add3A_532 = vector.broadcast %add3A_526 : vector<16x1xf32> to vector<16x256xf32>
    %add3A_533 = arith.addf %sub3A_531, %add3A_532 : vector<16x256xf32>
    %slice3A_534 = vector.extract_strided_slice %dot_general3A_529 {offsets = [0, 255], sizes = [16, 1], strides = [1, 1]} : vector<16x256xf32> to vector<16x1xf32>
    %add3A_535 = arith.addf %add3A_526, %slice3A_534 : vector<16x1xf32>
    %slice3A_536 = vector.extract_strided_slice %convert_element_type3A_10 {offsets = [0, 14848], sizes = [16, 256], strides = [1, 1]} : vector<16x16384xbf16> to vector<16x256xbf16>
    %dot_general3A_537 = arith.constant dense<0.000000e+00> : vector<16x256xf32>
    %dot_general3A_538 = tpu.matmul %slice3A_536, %convert_element_type3A_15, %dot_general3A_537 {dimension_numbers = #tpu.dot_dimension_numbers<[1], [0], [0], [1], [0, 0, 1, 1], [], []>, transpose_lhs_hint = false} : vector<16x256xbf16>, vector<256x256xbf16>, vector<16x256xf32> -> vector<16x256xf32>
    %convert_element_type3A_539 = arith.extf %slice3A_536 : vector<16x256xbf16> to vector<16x256xf32>
    %sub3A_540 = arith.subf %dot_general3A_538, %convert_element_type3A_539 : vector<16x256xf32>
    %add3A_541 = vector.broadcast %add3A_535 : vector<16x1xf32> to vector<16x256xf32>
    %add3A_542 = arith.addf %sub3A_540, %add3A_541 : vector<16x256xf32>
    %slice3A_543 = vector.extract_strided_slice %dot_general3A_538 {offsets = [0, 255], sizes = [16, 1], strides = [1, 1]} : vector<16x256xf32> to vector<16x1xf32>
    %add3A_544 = arith.addf %add3A_535, %slice3A_543 : vector<16x1xf32>
    %slice3A_545 = vector.extract_strided_slice %convert_element_type3A_10 {offsets = [0, 15104], sizes = [16, 256], strides = [1, 1]} : vector<16x16384xbf16> to vector<16x256xbf16>
    %dot_general3A_546 = arith.constant dense<0.000000e+00> : vector<16x256xf32>
    %dot_general3A_547 = tpu.matmul %slice3A_545, %convert_element_type3A_15, %dot_general3A_546 {dimension_numbers = #tpu.dot_dimension_numbers<[1], [0], [0], [1], [0, 0, 1, 1], [], []>, transpose_lhs_hint = false} : vector<16x256xbf16>, vector<256x256xbf16>, vector<16x256xf32> -> vector<16x256xf32>
    %convert_element_type3A_548 = arith.extf %slice3A_545 : vector<16x256xbf16> to vector<16x256xf32>
    %sub3A_549 = arith.subf %dot_general3A_547, %convert_element_type3A_548 : vector<16x256xf32>
    %add3A_550 = vector.broadcast %add3A_544 : vector<16x1xf32> to vector<16x256xf32>
    %add3A_551 = arith.addf %sub3A_549, %add3A_550 : vector<16x256xf32>
    %slice3A_552 = vector.extract_strided_slice %dot_general3A_547 {offsets = [0, 255], sizes = [16, 1], strides = [1, 1]} : vector<16x256xf32> to vector<16x1xf32>
    %add3A_553 = arith.addf %add3A_544, %slice3A_552 : vector<16x1xf32>
    %slice3A_554 = vector.extract_strided_slice %convert_element_type3A_10 {offsets = [0, 15360], sizes = [16, 256], strides = [1, 1]} : vector<16x16384xbf16> to vector<16x256xbf16>
    %dot_general3A_555 = arith.constant dense<0.000000e+00> : vector<16x256xf32>
    %dot_general3A_556 = tpu.matmul %slice3A_554, %convert_element_type3A_15, %dot_general3A_555 {dimension_numbers = #tpu.dot_dimension_numbers<[1], [0], [0], [1], [0, 0, 1, 1], [], []>, transpose_lhs_hint = false} : vector<16x256xbf16>, vector<256x256xbf16>, vector<16x256xf32> -> vector<16x256xf32>
    %convert_element_type3A_557 = arith.extf %slice3A_554 : vector<16x256xbf16> to vector<16x256xf32>
    %sub3A_558 = arith.subf %dot_general3A_556, %convert_element_type3A_557 : vector<16x256xf32>
    %add3A_559 = vector.broadcast %add3A_553 : vector<16x1xf32> to vector<16x256xf32>
    %add3A_560 = arith.addf %sub3A_558, %add3A_559 : vector<16x256xf32>
    %slice3A_561 = vector.extract_strided_slice %dot_general3A_556 {offsets = [0, 255], sizes = [16, 1], strides = [1, 1]} : vector<16x256xf32> to vector<16x1xf32>
    %add3A_562 = arith.addf %add3A_553, %slice3A_561 : vector<16x1xf32>
    %slice3A_563 = vector.extract_strided_slice %convert_element_type3A_10 {offsets = [0, 15616], sizes = [16, 256], strides = [1, 1]} : vector<16x16384xbf16> to vector<16x256xbf16>
    %dot_general3A_564 = arith.constant dense<0.000000e+00> : vector<16x256xf32>
    %dot_general3A_565 = tpu.matmul %slice3A_563, %convert_element_type3A_15, %dot_general3A_564 {dimension_numbers = #tpu.dot_dimension_numbers<[1], [0], [0], [1], [0, 0, 1, 1], [], []>, transpose_lhs_hint = false} : vector<16x256xbf16>, vector<256x256xbf16>, vector<16x256xf32> -> vector<16x256xf32>
    %convert_element_type3A_566 = arith.extf %slice3A_563 : vector<16x256xbf16> to vector<16x256xf32>
    %sub3A_567 = arith.subf %dot_general3A_565, %convert_element_type3A_566 : vector<16x256xf32>
    %add3A_568 = vector.broadcast %add3A_562 : vector<16x1xf32> to vector<16x256xf32>
    %add3A_569 = arith.addf %sub3A_567, %add3A_568 : vector<16x256xf32>
    %slice3A_570 = vector.extract_strided_slice %dot_general3A_565 {offsets = [0, 255], sizes = [16, 1], strides = [1, 1]} : vector<16x256xf32> to vector<16x1xf32>
    %add3A_571 = arith.addf %add3A_562, %slice3A_570 : vector<16x1xf32>
    %slice3A_572 = vector.extract_strided_slice %convert_element_type3A_10 {offsets = [0, 15872], sizes = [16, 256], strides = [1, 1]} : vector<16x16384xbf16> to vector<16x256xbf16>
    %dot_general3A_573 = arith.constant dense<0.000000e+00> : vector<16x256xf32>
    %dot_general3A_574 = tpu.matmul %slice3A_572, %convert_element_type3A_15, %dot_general3A_573 {dimension_numbers = #tpu.dot_dimension_numbers<[1], [0], [0], [1], [0, 0, 1, 1], [], []>, transpose_lhs_hint = false} : vector<16x256xbf16>, vector<256x256xbf16>, vector<16x256xf32> -> vector<16x256xf32>
    %convert_element_type3A_575 = arith.extf %slice3A_572 : vector<16x256xbf16> to vector<16x256xf32>
    %sub3A_576 = arith.subf %dot_general3A_574, %convert_element_type3A_575 : vector<16x256xf32>
    %add3A_577 = vector.broadcast %add3A_571 : vector<16x1xf32> to vector<16x256xf32>
    %add3A_578 = arith.addf %sub3A_576, %add3A_577 : vector<16x256xf32>
    %slice3A_579 = vector.extract_strided_slice %dot_general3A_574 {offsets = [0, 255], sizes = [16, 1], strides = [1, 1]} : vector<16x256xf32> to vector<16x1xf32>
    %add3A_580 = arith.addf %add3A_571, %slice3A_579 : vector<16x1xf32>
    %slice3A_581 = vector.extract_strided_slice %convert_element_type3A_10 {offsets = [0, 16128], sizes = [16, 256], strides = [1, 1]} : vector<16x16384xbf16> to vector<16x256xbf16>
    %dot_general3A_582 = arith.constant dense<0.000000e+00> : vector<16x256xf32>
    %dot_general3A_583 = tpu.matmul %slice3A_581, %convert_element_type3A_15, %dot_general3A_582 {dimension_numbers = #tpu.dot_dimension_numbers<[1], [0], [0], [1], [0, 0, 1, 1], [], []>, transpose_lhs_hint = false} : vector<16x256xbf16>, vector<256x256xbf16>, vector<16x256xf32> -> vector<16x256xf32>
    %convert_element_type3A_584 = arith.extf %slice3A_581 : vector<16x256xbf16> to vector<16x256xf32>
    %sub3A_585 = arith.subf %dot_general3A_583, %convert_element_type3A_584 : vector<16x256xf32>
    %add3A_586 = vector.broadcast %add3A_580 : vector<16x1xf32> to vector<16x256xf32>
    %add3A_587 = arith.addf %sub3A_585, %add3A_586 : vector<16x256xf32>
    %slice3A_588 = vector.extract_strided_slice %dot_general3A_583 {offsets = [0, 255], sizes = [16, 1], strides = [1, 1]} : vector<16x256xf32> to vector<16x1xf32>
    %add3A_589 = arith.addf %add3A_580, %slice3A_588 : vector<16x1xf32>
    %concatenate3A = tpu.concatenate %add3A_20, %add3A_29, %add3A_38, %add3A_47, %add3A_56, %add3A_65, %add3A_74, %add3A_83, %add3A_92, %add3A_101, %add3A_110, %add3A_119, %add3A_128, %add3A_137, %add3A_146, %add3A_155, %add3A_164, %add3A_173, %add3A_182, %add3A_191, %add3A_200, %add3A_209, %add3A_218, %add3A_227, %add3A_236, %add3A_245, %add3A_254, %add3A_263, %add3A_272, %add3A_281, %add3A_290, %add3A_299, %add3A_308, %add3A_317, %add3A_326, %add3A_335, %add3A_344, %add3A_353, %add3A_362, %add3A_371, %add3A_380, %add3A_389, %add3A_398, %add3A_407, %add3A_416, %add3A_425, %add3A_434, %add3A_443, %add3A_452, %add3A_461, %add3A_470, %add3A_479, %add3A_488, %add3A_497, %add3A_506, %add3A_515, %add3A_524, %add3A_533, %add3A_542, %add3A_551, %add3A_560, %add3A_569, %add3A_578, %add3A_587 in 1 : vector<16x256xf32>, vector<16x256xf32>, vector<16x256xf32>, vector<16x256xf32>, vector<16x256xf32>, vector<16x256xf32>, vector<16x256xf32>, vector<16x256xf32>, vector<16x256xf32>, vector<16x256xf32>, vector<16x256xf32>, vector<16x256xf32>, vector<16x256xf32>, vector<16x256xf32>, vector<16x256xf32>, vector<16x256xf32>, vector<16x256xf32>, vector<16x256xf32>, vector<16x256xf32>, vector<16x256xf32>, vector<16x256xf32>, vector<16x256xf32>, vector<16x256xf32>, vector<16x256xf32>, vector<16x256xf32>, vector<16x256xf32>, vector<16x256xf32>, vector<16x256xf32>, vector<16x256xf32>, vector<16x256xf32>, vector<16x256xf32>, vector<16x256xf32>, vector<16x256xf32>, vector<16x256xf32>, vector<16x256xf32>, vector<16x256xf32>, vector<16x256xf32>, vector<16x256xf32>, vector<16x256xf32>, vector<16x256xf32>, vector<16x256xf32>, vector<16x256xf32>, vector<16x256xf32>, vector<16x256xf32>, vector<16x256xf32>, vector<16x256xf32>, vector<16x256xf32>, vector<16x256xf32>, vector<16x256xf32>, vector<16x256xf32>, vector<16x256xf32>, vector<16x256xf32>, vector<16x256xf32>, vector<16x256xf32>, vector<16x256xf32>, vector<16x256xf32>, vector<16x256xf32>, vector<16x256xf32>, vector<16x256xf32>, vector<16x256xf32>, vector<16x256xf32>, vector<16x256xf32>, vector<16x256xf32>, vector<16x256xf32> -> vector<16x16384xf32>
    %iota3A_590 = tpu.iota {dimensions = array<i32: 0>} : vector<16x16xi32>
    %iota3A_591 = tpu.iota {dimensions = array<i32: 1>} : vector<16x16xi32>
    %lt3A = arith.cmpi slt, %iota3A_591, %iota3A_590 : vector<16x16xi32>
    %convert_element_type3A_592 = arith.extui %lt3A : vector<16x16xi1> to vector<16x16xi32>
    %convert_element_type3A_593 = arith.sitofp %convert_element_type3A_592 : vector<16x16xi32> to vector<16x16xf32>
    %dot_general3A_594 = arith.constant dense<0.000000e+00> : vector<16x1xf32>
    %dot_general3A_595 = tpu.matmul %convert_element_type3A_593, %add3A_589, %dot_general3A_594 {dimension_numbers = #tpu.dot_dimension_numbers<[1], [0], [0], [1], [0, 0, 1, 1], [], []>, precision = #tpu.contract_precision<fp32>, transpose_lhs_hint = false} : vector<16x16xf32>, vector<16x1xf32>, vector<16x1xf32> -> vector<16x1xf32>
    %add3A_596 = vector.broadcast %dot_general3A_595 : vector<16x1xf32> to vector<16x16384xf32>
    %add3A_597 = arith.addf %concatenate3A, %add3A_596 : vector<16x16384xf32>
    %jit3A_598 = arith.constant 0.000000e+00 : f32
    %broadcast_in_dim3A_599 = vector.broadcast %jit3A_598 : f32 to vector<16x16384xf32>
    %select_n3A_600 = arith.select %eq3A_8, %add3A_597, %broadcast_in_dim3A_599 : vector<16x16384xi1>, vector<16x16384xf32>
    %reduce_sum3A = arith.constant dense<0.000000e+00> : vector<16384xf32>
    %reduce_sum3A_601 = vector.multi_reduction <add>, %select_n3A_600, %reduce_sum3A [0] : vector<16x16384xf32> to vector<16384xf32>
    %broadcast_in_dim3A_602 = vector.shape_cast %reduce_sum3A_601 : vector<16384xf32> to vector<1x16384xf32>
    %convert_element_type3A_603 = arith.fptosi %broadcast_in_dim3A_602 : vector<1x16384xf32> to vector<1x16384xi32>
    %slice3A_604 = vector.extract_strided_slice %convert_element_type3A_603 {offsets = [0, 0], sizes = [1, 128], strides = [1, 1]} : vector<1x16384xi32> to vector<1x128xi32>
    %swap3A = arith.constant 0 : index
    %swap3A_605 = arith.constant 0 : index
    %swap3A_606 = vector.load %arg2[%swap3A, %swap3A_605] : memref<128x128xi32, #tpu.memory_space<vmem>>, vector<1x128xi32>
    tpu.vector_store %arg2[%swap3A, %swap3A_605], %slice3A_604 {strides = array<i32>} : memref<128x128xi32, #tpu.memory_space<vmem>>, vector<1x128xi32>,
    %slice3A_607 = vector.extract_strided_slice %convert_element_type3A_603 {offsets = [0, 128], sizes = [1, 128], strides = [1, 1]} : vector<1x16384xi32> to vector<1x128xi32>
    %swap3A_608 = arith.constant 1 : index
    %swap3A_609 = arith.constant 0 : index
    %swap3A_610 = vector.load %arg2[%swap3A_608, %swap3A_609] : memref<128x128xi32, #tpu.memory_space<vmem>>, vector<1x128xi32>
    tpu.vector_store %arg2[%swap3A_608, %swap3A_609], %slice3A_607 {strides = array<i32>} : memref<128x128xi32, #tpu.memory_space<vmem>>, vector<1x128xi32>,
    %slice3A_611 = vector.extract_strided_slice %convert_element_type3A_603 {offsets = [0, 256], sizes = [1, 128], strides = [1, 1]} : vector<1x16384xi32> to vector<1x128xi32>
    %swap3A_612 = arith.constant 2 : index
    %swap3A_613 = arith.constant 0 : index
    %swap3A_614 = vector.load %arg2[%swap3A_612, %swap3A_613] : memref<128x128xi32, #tpu.memory_space<vmem>>, vector<1x128xi32>
    tpu.vector_store %arg2[%swap3A_612, %swap3A_613], %slice3A_611 {strides = array<i32>} : memref<128x128xi32, #tpu.memory_space<vmem>>, vector<1x128xi32>,
    %slice3A_615 = vector.extract_strided_slice %convert_element_type3A_603 {offsets = [0, 384], sizes = [1, 128], strides = [1, 1]} : vector<1x16384xi32> to vector<1x128xi32>
    %swap3A_616 = arith.constant 3 : index
    %swap3A_617 = arith.constant 0 : index
    %swap3A_618 = vector.load %arg2[%swap3A_616, %swap3A_617] : memref<128x128xi32, #tpu.memory_space<vmem>>, vector<1x128xi32>
    tpu.vector_store %arg2[%swap3A_616, %swap3A_617], %slice3A_615 {strides = array<i32>} : memref<128x128xi32, #tpu.memory_space<vmem>>, vector<1x128xi32>,
    %slice3A_619 = vector.extract_strided_slice %convert_element_type3A_603 {offsets = [0, 512], sizes = [1, 128], strides = [1, 1]} : vector<1x16384xi32> to vector<1x128xi32>
    %swap3A_620 = arith.constant 4 : index
    %swap3A_621 = arith.constant 0 : index
    %swap3A_622 = vector.load %arg2[%swap3A_620, %swap3A_621] : memref<128x128xi32, #tpu.memory_space<vmem>>, vector<1x128xi32>
    tpu.vector_store %arg2[%swap3A_620, %swap3A_621], %slice3A_619 {strides = array<i32>} : memref<128x128xi32, #tpu.memory_space<vmem>>, vector<1x128xi32>,
    %slice3A_623 = vector.extract_strided_slice %convert_element_type3A_603 {offsets = [0, 640], sizes = [1, 128], strides = [1, 1]} : vector<1x16384xi32> to vector<1x128xi32>
    %swap3A_624 = arith.constant 5 : index
    %swap3A_625 = arith.constant 0 : index
    %swap3A_626 = vector.load %arg2[%swap3A_624, %swap3A_625] : memref<128x128xi32, #tpu.memory_space<vmem>>, vector<1x128xi32>
    tpu.vector_store %arg2[%swap3A_624, %swap3A_625], %slice3A_623 {strides = array<i32>} : memref<128x128xi32, #tpu.memory_space<vmem>>, vector<1x128xi32>,
    %slice3A_627 = vector.extract_strided_slice %convert_element_type3A_603 {offsets = [0, 768], sizes = [1, 128], strides = [1, 1]} : vector<1x16384xi32> to vector<1x128xi32>
    %swap3A_628 = arith.constant 6 : index
    %swap3A_629 = arith.constant 0 : index
    %swap3A_630 = vector.load %arg2[%swap3A_628, %swap3A_629] : memref<128x128xi32, #tpu.memory_space<vmem>>, vector<1x128xi32>
    tpu.vector_store %arg2[%swap3A_628, %swap3A_629], %slice3A_627 {strides = array<i32>} : memref<128x128xi32, #tpu.memory_space<vmem>>, vector<1x128xi32>,
    %slice3A_631 = vector.extract_strided_slice %convert_element_type3A_603 {offsets = [0, 896], sizes = [1, 128], strides = [1, 1]} : vector<1x16384xi32> to vector<1x128xi32>
    %swap3A_632 = arith.constant 7 : index
    %swap3A_633 = arith.constant 0 : index
    %swap3A_634 = vector.load %arg2[%swap3A_632, %swap3A_633] : memref<128x128xi32, #tpu.memory_space<vmem>>, vector<1x128xi32>
    tpu.vector_store %arg2[%swap3A_632, %swap3A_633], %slice3A_631 {strides = array<i32>} : memref<128x128xi32, #tpu.memory_space<vmem>>, vector<1x128xi32>,
    %slice3A_635 = vector.extract_strided_slice %convert_element_type3A_603 {offsets = [0, 1024], sizes = [1, 128], strides = [1, 1]} : vector<1x16384xi32> to vector<1x128xi32>
    %swap3A_636 = arith.constant 8 : index
    %swap3A_637 = arith.constant 0 : index
    %swap3A_638 = vector.load %arg2[%swap3A_636, %swap3A_637] : memref<128x128xi32, #tpu.memory_space<vmem>>, vector<1x128xi32>
    tpu.vector_store %arg2[%swap3A_636, %swap3A_637], %slice3A_635 {strides = array<i32>} : memref<128x128xi32, #tpu.memory_space<vmem>>, vector<1x128xi32>,
    %slice3A_639 = vector.extract_strided_slice %convert_element_type3A_603 {offsets = [0, 1152], sizes = [1, 128], strides = [1, 1]} : vector<1x16384xi32> to vector<1x128xi32>
    %swap3A_640 = arith.constant 9 : index
    %swap3A_641 = arith.constant 0 : index
    %swap3A_642 = vector.load %arg2[%swap3A_640, %swap3A_641] : memref<128x128xi32, #tpu.memory_space<vmem>>, vector<1x128xi32>
    tpu.vector_store %arg2[%swap3A_640, %swap3A_641], %slice3A_639 {strides = array<i32>} : memref<128x128xi32, #tpu.memory_space<vmem>>, vector<1x128xi32>,
    %slice3A_643 = vector.extract_strided_slice %convert_element_type3A_603 {offsets = [0, 1280], sizes = [1, 128], strides = [1, 1]} : vector<1x16384xi32> to vector<1x128xi32>
    %swap3A_644 = arith.constant 10 : index
    %swap3A_645 = arith.constant 0 : index
    %swap3A_646 = vector.load %arg2[%swap3A_644, %swap3A_645] : memref<128x128xi32, #tpu.memory_space<vmem>>, vector<1x128xi32>
    tpu.vector_store %arg2[%swap3A_644, %swap3A_645], %slice3A_643 {strides = array<i32>} : memref<128x128xi32, #tpu.memory_space<vmem>>, vector<1x128xi32>,
    %slice3A_647 = vector.extract_strided_slice %convert_element_type3A_603 {offsets = [0, 1408], sizes = [1, 128], strides = [1, 1]} : vector<1x16384xi32> to vector<1x128xi32>
    %swap3A_648 = arith.constant 11 : index
    %swap3A_649 = arith.constant 0 : index
    %swap3A_650 = vector.load %arg2[%swap3A_648, %swap3A_649] : memref<128x128xi32, #tpu.memory_space<vmem>>, vector<1x128xi32>
    tpu.vector_store %arg2[%swap3A_648, %swap3A_649], %slice3A_647 {strides = array<i32>} : memref<128x128xi32, #tpu.memory_space<vmem>>, vector<1x128xi32>,
    %slice3A_651 = vector.extract_strided_slice %convert_element_type3A_603 {offsets = [0, 1536], sizes = [1, 128], strides = [1, 1]} : vector<1x16384xi32> to vector<1x128xi32>
    %swap3A_652 = arith.constant 12 : index
    %swap3A_653 = arith.constant 0 : index
    %swap3A_654 = vector.load %arg2[%swap3A_652, %swap3A_653] : memref<128x128xi32, #tpu.memory_space<vmem>>, vector<1x128xi32>
    tpu.vector_store %arg2[%swap3A_652, %swap3A_653], %slice3A_651 {strides = array<i32>} : memref<128x128xi32, #tpu.memory_space<vmem>>, vector<1x128xi32>,
    %slice3A_655 = vector.extract_strided_slice %convert_element_type3A_603 {offsets = [0, 1664], sizes = [1, 128], strides = [1, 1]} : vector<1x16384xi32> to vector<1x128xi32>
    %swap3A_656 = arith.constant 13 : index
    %swap3A_657 = arith.constant 0 : index
    %swap3A_658 = vector.load %arg2[%swap3A_656, %swap3A_657] : memref<128x128xi32, #tpu.memory_space<vmem>>, vector<1x128xi32>
    tpu.vector_store %arg2[%swap3A_656, %swap3A_657], %slice3A_655 {strides = array<i32>} : memref<128x128xi32, #tpu.memory_space<vmem>>, vector<1x128xi32>,
    %slice3A_659 = vector.extract_strided_slice %convert_element_type3A_603 {offsets = [0, 1792], sizes = [1, 128], strides = [1, 1]} : vector<1x16384xi32> to vector<1x128xi32>
    %swap3A_660 = arith.constant 14 : index
    %swap3A_661 = arith.constant 0 : index
    %swap3A_662 = vector.load %arg2[%swap3A_660, %swap3A_661] : memref<128x128xi32, #tpu.memory_space<vmem>>, vector<1x128xi32>
    tpu.vector_store %arg2[%swap3A_660, %swap3A_661], %slice3A_659 {strides = array<i32>} : memref<128x128xi32, #tpu.memory_space<vmem>>, vector<1x128xi32>,
    %slice3A_663 = vector.extract_strided_slice %convert_element_type3A_603 {offsets = [0, 1920], sizes = [1, 128], strides = [1, 1]} : vector<1x16384xi32> to vector<1x128xi32>
    %swap3A_664 = arith.constant 15 : index
    %swap3A_665 = arith.constant 0 : index
    %swap3A_666 = vector.load %arg2[%swap3A_664, %swap3A_665] : memref<128x128xi32, #tpu.memory_space<vmem>>, vector<1x128xi32>
    tpu.vector_store %arg2[%swap3A_664, %swap3A_665], %slice3A_663 {strides = array<i32>} : memref<128x128xi32, #tpu.memory_space<vmem>>, vector<1x128xi32>,
    %slice3A_667 = vector.extract_strided_slice %convert_element_type3A_603 {offsets = [0, 2048], sizes = [1, 128], strides = [1, 1]} : vector<1x16384xi32> to vector<1x128xi32>
    %swap3A_668 = arith.constant 16 : index
    %swap3A_669 = arith.constant 0 : index
    %swap3A_670 = vector.load %arg2[%swap3A_668, %swap3A_669] : memref<128x128xi32, #tpu.memory_space<vmem>>, vector<1x128xi32>
    tpu.vector_store %arg2[%swap3A_668, %swap3A_669], %slice3A_667 {strides = array<i32>} : memref<128x128xi32, #tpu.memory_space<vmem>>, vector<1x128xi32>,
    %slice3A_671 = vector.extract_strided_slice %convert_element_type3A_603 {offsets = [0, 2176], sizes = [1, 128], strides = [1, 1]} : vector<1x16384xi32> to vector<1x128xi32>
    %swap3A_672 = arith.constant 17 : index
    %swap3A_673 = arith.constant 0 : index
    %swap3A_674 = vector.load %arg2[%swap3A_672, %swap3A_673] : memref<128x128xi32, #tpu.memory_space<vmem>>, vector<1x128xi32>
    tpu.vector_store %arg2[%swap3A_672, %swap3A_673], %slice3A_671 {strides = array<i32>} : memref<128x128xi32, #tpu.memory_space<vmem>>, vector<1x128xi32>,
    %slice3A_675 = vector.extract_strided_slice %convert_element_type3A_603 {offsets = [0, 2304], sizes = [1, 128], strides = [1, 1]} : vector<1x16384xi32> to vector<1x128xi32>
    %swap3A_676 = arith.constant 18 : index
    %swap3A_677 = arith.constant 0 : index
    %swap3A_678 = vector.load %arg2[%swap3A_676, %swap3A_677] : memref<128x128xi32, #tpu.memory_space<vmem>>, vector<1x128xi32>
    tpu.vector_store %arg2[%swap3A_676, %swap3A_677], %slice3A_675 {strides = array<i32>} : memref<128x128xi32, #tpu.memory_space<vmem>>, vector<1x128xi32>,
    %slice3A_679 = vector.extract_strided_slice %convert_element_type3A_603 {offsets = [0, 2432], sizes = [1, 128], strides = [1, 1]} : vector<1x16384xi32> to vector<1x128xi32>
    %swap3A_680 = arith.constant 19 : index
    %swap3A_681 = arith.constant 0 : index
    %swap3A_682 = vector.load %arg2[%swap3A_680, %swap3A_681] : memref<128x128xi32, #tpu.memory_space<vmem>>, vector<1x128xi32>
    tpu.vector_store %arg2[%swap3A_680, %swap3A_681], %slice3A_679 {strides = array<i32>} : memref<128x128xi32, #tpu.memory_space<vmem>>, vector<1x128xi32>,
    %slice3A_683 = vector.extract_strided_slice %convert_element_type3A_603 {offsets = [0, 2560], sizes = [1, 128], strides = [1, 1]} : vector<1x16384xi32> to vector<1x128xi32>
    %swap3A_684 = arith.constant 20 : index
    %swap3A_685 = arith.constant 0 : index
    %swap3A_686 = vector.load %arg2[%swap3A_684, %swap3A_685] : memref<128x128xi32, #tpu.memory_space<vmem>>, vector<1x128xi32>
    tpu.vector_store %arg2[%swap3A_684, %swap3A_685], %slice3A_683 {strides = array<i32>} : memref<128x128xi32, #tpu.memory_space<vmem>>, vector<1x128xi32>,
    %slice3A_687 = vector.extract_strided_slice %convert_element_type3A_603 {offsets = [0, 2688], sizes = [1, 128], strides = [1, 1]} : vector<1x16384xi32> to vector<1x128xi32>
    %swap3A_688 = arith.constant 21 : index
    %swap3A_689 = arith.constant 0 : index
    %swap3A_690 = vector.load %arg2[%swap3A_688, %swap3A_689] : memref<128x128xi32, #tpu.memory_space<vmem>>, vector<1x128xi32>
    tpu.vector_store %arg2[%swap3A_688, %swap3A_689], %slice3A_687 {strides = array<i32>} : memref<128x128xi32, #tpu.memory_space<vmem>>, vector<1x128xi32>,
    %slice3A_691 = vector.extract_strided_slice %convert_element_type3A_603 {offsets = [0, 2816], sizes = [1, 128], strides = [1, 1]} : vector<1x16384xi32> to vector<1x128xi32>
    %swap3A_692 = arith.constant 22 : index
    %swap3A_693 = arith.constant 0 : index
    %swap3A_694 = vector.load %arg2[%swap3A_692, %swap3A_693] : memref<128x128xi32, #tpu.memory_space<vmem>>, vector<1x128xi32>
    tpu.vector_store %arg2[%swap3A_692, %swap3A_693], %slice3A_691 {strides = array<i32>} : memref<128x128xi32, #tpu.memory_space<vmem>>, vector<1x128xi32>,
    %slice3A_695 = vector.extract_strided_slice %convert_element_type3A_603 {offsets = [0, 2944], sizes = [1, 128], strides = [1, 1]} : vector<1x16384xi32> to vector<1x128xi32>
    %swap3A_696 = arith.constant 23 : index
    %swap3A_697 = arith.constant 0 : index
    %swap3A_698 = vector.load %arg2[%swap3A_696, %swap3A_697] : memref<128x128xi32, #tpu.memory_space<vmem>>, vector<1x128xi32>
    tpu.vector_store %arg2[%swap3A_696, %swap3A_697], %slice3A_695 {strides = array<i32>} : memref<128x128xi32, #tpu.memory_space<vmem>>, vector<1x128xi32>,
    %slice3A_699 = vector.extract_strided_slice %convert_element_type3A_603 {offsets = [0, 3072], sizes = [1, 128], strides = [1, 1]} : vector<1x16384xi32> to vector<1x128xi32>
    %swap3A_700 = arith.constant 24 : index
    %swap3A_701 = arith.constant 0 : index
    %swap3A_702 = vector.load %arg2[%swap3A_700, %swap3A_701] : memref<128x128xi32, #tpu.memory_space<vmem>>, vector<1x128xi32>
    tpu.vector_store %arg2[%swap3A_700, %swap3A_701], %slice3A_699 {strides = array<i32>} : memref<128x128xi32, #tpu.memory_space<vmem>>, vector<1x128xi32>,
    %slice3A_703 = vector.extract_strided_slice %convert_element_type3A_603 {offsets = [0, 3200], sizes = [1, 128], strides = [1, 1]} : vector<1x16384xi32> to vector<1x128xi32>
    %swap3A_704 = arith.constant 25 : index
    %swap3A_705 = arith.constant 0 : index
    %swap3A_706 = vector.load %arg2[%swap3A_704, %swap3A_705] : memref<128x128xi32, #tpu.memory_space<vmem>>, vector<1x128xi32>
    tpu.vector_store %arg2[%swap3A_704, %swap3A_705], %slice3A_703 {strides = array<i32>} : memref<128x128xi32, #tpu.memory_space<vmem>>, vector<1x128xi32>,
    %slice3A_707 = vector.extract_strided_slice %convert_element_type3A_603 {offsets = [0, 3328], sizes = [1, 128], strides = [1, 1]} : vector<1x16384xi32> to vector<1x128xi32>
    %swap3A_708 = arith.constant 26 : index
    %swap3A_709 = arith.constant 0 : index
    %swap3A_710 = vector.load %arg2[%swap3A_708, %swap3A_709] : memref<128x128xi32, #tpu.memory_space<vmem>>, vector<1x128xi32>
    tpu.vector_store %arg2[%swap3A_708, %swap3A_709], %slice3A_707 {strides = array<i32>} : memref<128x128xi32, #tpu.memory_space<vmem>>, vector<1x128xi32>,
    %slice3A_711 = vector.extract_strided_slice %convert_element_type3A_603 {offsets = [0, 3456], sizes = [1, 128], strides = [1, 1]} : vector<1x16384xi32> to vector<1x128xi32>
    %swap3A_712 = arith.constant 27 : index
    %swap3A_713 = arith.constant 0 : index
    %swap3A_714 = vector.load %arg2[%swap3A_712, %swap3A_713] : memref<128x128xi32, #tpu.memory_space<vmem>>, vector<1x128xi32>
    tpu.vector_store %arg2[%swap3A_712, %swap3A_713], %slice3A_711 {strides = array<i32>} : memref<128x128xi32, #tpu.memory_space<vmem>>, vector<1x128xi32>,
    %slice3A_715 = vector.extract_strided_slice %convert_element_type3A_603 {offsets = [0, 3584], sizes = [1, 128], strides = [1, 1]} : vector<1x16384xi32> to vector<1x128xi32>
    %swap3A_716 = arith.constant 28 : index
    %swap3A_717 = arith.constant 0 : index
    %swap3A_718 = vector.load %arg2[%swap3A_716, %swap3A_717] : memref<128x128xi32, #tpu.memory_space<vmem>>, vector<1x128xi32>
    tpu.vector_store %arg2[%swap3A_716, %swap3A_717], %slice3A_715 {strides = array<i32>} : memref<128x128xi32, #tpu.memory_space<vmem>>, vector<1x128xi32>,
    %slice3A_719 = vector.extract_strided_slice %convert_element_type3A_603 {offsets = [0, 3712], sizes = [1, 128], strides = [1, 1]} : vector<1x16384xi32> to vector<1x128xi32>
    %swap3A_720 = arith.constant 29 : index
    %swap3A_721 = arith.constant 0 : index
    %swap3A_722 = vector.load %arg2[%swap3A_720, %swap3A_721] : memref<128x128xi32, #tpu.memory_space<vmem>>, vector<1x128xi32>
    tpu.vector_store %arg2[%swap3A_720, %swap3A_721], %slice3A_719 {strides = array<i32>} : memref<128x128xi32, #tpu.memory_space<vmem>>, vector<1x128xi32>,
    %slice3A_723 = vector.extract_strided_slice %convert_element_type3A_603 {offsets = [0, 3840], sizes = [1, 128], strides = [1, 1]} : vector<1x16384xi32> to vector<1x128xi32>
    %swap3A_724 = arith.constant 30 : index
    %swap3A_725 = arith.constant 0 : index
    %swap3A_726 = vector.load %arg2[%swap3A_724, %swap3A_725] : memref<128x128xi32, #tpu.memory_space<vmem>>, vector<1x128xi32>
    tpu.vector_store %arg2[%swap3A_724, %swap3A_725], %slice3A_723 {strides = array<i32>} : memref<128x128xi32, #tpu.memory_space<vmem>>, vector<1x128xi32>,
    %slice3A_727 = vector.extract_strided_slice %convert_element_type3A_603 {offsets = [0, 3968], sizes = [1, 128], strides = [1, 1]} : vector<1x16384xi32> to vector<1x128xi32>
    %swap3A_728 = arith.constant 31 : index
    %swap3A_729 = arith.constant 0 : index
    %swap3A_730 = vector.load %arg2[%swap3A_728, %swap3A_729] : memref<128x128xi32, #tpu.memory_space<vmem>>, vector<1x128xi32>
    tpu.vector_store %arg2[%swap3A_728, %swap3A_729], %slice3A_727 {strides = array<i32>} : memref<128x128xi32, #tpu.memory_space<vmem>>, vector<1x128xi32>,
    %slice3A_731 = vector.extract_strided_slice %convert_element_type3A_603 {offsets = [0, 4096], sizes = [1, 128], strides = [1, 1]} : vector<1x16384xi32> to vector<1x128xi32>
    %swap3A_732 = arith.constant 32 : index
    %swap3A_733 = arith.constant 0 : index
    %swap3A_734 = vector.load %arg2[%swap3A_732, %swap3A_733] : memref<128x128xi32, #tpu.memory_space<vmem>>, vector<1x128xi32>
    tpu.vector_store %arg2[%swap3A_732, %swap3A_733], %slice3A_731 {strides = array<i32>} : memref<128x128xi32, #tpu.memory_space<vmem>>, vector<1x128xi32>,
    %slice3A_735 = vector.extract_strided_slice %convert_element_type3A_603 {offsets = [0, 4224], sizes = [1, 128], strides = [1, 1]} : vector<1x16384xi32> to vector<1x128xi32>
    %swap3A_736 = arith.constant 33 : index
    %swap3A_737 = arith.constant 0 : index
    %swap3A_738 = vector.load %arg2[%swap3A_736, %swap3A_737] : memref<128x128xi32, #tpu.memory_space<vmem>>, vector<1x128xi32>
    tpu.vector_store %arg2[%swap3A_736, %swap3A_737], %slice3A_735 {strides = array<i32>} : memref<128x128xi32, #tpu.memory_space<vmem>>, vector<1x128xi32>,
    %slice3A_739 = vector.extract_strided_slice %convert_element_type3A_603 {offsets = [0, 4352], sizes = [1, 128], strides = [1, 1]} : vector<1x16384xi32> to vector<1x128xi32>
    %swap3A_740 = arith.constant 34 : index
    %swap3A_741 = arith.constant 0 : index
    %swap3A_742 = vector.load %arg2[%swap3A_740, %swap3A_741] : memref<128x128xi32, #tpu.memory_space<vmem>>, vector<1x128xi32>
    tpu.vector_store %arg2[%swap3A_740, %swap3A_741], %slice3A_739 {strides = array<i32>} : memref<128x128xi32, #tpu.memory_space<vmem>>, vector<1x128xi32>,
    %slice3A_743 = vector.extract_strided_slice %convert_element_type3A_603 {offsets = [0, 4480], sizes = [1, 128], strides = [1, 1]} : vector<1x16384xi32> to vector<1x128xi32>
    %swap3A_744 = arith.constant 35 : index
    %swap3A_745 = arith.constant 0 : index
    %swap3A_746 = vector.load %arg2[%swap3A_744, %swap3A_745] : memref<128x128xi32, #tpu.memory_space<vmem>>, vector<1x128xi32>
    tpu.vector_store %arg2[%swap3A_744, %swap3A_745], %slice3A_743 {strides = array<i32>} : memref<128x128xi32, #tpu.memory_space<vmem>>, vector<1x128xi32>,
    %slice3A_747 = vector.extract_strided_slice %convert_element_type3A_603 {offsets = [0, 4608], sizes = [1, 128], strides = [1, 1]} : vector<1x16384xi32> to vector<1x128xi32>
    %swap3A_748 = arith.constant 36 : index
    %swap3A_749 = arith.constant 0 : index
    %swap3A_750 = vector.load %arg2[%swap3A_748, %swap3A_749] : memref<128x128xi32, #tpu.memory_space<vmem>>, vector<1x128xi32>
    tpu.vector_store %arg2[%swap3A_748, %swap3A_749], %slice3A_747 {strides = array<i32>} : memref<128x128xi32, #tpu.memory_space<vmem>>, vector<1x128xi32>,
    %slice3A_751 = vector.extract_strided_slice %convert_element_type3A_603 {offsets = [0, 4736], sizes = [1, 128], strides = [1, 1]} : vector<1x16384xi32> to vector<1x128xi32>
    %swap3A_752 = arith.constant 37 : index
    %swap3A_753 = arith.constant 0 : index
    %swap3A_754 = vector.load %arg2[%swap3A_752, %swap3A_753] : memref<128x128xi32, #tpu.memory_space<vmem>>, vector<1x128xi32>
    tpu.vector_store %arg2[%swap3A_752, %swap3A_753], %slice3A_751 {strides = array<i32>} : memref<128x128xi32, #tpu.memory_space<vmem>>, vector<1x128xi32>,
    %slice3A_755 = vector.extract_strided_slice %convert_element_type3A_603 {offsets = [0, 4864], sizes = [1, 128], strides = [1, 1]} : vector<1x16384xi32> to vector<1x128xi32>
    %swap3A_756 = arith.constant 38 : index
    %swap3A_757 = arith.constant 0 : index
    %swap3A_758 = vector.load %arg2[%swap3A_756, %swap3A_757] : memref<128x128xi32, #tpu.memory_space<vmem>>, vector<1x128xi32>
    tpu.vector_store %arg2[%swap3A_756, %swap3A_757], %slice3A_755 {strides = array<i32>} : memref<128x128xi32, #tpu.memory_space<vmem>>, vector<1x128xi32>,
    %slice3A_759 = vector.extract_strided_slice %convert_element_type3A_603 {offsets = [0, 4992], sizes = [1, 128], strides = [1, 1]} : vector<1x16384xi32> to vector<1x128xi32>
    %swap3A_760 = arith.constant 39 : index
    %swap3A_761 = arith.constant 0 : index
    %swap3A_762 = vector.load %arg2[%swap3A_760, %swap3A_761] : memref<128x128xi32, #tpu.memory_space<vmem>>, vector<1x128xi32>
    tpu.vector_store %arg2[%swap3A_760, %swap3A_761], %slice3A_759 {strides = array<i32>} : memref<128x128xi32, #tpu.memory_space<vmem>>, vector<1x128xi32>,
    %slice3A_763 = vector.extract_strided_slice %convert_element_type3A_603 {offsets = [0, 5120], sizes = [1, 128], strides = [1, 1]} : vector<1x16384xi32> to vector<1x128xi32>
    %swap3A_764 = arith.constant 40 : index
    %swap3A_765 = arith.constant 0 : index
    %swap3A_766 = vector.load %arg2[%swap3A_764, %swap3A_765] : memref<128x128xi32, #tpu.memory_space<vmem>>, vector<1x128xi32>
    tpu.vector_store %arg2[%swap3A_764, %swap3A_765], %slice3A_763 {strides = array<i32>} : memref<128x128xi32, #tpu.memory_space<vmem>>, vector<1x128xi32>,
    %slice3A_767 = vector.extract_strided_slice %convert_element_type3A_603 {offsets = [0, 5248], sizes = [1, 128], strides = [1, 1]} : vector<1x16384xi32> to vector<1x128xi32>
    %swap3A_768 = arith.constant 41 : index
    %swap3A_769 = arith.constant 0 : index
    %swap3A_770 = vector.load %arg2[%swap3A_768, %swap3A_769] : memref<128x128xi32, #tpu.memory_space<vmem>>, vector<1x128xi32>
    tpu.vector_store %arg2[%swap3A_768, %swap3A_769], %slice3A_767 {strides = array<i32>} : memref<128x128xi32, #tpu.memory_space<vmem>>, vector<1x128xi32>,
    %slice3A_771 = vector.extract_strided_slice %convert_element_type3A_603 {offsets = [0, 5376], sizes = [1, 128], strides = [1, 1]} : vector<1x16384xi32> to vector<1x128xi32>
    %swap3A_772 = arith.constant 42 : index
    %swap3A_773 = arith.constant 0 : index
    %swap3A_774 = vector.load %arg2[%swap3A_772, %swap3A_773] : memref<128x128xi32, #tpu.memory_space<vmem>>, vector<1x128xi32>
    tpu.vector_store %arg2[%swap3A_772, %swap3A_773], %slice3A_771 {strides = array<i32>} : memref<128x128xi32, #tpu.memory_space<vmem>>, vector<1x128xi32>,
    %slice3A_775 = vector.extract_strided_slice %convert_element_type3A_603 {offsets = [0, 5504], sizes = [1, 128], strides = [1, 1]} : vector<1x16384xi32> to vector<1x128xi32>
    %swap3A_776 = arith.constant 43 : index
    %swap3A_777 = arith.constant 0 : index
    %swap3A_778 = vector.load %arg2[%swap3A_776, %swap3A_777] : memref<128x128xi32, #tpu.memory_space<vmem>>, vector<1x128xi32>
    tpu.vector_store %arg2[%swap3A_776, %swap3A_777], %slice3A_775 {strides = array<i32>} : memref<128x128xi32, #tpu.memory_space<vmem>>, vector<1x128xi32>,
    %slice3A_779 = vector.extract_strided_slice %convert_element_type3A_603 {offsets = [0, 5632], sizes = [1, 128], strides = [1, 1]} : vector<1x16384xi32> to vector<1x128xi32>
    %swap3A_780 = arith.constant 44 : index
    %swap3A_781 = arith.constant 0 : index
    %swap3A_782 = vector.load %arg2[%swap3A_780, %swap3A_781] : memref<128x128xi32, #tpu.memory_space<vmem>>, vector<1x128xi32>
    tpu.vector_store %arg2[%swap3A_780, %swap3A_781], %slice3A_779 {strides = array<i32>} : memref<128x128xi32, #tpu.memory_space<vmem>>, vector<1x128xi32>,
    %slice3A_783 = vector.extract_strided_slice %convert_element_type3A_603 {offsets = [0, 5760], sizes = [1, 128], strides = [1, 1]} : vector<1x16384xi32> to vector<1x128xi32>
    %swap3A_784 = arith.constant 45 : index
    %swap3A_785 = arith.constant 0 : index
    %swap3A_786 = vector.load %arg2[%swap3A_784, %swap3A_785] : memref<128x128xi32, #tpu.memory_space<vmem>>, vector<1x128xi32>
    tpu.vector_store %arg2[%swap3A_784, %swap3A_785], %slice3A_783 {strides = array<i32>} : memref<128x128xi32, #tpu.memory_space<vmem>>, vector<1x128xi32>,
    %slice3A_787 = vector.extract_strided_slice %convert_element_type3A_603 {offsets = [0, 5888], sizes = [1, 128], strides = [1, 1]} : vector<1x16384xi32> to vector<1x128xi32>
    %swap3A_788 = arith.constant 46 : index
    %swap3A_789 = arith.constant 0 : index
    %swap3A_790 = vector.load %arg2[%swap3A_788, %swap3A_789] : memref<128x128xi32, #tpu.memory_space<vmem>>, vector<1x128xi32>
    tpu.vector_store %arg2[%swap3A_788, %swap3A_789], %slice3A_787 {strides = array<i32>} : memref<128x128xi32, #tpu.memory_space<vmem>>, vector<1x128xi32>,
    %slice3A_791 = vector.extract_strided_slice %convert_element_type3A_603 {offsets = [0, 6016], sizes = [1, 128], strides = [1, 1]} : vector<1x16384xi32> to vector<1x128xi32>
    %swap3A_792 = arith.constant 47 : index
    %swap3A_793 = arith.constant 0 : index
    %swap3A_794 = vector.load %arg2[%swap3A_792, %swap3A_793] : memref<128x128xi32, #tpu.memory_space<vmem>>, vector<1x128xi32>
    tpu.vector_store %arg2[%swap3A_792, %swap3A_793], %slice3A_791 {strides = array<i32>} : memref<128x128xi32, #tpu.memory_space<vmem>>, vector<1x128xi32>,
    %slice3A_795 = vector.extract_strided_slice %convert_element_type3A_603 {offsets = [0, 6144], sizes = [1, 128], strides = [1, 1]} : vector<1x16384xi32> to vector<1x128xi32>
    %swap3A_796 = arith.constant 48 : index
    %swap3A_797 = arith.constant 0 : index
    %swap3A_798 = vector.load %arg2[%swap3A_796, %swap3A_797] : memref<128x128xi32, #tpu.memory_space<vmem>>, vector<1x128xi32>
    tpu.vector_store %arg2[%swap3A_796, %swap3A_797], %slice3A_795 {strides = array<i32>} : memref<128x128xi32, #tpu.memory_space<vmem>>, vector<1x128xi32>,
    %slice3A_799 = vector.extract_strided_slice %convert_element_type3A_603 {offsets = [0, 6272], sizes = [1, 128], strides = [1, 1]} : vector<1x16384xi32> to vector<1x128xi32>
    %swap3A_800 = arith.constant 49 : index
    %swap3A_801 = arith.constant 0 : index
    %swap3A_802 = vector.load %arg2[%swap3A_800, %swap3A_801] : memref<128x128xi32, #tpu.memory_space<vmem>>, vector<1x128xi32>
    tpu.vector_store %arg2[%swap3A_800, %swap3A_801], %slice3A_799 {strides = array<i32>} : memref<128x128xi32, #tpu.memory_space<vmem>>, vector<1x128xi32>,
    %slice3A_803 = vector.extract_strided_slice %convert_element_type3A_603 {offsets = [0, 6400], sizes = [1, 128], strides = [1, 1]} : vector<1x16384xi32> to vector<1x128xi32>
    %swap3A_804 = arith.constant 50 : index
    %swap3A_805 = arith.constant 0 : index
    %swap3A_806 = vector.load %arg2[%swap3A_804, %swap3A_805] : memref<128x128xi32, #tpu.memory_space<vmem>>, vector<1x128xi32>
    tpu.vector_store %arg2[%swap3A_804, %swap3A_805], %slice3A_803 {strides = array<i32>} : memref<128x128xi32, #tpu.memory_space<vmem>>, vector<1x128xi32>,
    %slice3A_807 = vector.extract_strided_slice %convert_element_type3A_603 {offsets = [0, 6528], sizes = [1, 128], strides = [1, 1]} : vector<1x16384xi32> to vector<1x128xi32>
    %swap3A_808 = arith.constant 51 : index
    %swap3A_809 = arith.constant 0 : index
    %swap3A_810 = vector.load %arg2[%swap3A_808, %swap3A_809] : memref<128x128xi32, #tpu.memory_space<vmem>>, vector<1x128xi32>
    tpu.vector_store %arg2[%swap3A_808, %swap3A_809], %slice3A_807 {strides = array<i32>} : memref<128x128xi32, #tpu.memory_space<vmem>>, vector<1x128xi32>,
    %slice3A_811 = vector.extract_strided_slice %convert_element_type3A_603 {offsets = [0, 6656], sizes = [1, 128], strides = [1, 1]} : vector<1x16384xi32> to vector<1x128xi32>
    %swap3A_812 = arith.constant 52 : index
    %swap3A_813 = arith.constant 0 : index
    %swap3A_814 = vector.load %arg2[%swap3A_812, %swap3A_813] : memref<128x128xi32, #tpu.memory_space<vmem>>, vector<1x128xi32>
    tpu.vector_store %arg2[%swap3A_812, %swap3A_813], %slice3A_811 {strides = array<i32>} : memref<128x128xi32, #tpu.memory_space<vmem>>, vector<1x128xi32>,
    %slice3A_815 = vector.extract_strided_slice %convert_element_type3A_603 {offsets = [0, 6784], sizes = [1, 128], strides = [1, 1]} : vector<1x16384xi32> to vector<1x128xi32>
    %swap3A_816 = arith.constant 53 : index
    %swap3A_817 = arith.constant 0 : index
    %swap3A_818 = vector.load %arg2[%swap3A_816, %swap3A_817] : memref<128x128xi32, #tpu.memory_space<vmem>>, vector<1x128xi32>
    tpu.vector_store %arg2[%swap3A_816, %swap3A_817], %slice3A_815 {strides = array<i32>} : memref<128x128xi32, #tpu.memory_space<vmem>>, vector<1x128xi32>,
    %slice3A_819 = vector.extract_strided_slice %convert_element_type3A_603 {offsets = [0, 6912], sizes = [1, 128], strides = [1, 1]} : vector<1x16384xi32> to vector<1x128xi32>
    %swap3A_820 = arith.constant 54 : index
    %swap3A_821 = arith.constant 0 : index
    %swap3A_822 = vector.load %arg2[%swap3A_820, %swap3A_821] : memref<128x128xi32, #tpu.memory_space<vmem>>, vector<1x128xi32>
    tpu.vector_store %arg2[%swap3A_820, %swap3A_821], %slice3A_819 {strides = array<i32>} : memref<128x128xi32, #tpu.memory_space<vmem>>, vector<1x128xi32>,
    %slice3A_823 = vector.extract_strided_slice %convert_element_type3A_603 {offsets = [0, 7040], sizes = [1, 128], strides = [1, 1]} : vector<1x16384xi32> to vector<1x128xi32>
    %swap3A_824 = arith.constant 55 : index
    %swap3A_825 = arith.constant 0 : index
    %swap3A_826 = vector.load %arg2[%swap3A_824, %swap3A_825] : memref<128x128xi32, #tpu.memory_space<vmem>>, vector<1x128xi32>
    tpu.vector_store %arg2[%swap3A_824, %swap3A_825], %slice3A_823 {strides = array<i32>} : memref<128x128xi32, #tpu.memory_space<vmem>>, vector<1x128xi32>,
    %slice3A_827 = vector.extract_strided_slice %convert_element_type3A_603 {offsets = [0, 7168], sizes = [1, 128], strides = [1, 1]} : vector<1x16384xi32> to vector<1x128xi32>
    %swap3A_828 = arith.constant 56 : index
    %swap3A_829 = arith.constant 0 : index
    %swap3A_830 = vector.load %arg2[%swap3A_828, %swap3A_829] : memref<128x128xi32, #tpu.memory_space<vmem>>, vector<1x128xi32>
    tpu.vector_store %arg2[%swap3A_828, %swap3A_829], %slice3A_827 {strides = array<i32>} : memref<128x128xi32, #tpu.memory_space<vmem>>, vector<1x128xi32>,
    %slice3A_831 = vector.extract_strided_slice %convert_element_type3A_603 {offsets = [0, 7296], sizes = [1, 128], strides = [1, 1]} : vector<1x16384xi32> to vector<1x128xi32>
    %swap3A_832 = arith.constant 57 : index
    %swap3A_833 = arith.constant 0 : index
    %swap3A_834 = vector.load %arg2[%swap3A_832, %swap3A_833] : memref<128x128xi32, #tpu.memory_space<vmem>>, vector<1x128xi32>
    tpu.vector_store %arg2[%swap3A_832, %swap3A_833], %slice3A_831 {strides = array<i32>} : memref<128x128xi32, #tpu.memory_space<vmem>>, vector<1x128xi32>,
    %slice3A_835 = vector.extract_strided_slice %convert_element_type3A_603 {offsets = [0, 7424], sizes = [1, 128], strides = [1, 1]} : vector<1x16384xi32> to vector<1x128xi32>
    %swap3A_836 = arith.constant 58 : index
    %swap3A_837 = arith.constant 0 : index
    %swap3A_838 = vector.load %arg2[%swap3A_836, %swap3A_837] : memref<128x128xi32, #tpu.memory_space<vmem>>, vector<1x128xi32>
    tpu.vector_store %arg2[%swap3A_836, %swap3A_837], %slice3A_835 {strides = array<i32>} : memref<128x128xi32, #tpu.memory_space<vmem>>, vector<1x128xi32>,
    %slice3A_839 = vector.extract_strided_slice %convert_element_type3A_603 {offsets = [0, 7552], sizes = [1, 128], strides = [1, 1]} : vector<1x16384xi32> to vector<1x128xi32>
    %swap3A_840 = arith.constant 59 : index
    %swap3A_841 = arith.constant 0 : index
    %swap3A_842 = vector.load %arg2[%swap3A_840, %swap3A_841] : memref<128x128xi32, #tpu.memory_space<vmem>>, vector<1x128xi32>
    tpu.vector_store %arg2[%swap3A_840, %swap3A_841], %slice3A_839 {strides = array<i32>} : memref<128x128xi32, #tpu.memory_space<vmem>>, vector<1x128xi32>,
    %slice3A_843 = vector.extract_strided_slice %convert_element_type3A_603 {offsets = [0, 7680], sizes = [1, 128], strides = [1, 1]} : vector<1x16384xi32> to vector<1x128xi32>
    %swap3A_844 = arith.constant 60 : index
    %swap3A_845 = arith.constant 0 : index
    %swap3A_846 = vector.load %arg2[%swap3A_844, %swap3A_845] : memref<128x128xi32, #tpu.memory_space<vmem>>, vector<1x128xi32>
    tpu.vector_store %arg2[%swap3A_844, %swap3A_845], %slice3A_843 {strides = array<i32>} : memref<128x128xi32, #tpu.memory_space<vmem>>, vector<1x128xi32>,
    %slice3A_847 = vector.extract_strided_slice %convert_element_type3A_603 {offsets = [0, 7808], sizes = [1, 128], strides = [1, 1]} : vector<1x16384xi32> to vector<1x128xi32>
    %swap3A_848 = arith.constant 61 : index
    %swap3A_849 = arith.constant 0 : index
    %swap3A_850 = vector.load %arg2[%swap3A_848, %swap3A_849] : memref<128x128xi32, #tpu.memory_space<vmem>>, vector<1x128xi32>
    tpu.vector_store %arg2[%swap3A_848, %swap3A_849], %slice3A_847 {strides = array<i32>} : memref<128x128xi32, #tpu.memory_space<vmem>>, vector<1x128xi32>,
    %slice3A_851 = vector.extract_strided_slice %convert_element_type3A_603 {offsets = [0, 7936], sizes = [1, 128], strides = [1, 1]} : vector<1x16384xi32> to vector<1x128xi32>
    %swap3A_852 = arith.constant 62 : index
    %swap3A_853 = arith.constant 0 : index
    %swap3A_854 = vector.load %arg2[%swap3A_852, %swap3A_853] : memref<128x128xi32, #tpu.memory_space<vmem>>, vector<1x128xi32>
    tpu.vector_store %arg2[%swap3A_852, %swap3A_853], %slice3A_851 {strides = array<i32>} : memref<128x128xi32, #tpu.memory_space<vmem>>, vector<1x128xi32>,
    %slice3A_855 = vector.extract_strided_slice %convert_element_type3A_603 {offsets = [0, 8064], sizes = [1, 128], strides = [1, 1]} : vector<1x16384xi32> to vector<1x128xi32>
    %swap3A_856 = arith.constant 63 : index
    %swap3A_857 = arith.constant 0 : index
    %swap3A_858 = vector.load %arg2[%swap3A_856, %swap3A_857] : memref<128x128xi32, #tpu.memory_space<vmem>>, vector<1x128xi32>
    tpu.vector_store %arg2[%swap3A_856, %swap3A_857], %slice3A_855 {strides = array<i32>} : memref<128x128xi32, #tpu.memory_space<vmem>>, vector<1x128xi32>,
    %slice3A_859 = vector.extract_strided_slice %convert_element_type3A_603 {offsets = [0, 8192], sizes = [1, 128], strides = [1, 1]} : vector<1x16384xi32> to vector<1x128xi32>
    %swap3A_860 = arith.constant 64 : index
    %swap3A_861 = arith.constant 0 : index
    %swap3A_862 = vector.load %arg2[%swap3A_860, %swap3A_861] : memref<128x128xi32, #tpu.memory_space<vmem>>, vector<1x128xi32>
    tpu.vector_store %arg2[%swap3A_860, %swap3A_861], %slice3A_859 {strides = array<i32>} : memref<128x128xi32, #tpu.memory_space<vmem>>, vector<1x128xi32>,
    %slice3A_863 = vector.extract_strided_slice %convert_element_type3A_603 {offsets = [0, 8320], sizes = [1, 128], strides = [1, 1]} : vector<1x16384xi32> to vector<1x128xi32>
    %swap3A_864 = arith.constant 65 : index
    %swap3A_865 = arith.constant 0 : index
    %swap3A_866 = vector.load %arg2[%swap3A_864, %swap3A_865] : memref<128x128xi32, #tpu.memory_space<vmem>>, vector<1x128xi32>
    tpu.vector_store %arg2[%swap3A_864, %swap3A_865], %slice3A_863 {strides = array<i32>} : memref<128x128xi32, #tpu.memory_space<vmem>>, vector<1x128xi32>,
    %slice3A_867 = vector.extract_strided_slice %convert_element_type3A_603 {offsets = [0, 8448], sizes = [1, 128], strides = [1, 1]} : vector<1x16384xi32> to vector<1x128xi32>
    %swap3A_868 = arith.constant 66 : index
    %swap3A_869 = arith.constant 0 : index
    %swap3A_870 = vector.load %arg2[%swap3A_868, %swap3A_869] : memref<128x128xi32, #tpu.memory_space<vmem>>, vector<1x128xi32>
    tpu.vector_store %arg2[%swap3A_868, %swap3A_869], %slice3A_867 {strides = array<i32>} : memref<128x128xi32, #tpu.memory_space<vmem>>, vector<1x128xi32>,
    %slice3A_871 = vector.extract_strided_slice %convert_element_type3A_603 {offsets = [0, 8576], sizes = [1, 128], strides = [1, 1]} : vector<1x16384xi32> to vector<1x128xi32>
    %swap3A_872 = arith.constant 67 : index
    %swap3A_873 = arith.constant 0 : index
    %swap3A_874 = vector.load %arg2[%swap3A_872, %swap3A_873] : memref<128x128xi32, #tpu.memory_space<vmem>>, vector<1x128xi32>
    tpu.vector_store %arg2[%swap3A_872, %swap3A_873], %slice3A_871 {strides = array<i32>} : memref<128x128xi32, #tpu.memory_space<vmem>>, vector<1x128xi32>,
    %slice3A_875 = vector.extract_strided_slice %convert_element_type3A_603 {offsets = [0, 8704], sizes = [1, 128], strides = [1, 1]} : vector<1x16384xi32> to vector<1x128xi32>
    %swap3A_876 = arith.constant 68 : index
    %swap3A_877 = arith.constant 0 : index
    %swap3A_878 = vector.load %arg2[%swap3A_876, %swap3A_877] : memref<128x128xi32, #tpu.memory_space<vmem>>, vector<1x128xi32>
    tpu.vector_store %arg2[%swap3A_876, %swap3A_877], %slice3A_875 {strides = array<i32>} : memref<128x128xi32, #tpu.memory_space<vmem>>, vector<1x128xi32>,
    %slice3A_879 = vector.extract_strided_slice %convert_element_type3A_603 {offsets = [0, 8832], sizes = [1, 128], strides = [1, 1]} : vector<1x16384xi32> to vector<1x128xi32>
    %swap3A_880 = arith.constant 69 : index
    %swap3A_881 = arith.constant 0 : index
    %swap3A_882 = vector.load %arg2[%swap3A_880, %swap3A_881] : memref<128x128xi32, #tpu.memory_space<vmem>>, vector<1x128xi32>
    tpu.vector_store %arg2[%swap3A_880, %swap3A_881], %slice3A_879 {strides = array<i32>} : memref<128x128xi32, #tpu.memory_space<vmem>>, vector<1x128xi32>,
    %slice3A_883 = vector.extract_strided_slice %convert_element_type3A_603 {offsets = [0, 8960], sizes = [1, 128], strides = [1, 1]} : vector<1x16384xi32> to vector<1x128xi32>
    %swap3A_884 = arith.constant 70 : index
    %swap3A_885 = arith.constant 0 : index
    %swap3A_886 = vector.load %arg2[%swap3A_884, %swap3A_885] : memref<128x128xi32, #tpu.memory_space<vmem>>, vector<1x128xi32>
    tpu.vector_store %arg2[%swap3A_884, %swap3A_885], %slice3A_883 {strides = array<i32>} : memref<128x128xi32, #tpu.memory_space<vmem>>, vector<1x128xi32>,
    %slice3A_887 = vector.extract_strided_slice %convert_element_type3A_603 {offsets = [0, 9088], sizes = [1, 128], strides = [1, 1]} : vector<1x16384xi32> to vector<1x128xi32>
    %swap3A_888 = arith.constant 71 : index
    %swap3A_889 = arith.constant 0 : index
    %swap3A_890 = vector.load %arg2[%swap3A_888, %swap3A_889] : memref<128x128xi32, #tpu.memory_space<vmem>>, vector<1x128xi32>
    tpu.vector_store %arg2[%swap3A_888, %swap3A_889], %slice3A_887 {strides = array<i32>} : memref<128x128xi32, #tpu.memory_space<vmem>>, vector<1x128xi32>,
    %slice3A_891 = vector.extract_strided_slice %convert_element_type3A_603 {offsets = [0, 9216], sizes = [1, 128], strides = [1, 1]} : vector<1x16384xi32> to vector<1x128xi32>
    %swap3A_892 = arith.constant 72 : index
    %swap3A_893 = arith.constant 0 : index
    %swap3A_894 = vector.load %arg2[%swap3A_892, %swap3A_893] : memref<128x128xi32, #tpu.memory_space<vmem>>, vector<1x128xi32>
    tpu.vector_store %arg2[%swap3A_892, %swap3A_893], %slice3A_891 {strides = array<i32>} : memref<128x128xi32, #tpu.memory_space<vmem>>, vector<1x128xi32>,
    %slice3A_895 = vector.extract_strided_slice %convert_element_type3A_603 {offsets = [0, 9344], sizes = [1, 128], strides = [1, 1]} : vector<1x16384xi32> to vector<1x128xi32>
    %swap3A_896 = arith.constant 73 : index
    %swap3A_897 = arith.constant 0 : index
    %swap3A_898 = vector.load %arg2[%swap3A_896, %swap3A_897] : memref<128x128xi32, #tpu.memory_space<vmem>>, vector<1x128xi32>
    tpu.vector_store %arg2[%swap3A_896, %swap3A_897], %slice3A_895 {strides = array<i32>} : memref<128x128xi32, #tpu.memory_space<vmem>>, vector<1x128xi32>,
    %slice3A_899 = vector.extract_strided_slice %convert_element_type3A_603 {offsets = [0, 9472], sizes = [1, 128], strides = [1, 1]} : vector<1x16384xi32> to vector<1x128xi32>
    %swap3A_900 = arith.constant 74 : index
    %swap3A_901 = arith.constant 0 : index
    %swap3A_902 = vector.load %arg2[%swap3A_900, %swap3A_901] : memref<128x128xi32, #tpu.memory_space<vmem>>, vector<1x128xi32>
    tpu.vector_store %arg2[%swap3A_900, %swap3A_901], %slice3A_899 {strides = array<i32>} : memref<128x128xi32, #tpu.memory_space<vmem>>, vector<1x128xi32>,
    %slice3A_903 = vector.extract_strided_slice %convert_element_type3A_603 {offsets = [0, 9600], sizes = [1, 128], strides = [1, 1]} : vector<1x16384xi32> to vector<1x128xi32>
    %swap3A_904 = arith.constant 75 : index
    %swap3A_905 = arith.constant 0 : index
    %swap3A_906 = vector.load %arg2[%swap3A_904, %swap3A_905] : memref<128x128xi32, #tpu.memory_space<vmem>>, vector<1x128xi32>
    tpu.vector_store %arg2[%swap3A_904, %swap3A_905], %slice3A_903 {strides = array<i32>} : memref<128x128xi32, #tpu.memory_space<vmem>>, vector<1x128xi32>,
    %slice3A_907 = vector.extract_strided_slice %convert_element_type3A_603 {offsets = [0, 9728], sizes = [1, 128], strides = [1, 1]} : vector<1x16384xi32> to vector<1x128xi32>
    %swap3A_908 = arith.constant 76 : index
    %swap3A_909 = arith.constant 0 : index
    %swap3A_910 = vector.load %arg2[%swap3A_908, %swap3A_909] : memref<128x128xi32, #tpu.memory_space<vmem>>, vector<1x128xi32>
    tpu.vector_store %arg2[%swap3A_908, %swap3A_909], %slice3A_907 {strides = array<i32>} : memref<128x128xi32, #tpu.memory_space<vmem>>, vector<1x128xi32>,
    %slice3A_911 = vector.extract_strided_slice %convert_element_type3A_603 {offsets = [0, 9856], sizes = [1, 128], strides = [1, 1]} : vector<1x16384xi32> to vector<1x128xi32>
    %swap3A_912 = arith.constant 77 : index
    %swap3A_913 = arith.constant 0 : index
    %swap3A_914 = vector.load %arg2[%swap3A_912, %swap3A_913] : memref<128x128xi32, #tpu.memory_space<vmem>>, vector<1x128xi32>
    tpu.vector_store %arg2[%swap3A_912, %swap3A_913], %slice3A_911 {strides = array<i32>} : memref<128x128xi32, #tpu.memory_space<vmem>>, vector<1x128xi32>,
    %slice3A_915 = vector.extract_strided_slice %convert_element_type3A_603 {offsets = [0, 9984], sizes = [1, 128], strides = [1, 1]} : vector<1x16384xi32> to vector<1x128xi32>
    %swap3A_916 = arith.constant 78 : index
    %swap3A_917 = arith.constant 0 : index
    %swap3A_918 = vector.load %arg2[%swap3A_916, %swap3A_917] : memref<128x128xi32, #tpu.memory_space<vmem>>, vector<1x128xi32>
    tpu.vector_store %arg2[%swap3A_916, %swap3A_917], %slice3A_915 {strides = array<i32>} : memref<128x128xi32, #tpu.memory_space<vmem>>, vector<1x128xi32>,
    %slice3A_919 = vector.extract_strided_slice %convert_element_type3A_603 {offsets = [0, 10112], sizes = [1, 128], strides = [1, 1]} : vector<1x16384xi32> to vector<1x128xi32>
    %swap3A_920 = arith.constant 79 : index
    %swap3A_921 = arith.constant 0 : index
    %swap3A_922 = vector.load %arg2[%swap3A_920, %swap3A_921] : memref<128x128xi32, #tpu.memory_space<vmem>>, vector<1x128xi32>
    tpu.vector_store %arg2[%swap3A_920, %swap3A_921], %slice3A_919 {strides = array<i32>} : memref<128x128xi32, #tpu.memory_space<vmem>>, vector<1x128xi32>,
    %slice3A_923 = vector.extract_strided_slice %convert_element_type3A_603 {offsets = [0, 10240], sizes = [1, 128], strides = [1, 1]} : vector<1x16384xi32> to vector<1x128xi32>
    %swap3A_924 = arith.constant 80 : index
    %swap3A_925 = arith.constant 0 : index
    %swap3A_926 = vector.load %arg2[%swap3A_924, %swap3A_925] : memref<128x128xi32, #tpu.memory_space<vmem>>, vector<1x128xi32>
    tpu.vector_store %arg2[%swap3A_924, %swap3A_925], %slice3A_923 {strides = array<i32>} : memref<128x128xi32, #tpu.memory_space<vmem>>, vector<1x128xi32>,
    %slice3A_927 = vector.extract_strided_slice %convert_element_type3A_603 {offsets = [0, 10368], sizes = [1, 128], strides = [1, 1]} : vector<1x16384xi32> to vector<1x128xi32>
    %swap3A_928 = arith.constant 81 : index
    %swap3A_929 = arith.constant 0 : index
    %swap3A_930 = vector.load %arg2[%swap3A_928, %swap3A_929] : memref<128x128xi32, #tpu.memory_space<vmem>>, vector<1x128xi32>
    tpu.vector_store %arg2[%swap3A_928, %swap3A_929], %slice3A_927 {strides = array<i32>} : memref<128x128xi32, #tpu.memory_space<vmem>>, vector<1x128xi32>,
    %slice3A_931 = vector.extract_strided_slice %convert_element_type3A_603 {offsets = [0, 10496], sizes = [1, 128], strides = [1, 1]} : vector<1x16384xi32> to vector<1x128xi32>
    %swap3A_932 = arith.constant 82 : index
    %swap3A_933 = arith.constant 0 : index
    %swap3A_934 = vector.load %arg2[%swap3A_932, %swap3A_933] : memref<128x128xi32, #tpu.memory_space<vmem>>, vector<1x128xi32>
    tpu.vector_store %arg2[%swap3A_932, %swap3A_933], %slice3A_931 {strides = array<i32>} : memref<128x128xi32, #tpu.memory_space<vmem>>, vector<1x128xi32>,
    %slice3A_935 = vector.extract_strided_slice %convert_element_type3A_603 {offsets = [0, 10624], sizes = [1, 128], strides = [1, 1]} : vector<1x16384xi32> to vector<1x128xi32>
    %swap3A_936 = arith.constant 83 : index
    %swap3A_937 = arith.constant 0 : index
    %swap3A_938 = vector.load %arg2[%swap3A_936, %swap3A_937] : memref<128x128xi32, #tpu.memory_space<vmem>>, vector<1x128xi32>
    tpu.vector_store %arg2[%swap3A_936, %swap3A_937], %slice3A_935 {strides = array<i32>} : memref<128x128xi32, #tpu.memory_space<vmem>>, vector<1x128xi32>,
    %slice3A_939 = vector.extract_strided_slice %convert_element_type3A_603 {offsets = [0, 10752], sizes = [1, 128], strides = [1, 1]} : vector<1x16384xi32> to vector<1x128xi32>
    %swap3A_940 = arith.constant 84 : index
    %swap3A_941 = arith.constant 0 : index
    %swap3A_942 = vector.load %arg2[%swap3A_940, %swap3A_941] : memref<128x128xi32, #tpu.memory_space<vmem>>, vector<1x128xi32>
    tpu.vector_store %arg2[%swap3A_940, %swap3A_941], %slice3A_939 {strides = array<i32>} : memref<128x128xi32, #tpu.memory_space<vmem>>, vector<1x128xi32>,
    %slice3A_943 = vector.extract_strided_slice %convert_element_type3A_603 {offsets = [0, 10880], sizes = [1, 128], strides = [1, 1]} : vector<1x16384xi32> to vector<1x128xi32>
    %swap3A_944 = arith.constant 85 : index
    %swap3A_945 = arith.constant 0 : index
    %swap3A_946 = vector.load %arg2[%swap3A_944, %swap3A_945] : memref<128x128xi32, #tpu.memory_space<vmem>>, vector<1x128xi32>
    tpu.vector_store %arg2[%swap3A_944, %swap3A_945], %slice3A_943 {strides = array<i32>} : memref<128x128xi32, #tpu.memory_space<vmem>>, vector<1x128xi32>,
    %slice3A_947 = vector.extract_strided_slice %convert_element_type3A_603 {offsets = [0, 11008], sizes = [1, 128], strides = [1, 1]} : vector<1x16384xi32> to vector<1x128xi32>
    %swap3A_948 = arith.constant 86 : index
    %swap3A_949 = arith.constant 0 : index
    %swap3A_950 = vector.load %arg2[%swap3A_948, %swap3A_949] : memref<128x128xi32, #tpu.memory_space<vmem>>, vector<1x128xi32>
    tpu.vector_store %arg2[%swap3A_948, %swap3A_949], %slice3A_947 {strides = array<i32>} : memref<128x128xi32, #tpu.memory_space<vmem>>, vector<1x128xi32>,
    %slice3A_951 = vector.extract_strided_slice %convert_element_type3A_603 {offsets = [0, 11136], sizes = [1, 128], strides = [1, 1]} : vector<1x16384xi32> to vector<1x128xi32>
    %swap3A_952 = arith.constant 87 : index
    %swap3A_953 = arith.constant 0 : index
    %swap3A_954 = vector.load %arg2[%swap3A_952, %swap3A_953] : memref<128x128xi32, #tpu.memory_space<vmem>>, vector<1x128xi32>
    tpu.vector_store %arg2[%swap3A_952, %swap3A_953], %slice3A_951 {strides = array<i32>} : memref<128x128xi32, #tpu.memory_space<vmem>>, vector<1x128xi32>,
    %slice3A_955 = vector.extract_strided_slice %convert_element_type3A_603 {offsets = [0, 11264], sizes = [1, 128], strides = [1, 1]} : vector<1x16384xi32> to vector<1x128xi32>
    %swap3A_956 = arith.constant 88 : index
    %swap3A_957 = arith.constant 0 : index
    %swap3A_958 = vector.load %arg2[%swap3A_956, %swap3A_957] : memref<128x128xi32, #tpu.memory_space<vmem>>, vector<1x128xi32>
    tpu.vector_store %arg2[%swap3A_956, %swap3A_957], %slice3A_955 {strides = array<i32>} : memref<128x128xi32, #tpu.memory_space<vmem>>, vector<1x128xi32>,
    %slice3A_959 = vector.extract_strided_slice %convert_element_type3A_603 {offsets = [0, 11392], sizes = [1, 128], strides = [1, 1]} : vector<1x16384xi32> to vector<1x128xi32>
    %swap3A_960 = arith.constant 89 : index
    %swap3A_961 = arith.constant 0 : index
    %swap3A_962 = vector.load %arg2[%swap3A_960, %swap3A_961] : memref<128x128xi32, #tpu.memory_space<vmem>>, vector<1x128xi32>
    tpu.vector_store %arg2[%swap3A_960, %swap3A_961], %slice3A_959 {strides = array<i32>} : memref<128x128xi32, #tpu.memory_space<vmem>>, vector<1x128xi32>,
    %slice3A_963 = vector.extract_strided_slice %convert_element_type3A_603 {offsets = [0, 11520], sizes = [1, 128], strides = [1, 1]} : vector<1x16384xi32> to vector<1x128xi32>
    %swap3A_964 = arith.constant 90 : index
    %swap3A_965 = arith.constant 0 : index
    %swap3A_966 = vector.load %arg2[%swap3A_964, %swap3A_965] : memref<128x128xi32, #tpu.memory_space<vmem>>, vector<1x128xi32>
    tpu.vector_store %arg2[%swap3A_964, %swap3A_965], %slice3A_963 {strides = array<i32>} : memref<128x128xi32, #tpu.memory_space<vmem>>, vector<1x128xi32>,
    %slice3A_967 = vector.extract_strided_slice %convert_element_type3A_603 {offsets = [0, 11648], sizes = [1, 128], strides = [1, 1]} : vector<1x16384xi32> to vector<1x128xi32>
    %swap3A_968 = arith.constant 91 : index
    %swap3A_969 = arith.constant 0 : index
    %swap3A_970 = vector.load %arg2[%swap3A_968, %swap3A_969] : memref<128x128xi32, #tpu.memory_space<vmem>>, vector<1x128xi32>
    tpu.vector_store %arg2[%swap3A_968, %swap3A_969], %slice3A_967 {strides = array<i32>} : memref<128x128xi32, #tpu.memory_space<vmem>>, vector<1x128xi32>,
    %slice3A_971 = vector.extract_strided_slice %convert_element_type3A_603 {offsets = [0, 11776], sizes = [1, 128], strides = [1, 1]} : vector<1x16384xi32> to vector<1x128xi32>
    %swap3A_972 = arith.constant 92 : index
    %swap3A_973 = arith.constant 0 : index
    %swap3A_974 = vector.load %arg2[%swap3A_972, %swap3A_973] : memref<128x128xi32, #tpu.memory_space<vmem>>, vector<1x128xi32>
    tpu.vector_store %arg2[%swap3A_972, %swap3A_973], %slice3A_971 {strides = array<i32>} : memref<128x128xi32, #tpu.memory_space<vmem>>, vector<1x128xi32>,
    %slice3A_975 = vector.extract_strided_slice %convert_element_type3A_603 {offsets = [0, 11904], sizes = [1, 128], strides = [1, 1]} : vector<1x16384xi32> to vector<1x128xi32>
    %swap3A_976 = arith.constant 93 : index
    %swap3A_977 = arith.constant 0 : index
    %swap3A_978 = vector.load %arg2[%swap3A_976, %swap3A_977] : memref<128x128xi32, #tpu.memory_space<vmem>>, vector<1x128xi32>
    tpu.vector_store %arg2[%swap3A_976, %swap3A_977], %slice3A_975 {strides = array<i32>} : memref<128x128xi32, #tpu.memory_space<vmem>>, vector<1x128xi32>,
    %slice3A_979 = vector.extract_strided_slice %convert_element_type3A_603 {offsets = [0, 12032], sizes = [1, 128], strides = [1, 1]} : vector<1x16384xi32> to vector<1x128xi32>
    %swap3A_980 = arith.constant 94 : index
    %swap3A_981 = arith.constant 0 : index
    %swap3A_982 = vector.load %arg2[%swap3A_980, %swap3A_981] : memref<128x128xi32, #tpu.memory_space<vmem>>, vector<1x128xi32>
    tpu.vector_store %arg2[%swap3A_980, %swap3A_981], %slice3A_979 {strides = array<i32>} : memref<128x128xi32, #tpu.memory_space<vmem>>, vector<1x128xi32>,
    %slice3A_983 = vector.extract_strided_slice %convert_element_type3A_603 {offsets = [0, 12160], sizes = [1, 128], strides = [1, 1]} : vector<1x16384xi32> to vector<1x128xi32>
    %swap3A_984 = arith.constant 95 : index
    %swap3A_985 = arith.constant 0 : index
    %swap3A_986 = vector.load %arg2[%swap3A_984, %swap3A_985] : memref<128x128xi32, #tpu.memory_space<vmem>>, vector<1x128xi32>
    tpu.vector_store %arg2[%swap3A_984, %swap3A_985], %slice3A_983 {strides = array<i32>} : memref<128x128xi32, #tpu.memory_space<vmem>>, vector<1x128xi32>,
    %slice3A_987 = vector.extract_strided_slice %convert_element_type3A_603 {offsets = [0, 12288], sizes = [1, 128], strides = [1, 1]} : vector<1x16384xi32> to vector<1x128xi32>
    %swap3A_988 = arith.constant 96 : index
    %swap3A_989 = arith.constant 0 : index
    %swap3A_990 = vector.load %arg2[%swap3A_988, %swap3A_989] : memref<128x128xi32, #tpu.memory_space<vmem>>, vector<1x128xi32>
    tpu.vector_store %arg2[%swap3A_988, %swap3A_989], %slice3A_987 {strides = array<i32>} : memref<128x128xi32, #tpu.memory_space<vmem>>, vector<1x128xi32>,
    %slice3A_991 = vector.extract_strided_slice %convert_element_type3A_603 {offsets = [0, 12416], sizes = [1, 128], strides = [1, 1]} : vector<1x16384xi32> to vector<1x128xi32>
    %swap3A_992 = arith.constant 97 : index
    %swap3A_993 = arith.constant 0 : index
    %swap3A_994 = vector.load %arg2[%swap3A_992, %swap3A_993] : memref<128x128xi32, #tpu.memory_space<vmem>>, vector<1x128xi32>
    tpu.vector_store %arg2[%swap3A_992, %swap3A_993], %slice3A_991 {strides = array<i32>} : memref<128x128xi32, #tpu.memory_space<vmem>>, vector<1x128xi32>,
    %slice3A_995 = vector.extract_strided_slice %convert_element_type3A_603 {offsets = [0, 12544], sizes = [1, 128], strides = [1, 1]} : vector<1x16384xi32> to vector<1x128xi32>
    %swap3A_996 = arith.constant 98 : index
    %swap3A_997 = arith.constant 0 : index
    %swap3A_998 = vector.load %arg2[%swap3A_996, %swap3A_997] : memref<128x128xi32, #tpu.memory_space<vmem>>, vector<1x128xi32>
    tpu.vector_store %arg2[%swap3A_996, %swap3A_997], %slice3A_995 {strides = array<i32>} : memref<128x128xi32, #tpu.memory_space<vmem>>, vector<1x128xi32>,
    %slice3A_999 = vector.extract_strided_slice %convert_element_type3A_603 {offsets = [0, 12672], sizes = [1, 128], strides = [1, 1]} : vector<1x16384xi32> to vector<1x128xi32>
    %swap3A_1000 = arith.constant 99 : index
    %swap3A_1001 = arith.constant 0 : index
    %swap3A_1002 = vector.load %arg2[%swap3A_1000, %swap3A_1001] : memref<128x128xi32, #tpu.memory_space<vmem>>, vector<1x128xi32>
    tpu.vector_store %arg2[%swap3A_1000, %swap3A_1001], %slice3A_999 {strides = array<i32>} : memref<128x128xi32, #tpu.memory_space<vmem>>, vector<1x128xi32>,
    %slice3A_1003 = vector.extract_strided_slice %convert_element_type3A_603 {offsets = [0, 12800], sizes = [1, 128], strides = [1, 1]} : vector<1x16384xi32> to vector<1x128xi32>
    %swap3A_1004 = arith.constant 100 : index
    %swap3A_1005 = arith.constant 0 : index
    %swap3A_1006 = vector.load %arg2[%swap3A_1004, %swap3A_1005] : memref<128x128xi32, #tpu.memory_space<vmem>>, vector<1x128xi32>
    tpu.vector_store %arg2[%swap3A_1004, %swap3A_1005], %slice3A_1003 {strides = array<i32>} : memref<128x128xi32, #tpu.memory_space<vmem>>, vector<1x128xi32>,
    %slice3A_1007 = vector.extract_strided_slice %convert_element_type3A_603 {offsets = [0, 12928], sizes = [1, 128], strides = [1, 1]} : vector<1x16384xi32> to vector<1x128xi32>
    %swap3A_1008 = arith.constant 101 : index
    %swap3A_1009 = arith.constant 0 : index
    %swap3A_1010 = vector.load %arg2[%swap3A_1008, %swap3A_1009] : memref<128x128xi32, #tpu.memory_space<vmem>>, vector<1x128xi32>
    tpu.vector_store %arg2[%swap3A_1008, %swap3A_1009], %slice3A_1007 {strides = array<i32>} : memref<128x128xi32, #tpu.memory_space<vmem>>, vector<1x128xi32>,
    %slice3A_1011 = vector.extract_strided_slice %convert_element_type3A_603 {offsets = [0, 13056], sizes = [1, 128], strides = [1, 1]} : vector<1x16384xi32> to vector<1x128xi32>
    %swap3A_1012 = arith.constant 102 : index
    %swap3A_1013 = arith.constant 0 : index
    %swap3A_1014 = vector.load %arg2[%swap3A_1012, %swap3A_1013] : memref<128x128xi32, #tpu.memory_space<vmem>>, vector<1x128xi32>
    tpu.vector_store %arg2[%swap3A_1012, %swap3A_1013], %slice3A_1011 {strides = array<i32>} : memref<128x128xi32, #tpu.memory_space<vmem>>, vector<1x128xi32>,
    %slice3A_1015 = vector.extract_strided_slice %convert_element_type3A_603 {offsets = [0, 13184], sizes = [1, 128], strides = [1, 1]} : vector<1x16384xi32> to vector<1x128xi32>
    %swap3A_1016 = arith.constant 103 : index
    %swap3A_1017 = arith.constant 0 : index
    %swap3A_1018 = vector.load %arg2[%swap3A_1016, %swap3A_1017] : memref<128x128xi32, #tpu.memory_space<vmem>>, vector<1x128xi32>
    tpu.vector_store %arg2[%swap3A_1016, %swap3A_1017], %slice3A_1015 {strides = array<i32>} : memref<128x128xi32, #tpu.memory_space<vmem>>, vector<1x128xi32>,
    %slice3A_1019 = vector.extract_strided_slice %convert_element_type3A_603 {offsets = [0, 13312], sizes = [1, 128], strides = [1, 1]} : vector<1x16384xi32> to vector<1x128xi32>
    %swap3A_1020 = arith.constant 104 : index
    %swap3A_1021 = arith.constant 0 : index
    %swap3A_1022 = vector.load %arg2[%swap3A_1020, %swap3A_1021] : memref<128x128xi32, #tpu.memory_space<vmem>>, vector<1x128xi32>
    tpu.vector_store %arg2[%swap3A_1020, %swap3A_1021], %slice3A_1019 {strides = array<i32>} : memref<128x128xi32, #tpu.memory_space<vmem>>, vector<1x128xi32>,
    %slice3A_1023 = vector.extract_strided_slice %convert_element_type3A_603 {offsets = [0, 13440], sizes = [1, 128], strides = [1, 1]} : vector<1x16384xi32> to vector<1x128xi32>
    %swap3A_1024 = arith.constant 105 : index
    %swap3A_1025 = arith.constant 0 : index
    %swap3A_1026 = vector.load %arg2[%swap3A_1024, %swap3A_1025] : memref<128x128xi32, #tpu.memory_space<vmem>>, vector<1x128xi32>
    tpu.vector_store %arg2[%swap3A_1024, %swap3A_1025], %slice3A_1023 {strides = array<i32>} : memref<128x128xi32, #tpu.memory_space<vmem>>, vector<1x128xi32>,
    %slice3A_1027 = vector.extract_strided_slice %convert_element_type3A_603 {offsets = [0, 13568], sizes = [1, 128], strides = [1, 1]} : vector<1x16384xi32> to vector<1x128xi32>
    %swap3A_1028 = arith.constant 106 : index
    %swap3A_1029 = arith.constant 0 : index
    %swap3A_1030 = vector.load %arg2[%swap3A_1028, %swap3A_1029] : memref<128x128xi32, #tpu.memory_space<vmem>>, vector<1x128xi32>
    tpu.vector_store %arg2[%swap3A_1028, %swap3A_1029], %slice3A_1027 {strides = array<i32>} : memref<128x128xi32, #tpu.memory_space<vmem>>, vector<1x128xi32>,
    %slice3A_1031 = vector.extract_strided_slice %convert_element_type3A_603 {offsets = [0, 13696], sizes = [1, 128], strides = [1, 1]} : vector<1x16384xi32> to vector<1x128xi32>
    %swap3A_1032 = arith.constant 107 : index
    %swap3A_1033 = arith.constant 0 : index
    %swap3A_1034 = vector.load %arg2[%swap3A_1032, %swap3A_1033] : memref<128x128xi32, #tpu.memory_space<vmem>>, vector<1x128xi32>
    tpu.vector_store %arg2[%swap3A_1032, %swap3A_1033], %slice3A_1031 {strides = array<i32>} : memref<128x128xi32, #tpu.memory_space<vmem>>, vector<1x128xi32>,
    %slice3A_1035 = vector.extract_strided_slice %convert_element_type3A_603 {offsets = [0, 13824], sizes = [1, 128], strides = [1, 1]} : vector<1x16384xi32> to vector<1x128xi32>
    %swap3A_1036 = arith.constant 108 : index
    %swap3A_1037 = arith.constant 0 : index
    %swap3A_1038 = vector.load %arg2[%swap3A_1036, %swap3A_1037] : memref<128x128xi32, #tpu.memory_space<vmem>>, vector<1x128xi32>
    tpu.vector_store %arg2[%swap3A_1036, %swap3A_1037], %slice3A_1035 {strides = array<i32>} : memref<128x128xi32, #tpu.memory_space<vmem>>, vector<1x128xi32>,
    %slice3A_1039 = vector.extract_strided_slice %convert_element_type3A_603 {offsets = [0, 13952], sizes = [1, 128], strides = [1, 1]} : vector<1x16384xi32> to vector<1x128xi32>
    %swap3A_1040 = arith.constant 109 : index
    %swap3A_1041 = arith.constant 0 : index
    %swap3A_1042 = vector.load %arg2[%swap3A_1040, %swap3A_1041] : memref<128x128xi32, #tpu.memory_space<vmem>>, vector<1x128xi32>
    tpu.vector_store %arg2[%swap3A_1040, %swap3A_1041], %slice3A_1039 {strides = array<i32>} : memref<128x128xi32, #tpu.memory_space<vmem>>, vector<1x128xi32>,
    %slice3A_1043 = vector.extract_strided_slice %convert_element_type3A_603 {offsets = [0, 14080], sizes = [1, 128], strides = [1, 1]} : vector<1x16384xi32> to vector<1x128xi32>
    %swap3A_1044 = arith.constant 110 : index
    %swap3A_1045 = arith.constant 0 : index
    %swap3A_1046 = vector.load %arg2[%swap3A_1044, %swap3A_1045] : memref<128x128xi32, #tpu.memory_space<vmem>>, vector<1x128xi32>
    tpu.vector_store %arg2[%swap3A_1044, %swap3A_1045], %slice3A_1043 {strides = array<i32>} : memref<128x128xi32, #tpu.memory_space<vmem>>, vector<1x128xi32>,
    %slice3A_1047 = vector.extract_strided_slice %convert_element_type3A_603 {offsets = [0, 14208], sizes = [1, 128], strides = [1, 1]} : vector<1x16384xi32> to vector<1x128xi32>
    %swap3A_1048 = arith.constant 111 : index
    %swap3A_1049 = arith.constant 0 : index
    %swap3A_1050 = vector.load %arg2[%swap3A_1048, %swap3A_1049] : memref<128x128xi32, #tpu.memory_space<vmem>>, vector<1x128xi32>
    tpu.vector_store %arg2[%swap3A_1048, %swap3A_1049], %slice3A_1047 {strides = array<i32>} : memref<128x128xi32, #tpu.memory_space<vmem>>, vector<1x128xi32>,
    %slice3A_1051 = vector.extract_strided_slice %convert_element_type3A_603 {offsets = [0, 14336], sizes = [1, 128], strides = [1, 1]} : vector<1x16384xi32> to vector<1x128xi32>
    %swap3A_1052 = arith.constant 112 : index
    %swap3A_1053 = arith.constant 0 : index
    %swap3A_1054 = vector.load %arg2[%swap3A_1052, %swap3A_1053] : memref<128x128xi32, #tpu.memory_space<vmem>>, vector<1x128xi32>
    tpu.vector_store %arg2[%swap3A_1052, %swap3A_1053], %slice3A_1051 {strides = array<i32>} : memref<128x128xi32, #tpu.memory_space<vmem>>, vector<1x128xi32>,
    %slice3A_1055 = vector.extract_strided_slice %convert_element_type3A_603 {offsets = [0, 14464], sizes = [1, 128], strides = [1, 1]} : vector<1x16384xi32> to vector<1x128xi32>
    %swap3A_1056 = arith.constant 113 : index
    %swap3A_1057 = arith.constant 0 : index
    %swap3A_1058 = vector.load %arg2[%swap3A_1056, %swap3A_1057] : memref<128x128xi32, #tpu.memory_space<vmem>>, vector<1x128xi32>
    tpu.vector_store %arg2[%swap3A_1056, %swap3A_1057], %slice3A_1055 {strides = array<i32>} : memref<128x128xi32, #tpu.memory_space<vmem>>, vector<1x128xi32>,
    %slice3A_1059 = vector.extract_strided_slice %convert_element_type3A_603 {offsets = [0, 14592], sizes = [1, 128], strides = [1, 1]} : vector<1x16384xi32> to vector<1x128xi32>
    %swap3A_1060 = arith.constant 114 : index
    %swap3A_1061 = arith.constant 0 : index
    %swap3A_1062 = vector.load %arg2[%swap3A_1060, %swap3A_1061] : memref<128x128xi32, #tpu.memory_space<vmem>>, vector<1x128xi32>
    tpu.vector_store %arg2[%swap3A_1060, %swap3A_1061], %slice3A_1059 {strides = array<i32>} : memref<128x128xi32, #tpu.memory_space<vmem>>, vector<1x128xi32>,
    %slice3A_1063 = vector.extract_strided_slice %convert_element_type3A_603 {offsets = [0, 14720], sizes = [1, 128], strides = [1, 1]} : vector<1x16384xi32> to vector<1x128xi32>
    %swap3A_1064 = arith.constant 115 : index
    %swap3A_1065 = arith.constant 0 : index
    %swap3A_1066 = vector.load %arg2[%swap3A_1064, %swap3A_1065] : memref<128x128xi32, #tpu.memory_space<vmem>>, vector<1x128xi32>
    tpu.vector_store %arg2[%swap3A_1064, %swap3A_1065], %slice3A_1063 {strides = array<i32>} : memref<128x128xi32, #tpu.memory_space<vmem>>, vector<1x128xi32>,
    %slice3A_1067 = vector.extract_strided_slice %convert_element_type3A_603 {offsets = [0, 14848], sizes = [1, 128], strides = [1, 1]} : vector<1x16384xi32> to vector<1x128xi32>
    %swap3A_1068 = arith.constant 116 : index
    %swap3A_1069 = arith.constant 0 : index
    %swap3A_1070 = vector.load %arg2[%swap3A_1068, %swap3A_1069] : memref<128x128xi32, #tpu.memory_space<vmem>>, vector<1x128xi32>
    tpu.vector_store %arg2[%swap3A_1068, %swap3A_1069], %slice3A_1067 {strides = array<i32>} : memref<128x128xi32, #tpu.memory_space<vmem>>, vector<1x128xi32>,
    %slice3A_1071 = vector.extract_strided_slice %convert_element_type3A_603 {offsets = [0, 14976], sizes = [1, 128], strides = [1, 1]} : vector<1x16384xi32> to vector<1x128xi32>
    %swap3A_1072 = arith.constant 117 : index
    %swap3A_1073 = arith.constant 0 : index
    %swap3A_1074 = vector.load %arg2[%swap3A_1072, %swap3A_1073] : memref<128x128xi32, #tpu.memory_space<vmem>>, vector<1x128xi32>
    tpu.vector_store %arg2[%swap3A_1072, %swap3A_1073], %slice3A_1071 {strides = array<i32>} : memref<128x128xi32, #tpu.memory_space<vmem>>, vector<1x128xi32>,
    %slice3A_1075 = vector.extract_strided_slice %convert_element_type3A_603 {offsets = [0, 15104], sizes = [1, 128], strides = [1, 1]} : vector<1x16384xi32> to vector<1x128xi32>
    %swap3A_1076 = arith.constant 118 : index
    %swap3A_1077 = arith.constant 0 : index
    %swap3A_1078 = vector.load %arg2[%swap3A_1076, %swap3A_1077] : memref<128x128xi32, #tpu.memory_space<vmem>>, vector<1x128xi32>
    tpu.vector_store %arg2[%swap3A_1076, %swap3A_1077], %slice3A_1075 {strides = array<i32>} : memref<128x128xi32, #tpu.memory_space<vmem>>, vector<1x128xi32>,
    %slice3A_1079 = vector.extract_strided_slice %convert_element_type3A_603 {offsets = [0, 15232], sizes = [1, 128], strides = [1, 1]} : vector<1x16384xi32> to vector<1x128xi32>
    %swap3A_1080 = arith.constant 119 : index
    %swap3A_1081 = arith.constant 0 : index
    %swap3A_1082 = vector.load %arg2[%swap3A_1080, %swap3A_1081] : memref<128x128xi32, #tpu.memory_space<vmem>>, vector<1x128xi32>
    tpu.vector_store %arg2[%swap3A_1080, %swap3A_1081], %slice3A_1079 {strides = array<i32>} : memref<128x128xi32, #tpu.memory_space<vmem>>, vector<1x128xi32>,
    %slice3A_1083 = vector.extract_strided_slice %convert_element_type3A_603 {offsets = [0, 15360], sizes = [1, 128], strides = [1, 1]} : vector<1x16384xi32> to vector<1x128xi32>
    %swap3A_1084 = arith.constant 120 : index
    %swap3A_1085 = arith.constant 0 : index
    %swap3A_1086 = vector.load %arg2[%swap3A_1084, %swap3A_1085] : memref<128x128xi32, #tpu.memory_space<vmem>>, vector<1x128xi32>
    tpu.vector_store %arg2[%swap3A_1084, %swap3A_1085], %slice3A_1083 {strides = array<i32>} : memref<128x128xi32, #tpu.memory_space<vmem>>, vector<1x128xi32>,
    %slice3A_1087 = vector.extract_strided_slice %convert_element_type3A_603 {offsets = [0, 15488], sizes = [1, 128], strides = [1, 1]} : vector<1x16384xi32> to vector<1x128xi32>
    %swap3A_1088 = arith.constant 121 : index
    %swap3A_1089 = arith.constant 0 : index
    %swap3A_1090 = vector.load %arg2[%swap3A_1088, %swap3A_1089] : memref<128x128xi32, #tpu.memory_space<vmem>>, vector<1x128xi32>
    tpu.vector_store %arg2[%swap3A_1088, %swap3A_1089], %slice3A_1087 {strides = array<i32>} : memref<128x128xi32, #tpu.memory_space<vmem>>, vector<1x128xi32>,
    %slice3A_1091 = vector.extract_strided_slice %convert_element_type3A_603 {offsets = [0, 15616], sizes = [1, 128], strides = [1, 1]} : vector<1x16384xi32> to vector<1x128xi32>
    %swap3A_1092 = arith.constant 122 : index
    %swap3A_1093 = arith.constant 0 : index
    %swap3A_1094 = vector.load %arg2[%swap3A_1092, %swap3A_1093] : memref<128x128xi32, #tpu.memory_space<vmem>>, vector<1x128xi32>
    tpu.vector_store %arg2[%swap3A_1092, %swap3A_1093], %slice3A_1091 {strides = array<i32>} : memref<128x128xi32, #tpu.memory_space<vmem>>, vector<1x128xi32>,
    %slice3A_1095 = vector.extract_strided_slice %convert_element_type3A_603 {offsets = [0, 15744], sizes = [1, 128], strides = [1, 1]} : vector<1x16384xi32> to vector<1x128xi32>
    %swap3A_1096 = arith.constant 123 : index
    %swap3A_1097 = arith.constant 0 : index
    %swap3A_1098 = vector.load %arg2[%swap3A_1096, %swap3A_1097] : memref<128x128xi32, #tpu.memory_space<vmem>>, vector<1x128xi32>
    tpu.vector_store %arg2[%swap3A_1096, %swap3A_1097], %slice3A_1095 {strides = array<i32>} : memref<128x128xi32, #tpu.memory_space<vmem>>, vector<1x128xi32>,
    %slice3A_1099 = vector.extract_strided_slice %convert_element_type3A_603 {offsets = [0, 15872], sizes = [1, 128], strides = [1, 1]} : vector<1x16384xi32> to vector<1x128xi32>
    %swap3A_1100 = arith.constant 124 : index
    %swap3A_1101 = arith.constant 0 : index
    %swap3A_1102 = vector.load %arg2[%swap3A_1100, %swap3A_1101] : memref<128x128xi32, #tpu.memory_space<vmem>>, vector<1x128xi32>
    tpu.vector_store %arg2[%swap3A_1100, %swap3A_1101], %slice3A_1099 {strides = array<i32>} : memref<128x128xi32, #tpu.memory_space<vmem>>, vector<1x128xi32>,
    %slice3A_1103 = vector.extract_strided_slice %convert_element_type3A_603 {offsets = [0, 16000], sizes = [1, 128], strides = [1, 1]} : vector<1x16384xi32> to vector<1x128xi32>
    %swap3A_1104 = arith.constant 125 : index
    %swap3A_1105 = arith.constant 0 : index
    %swap3A_1106 = vector.load %arg2[%swap3A_1104, %swap3A_1105] : memref<128x128xi32, #tpu.memory_space<vmem>>, vector<1x128xi32>
    tpu.vector_store %arg2[%swap3A_1104, %swap3A_1105], %slice3A_1103 {strides = array<i32>} : memref<128x128xi32, #tpu.memory_space<vmem>>, vector<1x128xi32>,
    %slice3A_1107 = vector.extract_strided_slice %convert_element_type3A_603 {offsets = [0, 16128], sizes = [1, 128], strides = [1, 1]} : vector<1x16384xi32> to vector<1x128xi32>
    %swap3A_1108 = arith.constant 126 : index
    %swap3A_1109 = arith.constant 0 : index
    %swap3A_1110 = vector.load %arg2[%swap3A_1108, %swap3A_1109] : memref<128x128xi32, #tpu.memory_space<vmem>>, vector<1x128xi32>
    tpu.vector_store %arg2[%swap3A_1108, %swap3A_1109], %slice3A_1107 {strides = array<i32>} : memref<128x128xi32, #tpu.memory_space<vmem>>, vector<1x128xi32>,
    %slice3A_1111 = vector.extract_strided_slice %convert_element_type3A_603 {offsets = [0, 16256], sizes = [1, 128], strides = [1, 1]} : vector<1x16384xi32> to vector<1x128xi32>
    %swap3A_1112 = arith.constant 127 : index
    %swap3A_1113 = arith.constant 0 : index
    %swap3A_1114 = vector.load %arg2[%swap3A_1112, %swap3A_1113] : memref<128x128xi32, #tpu.memory_space<vmem>>, vector<1x128xi32>
    tpu.vector_store %arg2[%swap3A_1112, %swap3A_1113], %slice3A_1111 {strides = array<i32>} : memref<128x128xi32, #tpu.memory_space<vmem>>, vector<1x128xi32>,
    %convert_element_type3A_1115 = arith.fptosi %dot_general3A_595 : vector<16x1xf32> to vector<16x1xi32>
    %swap3A_1116 = arith.constant 0 : index
    %swap3A_1117 = arith.constant 0 : index
    %swap3A_1118 = vector.load %arg3[%swap3A_1116, %swap3A_1117] : memref<16x1xi32, #tpu.memory_space<vmem>>, vector<16x1xi32>
    tpu.vector_store %arg3[%swap3A_1116, %swap3A_1117], %convert_element_type3A_1115 {strides = array<i32>} : memref<16x1xi32, #tpu.memory_space<vmem>>, vector<16x1xi32>,
    %iota3A_1119 = tpu.iota {dimensions = array<i32: 0>} : vector<16x128xi32>
    %iota3A_1120 = tpu.iota {dimensions = array<i32: 1>} : vector<16x128xi32>
    %eq3A_1121 = arith.cmpi eq, %iota3A_1119, %iota3A_1120 : vector<16x128xi32>
    %convert_element_type3A_1122 = arith.extui %eq3A_1121 : vector<16x128xi1> to vector<16x128xi32>
    %convert_element_type3A_1123 = arith.sitofp %convert_element_type3A_1122 : vector<16x128xi32> to vector<16x128xf32>
    %convert_element_type3A_1124 = arith.truncf %convert_element_type3A_1123 : vector<16x128xf32> to vector<16x128xbf16>
    %get3A_1125 = arith.constant 0 : index
    %get3A_1126 = arith.constant 0 : index
    %get3A_1127 = vector.load %arg1[%get3A_1125, %get3A_1126] : memref<16x16384xf32, #tpu.memory_space<vmem>>, vector<16x16384xf32>
    %convert_element_type3A_1128 = arith.truncf %get3A_1127 : vector<16x16384xf32> to vector<16x16384xbf16>
    %dot_general3A_1129 = arith.constant dense<0.000000e+00> : vector<16384x128xf32>
    %dot_general3A_1130 = tpu.matmul %convert_element_type3A_1128, %convert_element_type3A_1124, %dot_general3A_1129 {dimension_numbers = #tpu.dot_dimension_numbers<[0], [0], [1], [1], [0, 1, 1, 1], [], []>, transpose_lhs_hint = false} : vector<16x16384xbf16>, vector<16x128xbf16>, vector<16384x128xf32> -> vector<16384x128xf32>
    %swap3A_1131 = arith.constant 0 : index
    %swap3A_1132 = arith.constant 0 : index
    %swap3A_1133 = vector.load %arg4[%swap3A_1131, %swap3A_1132] : memref<16384x128xf32, #tpu.memory_space<vmem>>, vector<16384x128xf32>
    tpu.vector_store %arg4[%swap3A_1131, %swap3A_1132], %dot_general3A_1130 {strides = array<i32>} : memref<16384x128xf32, #tpu.memory_space<vmem>>, vector<16384x128xf32>,
    return
  }
}

module attributes {stable_mosaic.version = 14 : i64} {
  func.func @_split_body(%arg0: i32, %arg1: memref<2048x128xf32, #tpu.memory_space<vmem>>, %arg2: memref<32x2048xf32, #tpu.memory_space<vmem>>, %arg3: memref<8x2048xf32, #tpu.memory_space<vmem>>) attributes {dimension_semantics = [#tpu.dimension_semantics<arbitrary>], iteration_bounds = array<i64: 8>, scalar_prefetch = 0 : i64, scratch_operands = 0 : i64, tpu.core_type = #tpu.core_type<tc>, window_params = [{transform_indices = @transform_0, window_bounds = array<i64: 2048, 128>}, {transform_indices = @transform_1, window_bounds = array<i64: 32, 2048>}, {transform_indices = @transform_2, window_bounds = array<i64: 8, 2048>}]} {
    %get3A = arith.constant 0 : index
    %get3A_0 = arith.constant 0 : index
    %get3A_1 = vector.load %arg1[%get3A, %get3A_0] : memref<2048x128xf32, #tpu.memory_space<vmem>>, vector<2048x128xf32>
    %slice3A = vector.extract_strided_slice %get3A_1 {offsets = [0, 0], sizes = [2048, 32], strides = [1, 1]} : vector<2048x128xf32> to vector<2048x32xf32>
    %transpose3A = tpu.transpose %slice3A, [1, 0] : vector<2048x32xf32> -> vector<32x2048xf32>
    %swap3A = arith.constant 0 : index
    %swap3A_2 = arith.constant 0 : index
    %swap3A_3 = vector.load %arg2[%swap3A, %swap3A_2] : memref<32x2048xf32, #tpu.memory_space<vmem>>, vector<32x2048xf32>
    tpu.vector_store %arg2[%swap3A, %swap3A_2], %transpose3A {strides = array<i32>} : memref<32x2048xf32, #tpu.memory_space<vmem>>, vector<32x2048xf32>,
    %slice3A_4 = vector.extract_strided_slice %get3A_1 {offsets = [0, 32], sizes = [2048, 1], strides = [1, 1]} : vector<2048x128xf32> to vector<2048x1xf32>
    %transpose3A_5 = tpu.transpose %slice3A_4, [1, 0] : vector<2048x1xf32> -> vector<1x2048xf32>
    %broadcast_in_dim3A = vector.shape_cast %transpose3A_5 : vector<1x2048xf32> to vector<1x2048xf32>
    %broadcast_in_dim3A_6 = vector.broadcast %broadcast_in_dim3A : vector<1x2048xf32> to vector<8x2048xf32>
    %swap3A_7 = arith.constant 0 : index
    %swap3A_8 = arith.constant 0 : index
    %swap3A_9 = vector.load %arg3[%swap3A_7, %swap3A_8] : memref<8x2048xf32, #tpu.memory_space<vmem>>, vector<8x2048xf32>
    tpu.vector_store %arg3[%swap3A_7, %swap3A_8], %broadcast_in_dim3A_6 {strides = array<i32>} : memref<8x2048xf32, #tpu.memory_space<vmem>>, vector<8x2048xf32>,
    return
  }
  func.func @transform_0(%arg0: i32) -> (i32, i32) {
    %c0_i32 = arith.constant 0 : i32
    %c0_i32_0 = arith.constant 0 : i32
    return %arg0, %c0_i32 : i32, i32
  }
  func.func @transform_1(%arg0: i32) -> (i32, i32) {
    %c0_i32 = arith.constant 0 : i32
    %c0_i32_0 = arith.constant 0 : i32
    return %c0_i32, %arg0 : i32, i32
  }
  func.func @transform_2(%arg0: i32) -> (i32, i32) {
    %c0_i32 = arith.constant 0 : i32
    %c0_i32_0 = arith.constant 0 : i32
    return %c0_i32, %arg0 : i32, i32
  }
}

module attributes {stable_mosaic.version = 14 : i64} {
  func.func @_heads_body(%arg0: i32, %arg1: memref<2048x128xf32, #tpu.memory_space<vmem>>, %arg2: memref<2048x128xf32, #tpu.memory_space<vmem>>, %arg3: memref<16x1xi32, #tpu.memory_space<vmem>>, %arg4: memref<128x256xbf16, #tpu.memory_space<vmem>>, %arg5: memref<128x256xbf16, #tpu.memory_space<vmem>>, %arg6: memref<1x256xbf16, #tpu.memory_space<vmem>>, %arg7: memref<256x256xbf16, #tpu.memory_space<vmem>>, %arg8: memref<1x256xbf16, #tpu.memory_space<vmem>>, %arg9: memref<16x256x128xf32, #tpu.memory_space<vmem>>, %arg10: memref<16x128xf32, #tpu.memory_space<vmem>>, %arg11: memref<16x128x32xf32, #tpu.memory_space<vmem>>, %arg12: memref<16x32xf32, #tpu.memory_space<vmem>>, %arg13: memref<16x256x128xf32, #tpu.memory_space<vmem>>, %arg14: memref<16x128xf32, #tpu.memory_space<vmem>>, %arg15: memref<16x128x1xf32, #tpu.memory_space<vmem>>, %arg16: memref<16x1xf32, #tpu.memory_space<vmem>>, %arg17: memref<2048x128xf32, #tpu.memory_space<vmem>>, %arg18: memref<16x256x256xbf16, #tpu.memory_space<vmem>>, %arg19: memref<16x256xbf16, #tpu.memory_space<vmem>>, %arg20: memref<16x256x128xbf16, #tpu.memory_space<vmem>>, %arg21: memref<16x128xf32, #tpu.memory_space<vmem>>) attributes {dimension_semantics = [#tpu.dimension_semantics<arbitrary>], iteration_bounds = array<i64: 8>, scalar_prefetch = 0 : i64, scratch_operands = 4 : i64, tpu.core_type = #tpu.core_type<tc>, window_params = [{transform_indices = @transform_0, window_bounds = array<i64: 2048, 128>}, {transform_indices = @transform_1, window_bounds = array<i64: 2048, 128>}, {pipeline_mode = #tpu.pipeline_mode<synchronous>, transform_indices = @transform_2, window_bounds = array<i64: 16, 1>}, {pipeline_mode = #tpu.pipeline_mode<synchronous>, transform_indices = @transform_3, window_bounds = array<i64: 128, 256>}, {pipeline_mode = #tpu.pipeline_mode<synchronous>, transform_indices = @transform_4, window_bounds = array<i64: 128, 256>}, {pipeline_mode = #tpu.pipeline_mode<synchronous>, transform_indices = @transform_5, window_bounds = array<i64: 1, 256>}, {pipeline_mode = #tpu.pipeline_mode<synchronous>, transform_indices = @transform_6, window_bounds = array<i64: 256, 256>}, {pipeline_mode = #tpu.pipeline_mode<synchronous>, transform_indices = @transform_7, window_bounds = array<i64: 1, 256>}, {pipeline_mode = #tpu.pipeline_mode<synchronous>, transform_indices = @transform_8, window_bounds = array<i64: 16, 256, 128>}, {pipeline_mode = #tpu.pipeline_mode<synchronous>, transform_indices = @transform_9, window_bounds = array<i64: 16, 128>}, {pipeline_mode = #tpu.pipeline_mode<synchronous>, transform_indices = @transform_10, window_bounds = array<i64: 16, 128, 32>}, {pipeline_mode = #tpu.pipeline_mode<synchronous>, transform_indices = @transform_11, window_bounds = array<i64: 16, 32>}, {pipeline_mode = #tpu.pipeline_mode<synchronous>, transform_indices = @transform_12, window_bounds = array<i64: 16, 256, 128>}, {pipeline_mode = #tpu.pipeline_mode<synchronous>, transform_indices = @transform_13, window_bounds = array<i64: 16, 128>}, {pipeline_mode = #tpu.pipeline_mode<synchronous>, transform_indices = @transform_14, window_bounds = array<i64: 16, 128, 1>}, {pipeline_mode = #tpu.pipeline_mode<synchronous>, transform_indices = @transform_15, window_bounds = array<i64: 16, 1>}, {transform_indices = @transform_16, window_bounds = array<i64: 2048, 128>}]} {
    %eq3A = arith.constant 0 : i32
    %eq3A_0 = arith.cmpi eq, %arg0, %eq3A : i32
    %convert_element_type3A = arith.extui %eq3A_0 : i1 to i32
    %cond3A = arith.constant 0 : i32
    %cond3A_1 = arith.cmpi ne, %convert_element_type3A, %cond3A : i32
    scf.if %cond3A_1 {
      %iota3A_295 = tpu.iota {dimensions = array<i32: 1>} : vector<128x128xi32>
      %iota3A_296 = tpu.iota {dimensions = array<i32: 1>} : vector<1x128xi32>
      %broadcast_in_dim3A = arith.constant 0.000000e+00 : bf16
      %broadcast_in_dim3A_297 = vector.broadcast %broadcast_in_dim3A : bf16 to vector<128x96xbf16>
      %broadcast_in_dim3A_298 = arith.constant 0.000000e+00 : f32
      %broadcast_in_dim3A_299 = vector.broadcast %broadcast_in_dim3A_298 : f32 to vector<1x96xf32>
      %get3A_300 = arith.constant 0 : index
      %get3A_301 = arith.constant 0 : index
      %get3A_302 = arith.constant 0 : index
      %get3A_303 = vector.load %arg9[%get3A_300, %get3A_301, %get3A_302] : memref<16x256x128xf32, #tpu.memory_space<vmem>>, vector<1x256x128xf32>
      %get3A_304 = vector.shape_cast %get3A_303 : vector<1x256x128xf32> to vector<256x128xf32>
      %convert_element_type3A_305 = arith.truncf %get3A_304 : vector<256x128xf32> to vector<256x128xbf16>
      %swap3A = arith.constant 0 : index
      %swap3A_306 = arith.constant 0 : index
      %swap3A_307 = arith.constant 0 : index
      %swap3A_308 = vector.load %arg18[%swap3A, %swap3A_306, %swap3A_307] : memref<16x256x256xbf16, #tpu.memory_space<vmem>>, vector<1x256x128xbf16>
      %swap3A_309 = vector.shape_cast %swap3A_308 : vector<1x256x128xbf16> to vector<256x128xbf16>
      %swap3A_310 = vector.shape_cast %convert_element_type3A_305 : vector<256x128xbf16> to vector<1x256x128xbf16>
      tpu.vector_store %arg18[%swap3A, %swap3A_306, %swap3A_307], %swap3A_310 {strides = array<i32>} : memref<16x256x256xbf16, #tpu.memory_space<vmem>>, vector<1x256x128xbf16>,
      %get3A_311 = arith.constant 0 : index
      %get3A_312 = arith.constant 0 : index
      %get3A_313 = arith.constant 0 : index
      %get3A_314 = vector.load %arg13[%get3A_311, %get3A_312, %get3A_313] : memref<16x256x128xf32, #tpu.memory_space<vmem>>, vector<1x256x128xf32>
      %get3A_315 = vector.shape_cast %get3A_314 : vector<1x256x128xf32> to vector<256x128xf32>
      %convert_element_type3A_316 = arith.truncf %get3A_315 : vector<256x128xf32> to vector<256x128xbf16>
      %swap3A_317 = arith.constant 0 : index
      %swap3A_318 = arith.constant 0 : index
      %swap3A_319 = arith.constant 128 : index
      %swap3A_320 = vector.load %arg18[%swap3A_317, %swap3A_318, %swap3A_319] : memref<16x256x256xbf16, #tpu.memory_space<vmem>>, vector<1x256x128xbf16>
      %swap3A_321 = vector.shape_cast %swap3A_320 : vector<1x256x128xbf16> to vector<256x128xbf16>
      %swap3A_322 = vector.shape_cast %convert_element_type3A_316 : vector<256x128xbf16> to vector<1x256x128xbf16>
      tpu.vector_store %arg18[%swap3A_317, %swap3A_318, %swap3A_319], %swap3A_322 {strides = array<i32>} : memref<16x256x256xbf16, #tpu.memory_space<vmem>>, vector<1x256x128xbf16>,
      %get3A_323 = arith.constant 0 : index
      %get3A_324 = arith.constant 0 : index
      %get3A_325 = vector.load %arg10[%get3A_323, %get3A_324] : memref<16x128xf32, #tpu.memory_space<vmem>>, vector<1x128xf32>
      %convert_element_type3A_326 = arith.truncf %get3A_325 : vector<1x128xf32> to vector<1x128xbf16>
      %swap3A_327 = arith.constant 0 : index
      %swap3A_328 = arith.constant 0 : index
      %swap3A_329 = vector.load %arg19[%swap3A_327, %swap3A_328] : memref<16x256xbf16, #tpu.memory_space<vmem>>, vector<1x128xbf16>
      tpu.vector_store %arg19[%swap3A_327, %swap3A_328], %convert_element_type3A_326 {strides = array<i32>} : memref<16x256xbf16, #tpu.memory_space<vmem>>, vector<1x128xbf16>,
      %get3A_330 = arith.constant 0 : index
      %get3A_331 = arith.constant 0 : index
      %get3A_332 = vector.load %arg14[%get3A_330, %get3A_331] : memref<16x128xf32, #tpu.memory_space<vmem>>, vector<1x128xf32>
      %convert_element_type3A_333 = arith.truncf %get3A_332 : vector<1x128xf32> to vector<1x128xbf16>
      %swap3A_334 = arith.constant 0 : index
      %swap3A_335 = arith.constant 128 : index
      %swap3A_336 = vector.load %arg19[%swap3A_334, %swap3A_335] : memref<16x256xbf16, #tpu.memory_space<vmem>>, vector<1x128xbf16>
      tpu.vector_store %arg19[%swap3A_334, %swap3A_335], %convert_element_type3A_333 {strides = array<i32>} : memref<16x256xbf16, #tpu.memory_space<vmem>>, vector<1x128xbf16>,
      %get3A_337 = arith.constant 0 : index
      %get3A_338 = arith.constant 0 : index
      %get3A_339 = arith.constant 0 : index
      %get3A_340 = vector.load %arg11[%get3A_337, %get3A_338, %get3A_339] : memref<16x128x32xf32, #tpu.memory_space<vmem>>, vector<1x128x32xf32>
      %get3A_341 = vector.shape_cast %get3A_340 : vector<1x128x32xf32> to vector<128x32xf32>
      %convert_element_type3A_342 = arith.truncf %get3A_341 : vector<128x32xf32> to vector<128x32xbf16>
      %concatenate3A = tpu.concatenate %convert_element_type3A_342, %broadcast_in_dim3A_297 in 1 : vector<128x32xbf16>, vector<128x96xbf16> -> vector<128x128xbf16>
      %swap3A_343 = arith.constant 0 : index
      %swap3A_344 = arith.constant 0 : index
      %swap3A_345 = arith.constant 0 : index
      %swap3A_346 = vector.load %arg20[%swap3A_343, %swap3A_344, %swap3A_345] : memref<16x256x128xbf16, #tpu.memory_space<vmem>>, vector<1x128x128xbf16>
      %swap3A_347 = vector.shape_cast %swap3A_346 : vector<1x128x128xbf16> to vector<128x128xbf16>
      %swap3A_348 = vector.shape_cast %concatenate3A : vector<128x128xbf16> to vector<1x128x128xbf16>
      tpu.vector_store %arg20[%swap3A_343, %swap3A_344, %swap3A_345], %swap3A_348 {strides = array<i32>} : memref<16x256x128xbf16, #tpu.memory_space<vmem>>, vector<1x128x128xbf16>,
      %get3A_349 = arith.constant 0 : index
      %get3A_350 = arith.constant 0 : index
      %get3A_351 = arith.constant 0 : index
      %get3A_352 = vector.load %arg15[%get3A_349, %get3A_350, %get3A_351] : memref<16x128x1xf32, #tpu.memory_space<vmem>>, vector<1x128x1xf32>
      %get3A_353 = vector.shape_cast %get3A_352 : vector<1x128x1xf32> to vector<128x1xf32>
      %broadcast_in_dim3A_354 = vector.shape_cast %get3A_353 : vector<128x1xf32> to vector<128x1xf32>
      %broadcast_in_dim3A_355 = vector.broadcast %broadcast_in_dim3A_354 : vector<128x1xf32> to vector<128x128xf32>
      %eq3A_356 = arith.constant 32 : i32
      %eq3A_357 = vector.broadcast %eq3A_356 : i32 to vector<128x128xi32>
      %eq3A_358 = arith.cmpi eq, %iota3A_295, %eq3A_357 : vector<128x128xi32>
      %jit3A = arith.constant 0.000000e+00 : f32
      %broadcast_in_dim3A_359 = vector.broadcast %jit3A : f32 to vector<128x128xf32>
      %select_n3A = arith.select %eq3A_358, %broadcast_in_dim3A_355, %broadcast_in_dim3A_359 : vector<128x128xi1>, vector<128x128xf32>
      %convert_element_type3A_360 = arith.truncf %select_n3A : vector<128x128xf32> to vector<128x128xbf16>
      %swap3A_361 = arith.constant 0 : index
      %swap3A_362 = arith.constant 128 : index
      %swap3A_363 = arith.constant 0 : index
      %swap3A_364 = vector.load %arg20[%swap3A_361, %swap3A_362, %swap3A_363] : memref<16x256x128xbf16, #tpu.memory_space<vmem>>, vector<1x128x128xbf16>
      %swap3A_365 = vector.shape_cast %swap3A_364 : vector<1x128x128xbf16> to vector<128x128xbf16>
      %swap3A_366 = vector.shape_cast %convert_element_type3A_360 : vector<128x128xbf16> to vector<1x128x128xbf16>
      tpu.vector_store %arg20[%swap3A_361, %swap3A_362, %swap3A_363], %swap3A_366 {strides = array<i32>} : memref<16x256x128xbf16, #tpu.memory_space<vmem>>, vector<1x128x128xbf16>,
      %get3A_367 = arith.constant 0 : index
      %get3A_368 = arith.constant 0 : index
      %get3A_369 = vector.load %arg12[%get3A_367, %get3A_368] : memref<16x32xf32, #tpu.memory_space<vmem>>, vector<1x32xf32>
      %concatenate3A_370 = tpu.concatenate %get3A_369, %broadcast_in_dim3A_299 in 1 : vector<1x32xf32>, vector<1x96xf32> -> vector<1x128xf32>
      %eq3A_371 = arith.constant 32 : i32
      %eq3A_372 = vector.broadcast %eq3A_371 : i32 to vector<1x128xi32>
      %eq3A_373 = arith.cmpi eq, %iota3A_296, %eq3A_372 : vector<1x128xi32>
      %get3A_374 = arith.constant 0 : index
      %get3A_375 = arith.constant 0 : index
      %get3A_376 = vector.load %arg16[%get3A_374, %get3A_375] : memref<16x1xf32, #tpu.memory_space<vmem>>, vector<1x1xf32>
      %broadcast_in_dim3A_377 = vector.shape_cast %get3A_376 : vector<1x1xf32> to vector<1x1xf32>
      %broadcast_in_dim3A_378 = vector.broadcast %broadcast_in_dim3A_377 : vector<1x1xf32> to vector<1x128xf32>
      %jit3A_379 = arith.constant 0.000000e+00 : f32
      %broadcast_in_dim3A_380 = vector.broadcast %jit3A_379 : f32 to vector<1x128xf32>
      %select_n3A_381 = arith.select %eq3A_373, %broadcast_in_dim3A_378, %broadcast_in_dim3A_380 : vector<1x128xi1>, vector<1x128xf32>
      %add3A_382 = arith.addf %concatenate3A_370, %select_n3A_381 : vector<1x128xf32>
      %swap3A_383 = arith.constant 0 : index
      %swap3A_384 = arith.constant 0 : index
      %swap3A_385 = vector.load %arg21[%swap3A_383, %swap3A_384] : memref<16x128xf32, #tpu.memory_space<vmem>>, vector<1x128xf32>
      tpu.vector_store %arg21[%swap3A_383, %swap3A_384], %add3A_382 {strides = array<i32>} : memref<16x128xf32, #tpu.memory_space<vmem>>, vector<1x128xf32>,
      %get3A_386 = arith.constant 1 : index
      %get3A_387 = arith.constant 0 : index
      %get3A_388 = arith.constant 0 : index
      %get3A_389 = vector.load %arg9[%get3A_386, %get3A_387, %get3A_388] : memref<16x256x128xf32, #tpu.memory_space<vmem>>, vector<1x256x128xf32>
      %get3A_390 = vector.shape_cast %get3A_389 : vector<1x256x128xf32> to vector<256x128xf32>
      %convert_element_type3A_391 = arith.truncf %get3A_390 : vector<256x128xf32> to vector<256x128xbf16>
      %swap3A_392 = arith.constant 1 : index
      %swap3A_393 = arith.constant 0 : index
      %swap3A_394 = arith.constant 0 : index
      %swap3A_395 = vector.load %arg18[%swap3A_392, %swap3A_393, %swap3A_394] : memref<16x256x256xbf16, #tpu.memory_space<vmem>>, vector<1x256x128xbf16>
      %swap3A_396 = vector.shape_cast %swap3A_395 : vector<1x256x128xbf16> to vector<256x128xbf16>
      %swap3A_397 = vector.shape_cast %convert_element_type3A_391 : vector<256x128xbf16> to vector<1x256x128xbf16>
      tpu.vector_store %arg18[%swap3A_392, %swap3A_393, %swap3A_394], %swap3A_397 {strides = array<i32>} : memref<16x256x256xbf16, #tpu.memory_space<vmem>>, vector<1x256x128xbf16>,
      %get3A_398 = arith.constant 1 : index
      %get3A_399 = arith.constant 0 : index
      %get3A_400 = arith.constant 0 : index
      %get3A_401 = vector.load %arg13[%get3A_398, %get3A_399, %get3A_400] : memref<16x256x128xf32, #tpu.memory_space<vmem>>, vector<1x256x128xf32>
      %get3A_402 = vector.shape_cast %get3A_401 : vector<1x256x128xf32> to vector<256x128xf32>
      %convert_element_type3A_403 = arith.truncf %get3A_402 : vector<256x128xf32> to vector<256x128xbf16>
      %swap3A_404 = arith.constant 1 : index
      %swap3A_405 = arith.constant 0 : index
      %swap3A_406 = arith.constant 128 : index
      %swap3A_407 = vector.load %arg18[%swap3A_404, %swap3A_405, %swap3A_406] : memref<16x256x256xbf16, #tpu.memory_space<vmem>>, vector<1x256x128xbf16>
      %swap3A_408 = vector.shape_cast %swap3A_407 : vector<1x256x128xbf16> to vector<256x128xbf16>
      %swap3A_409 = vector.shape_cast %convert_element_type3A_403 : vector<256x128xbf16> to vector<1x256x128xbf16>
      tpu.vector_store %arg18[%swap3A_404, %swap3A_405, %swap3A_406], %swap3A_409 {strides = array<i32>} : memref<16x256x256xbf16, #tpu.memory_space<vmem>>, vector<1x256x128xbf16>,
      %get3A_410 = arith.constant 1 : index
      %get3A_411 = arith.constant 0 : index
      %get3A_412 = vector.load %arg10[%get3A_410, %get3A_411] : memref<16x128xf32, #tpu.memory_space<vmem>>, vector<1x128xf32>
      %convert_element_type3A_413 = arith.truncf %get3A_412 : vector<1x128xf32> to vector<1x128xbf16>
      %swap3A_414 = arith.constant 1 : index
      %swap3A_415 = arith.constant 0 : index
      %swap3A_416 = vector.load %arg19[%swap3A_414, %swap3A_415] : memref<16x256xbf16, #tpu.memory_space<vmem>>, vector<1x128xbf16>
      tpu.vector_store %arg19[%swap3A_414, %swap3A_415], %convert_element_type3A_413 {strides = array<i32>} : memref<16x256xbf16, #tpu.memory_space<vmem>>, vector<1x128xbf16>,
      %get3A_417 = arith.constant 1 : index
      %get3A_418 = arith.constant 0 : index
      %get3A_419 = vector.load %arg14[%get3A_417, %get3A_418] : memref<16x128xf32, #tpu.memory_space<vmem>>, vector<1x128xf32>
      %convert_element_type3A_420 = arith.truncf %get3A_419 : vector<1x128xf32> to vector<1x128xbf16>
      %swap3A_421 = arith.constant 1 : index
      %swap3A_422 = arith.constant 128 : index
      %swap3A_423 = vector.load %arg19[%swap3A_421, %swap3A_422] : memref<16x256xbf16, #tpu.memory_space<vmem>>, vector<1x128xbf16>
      tpu.vector_store %arg19[%swap3A_421, %swap3A_422], %convert_element_type3A_420 {strides = array<i32>} : memref<16x256xbf16, #tpu.memory_space<vmem>>, vector<1x128xbf16>,
      %get3A_424 = arith.constant 1 : index
      %get3A_425 = arith.constant 0 : index
      %get3A_426 = arith.constant 0 : index
      %get3A_427 = vector.load %arg11[%get3A_424, %get3A_425, %get3A_426] : memref<16x128x32xf32, #tpu.memory_space<vmem>>, vector<1x128x32xf32>
      %get3A_428 = vector.shape_cast %get3A_427 : vector<1x128x32xf32> to vector<128x32xf32>
      %convert_element_type3A_429 = arith.truncf %get3A_428 : vector<128x32xf32> to vector<128x32xbf16>
      %concatenate3A_430 = tpu.concatenate %convert_element_type3A_429, %broadcast_in_dim3A_297 in 1 : vector<128x32xbf16>, vector<128x96xbf16> -> vector<128x128xbf16>
      %swap3A_431 = arith.constant 1 : index
      %swap3A_432 = arith.constant 0 : index
      %swap3A_433 = arith.constant 0 : index
      %swap3A_434 = vector.load %arg20[%swap3A_431, %swap3A_432, %swap3A_433] : memref<16x256x128xbf16, #tpu.memory_space<vmem>>, vector<1x128x128xbf16>
      %swap3A_435 = vector.shape_cast %swap3A_434 : vector<1x128x128xbf16> to vector<128x128xbf16>
      %swap3A_436 = vector.shape_cast %concatenate3A_430 : vector<128x128xbf16> to vector<1x128x128xbf16>
      tpu.vector_store %arg20[%swap3A_431, %swap3A_432, %swap3A_433], %swap3A_436 {strides = array<i32>} : memref<16x256x128xbf16, #tpu.memory_space<vmem>>, vector<1x128x128xbf16>,
      %get3A_437 = arith.constant 1 : index
      %get3A_438 = arith.constant 0 : index
      %get3A_439 = arith.constant 0 : index
      %get3A_440 = vector.load %arg15[%get3A_437, %get3A_438, %get3A_439] : memref<16x128x1xf32, #tpu.memory_space<vmem>>, vector<1x128x1xf32>
      %get3A_441 = vector.shape_cast %get3A_440 : vector<1x128x1xf32> to vector<128x1xf32>
      %broadcast_in_dim3A_442 = vector.shape_cast %get3A_441 : vector<128x1xf32> to vector<128x1xf32>
      %broadcast_in_dim3A_443 = vector.broadcast %broadcast_in_dim3A_442 : vector<128x1xf32> to vector<128x128xf32>
      %eq3A_444 = arith.constant 32 : i32
      %eq3A_445 = vector.broadcast %eq3A_444 : i32 to vector<128x128xi32>
      %eq3A_446 = arith.cmpi eq, %iota3A_295, %eq3A_445 : vector<128x128xi32>
      %jit3A_447 = arith.constant 0.000000e+00 : f32
      %broadcast_in_dim3A_448 = vector.broadcast %jit3A_447 : f32 to vector<128x128xf32>
      %select_n3A_449 = arith.select %eq3A_446, %broadcast_in_dim3A_443, %broadcast_in_dim3A_448 : vector<128x128xi1>, vector<128x128xf32>
      %convert_element_type3A_450 = arith.truncf %select_n3A_449 : vector<128x128xf32> to vector<128x128xbf16>
      %swap3A_451 = arith.constant 1 : index
      %swap3A_452 = arith.constant 128 : index
      %swap3A_453 = arith.constant 0 : index
      %swap3A_454 = vector.load %arg20[%swap3A_451, %swap3A_452, %swap3A_453] : memref<16x256x128xbf16, #tpu.memory_space<vmem>>, vector<1x128x128xbf16>
      %swap3A_455 = vector.shape_cast %swap3A_454 : vector<1x128x128xbf16> to vector<128x128xbf16>
      %swap3A_456 = vector.shape_cast %convert_element_type3A_450 : vector<128x128xbf16> to vector<1x128x128xbf16>
      tpu.vector_store %arg20[%swap3A_451, %swap3A_452, %swap3A_453], %swap3A_456 {strides = array<i32>} : memref<16x256x128xbf16, #tpu.memory_space<vmem>>, vector<1x128x128xbf16>,
      %get3A_457 = arith.constant 1 : index
      %get3A_458 = arith.constant 0 : index
      %get3A_459 = vector.load %arg12[%get3A_457, %get3A_458] : memref<16x32xf32, #tpu.memory_space<vmem>>, vector<1x32xf32>
      %concatenate3A_460 = tpu.concatenate %get3A_459, %broadcast_in_dim3A_299 in 1 : vector<1x32xf32>, vector<1x96xf32> -> vector<1x128xf32>
      %eq3A_461 = arith.constant 32 : i32
      %eq3A_462 = vector.broadcast %eq3A_461 : i32 to vector<1x128xi32>
      %eq3A_463 = arith.cmpi eq, %iota3A_296, %eq3A_462 : vector<1x128xi32>
      %get3A_464 = arith.constant 1 : index
      %get3A_465 = arith.constant 0 : index
      %get3A_466 = vector.load %arg16[%get3A_464, %get3A_465] : memref<16x1xf32, #tpu.memory_space<vmem>>, vector<1x1xf32>
      %broadcast_in_dim3A_467 = vector.shape_cast %get3A_466 : vector<1x1xf32> to vector<1x1xf32>
      %broadcast_in_dim3A_468 = vector.broadcast %broadcast_in_dim3A_467 : vector<1x1xf32> to vector<1x128xf32>
      %jit3A_469 = arith.constant 0.000000e+00 : f32
      %broadcast_in_dim3A_470 = vector.broadcast %jit3A_469 : f32 to vector<1x128xf32>
      %select_n3A_471 = arith.select %eq3A_463, %broadcast_in_dim3A_468, %broadcast_in_dim3A_470 : vector<1x128xi1>, vector<1x128xf32>
      %add3A_472 = arith.addf %concatenate3A_460, %select_n3A_471 : vector<1x128xf32>
      %swap3A_473 = arith.constant 1 : index
      %swap3A_474 = arith.constant 0 : index
      %swap3A_475 = vector.load %arg21[%swap3A_473, %swap3A_474] : memref<16x128xf32, #tpu.memory_space<vmem>>, vector<1x128xf32>
      tpu.vector_store %arg21[%swap3A_473, %swap3A_474], %add3A_472 {strides = array<i32>} : memref<16x128xf32, #tpu.memory_space<vmem>>, vector<1x128xf32>,
      %get3A_476 = arith.constant 2 : index
      %get3A_477 = arith.constant 0 : index
      %get3A_478 = arith.constant 0 : index
      %get3A_479 = vector.load %arg9[%get3A_476, %get3A_477, %get3A_478] : memref<16x256x128xf32, #tpu.memory_space<vmem>>, vector<1x256x128xf32>
      %get3A_480 = vector.shape_cast %get3A_479 : vector<1x256x128xf32> to vector<256x128xf32>
      %convert_element_type3A_481 = arith.truncf %get3A_480 : vector<256x128xf32> to vector<256x128xbf16>
      %swap3A_482 = arith.constant 2 : index
      %swap3A_483 = arith.constant 0 : index
      %swap3A_484 = arith.constant 0 : index
      %swap3A_485 = vector.load %arg18[%swap3A_482, %swap3A_483, %swap3A_484] : memref<16x256x256xbf16, #tpu.memory_space<vmem>>, vector<1x256x128xbf16>
      %swap3A_486 = vector.shape_cast %swap3A_485 : vector<1x256x128xbf16> to vector<256x128xbf16>
      %swap3A_487 = vector.shape_cast %convert_element_type3A_481 : vector<256x128xbf16> to vector<1x256x128xbf16>
      tpu.vector_store %arg18[%swap3A_482, %swap3A_483, %swap3A_484], %swap3A_487 {strides = array<i32>} : memref<16x256x256xbf16, #tpu.memory_space<vmem>>, vector<1x256x128xbf16>,
      %get3A_488 = arith.constant 2 : index
      %get3A_489 = arith.constant 0 : index
      %get3A_490 = arith.constant 0 : index
      %get3A_491 = vector.load %arg13[%get3A_488, %get3A_489, %get3A_490] : memref<16x256x128xf32, #tpu.memory_space<vmem>>, vector<1x256x128xf32>
      %get3A_492 = vector.shape_cast %get3A_491 : vector<1x256x128xf32> to vector<256x128xf32>
      %convert_element_type3A_493 = arith.truncf %get3A_492 : vector<256x128xf32> to vector<256x128xbf16>
      %swap3A_494 = arith.constant 2 : index
      %swap3A_495 = arith.constant 0 : index
      %swap3A_496 = arith.constant 128 : index
      %swap3A_497 = vector.load %arg18[%swap3A_494, %swap3A_495, %swap3A_496] : memref<16x256x256xbf16, #tpu.memory_space<vmem>>, vector<1x256x128xbf16>
      %swap3A_498 = vector.shape_cast %swap3A_497 : vector<1x256x128xbf16> to vector<256x128xbf16>
      %swap3A_499 = vector.shape_cast %convert_element_type3A_493 : vector<256x128xbf16> to vector<1x256x128xbf16>
      tpu.vector_store %arg18[%swap3A_494, %swap3A_495, %swap3A_496], %swap3A_499 {strides = array<i32>} : memref<16x256x256xbf16, #tpu.memory_space<vmem>>, vector<1x256x128xbf16>,
      %get3A_500 = arith.constant 2 : index
      %get3A_501 = arith.constant 0 : index
      %get3A_502 = vector.load %arg10[%get3A_500, %get3A_501] : memref<16x128xf32, #tpu.memory_space<vmem>>, vector<1x128xf32>
      %convert_element_type3A_503 = arith.truncf %get3A_502 : vector<1x128xf32> to vector<1x128xbf16>
      %swap3A_504 = arith.constant 2 : index
      %swap3A_505 = arith.constant 0 : index
      %swap3A_506 = vector.load %arg19[%swap3A_504, %swap3A_505] : memref<16x256xbf16, #tpu.memory_space<vmem>>, vector<1x128xbf16>
      tpu.vector_store %arg19[%swap3A_504, %swap3A_505], %convert_element_type3A_503 {strides = array<i32>} : memref<16x256xbf16, #tpu.memory_space<vmem>>, vector<1x128xbf16>,
      %get3A_507 = arith.constant 2 : index
      %get3A_508 = arith.constant 0 : index
      %get3A_509 = vector.load %arg14[%get3A_507, %get3A_508] : memref<16x128xf32, #tpu.memory_space<vmem>>, vector<1x128xf32>
      %convert_element_type3A_510 = arith.truncf %get3A_509 : vector<1x128xf32> to vector<1x128xbf16>
      %swap3A_511 = arith.constant 2 : index
      %swap3A_512 = arith.constant 128 : index
      %swap3A_513 = vector.load %arg19[%swap3A_511, %swap3A_512] : memref<16x256xbf16, #tpu.memory_space<vmem>>, vector<1x128xbf16>
      tpu.vector_store %arg19[%swap3A_511, %swap3A_512], %convert_element_type3A_510 {strides = array<i32>} : memref<16x256xbf16, #tpu.memory_space<vmem>>, vector<1x128xbf16>,
      %get3A_514 = arith.constant 2 : index
      %get3A_515 = arith.constant 0 : index
      %get3A_516 = arith.constant 0 : index
      %get3A_517 = vector.load %arg11[%get3A_514, %get3A_515, %get3A_516] : memref<16x128x32xf32, #tpu.memory_space<vmem>>, vector<1x128x32xf32>
      %get3A_518 = vector.shape_cast %get3A_517 : vector<1x128x32xf32> to vector<128x32xf32>
      %convert_element_type3A_519 = arith.truncf %get3A_518 : vector<128x32xf32> to vector<128x32xbf16>
      %concatenate3A_520 = tpu.concatenate %convert_element_type3A_519, %broadcast_in_dim3A_297 in 1 : vector<128x32xbf16>, vector<128x96xbf16> -> vector<128x128xbf16>
      %swap3A_521 = arith.constant 2 : index
      %swap3A_522 = arith.constant 0 : index
      %swap3A_523 = arith.constant 0 : index
      %swap3A_524 = vector.load %arg20[%swap3A_521, %swap3A_522, %swap3A_523] : memref<16x256x128xbf16, #tpu.memory_space<vmem>>, vector<1x128x128xbf16>
      %swap3A_525 = vector.shape_cast %swap3A_524 : vector<1x128x128xbf16> to vector<128x128xbf16>
      %swap3A_526 = vector.shape_cast %concatenate3A_520 : vector<128x128xbf16> to vector<1x128x128xbf16>
      tpu.vector_store %arg20[%swap3A_521, %swap3A_522, %swap3A_523], %swap3A_526 {strides = array<i32>} : memref<16x256x128xbf16, #tpu.memory_space<vmem>>, vector<1x128x128xbf16>,
      %get3A_527 = arith.constant 2 : index
      %get3A_528 = arith.constant 0 : index
      %get3A_529 = arith.constant 0 : index
      %get3A_530 = vector.load %arg15[%get3A_527, %get3A_528, %get3A_529] : memref<16x128x1xf32, #tpu.memory_space<vmem>>, vector<1x128x1xf32>
      %get3A_531 = vector.shape_cast %get3A_530 : vector<1x128x1xf32> to vector<128x1xf32>
      %broadcast_in_dim3A_532 = vector.shape_cast %get3A_531 : vector<128x1xf32> to vector<128x1xf32>
      %broadcast_in_dim3A_533 = vector.broadcast %broadcast_in_dim3A_532 : vector<128x1xf32> to vector<128x128xf32>
      %eq3A_534 = arith.constant 32 : i32
      %eq3A_535 = vector.broadcast %eq3A_534 : i32 to vector<128x128xi32>
      %eq3A_536 = arith.cmpi eq, %iota3A_295, %eq3A_535 : vector<128x128xi32>
      %jit3A_537 = arith.constant 0.000000e+00 : f32
      %broadcast_in_dim3A_538 = vector.broadcast %jit3A_537 : f32 to vector<128x128xf32>
      %select_n3A_539 = arith.select %eq3A_536, %broadcast_in_dim3A_533, %broadcast_in_dim3A_538 : vector<128x128xi1>, vector<128x128xf32>
      %convert_element_type3A_540 = arith.truncf %select_n3A_539 : vector<128x128xf32> to vector<128x128xbf16>
      %swap3A_541 = arith.constant 2 : index
      %swap3A_542 = arith.constant 128 : index
      %swap3A_543 = arith.constant 0 : index
      %swap3A_544 = vector.load %arg20[%swap3A_541, %swap3A_542, %swap3A_543] : memref<16x256x128xbf16, #tpu.memory_space<vmem>>, vector<1x128x128xbf16>
      %swap3A_545 = vector.shape_cast %swap3A_544 : vector<1x128x128xbf16> to vector<128x128xbf16>
      %swap3A_546 = vector.shape_cast %convert_element_type3A_540 : vector<128x128xbf16> to vector<1x128x128xbf16>
      tpu.vector_store %arg20[%swap3A_541, %swap3A_542, %swap3A_543], %swap3A_546 {strides = array<i32>} : memref<16x256x128xbf16, #tpu.memory_space<vmem>>, vector<1x128x128xbf16>,
      %get3A_547 = arith.constant 2 : index
      %get3A_548 = arith.constant 0 : index
      %get3A_549 = vector.load %arg12[%get3A_547, %get3A_548] : memref<16x32xf32, #tpu.memory_space<vmem>>, vector<1x32xf32>
      %concatenate3A_550 = tpu.concatenate %get3A_549, %broadcast_in_dim3A_299 in 1 : vector<1x32xf32>, vector<1x96xf32> -> vector<1x128xf32>
      %eq3A_551 = arith.constant 32 : i32
      %eq3A_552 = vector.broadcast %eq3A_551 : i32 to vector<1x128xi32>
      %eq3A_553 = arith.cmpi eq, %iota3A_296, %eq3A_552 : vector<1x128xi32>
      %get3A_554 = arith.constant 2 : index
      %get3A_555 = arith.constant 0 : index
      %get3A_556 = vector.load %arg16[%get3A_554, %get3A_555] : memref<16x1xf32, #tpu.memory_space<vmem>>, vector<1x1xf32>
      %broadcast_in_dim3A_557 = vector.shape_cast %get3A_556 : vector<1x1xf32> to vector<1x1xf32>
      %broadcast_in_dim3A_558 = vector.broadcast %broadcast_in_dim3A_557 : vector<1x1xf32> to vector<1x128xf32>
      %jit3A_559 = arith.constant 0.000000e+00 : f32
      %broadcast_in_dim3A_560 = vector.broadcast %jit3A_559 : f32 to vector<1x128xf32>
      %select_n3A_561 = arith.select %eq3A_553, %broadcast_in_dim3A_558, %broadcast_in_dim3A_560 : vector<1x128xi1>, vector<1x128xf32>
      %add3A_562 = arith.addf %concatenate3A_550, %select_n3A_561 : vector<1x128xf32>
      %swap3A_563 = arith.constant 2 : index
      %swap3A_564 = arith.constant 0 : index
      %swap3A_565 = vector.load %arg21[%swap3A_563, %swap3A_564] : memref<16x128xf32, #tpu.memory_space<vmem>>, vector<1x128xf32>
      tpu.vector_store %arg21[%swap3A_563, %swap3A_564], %add3A_562 {strides = array<i32>} : memref<16x128xf32, #tpu.memory_space<vmem>>, vector<1x128xf32>,
      %get3A_566 = arith.constant 3 : index
      %get3A_567 = arith.constant 0 : index
      %get3A_568 = arith.constant 0 : index
      %get3A_569 = vector.load %arg9[%get3A_566, %get3A_567, %get3A_568] : memref<16x256x128xf32, #tpu.memory_space<vmem>>, vector<1x256x128xf32>
      %get3A_570 = vector.shape_cast %get3A_569 : vector<1x256x128xf32> to vector<256x128xf32>
      %convert_element_type3A_571 = arith.truncf %get3A_570 : vector<256x128xf32> to vector<256x128xbf16>
      %swap3A_572 = arith.constant 3 : index
      %swap3A_573 = arith.constant 0 : index
      %swap3A_574 = arith.constant 0 : index
      %swap3A_575 = vector.load %arg18[%swap3A_572, %swap3A_573, %swap3A_574] : memref<16x256x256xbf16, #tpu.memory_space<vmem>>, vector<1x256x128xbf16>
      %swap3A_576 = vector.shape_cast %swap3A_575 : vector<1x256x128xbf16> to vector<256x128xbf16>
      %swap3A_577 = vector.shape_cast %convert_element_type3A_571 : vector<256x128xbf16> to vector<1x256x128xbf16>
      tpu.vector_store %arg18[%swap3A_572, %swap3A_573, %swap3A_574], %swap3A_577 {strides = array<i32>} : memref<16x256x256xbf16, #tpu.memory_space<vmem>>, vector<1x256x128xbf16>,
      %get3A_578 = arith.constant 3 : index
      %get3A_579 = arith.constant 0 : index
      %get3A_580 = arith.constant 0 : index
      %get3A_581 = vector.load %arg13[%get3A_578, %get3A_579, %get3A_580] : memref<16x256x128xf32, #tpu.memory_space<vmem>>, vector<1x256x128xf32>
      %get3A_582 = vector.shape_cast %get3A_581 : vector<1x256x128xf32> to vector<256x128xf32>
      %convert_element_type3A_583 = arith.truncf %get3A_582 : vector<256x128xf32> to vector<256x128xbf16>
      %swap3A_584 = arith.constant 3 : index
      %swap3A_585 = arith.constant 0 : index
      %swap3A_586 = arith.constant 128 : index
      %swap3A_587 = vector.load %arg18[%swap3A_584, %swap3A_585, %swap3A_586] : memref<16x256x256xbf16, #tpu.memory_space<vmem>>, vector<1x256x128xbf16>
      %swap3A_588 = vector.shape_cast %swap3A_587 : vector<1x256x128xbf16> to vector<256x128xbf16>
      %swap3A_589 = vector.shape_cast %convert_element_type3A_583 : vector<256x128xbf16> to vector<1x256x128xbf16>
      tpu.vector_store %arg18[%swap3A_584, %swap3A_585, %swap3A_586], %swap3A_589 {strides = array<i32>} : memref<16x256x256xbf16, #tpu.memory_space<vmem>>, vector<1x256x128xbf16>,
      %get3A_590 = arith.constant 3 : index
      %get3A_591 = arith.constant 0 : index
      %get3A_592 = vector.load %arg10[%get3A_590, %get3A_591] : memref<16x128xf32, #tpu.memory_space<vmem>>, vector<1x128xf32>
      %convert_element_type3A_593 = arith.truncf %get3A_592 : vector<1x128xf32> to vector<1x128xbf16>
      %swap3A_594 = arith.constant 3 : index
      %swap3A_595 = arith.constant 0 : index
      %swap3A_596 = vector.load %arg19[%swap3A_594, %swap3A_595] : memref<16x256xbf16, #tpu.memory_space<vmem>>, vector<1x128xbf16>
      tpu.vector_store %arg19[%swap3A_594, %swap3A_595], %convert_element_type3A_593 {strides = array<i32>} : memref<16x256xbf16, #tpu.memory_space<vmem>>, vector<1x128xbf16>,
      %get3A_597 = arith.constant 3 : index
      %get3A_598 = arith.constant 0 : index
      %get3A_599 = vector.load %arg14[%get3A_597, %get3A_598] : memref<16x128xf32, #tpu.memory_space<vmem>>, vector<1x128xf32>
      %convert_element_type3A_600 = arith.truncf %get3A_599 : vector<1x128xf32> to vector<1x128xbf16>
      %swap3A_601 = arith.constant 3 : index
      %swap3A_602 = arith.constant 128 : index
      %swap3A_603 = vector.load %arg19[%swap3A_601, %swap3A_602] : memref<16x256xbf16, #tpu.memory_space<vmem>>, vector<1x128xbf16>
      tpu.vector_store %arg19[%swap3A_601, %swap3A_602], %convert_element_type3A_600 {strides = array<i32>} : memref<16x256xbf16, #tpu.memory_space<vmem>>, vector<1x128xbf16>,
      %get3A_604 = arith.constant 3 : index
      %get3A_605 = arith.constant 0 : index
      %get3A_606 = arith.constant 0 : index
      %get3A_607 = vector.load %arg11[%get3A_604, %get3A_605, %get3A_606] : memref<16x128x32xf32, #tpu.memory_space<vmem>>, vector<1x128x32xf32>
      %get3A_608 = vector.shape_cast %get3A_607 : vector<1x128x32xf32> to vector<128x32xf32>
      %convert_element_type3A_609 = arith.truncf %get3A_608 : vector<128x32xf32> to vector<128x32xbf16>
      %concatenate3A_610 = tpu.concatenate %convert_element_type3A_609, %broadcast_in_dim3A_297 in 1 : vector<128x32xbf16>, vector<128x96xbf16> -> vector<128x128xbf16>
      %swap3A_611 = arith.constant 3 : index
      %swap3A_612 = arith.constant 0 : index
      %swap3A_613 = arith.constant 0 : index
      %swap3A_614 = vector.load %arg20[%swap3A_611, %swap3A_612, %swap3A_613] : memref<16x256x128xbf16, #tpu.memory_space<vmem>>, vector<1x128x128xbf16>
      %swap3A_615 = vector.shape_cast %swap3A_614 : vector<1x128x128xbf16> to vector<128x128xbf16>
      %swap3A_616 = vector.shape_cast %concatenate3A_610 : vector<128x128xbf16> to vector<1x128x128xbf16>
      tpu.vector_store %arg20[%swap3A_611, %swap3A_612, %swap3A_613], %swap3A_616 {strides = array<i32>} : memref<16x256x128xbf16, #tpu.memory_space<vmem>>, vector<1x128x128xbf16>,
      %get3A_617 = arith.constant 3 : index
      %get3A_618 = arith.constant 0 : index
      %get3A_619 = arith.constant 0 : index
      %get3A_620 = vector.load %arg15[%get3A_617, %get3A_618, %get3A_619] : memref<16x128x1xf32, #tpu.memory_space<vmem>>, vector<1x128x1xf32>
      %get3A_621 = vector.shape_cast %get3A_620 : vector<1x128x1xf32> to vector<128x1xf32>
      %broadcast_in_dim3A_622 = vector.shape_cast %get3A_621 : vector<128x1xf32> to vector<128x1xf32>
      %broadcast_in_dim3A_623 = vector.broadcast %broadcast_in_dim3A_622 : vector<128x1xf32> to vector<128x128xf32>
      %eq3A_624 = arith.constant 32 : i32
      %eq3A_625 = vector.broadcast %eq3A_624 : i32 to vector<128x128xi32>
      %eq3A_626 = arith.cmpi eq, %iota3A_295, %eq3A_625 : vector<128x128xi32>
      %jit3A_627 = arith.constant 0.000000e+00 : f32
      %broadcast_in_dim3A_628 = vector.broadcast %jit3A_627 : f32 to vector<128x128xf32>
      %select_n3A_629 = arith.select %eq3A_626, %broadcast_in_dim3A_623, %broadcast_in_dim3A_628 : vector<128x128xi1>, vector<128x128xf32>
      %convert_element_type3A_630 = arith.truncf %select_n3A_629 : vector<128x128xf32> to vector<128x128xbf16>
      %swap3A_631 = arith.constant 3 : index
      %swap3A_632 = arith.constant 128 : index
      %swap3A_633 = arith.constant 0 : index
      %swap3A_634 = vector.load %arg20[%swap3A_631, %swap3A_632, %swap3A_633] : memref<16x256x128xbf16, #tpu.memory_space<vmem>>, vector<1x128x128xbf16>
      %swap3A_635 = vector.shape_cast %swap3A_634 : vector<1x128x128xbf16> to vector<128x128xbf16>
      %swap3A_636 = vector.shape_cast %convert_element_type3A_630 : vector<128x128xbf16> to vector<1x128x128xbf16>
      tpu.vector_store %arg20[%swap3A_631, %swap3A_632, %swap3A_633], %swap3A_636 {strides = array<i32>} : memref<16x256x128xbf16, #tpu.memory_space<vmem>>, vector<1x128x128xbf16>,
      %get3A_637 = arith.constant 3 : index
      %get3A_638 = arith.constant 0 : index
      %get3A_639 = vector.load %arg12[%get3A_637, %get3A_638] : memref<16x32xf32, #tpu.memory_space<vmem>>, vector<1x32xf32>
      %concatenate3A_640 = tpu.concatenate %get3A_639, %broadcast_in_dim3A_299 in 1 : vector<1x32xf32>, vector<1x96xf32> -> vector<1x128xf32>
      %eq3A_641 = arith.constant 32 : i32
      %eq3A_642 = vector.broadcast %eq3A_641 : i32 to vector<1x128xi32>
      %eq3A_643 = arith.cmpi eq, %iota3A_296, %eq3A_642 : vector<1x128xi32>
      %get3A_644 = arith.constant 3 : index
      %get3A_645 = arith.constant 0 : index
      %get3A_646 = vector.load %arg16[%get3A_644, %get3A_645] : memref<16x1xf32, #tpu.memory_space<vmem>>, vector<1x1xf32>
      %broadcast_in_dim3A_647 = vector.shape_cast %get3A_646 : vector<1x1xf32> to vector<1x1xf32>
      %broadcast_in_dim3A_648 = vector.broadcast %broadcast_in_dim3A_647 : vector<1x1xf32> to vector<1x128xf32>
      %jit3A_649 = arith.constant 0.000000e+00 : f32
      %broadcast_in_dim3A_650 = vector.broadcast %jit3A_649 : f32 to vector<1x128xf32>
      %select_n3A_651 = arith.select %eq3A_643, %broadcast_in_dim3A_648, %broadcast_in_dim3A_650 : vector<1x128xi1>, vector<1x128xf32>
      %add3A_652 = arith.addf %concatenate3A_640, %select_n3A_651 : vector<1x128xf32>
      %swap3A_653 = arith.constant 3 : index
      %swap3A_654 = arith.constant 0 : index
      %swap3A_655 = vector.load %arg21[%swap3A_653, %swap3A_654] : memref<16x128xf32, #tpu.memory_space<vmem>>, vector<1x128xf32>
      tpu.vector_store %arg21[%swap3A_653, %swap3A_654], %add3A_652 {strides = array<i32>} : memref<16x128xf32, #tpu.memory_space<vmem>>, vector<1x128xf32>,
      %get3A_656 = arith.constant 4 : index
      %get3A_657 = arith.constant 0 : index
      %get3A_658 = arith.constant 0 : index
      %get3A_659 = vector.load %arg9[%get3A_656, %get3A_657, %get3A_658] : memref<16x256x128xf32, #tpu.memory_space<vmem>>, vector<1x256x128xf32>
      %get3A_660 = vector.shape_cast %get3A_659 : vector<1x256x128xf32> to vector<256x128xf32>
      %convert_element_type3A_661 = arith.truncf %get3A_660 : vector<256x128xf32> to vector<256x128xbf16>
      %swap3A_662 = arith.constant 4 : index
      %swap3A_663 = arith.constant 0 : index
      %swap3A_664 = arith.constant 0 : index
      %swap3A_665 = vector.load %arg18[%swap3A_662, %swap3A_663, %swap3A_664] : memref<16x256x256xbf16, #tpu.memory_space<vmem>>, vector<1x256x128xbf16>
      %swap3A_666 = vector.shape_cast %swap3A_665 : vector<1x256x128xbf16> to vector<256x128xbf16>
      %swap3A_667 = vector.shape_cast %convert_element_type3A_661 : vector<256x128xbf16> to vector<1x256x128xbf16>
      tpu.vector_store %arg18[%swap3A_662, %swap3A_663, %swap3A_664], %swap3A_667 {strides = array<i32>} : memref<16x256x256xbf16, #tpu.memory_space<vmem>>, vector<1x256x128xbf16>,
      %get3A_668 = arith.constant 4 : index
      %get3A_669 = arith.constant 0 : index
      %get3A_670 = arith.constant 0 : index
      %get3A_671 = vector.load %arg13[%get3A_668, %get3A_669, %get3A_670] : memref<16x256x128xf32, #tpu.memory_space<vmem>>, vector<1x256x128xf32>
      %get3A_672 = vector.shape_cast %get3A_671 : vector<1x256x128xf32> to vector<256x128xf32>
      %convert_element_type3A_673 = arith.truncf %get3A_672 : vector<256x128xf32> to vector<256x128xbf16>
      %swap3A_674 = arith.constant 4 : index
      %swap3A_675 = arith.constant 0 : index
      %swap3A_676 = arith.constant 128 : index
      %swap3A_677 = vector.load %arg18[%swap3A_674, %swap3A_675, %swap3A_676] : memref<16x256x256xbf16, #tpu.memory_space<vmem>>, vector<1x256x128xbf16>
      %swap3A_678 = vector.shape_cast %swap3A_677 : vector<1x256x128xbf16> to vector<256x128xbf16>
      %swap3A_679 = vector.shape_cast %convert_element_type3A_673 : vector<256x128xbf16> to vector<1x256x128xbf16>
      tpu.vector_store %arg18[%swap3A_674, %swap3A_675, %swap3A_676], %swap3A_679 {strides = array<i32>} : memref<16x256x256xbf16, #tpu.memory_space<vmem>>, vector<1x256x128xbf16>,
      %get3A_680 = arith.constant 4 : index
      %get3A_681 = arith.constant 0 : index
      %get3A_682 = vector.load %arg10[%get3A_680, %get3A_681] : memref<16x128xf32, #tpu.memory_space<vmem>>, vector<1x128xf32>
      %convert_element_type3A_683 = arith.truncf %get3A_682 : vector<1x128xf32> to vector<1x128xbf16>
      %swap3A_684 = arith.constant 4 : index
      %swap3A_685 = arith.constant 0 : index
      %swap3A_686 = vector.load %arg19[%swap3A_684, %swap3A_685] : memref<16x256xbf16, #tpu.memory_space<vmem>>, vector<1x128xbf16>
      tpu.vector_store %arg19[%swap3A_684, %swap3A_685], %convert_element_type3A_683 {strides = array<i32>} : memref<16x256xbf16, #tpu.memory_space<vmem>>, vector<1x128xbf16>,
      %get3A_687 = arith.constant 4 : index
      %get3A_688 = arith.constant 0 : index
      %get3A_689 = vector.load %arg14[%get3A_687, %get3A_688] : memref<16x128xf32, #tpu.memory_space<vmem>>, vector<1x128xf32>
      %convert_element_type3A_690 = arith.truncf %get3A_689 : vector<1x128xf32> to vector<1x128xbf16>
      %swap3A_691 = arith.constant 4 : index
      %swap3A_692 = arith.constant 128 : index
      %swap3A_693 = vector.load %arg19[%swap3A_691, %swap3A_692] : memref<16x256xbf16, #tpu.memory_space<vmem>>, vector<1x128xbf16>
      tpu.vector_store %arg19[%swap3A_691, %swap3A_692], %convert_element_type3A_690 {strides = array<i32>} : memref<16x256xbf16, #tpu.memory_space<vmem>>, vector<1x128xbf16>,
      %get3A_694 = arith.constant 4 : index
      %get3A_695 = arith.constant 0 : index
      %get3A_696 = arith.constant 0 : index
      %get3A_697 = vector.load %arg11[%get3A_694, %get3A_695, %get3A_696] : memref<16x128x32xf32, #tpu.memory_space<vmem>>, vector<1x128x32xf32>
      %get3A_698 = vector.shape_cast %get3A_697 : vector<1x128x32xf32> to vector<128x32xf32>
      %convert_element_type3A_699 = arith.truncf %get3A_698 : vector<128x32xf32> to vector<128x32xbf16>
      %concatenate3A_700 = tpu.concatenate %convert_element_type3A_699, %broadcast_in_dim3A_297 in 1 : vector<128x32xbf16>, vector<128x96xbf16> -> vector<128x128xbf16>
      %swap3A_701 = arith.constant 4 : index
      %swap3A_702 = arith.constant 0 : index
      %swap3A_703 = arith.constant 0 : index
      %swap3A_704 = vector.load %arg20[%swap3A_701, %swap3A_702, %swap3A_703] : memref<16x256x128xbf16, #tpu.memory_space<vmem>>, vector<1x128x128xbf16>
      %swap3A_705 = vector.shape_cast %swap3A_704 : vector<1x128x128xbf16> to vector<128x128xbf16>
      %swap3A_706 = vector.shape_cast %concatenate3A_700 : vector<128x128xbf16> to vector<1x128x128xbf16>
      tpu.vector_store %arg20[%swap3A_701, %swap3A_702, %swap3A_703], %swap3A_706 {strides = array<i32>} : memref<16x256x128xbf16, #tpu.memory_space<vmem>>, vector<1x128x128xbf16>,
      %get3A_707 = arith.constant 4 : index
      %get3A_708 = arith.constant 0 : index
      %get3A_709 = arith.constant 0 : index
      %get3A_710 = vector.load %arg15[%get3A_707, %get3A_708, %get3A_709] : memref<16x128x1xf32, #tpu.memory_space<vmem>>, vector<1x128x1xf32>
      %get3A_711 = vector.shape_cast %get3A_710 : vector<1x128x1xf32> to vector<128x1xf32>
      %broadcast_in_dim3A_712 = vector.shape_cast %get3A_711 : vector<128x1xf32> to vector<128x1xf32>
      %broadcast_in_dim3A_713 = vector.broadcast %broadcast_in_dim3A_712 : vector<128x1xf32> to vector<128x128xf32>
      %eq3A_714 = arith.constant 32 : i32
      %eq3A_715 = vector.broadcast %eq3A_714 : i32 to vector<128x128xi32>
      %eq3A_716 = arith.cmpi eq, %iota3A_295, %eq3A_715 : vector<128x128xi32>
      %jit3A_717 = arith.constant 0.000000e+00 : f32
      %broadcast_in_dim3A_718 = vector.broadcast %jit3A_717 : f32 to vector<128x128xf32>
      %select_n3A_719 = arith.select %eq3A_716, %broadcast_in_dim3A_713, %broadcast_in_dim3A_718 : vector<128x128xi1>, vector<128x128xf32>
      %convert_element_type3A_720 = arith.truncf %select_n3A_719 : vector<128x128xf32> to vector<128x128xbf16>
      %swap3A_721 = arith.constant 4 : index
      %swap3A_722 = arith.constant 128 : index
      %swap3A_723 = arith.constant 0 : index
      %swap3A_724 = vector.load %arg20[%swap3A_721, %swap3A_722, %swap3A_723] : memref<16x256x128xbf16, #tpu.memory_space<vmem>>, vector<1x128x128xbf16>
      %swap3A_725 = vector.shape_cast %swap3A_724 : vector<1x128x128xbf16> to vector<128x128xbf16>
      %swap3A_726 = vector.shape_cast %convert_element_type3A_720 : vector<128x128xbf16> to vector<1x128x128xbf16>
      tpu.vector_store %arg20[%swap3A_721, %swap3A_722, %swap3A_723], %swap3A_726 {strides = array<i32>} : memref<16x256x128xbf16, #tpu.memory_space<vmem>>, vector<1x128x128xbf16>,
      %get3A_727 = arith.constant 4 : index
      %get3A_728 = arith.constant 0 : index
      %get3A_729 = vector.load %arg12[%get3A_727, %get3A_728] : memref<16x32xf32, #tpu.memory_space<vmem>>, vector<1x32xf32>
      %concatenate3A_730 = tpu.concatenate %get3A_729, %broadcast_in_dim3A_299 in 1 : vector<1x32xf32>, vector<1x96xf32> -> vector<1x128xf32>
      %eq3A_731 = arith.constant 32 : i32
      %eq3A_732 = vector.broadcast %eq3A_731 : i32 to vector<1x128xi32>
      %eq3A_733 = arith.cmpi eq, %iota3A_296, %eq3A_732 : vector<1x128xi32>
      %get3A_734 = arith.constant 4 : index
      %get3A_735 = arith.constant 0 : index
      %get3A_736 = vector.load %arg16[%get3A_734, %get3A_735] : memref<16x1xf32, #tpu.memory_space<vmem>>, vector<1x1xf32>
      %broadcast_in_dim3A_737 = vector.shape_cast %get3A_736 : vector<1x1xf32> to vector<1x1xf32>
      %broadcast_in_dim3A_738 = vector.broadcast %broadcast_in_dim3A_737 : vector<1x1xf32> to vector<1x128xf32>
      %jit3A_739 = arith.constant 0.000000e+00 : f32
      %broadcast_in_dim3A_740 = vector.broadcast %jit3A_739 : f32 to vector<1x128xf32>
      %select_n3A_741 = arith.select %eq3A_733, %broadcast_in_dim3A_738, %broadcast_in_dim3A_740 : vector<1x128xi1>, vector<1x128xf32>
      %add3A_742 = arith.addf %concatenate3A_730, %select_n3A_741 : vector<1x128xf32>
      %swap3A_743 = arith.constant 4 : index
      %swap3A_744 = arith.constant 0 : index
      %swap3A_745 = vector.load %arg21[%swap3A_743, %swap3A_744] : memref<16x128xf32, #tpu.memory_space<vmem>>, vector<1x128xf32>
      tpu.vector_store %arg21[%swap3A_743, %swap3A_744], %add3A_742 {strides = array<i32>} : memref<16x128xf32, #tpu.memory_space<vmem>>, vector<1x128xf32>,
      %get3A_746 = arith.constant 5 : index
      %get3A_747 = arith.constant 0 : index
      %get3A_748 = arith.constant 0 : index
      %get3A_749 = vector.load %arg9[%get3A_746, %get3A_747, %get3A_748] : memref<16x256x128xf32, #tpu.memory_space<vmem>>, vector<1x256x128xf32>
      %get3A_750 = vector.shape_cast %get3A_749 : vector<1x256x128xf32> to vector<256x128xf32>
      %convert_element_type3A_751 = arith.truncf %get3A_750 : vector<256x128xf32> to vector<256x128xbf16>
      %swap3A_752 = arith.constant 5 : index
      %swap3A_753 = arith.constant 0 : index
      %swap3A_754 = arith.constant 0 : index
      %swap3A_755 = vector.load %arg18[%swap3A_752, %swap3A_753, %swap3A_754] : memref<16x256x256xbf16, #tpu.memory_space<vmem>>, vector<1x256x128xbf16>
      %swap3A_756 = vector.shape_cast %swap3A_755 : vector<1x256x128xbf16> to vector<256x128xbf16>
      %swap3A_757 = vector.shape_cast %convert_element_type3A_751 : vector<256x128xbf16> to vector<1x256x128xbf16>
      tpu.vector_store %arg18[%swap3A_752, %swap3A_753, %swap3A_754], %swap3A_757 {strides = array<i32>} : memref<16x256x256xbf16, #tpu.memory_space<vmem>>, vector<1x256x128xbf16>,
      %get3A_758 = arith.constant 5 : index
      %get3A_759 = arith.constant 0 : index
      %get3A_760 = arith.constant 0 : index
      %get3A_761 = vector.load %arg13[%get3A_758, %get3A_759, %get3A_760] : memref<16x256x128xf32, #tpu.memory_space<vmem>>, vector<1x256x128xf32>
      %get3A_762 = vector.shape_cast %get3A_761 : vector<1x256x128xf32> to vector<256x128xf32>
      %convert_element_type3A_763 = arith.truncf %get3A_762 : vector<256x128xf32> to vector<256x128xbf16>
      %swap3A_764 = arith.constant 5 : index
      %swap3A_765 = arith.constant 0 : index
      %swap3A_766 = arith.constant 128 : index
      %swap3A_767 = vector.load %arg18[%swap3A_764, %swap3A_765, %swap3A_766] : memref<16x256x256xbf16, #tpu.memory_space<vmem>>, vector<1x256x128xbf16>
      %swap3A_768 = vector.shape_cast %swap3A_767 : vector<1x256x128xbf16> to vector<256x128xbf16>
      %swap3A_769 = vector.shape_cast %convert_element_type3A_763 : vector<256x128xbf16> to vector<1x256x128xbf16>
      tpu.vector_store %arg18[%swap3A_764, %swap3A_765, %swap3A_766], %swap3A_769 {strides = array<i32>} : memref<16x256x256xbf16, #tpu.memory_space<vmem>>, vector<1x256x128xbf16>,
      %get3A_770 = arith.constant 5 : index
      %get3A_771 = arith.constant 0 : index
      %get3A_772 = vector.load %arg10[%get3A_770, %get3A_771] : memref<16x128xf32, #tpu.memory_space<vmem>>, vector<1x128xf32>
      %convert_element_type3A_773 = arith.truncf %get3A_772 : vector<1x128xf32> to vector<1x128xbf16>
      %swap3A_774 = arith.constant 5 : index
      %swap3A_775 = arith.constant 0 : index
      %swap3A_776 = vector.load %arg19[%swap3A_774, %swap3A_775] : memref<16x256xbf16, #tpu.memory_space<vmem>>, vector<1x128xbf16>
      tpu.vector_store %arg19[%swap3A_774, %swap3A_775], %convert_element_type3A_773 {strides = array<i32>} : memref<16x256xbf16, #tpu.memory_space<vmem>>, vector<1x128xbf16>,
      %get3A_777 = arith.constant 5 : index
      %get3A_778 = arith.constant 0 : index
      %get3A_779 = vector.load %arg14[%get3A_777, %get3A_778] : memref<16x128xf32, #tpu.memory_space<vmem>>, vector<1x128xf32>
      %convert_element_type3A_780 = arith.truncf %get3A_779 : vector<1x128xf32> to vector<1x128xbf16>
      %swap3A_781 = arith.constant 5 : index
      %swap3A_782 = arith.constant 128 : index
      %swap3A_783 = vector.load %arg19[%swap3A_781, %swap3A_782] : memref<16x256xbf16, #tpu.memory_space<vmem>>, vector<1x128xbf16>
      tpu.vector_store %arg19[%swap3A_781, %swap3A_782], %convert_element_type3A_780 {strides = array<i32>} : memref<16x256xbf16, #tpu.memory_space<vmem>>, vector<1x128xbf16>,
      %get3A_784 = arith.constant 5 : index
      %get3A_785 = arith.constant 0 : index
      %get3A_786 = arith.constant 0 : index
      %get3A_787 = vector.load %arg11[%get3A_784, %get3A_785, %get3A_786] : memref<16x128x32xf32, #tpu.memory_space<vmem>>, vector<1x128x32xf32>
      %get3A_788 = vector.shape_cast %get3A_787 : vector<1x128x32xf32> to vector<128x32xf32>
      %convert_element_type3A_789 = arith.truncf %get3A_788 : vector<128x32xf32> to vector<128x32xbf16>
      %concatenate3A_790 = tpu.concatenate %convert_element_type3A_789, %broadcast_in_dim3A_297 in 1 : vector<128x32xbf16>, vector<128x96xbf16> -> vector<128x128xbf16>
      %swap3A_791 = arith.constant 5 : index
      %swap3A_792 = arith.constant 0 : index
      %swap3A_793 = arith.constant 0 : index
      %swap3A_794 = vector.load %arg20[%swap3A_791, %swap3A_792, %swap3A_793] : memref<16x256x128xbf16, #tpu.memory_space<vmem>>, vector<1x128x128xbf16>
      %swap3A_795 = vector.shape_cast %swap3A_794 : vector<1x128x128xbf16> to vector<128x128xbf16>
      %swap3A_796 = vector.shape_cast %concatenate3A_790 : vector<128x128xbf16> to vector<1x128x128xbf16>
      tpu.vector_store %arg20[%swap3A_791, %swap3A_792, %swap3A_793], %swap3A_796 {strides = array<i32>} : memref<16x256x128xbf16, #tpu.memory_space<vmem>>, vector<1x128x128xbf16>,
      %get3A_797 = arith.constant 5 : index
      %get3A_798 = arith.constant 0 : index
      %get3A_799 = arith.constant 0 : index
      %get3A_800 = vector.load %arg15[%get3A_797, %get3A_798, %get3A_799] : memref<16x128x1xf32, #tpu.memory_space<vmem>>, vector<1x128x1xf32>
      %get3A_801 = vector.shape_cast %get3A_800 : vector<1x128x1xf32> to vector<128x1xf32>
      %broadcast_in_dim3A_802 = vector.shape_cast %get3A_801 : vector<128x1xf32> to vector<128x1xf32>
      %broadcast_in_dim3A_803 = vector.broadcast %broadcast_in_dim3A_802 : vector<128x1xf32> to vector<128x128xf32>
      %eq3A_804 = arith.constant 32 : i32
      %eq3A_805 = vector.broadcast %eq3A_804 : i32 to vector<128x128xi32>
      %eq3A_806 = arith.cmpi eq, %iota3A_295, %eq3A_805 : vector<128x128xi32>
      %jit3A_807 = arith.constant 0.000000e+00 : f32
      %broadcast_in_dim3A_808 = vector.broadcast %jit3A_807 : f32 to vector<128x128xf32>
      %select_n3A_809 = arith.select %eq3A_806, %broadcast_in_dim3A_803, %broadcast_in_dim3A_808 : vector<128x128xi1>, vector<128x128xf32>
      %convert_element_type3A_810 = arith.truncf %select_n3A_809 : vector<128x128xf32> to vector<128x128xbf16>
      %swap3A_811 = arith.constant 5 : index
      %swap3A_812 = arith.constant 128 : index
      %swap3A_813 = arith.constant 0 : index
      %swap3A_814 = vector.load %arg20[%swap3A_811, %swap3A_812, %swap3A_813] : memref<16x256x128xbf16, #tpu.memory_space<vmem>>, vector<1x128x128xbf16>
      %swap3A_815 = vector.shape_cast %swap3A_814 : vector<1x128x128xbf16> to vector<128x128xbf16>
      %swap3A_816 = vector.shape_cast %convert_element_type3A_810 : vector<128x128xbf16> to vector<1x128x128xbf16>
      tpu.vector_store %arg20[%swap3A_811, %swap3A_812, %swap3A_813], %swap3A_816 {strides = array<i32>} : memref<16x256x128xbf16, #tpu.memory_space<vmem>>, vector<1x128x128xbf16>,
      %get3A_817 = arith.constant 5 : index
      %get3A_818 = arith.constant 0 : index
      %get3A_819 = vector.load %arg12[%get3A_817, %get3A_818] : memref<16x32xf32, #tpu.memory_space<vmem>>, vector<1x32xf32>
      %concatenate3A_820 = tpu.concatenate %get3A_819, %broadcast_in_dim3A_299 in 1 : vector<1x32xf32>, vector<1x96xf32> -> vector<1x128xf32>
      %eq3A_821 = arith.constant 32 : i32
      %eq3A_822 = vector.broadcast %eq3A_821 : i32 to vector<1x128xi32>
      %eq3A_823 = arith.cmpi eq, %iota3A_296, %eq3A_822 : vector<1x128xi32>
      %get3A_824 = arith.constant 5 : index
      %get3A_825 = arith.constant 0 : index
      %get3A_826 = vector.load %arg16[%get3A_824, %get3A_825] : memref<16x1xf32, #tpu.memory_space<vmem>>, vector<1x1xf32>
      %broadcast_in_dim3A_827 = vector.shape_cast %get3A_826 : vector<1x1xf32> to vector<1x1xf32>
      %broadcast_in_dim3A_828 = vector.broadcast %broadcast_in_dim3A_827 : vector<1x1xf32> to vector<1x128xf32>
      %jit3A_829 = arith.constant 0.000000e+00 : f32
      %broadcast_in_dim3A_830 = vector.broadcast %jit3A_829 : f32 to vector<1x128xf32>
      %select_n3A_831 = arith.select %eq3A_823, %broadcast_in_dim3A_828, %broadcast_in_dim3A_830 : vector<1x128xi1>, vector<1x128xf32>
      %add3A_832 = arith.addf %concatenate3A_820, %select_n3A_831 : vector<1x128xf32>
      %swap3A_833 = arith.constant 5 : index
      %swap3A_834 = arith.constant 0 : index
      %swap3A_835 = vector.load %arg21[%swap3A_833, %swap3A_834] : memref<16x128xf32, #tpu.memory_space<vmem>>, vector<1x128xf32>
      tpu.vector_store %arg21[%swap3A_833, %swap3A_834], %add3A_832 {strides = array<i32>} : memref<16x128xf32, #tpu.memory_space<vmem>>, vector<1x128xf32>,
      %get3A_836 = arith.constant 6 : index
      %get3A_837 = arith.constant 0 : index
      %get3A_838 = arith.constant 0 : index
      %get3A_839 = vector.load %arg9[%get3A_836, %get3A_837, %get3A_838] : memref<16x256x128xf32, #tpu.memory_space<vmem>>, vector<1x256x128xf32>
      %get3A_840 = vector.shape_cast %get3A_839 : vector<1x256x128xf32> to vector<256x128xf32>
      %convert_element_type3A_841 = arith.truncf %get3A_840 : vector<256x128xf32> to vector<256x128xbf16>
      %swap3A_842 = arith.constant 6 : index
      %swap3A_843 = arith.constant 0 : index
      %swap3A_844 = arith.constant 0 : index
      %swap3A_845 = vector.load %arg18[%swap3A_842, %swap3A_843, %swap3A_844] : memref<16x256x256xbf16, #tpu.memory_space<vmem>>, vector<1x256x128xbf16>
      %swap3A_846 = vector.shape_cast %swap3A_845 : vector<1x256x128xbf16> to vector<256x128xbf16>
      %swap3A_847 = vector.shape_cast %convert_element_type3A_841 : vector<256x128xbf16> to vector<1x256x128xbf16>
      tpu.vector_store %arg18[%swap3A_842, %swap3A_843, %swap3A_844], %swap3A_847 {strides = array<i32>} : memref<16x256x256xbf16, #tpu.memory_space<vmem>>, vector<1x256x128xbf16>,
      %get3A_848 = arith.constant 6 : index
      %get3A_849 = arith.constant 0 : index
      %get3A_850 = arith.constant 0 : index
      %get3A_851 = vector.load %arg13[%get3A_848, %get3A_849, %get3A_850] : memref<16x256x128xf32, #tpu.memory_space<vmem>>, vector<1x256x128xf32>
      %get3A_852 = vector.shape_cast %get3A_851 : vector<1x256x128xf32> to vector<256x128xf32>
      %convert_element_type3A_853 = arith.truncf %get3A_852 : vector<256x128xf32> to vector<256x128xbf16>
      %swap3A_854 = arith.constant 6 : index
      %swap3A_855 = arith.constant 0 : index
      %swap3A_856 = arith.constant 128 : index
      %swap3A_857 = vector.load %arg18[%swap3A_854, %swap3A_855, %swap3A_856] : memref<16x256x256xbf16, #tpu.memory_space<vmem>>, vector<1x256x128xbf16>
      %swap3A_858 = vector.shape_cast %swap3A_857 : vector<1x256x128xbf16> to vector<256x128xbf16>
      %swap3A_859 = vector.shape_cast %convert_element_type3A_853 : vector<256x128xbf16> to vector<1x256x128xbf16>
      tpu.vector_store %arg18[%swap3A_854, %swap3A_855, %swap3A_856], %swap3A_859 {strides = array<i32>} : memref<16x256x256xbf16, #tpu.memory_space<vmem>>, vector<1x256x128xbf16>,
      %get3A_860 = arith.constant 6 : index
      %get3A_861 = arith.constant 0 : index
      %get3A_862 = vector.load %arg10[%get3A_860, %get3A_861] : memref<16x128xf32, #tpu.memory_space<vmem>>, vector<1x128xf32>
      %convert_element_type3A_863 = arith.truncf %get3A_862 : vector<1x128xf32> to vector<1x128xbf16>
      %swap3A_864 = arith.constant 6 : index
      %swap3A_865 = arith.constant 0 : index
      %swap3A_866 = vector.load %arg19[%swap3A_864, %swap3A_865] : memref<16x256xbf16, #tpu.memory_space<vmem>>, vector<1x128xbf16>
      tpu.vector_store %arg19[%swap3A_864, %swap3A_865], %convert_element_type3A_863 {strides = array<i32>} : memref<16x256xbf16, #tpu.memory_space<vmem>>, vector<1x128xbf16>,
      %get3A_867 = arith.constant 6 : index
      %get3A_868 = arith.constant 0 : index
      %get3A_869 = vector.load %arg14[%get3A_867, %get3A_868] : memref<16x128xf32, #tpu.memory_space<vmem>>, vector<1x128xf32>
      %convert_element_type3A_870 = arith.truncf %get3A_869 : vector<1x128xf32> to vector<1x128xbf16>
      %swap3A_871 = arith.constant 6 : index
      %swap3A_872 = arith.constant 128 : index
      %swap3A_873 = vector.load %arg19[%swap3A_871, %swap3A_872] : memref<16x256xbf16, #tpu.memory_space<vmem>>, vector<1x128xbf16>
      tpu.vector_store %arg19[%swap3A_871, %swap3A_872], %convert_element_type3A_870 {strides = array<i32>} : memref<16x256xbf16, #tpu.memory_space<vmem>>, vector<1x128xbf16>,
      %get3A_874 = arith.constant 6 : index
      %get3A_875 = arith.constant 0 : index
      %get3A_876 = arith.constant 0 : index
      %get3A_877 = vector.load %arg11[%get3A_874, %get3A_875, %get3A_876] : memref<16x128x32xf32, #tpu.memory_space<vmem>>, vector<1x128x32xf32>
      %get3A_878 = vector.shape_cast %get3A_877 : vector<1x128x32xf32> to vector<128x32xf32>
      %convert_element_type3A_879 = arith.truncf %get3A_878 : vector<128x32xf32> to vector<128x32xbf16>
      %concatenate3A_880 = tpu.concatenate %convert_element_type3A_879, %broadcast_in_dim3A_297 in 1 : vector<128x32xbf16>, vector<128x96xbf16> -> vector<128x128xbf16>
      %swap3A_881 = arith.constant 6 : index
      %swap3A_882 = arith.constant 0 : index
      %swap3A_883 = arith.constant 0 : index
      %swap3A_884 = vector.load %arg20[%swap3A_881, %swap3A_882, %swap3A_883] : memref<16x256x128xbf16, #tpu.memory_space<vmem>>, vector<1x128x128xbf16>
      %swap3A_885 = vector.shape_cast %swap3A_884 : vector<1x128x128xbf16> to vector<128x128xbf16>
      %swap3A_886 = vector.shape_cast %concatenate3A_880 : vector<128x128xbf16> to vector<1x128x128xbf16>
      tpu.vector_store %arg20[%swap3A_881, %swap3A_882, %swap3A_883], %swap3A_886 {strides = array<i32>} : memref<16x256x128xbf16, #tpu.memory_space<vmem>>, vector<1x128x128xbf16>,
      %get3A_887 = arith.constant 6 : index
      %get3A_888 = arith.constant 0 : index
      %get3A_889 = arith.constant 0 : index
      %get3A_890 = vector.load %arg15[%get3A_887, %get3A_888, %get3A_889] : memref<16x128x1xf32, #tpu.memory_space<vmem>>, vector<1x128x1xf32>
      %get3A_891 = vector.shape_cast %get3A_890 : vector<1x128x1xf32> to vector<128x1xf32>
      %broadcast_in_dim3A_892 = vector.shape_cast %get3A_891 : vector<128x1xf32> to vector<128x1xf32>
      %broadcast_in_dim3A_893 = vector.broadcast %broadcast_in_dim3A_892 : vector<128x1xf32> to vector<128x128xf32>
      %eq3A_894 = arith.constant 32 : i32
      %eq3A_895 = vector.broadcast %eq3A_894 : i32 to vector<128x128xi32>
      %eq3A_896 = arith.cmpi eq, %iota3A_295, %eq3A_895 : vector<128x128xi32>
      %jit3A_897 = arith.constant 0.000000e+00 : f32
      %broadcast_in_dim3A_898 = vector.broadcast %jit3A_897 : f32 to vector<128x128xf32>
      %select_n3A_899 = arith.select %eq3A_896, %broadcast_in_dim3A_893, %broadcast_in_dim3A_898 : vector<128x128xi1>, vector<128x128xf32>
      %convert_element_type3A_900 = arith.truncf %select_n3A_899 : vector<128x128xf32> to vector<128x128xbf16>
      %swap3A_901 = arith.constant 6 : index
      %swap3A_902 = arith.constant 128 : index
      %swap3A_903 = arith.constant 0 : index
      %swap3A_904 = vector.load %arg20[%swap3A_901, %swap3A_902, %swap3A_903] : memref<16x256x128xbf16, #tpu.memory_space<vmem>>, vector<1x128x128xbf16>
      %swap3A_905 = vector.shape_cast %swap3A_904 : vector<1x128x128xbf16> to vector<128x128xbf16>
      %swap3A_906 = vector.shape_cast %convert_element_type3A_900 : vector<128x128xbf16> to vector<1x128x128xbf16>
      tpu.vector_store %arg20[%swap3A_901, %swap3A_902, %swap3A_903], %swap3A_906 {strides = array<i32>} : memref<16x256x128xbf16, #tpu.memory_space<vmem>>, vector<1x128x128xbf16>,
      %get3A_907 = arith.constant 6 : index
      %get3A_908 = arith.constant 0 : index
      %get3A_909 = vector.load %arg12[%get3A_907, %get3A_908] : memref<16x32xf32, #tpu.memory_space<vmem>>, vector<1x32xf32>
      %concatenate3A_910 = tpu.concatenate %get3A_909, %broadcast_in_dim3A_299 in 1 : vector<1x32xf32>, vector<1x96xf32> -> vector<1x128xf32>
      %eq3A_911 = arith.constant 32 : i32
      %eq3A_912 = vector.broadcast %eq3A_911 : i32 to vector<1x128xi32>
      %eq3A_913 = arith.cmpi eq, %iota3A_296, %eq3A_912 : vector<1x128xi32>
      %get3A_914 = arith.constant 6 : index
      %get3A_915 = arith.constant 0 : index
      %get3A_916 = vector.load %arg16[%get3A_914, %get3A_915] : memref<16x1xf32, #tpu.memory_space<vmem>>, vector<1x1xf32>
      %broadcast_in_dim3A_917 = vector.shape_cast %get3A_916 : vector<1x1xf32> to vector<1x1xf32>
      %broadcast_in_dim3A_918 = vector.broadcast %broadcast_in_dim3A_917 : vector<1x1xf32> to vector<1x128xf32>
      %jit3A_919 = arith.constant 0.000000e+00 : f32
      %broadcast_in_dim3A_920 = vector.broadcast %jit3A_919 : f32 to vector<1x128xf32>
      %select_n3A_921 = arith.select %eq3A_913, %broadcast_in_dim3A_918, %broadcast_in_dim3A_920 : vector<1x128xi1>, vector<1x128xf32>
      %add3A_922 = arith.addf %concatenate3A_910, %select_n3A_921 : vector<1x128xf32>
      %swap3A_923 = arith.constant 6 : index
      %swap3A_924 = arith.constant 0 : index
      %swap3A_925 = vector.load %arg21[%swap3A_923, %swap3A_924] : memref<16x128xf32, #tpu.memory_space<vmem>>, vector<1x128xf32>
      tpu.vector_store %arg21[%swap3A_923, %swap3A_924], %add3A_922 {strides = array<i32>} : memref<16x128xf32, #tpu.memory_space<vmem>>, vector<1x128xf32>,
      %get3A_926 = arith.constant 7 : index
      %get3A_927 = arith.constant 0 : index
      %get3A_928 = arith.constant 0 : index
      %get3A_929 = vector.load %arg9[%get3A_926, %get3A_927, %get3A_928] : memref<16x256x128xf32, #tpu.memory_space<vmem>>, vector<1x256x128xf32>
      %get3A_930 = vector.shape_cast %get3A_929 : vector<1x256x128xf32> to vector<256x128xf32>
      %convert_element_type3A_931 = arith.truncf %get3A_930 : vector<256x128xf32> to vector<256x128xbf16>
      %swap3A_932 = arith.constant 7 : index
      %swap3A_933 = arith.constant 0 : index
      %swap3A_934 = arith.constant 0 : index
      %swap3A_935 = vector.load %arg18[%swap3A_932, %swap3A_933, %swap3A_934] : memref<16x256x256xbf16, #tpu.memory_space<vmem>>, vector<1x256x128xbf16>
      %swap3A_936 = vector.shape_cast %swap3A_935 : vector<1x256x128xbf16> to vector<256x128xbf16>
      %swap3A_937 = vector.shape_cast %convert_element_type3A_931 : vector<256x128xbf16> to vector<1x256x128xbf16>
      tpu.vector_store %arg18[%swap3A_932, %swap3A_933, %swap3A_934], %swap3A_937 {strides = array<i32>} : memref<16x256x256xbf16, #tpu.memory_space<vmem>>, vector<1x256x128xbf16>,
      %get3A_938 = arith.constant 7 : index
      %get3A_939 = arith.constant 0 : index
      %get3A_940 = arith.constant 0 : index
      %get3A_941 = vector.load %arg13[%get3A_938, %get3A_939, %get3A_940] : memref<16x256x128xf32, #tpu.memory_space<vmem>>, vector<1x256x128xf32>
      %get3A_942 = vector.shape_cast %get3A_941 : vector<1x256x128xf32> to vector<256x128xf32>
      %convert_element_type3A_943 = arith.truncf %get3A_942 : vector<256x128xf32> to vector<256x128xbf16>
      %swap3A_944 = arith.constant 7 : index
      %swap3A_945 = arith.constant 0 : index
      %swap3A_946 = arith.constant 128 : index
      %swap3A_947 = vector.load %arg18[%swap3A_944, %swap3A_945, %swap3A_946] : memref<16x256x256xbf16, #tpu.memory_space<vmem>>, vector<1x256x128xbf16>
      %swap3A_948 = vector.shape_cast %swap3A_947 : vector<1x256x128xbf16> to vector<256x128xbf16>
      %swap3A_949 = vector.shape_cast %convert_element_type3A_943 : vector<256x128xbf16> to vector<1x256x128xbf16>
      tpu.vector_store %arg18[%swap3A_944, %swap3A_945, %swap3A_946], %swap3A_949 {strides = array<i32>} : memref<16x256x256xbf16, #tpu.memory_space<vmem>>, vector<1x256x128xbf16>,
      %get3A_950 = arith.constant 7 : index
      %get3A_951 = arith.constant 0 : index
      %get3A_952 = vector.load %arg10[%get3A_950, %get3A_951] : memref<16x128xf32, #tpu.memory_space<vmem>>, vector<1x128xf32>
      %convert_element_type3A_953 = arith.truncf %get3A_952 : vector<1x128xf32> to vector<1x128xbf16>
      %swap3A_954 = arith.constant 7 : index
      %swap3A_955 = arith.constant 0 : index
      %swap3A_956 = vector.load %arg19[%swap3A_954, %swap3A_955] : memref<16x256xbf16, #tpu.memory_space<vmem>>, vector<1x128xbf16>
      tpu.vector_store %arg19[%swap3A_954, %swap3A_955], %convert_element_type3A_953 {strides = array<i32>} : memref<16x256xbf16, #tpu.memory_space<vmem>>, vector<1x128xbf16>,
      %get3A_957 = arith.constant 7 : index
      %get3A_958 = arith.constant 0 : index
      %get3A_959 = vector.load %arg14[%get3A_957, %get3A_958] : memref<16x128xf32, #tpu.memory_space<vmem>>, vector<1x128xf32>
      %convert_element_type3A_960 = arith.truncf %get3A_959 : vector<1x128xf32> to vector<1x128xbf16>
      %swap3A_961 = arith.constant 7 : index
      %swap3A_962 = arith.constant 128 : index
      %swap3A_963 = vector.load %arg19[%swap3A_961, %swap3A_962] : memref<16x256xbf16, #tpu.memory_space<vmem>>, vector<1x128xbf16>
      tpu.vector_store %arg19[%swap3A_961, %swap3A_962], %convert_element_type3A_960 {strides = array<i32>} : memref<16x256xbf16, #tpu.memory_space<vmem>>, vector<1x128xbf16>,
      %get3A_964 = arith.constant 7 : index
      %get3A_965 = arith.constant 0 : index
      %get3A_966 = arith.constant 0 : index
      %get3A_967 = vector.load %arg11[%get3A_964, %get3A_965, %get3A_966] : memref<16x128x32xf32, #tpu.memory_space<vmem>>, vector<1x128x32xf32>
      %get3A_968 = vector.shape_cast %get3A_967 : vector<1x128x32xf32> to vector<128x32xf32>
      %convert_element_type3A_969 = arith.truncf %get3A_968 : vector<128x32xf32> to vector<128x32xbf16>
      %concatenate3A_970 = tpu.concatenate %convert_element_type3A_969, %broadcast_in_dim3A_297 in 1 : vector<128x32xbf16>, vector<128x96xbf16> -> vector<128x128xbf16>
      %swap3A_971 = arith.constant 7 : index
      %swap3A_972 = arith.constant 0 : index
      %swap3A_973 = arith.constant 0 : index
      %swap3A_974 = vector.load %arg20[%swap3A_971, %swap3A_972, %swap3A_973] : memref<16x256x128xbf16, #tpu.memory_space<vmem>>, vector<1x128x128xbf16>
      %swap3A_975 = vector.shape_cast %swap3A_974 : vector<1x128x128xbf16> to vector<128x128xbf16>
      %swap3A_976 = vector.shape_cast %concatenate3A_970 : vector<128x128xbf16> to vector<1x128x128xbf16>
      tpu.vector_store %arg20[%swap3A_971, %swap3A_972, %swap3A_973], %swap3A_976 {strides = array<i32>} : memref<16x256x128xbf16, #tpu.memory_space<vmem>>, vector<1x128x128xbf16>,
      %get3A_977 = arith.constant 7 : index
      %get3A_978 = arith.constant 0 : index
      %get3A_979 = arith.constant 0 : index
      %get3A_980 = vector.load %arg15[%get3A_977, %get3A_978, %get3A_979] : memref<16x128x1xf32, #tpu.memory_space<vmem>>, vector<1x128x1xf32>
      %get3A_981 = vector.shape_cast %get3A_980 : vector<1x128x1xf32> to vector<128x1xf32>
      %broadcast_in_dim3A_982 = vector.shape_cast %get3A_981 : vector<128x1xf32> to vector<128x1xf32>
      %broadcast_in_dim3A_983 = vector.broadcast %broadcast_in_dim3A_982 : vector<128x1xf32> to vector<128x128xf32>
      %eq3A_984 = arith.constant 32 : i32
      %eq3A_985 = vector.broadcast %eq3A_984 : i32 to vector<128x128xi32>
      %eq3A_986 = arith.cmpi eq, %iota3A_295, %eq3A_985 : vector<128x128xi32>
      %jit3A_987 = arith.constant 0.000000e+00 : f32
      %broadcast_in_dim3A_988 = vector.broadcast %jit3A_987 : f32 to vector<128x128xf32>
      %select_n3A_989 = arith.select %eq3A_986, %broadcast_in_dim3A_983, %broadcast_in_dim3A_988 : vector<128x128xi1>, vector<128x128xf32>
      %convert_element_type3A_990 = arith.truncf %select_n3A_989 : vector<128x128xf32> to vector<128x128xbf16>
      %swap3A_991 = arith.constant 7 : index
      %swap3A_992 = arith.constant 128 : index
      %swap3A_993 = arith.constant 0 : index
      %swap3A_994 = vector.load %arg20[%swap3A_991, %swap3A_992, %swap3A_993] : memref<16x256x128xbf16, #tpu.memory_space<vmem>>, vector<1x128x128xbf16>
      %swap3A_995 = vector.shape_cast %swap3A_994 : vector<1x128x128xbf16> to vector<128x128xbf16>
      %swap3A_996 = vector.shape_cast %convert_element_type3A_990 : vector<128x128xbf16> to vector<1x128x128xbf16>
      tpu.vector_store %arg20[%swap3A_991, %swap3A_992, %swap3A_993], %swap3A_996 {strides = array<i32>} : memref<16x256x128xbf16, #tpu.memory_space<vmem>>, vector<1x128x128xbf16>,
      %get3A_997 = arith.constant 7 : index
      %get3A_998 = arith.constant 0 : index
      %get3A_999 = vector.load %arg12[%get3A_997, %get3A_998] : memref<16x32xf32, #tpu.memory_space<vmem>>, vector<1x32xf32>
      %concatenate3A_1000 = tpu.concatenate %get3A_999, %broadcast_in_dim3A_299 in 1 : vector<1x32xf32>, vector<1x96xf32> -> vector<1x128xf32>
      %eq3A_1001 = arith.constant 32 : i32
      %eq3A_1002 = vector.broadcast %eq3A_1001 : i32 to vector<1x128xi32>
      %eq3A_1003 = arith.cmpi eq, %iota3A_296, %eq3A_1002 : vector<1x128xi32>
      %get3A_1004 = arith.constant 7 : index
      %get3A_1005 = arith.constant 0 : index
      %get3A_1006 = vector.load %arg16[%get3A_1004, %get3A_1005] : memref<16x1xf32, #tpu.memory_space<vmem>>, vector<1x1xf32>
      %broadcast_in_dim3A_1007 = vector.shape_cast %get3A_1006 : vector<1x1xf32> to vector<1x1xf32>
      %broadcast_in_dim3A_1008 = vector.broadcast %broadcast_in_dim3A_1007 : vector<1x1xf32> to vector<1x128xf32>
      %jit3A_1009 = arith.constant 0.000000e+00 : f32
      %broadcast_in_dim3A_1010 = vector.broadcast %jit3A_1009 : f32 to vector<1x128xf32>
      %select_n3A_1011 = arith.select %eq3A_1003, %broadcast_in_dim3A_1008, %broadcast_in_dim3A_1010 : vector<1x128xi1>, vector<1x128xf32>
      %add3A_1012 = arith.addf %concatenate3A_1000, %select_n3A_1011 : vector<1x128xf32>
      %swap3A_1013 = arith.constant 7 : index
      %swap3A_1014 = arith.constant 0 : index
      %swap3A_1015 = vector.load %arg21[%swap3A_1013, %swap3A_1014] : memref<16x128xf32, #tpu.memory_space<vmem>>, vector<1x128xf32>
      tpu.vector_store %arg21[%swap3A_1013, %swap3A_1014], %add3A_1012 {strides = array<i32>} : memref<16x128xf32, #tpu.memory_space<vmem>>, vector<1x128xf32>,
      %get3A_1016 = arith.constant 8 : index
      %get3A_1017 = arith.constant 0 : index
      %get3A_1018 = arith.constant 0 : index
      %get3A_1019 = vector.load %arg9[%get3A_1016, %get3A_1017, %get3A_1018] : memref<16x256x128xf32, #tpu.memory_space<vmem>>, vector<1x256x128xf32>
      %get3A_1020 = vector.shape_cast %get3A_1019 : vector<1x256x128xf32> to vector<256x128xf32>
      %convert_element_type3A_1021 = arith.truncf %get3A_1020 : vector<256x128xf32> to vector<256x128xbf16>
      %swap3A_1022 = arith.constant 8 : index
      %swap3A_1023 = arith.constant 0 : index
      %swap3A_1024 = arith.constant 0 : index
      %swap3A_1025 = vector.load %arg18[%swap3A_1022, %swap3A_1023, %swap3A_1024] : memref<16x256x256xbf16, #tpu.memory_space<vmem>>, vector<1x256x128xbf16>
      %swap3A_1026 = vector.shape_cast %swap3A_1025 : vector<1x256x128xbf16> to vector<256x128xbf16>
      %swap3A_1027 = vector.shape_cast %convert_element_type3A_1021 : vector<256x128xbf16> to vector<1x256x128xbf16>
      tpu.vector_store %arg18[%swap3A_1022, %swap3A_1023, %swap3A_1024], %swap3A_1027 {strides = array<i32>} : memref<16x256x256xbf16, #tpu.memory_space<vmem>>, vector<1x256x128xbf16>,
      %get3A_1028 = arith.constant 8 : index
      %get3A_1029 = arith.constant 0 : index
      %get3A_1030 = arith.constant 0 : index
      %get3A_1031 = vector.load %arg13[%get3A_1028, %get3A_1029, %get3A_1030] : memref<16x256x128xf32, #tpu.memory_space<vmem>>, vector<1x256x128xf32>
      %get3A_1032 = vector.shape_cast %get3A_1031 : vector<1x256x128xf32> to vector<256x128xf32>
      %convert_element_type3A_1033 = arith.truncf %get3A_1032 : vector<256x128xf32> to vector<256x128xbf16>
      %swap3A_1034 = arith.constant 8 : index
      %swap3A_1035 = arith.constant 0 : index
      %swap3A_1036 = arith.constant 128 : index
      %swap3A_1037 = vector.load %arg18[%swap3A_1034, %swap3A_1035, %swap3A_1036] : memref<16x256x256xbf16, #tpu.memory_space<vmem>>, vector<1x256x128xbf16>
      %swap3A_1038 = vector.shape_cast %swap3A_1037 : vector<1x256x128xbf16> to vector<256x128xbf16>
      %swap3A_1039 = vector.shape_cast %convert_element_type3A_1033 : vector<256x128xbf16> to vector<1x256x128xbf16>
      tpu.vector_store %arg18[%swap3A_1034, %swap3A_1035, %swap3A_1036], %swap3A_1039 {strides = array<i32>} : memref<16x256x256xbf16, #tpu.memory_space<vmem>>, vector<1x256x128xbf16>,
      %get3A_1040 = arith.constant 8 : index
      %get3A_1041 = arith.constant 0 : index
      %get3A_1042 = vector.load %arg10[%get3A_1040, %get3A_1041] : memref<16x128xf32, #tpu.memory_space<vmem>>, vector<1x128xf32>
      %convert_element_type3A_1043 = arith.truncf %get3A_1042 : vector<1x128xf32> to vector<1x128xbf16>
      %swap3A_1044 = arith.constant 8 : index
      %swap3A_1045 = arith.constant 0 : index
      %swap3A_1046 = vector.load %arg19[%swap3A_1044, %swap3A_1045] : memref<16x256xbf16, #tpu.memory_space<vmem>>, vector<1x128xbf16>
      tpu.vector_store %arg19[%swap3A_1044, %swap3A_1045], %convert_element_type3A_1043 {strides = array<i32>} : memref<16x256xbf16, #tpu.memory_space<vmem>>, vector<1x128xbf16>,
      %get3A_1047 = arith.constant 8 : index
      %get3A_1048 = arith.constant 0 : index
      %get3A_1049 = vector.load %arg14[%get3A_1047, %get3A_1048] : memref<16x128xf32, #tpu.memory_space<vmem>>, vector<1x128xf32>
      %convert_element_type3A_1050 = arith.truncf %get3A_1049 : vector<1x128xf32> to vector<1x128xbf16>
      %swap3A_1051 = arith.constant 8 : index
      %swap3A_1052 = arith.constant 128 : index
      %swap3A_1053 = vector.load %arg19[%swap3A_1051, %swap3A_1052] : memref<16x256xbf16, #tpu.memory_space<vmem>>, vector<1x128xbf16>
      tpu.vector_store %arg19[%swap3A_1051, %swap3A_1052], %convert_element_type3A_1050 {strides = array<i32>} : memref<16x256xbf16, #tpu.memory_space<vmem>>, vector<1x128xbf16>,
      %get3A_1054 = arith.constant 8 : index
      %get3A_1055 = arith.constant 0 : index
      %get3A_1056 = arith.constant 0 : index
      %get3A_1057 = vector.load %arg11[%get3A_1054, %get3A_1055, %get3A_1056] : memref<16x128x32xf32, #tpu.memory_space<vmem>>, vector<1x128x32xf32>
      %get3A_1058 = vector.shape_cast %get3A_1057 : vector<1x128x32xf32> to vector<128x32xf32>
      %convert_element_type3A_1059 = arith.truncf %get3A_1058 : vector<128x32xf32> to vector<128x32xbf16>
      %concatenate3A_1060 = tpu.concatenate %convert_element_type3A_1059, %broadcast_in_dim3A_297 in 1 : vector<128x32xbf16>, vector<128x96xbf16> -> vector<128x128xbf16>
      %swap3A_1061 = arith.constant 8 : index
      %swap3A_1062 = arith.constant 0 : index
      %swap3A_1063 = arith.constant 0 : index
      %swap3A_1064 = vector.load %arg20[%swap3A_1061, %swap3A_1062, %swap3A_1063] : memref<16x256x128xbf16, #tpu.memory_space<vmem>>, vector<1x128x128xbf16>
      %swap3A_1065 = vector.shape_cast %swap3A_1064 : vector<1x128x128xbf16> to vector<128x128xbf16>
      %swap3A_1066 = vector.shape_cast %concatenate3A_1060 : vector<128x128xbf16> to vector<1x128x128xbf16>
      tpu.vector_store %arg20[%swap3A_1061, %swap3A_1062, %swap3A_1063], %swap3A_1066 {strides = array<i32>} : memref<16x256x128xbf16, #tpu.memory_space<vmem>>, vector<1x128x128xbf16>,
      %get3A_1067 = arith.constant 8 : index
      %get3A_1068 = arith.constant 0 : index
      %get3A_1069 = arith.constant 0 : index
      %get3A_1070 = vector.load %arg15[%get3A_1067, %get3A_1068, %get3A_1069] : memref<16x128x1xf32, #tpu.memory_space<vmem>>, vector<1x128x1xf32>
      %get3A_1071 = vector.shape_cast %get3A_1070 : vector<1x128x1xf32> to vector<128x1xf32>
      %broadcast_in_dim3A_1072 = vector.shape_cast %get3A_1071 : vector<128x1xf32> to vector<128x1xf32>
      %broadcast_in_dim3A_1073 = vector.broadcast %broadcast_in_dim3A_1072 : vector<128x1xf32> to vector<128x128xf32>
      %eq3A_1074 = arith.constant 32 : i32
      %eq3A_1075 = vector.broadcast %eq3A_1074 : i32 to vector<128x128xi32>
      %eq3A_1076 = arith.cmpi eq, %iota3A_295, %eq3A_1075 : vector<128x128xi32>
      %jit3A_1077 = arith.constant 0.000000e+00 : f32
      %broadcast_in_dim3A_1078 = vector.broadcast %jit3A_1077 : f32 to vector<128x128xf32>
      %select_n3A_1079 = arith.select %eq3A_1076, %broadcast_in_dim3A_1073, %broadcast_in_dim3A_1078 : vector<128x128xi1>, vector<128x128xf32>
      %convert_element_type3A_1080 = arith.truncf %select_n3A_1079 : vector<128x128xf32> to vector<128x128xbf16>
      %swap3A_1081 = arith.constant 8 : index
      %swap3A_1082 = arith.constant 128 : index
      %swap3A_1083 = arith.constant 0 : index
      %swap3A_1084 = vector.load %arg20[%swap3A_1081, %swap3A_1082, %swap3A_1083] : memref<16x256x128xbf16, #tpu.memory_space<vmem>>, vector<1x128x128xbf16>
      %swap3A_1085 = vector.shape_cast %swap3A_1084 : vector<1x128x128xbf16> to vector<128x128xbf16>
      %swap3A_1086 = vector.shape_cast %convert_element_type3A_1080 : vector<128x128xbf16> to vector<1x128x128xbf16>
      tpu.vector_store %arg20[%swap3A_1081, %swap3A_1082, %swap3A_1083], %swap3A_1086 {strides = array<i32>} : memref<16x256x128xbf16, #tpu.memory_space<vmem>>, vector<1x128x128xbf16>,
      %get3A_1087 = arith.constant 8 : index
      %get3A_1088 = arith.constant 0 : index
      %get3A_1089 = vector.load %arg12[%get3A_1087, %get3A_1088] : memref<16x32xf32, #tpu.memory_space<vmem>>, vector<1x32xf32>
      %concatenate3A_1090 = tpu.concatenate %get3A_1089, %broadcast_in_dim3A_299 in 1 : vector<1x32xf32>, vector<1x96xf32> -> vector<1x128xf32>
      %eq3A_1091 = arith.constant 32 : i32
      %eq3A_1092 = vector.broadcast %eq3A_1091 : i32 to vector<1x128xi32>
      %eq3A_1093 = arith.cmpi eq, %iota3A_296, %eq3A_1092 : vector<1x128xi32>
      %get3A_1094 = arith.constant 8 : index
      %get3A_1095 = arith.constant 0 : index
      %get3A_1096 = vector.load %arg16[%get3A_1094, %get3A_1095] : memref<16x1xf32, #tpu.memory_space<vmem>>, vector<1x1xf32>
      %broadcast_in_dim3A_1097 = vector.shape_cast %get3A_1096 : vector<1x1xf32> to vector<1x1xf32>
      %broadcast_in_dim3A_1098 = vector.broadcast %broadcast_in_dim3A_1097 : vector<1x1xf32> to vector<1x128xf32>
      %jit3A_1099 = arith.constant 0.000000e+00 : f32
      %broadcast_in_dim3A_1100 = vector.broadcast %jit3A_1099 : f32 to vector<1x128xf32>
      %select_n3A_1101 = arith.select %eq3A_1093, %broadcast_in_dim3A_1098, %broadcast_in_dim3A_1100 : vector<1x128xi1>, vector<1x128xf32>
      %add3A_1102 = arith.addf %concatenate3A_1090, %select_n3A_1101 : vector<1x128xf32>
      %swap3A_1103 = arith.constant 8 : index
      %swap3A_1104 = arith.constant 0 : index
      %swap3A_1105 = vector.load %arg21[%swap3A_1103, %swap3A_1104] : memref<16x128xf32, #tpu.memory_space<vmem>>, vector<1x128xf32>
      tpu.vector_store %arg21[%swap3A_1103, %swap3A_1104], %add3A_1102 {strides = array<i32>} : memref<16x128xf32, #tpu.memory_space<vmem>>, vector<1x128xf32>,
      %get3A_1106 = arith.constant 9 : index
      %get3A_1107 = arith.constant 0 : index
      %get3A_1108 = arith.constant 0 : index
      %get3A_1109 = vector.load %arg9[%get3A_1106, %get3A_1107, %get3A_1108] : memref<16x256x128xf32, #tpu.memory_space<vmem>>, vector<1x256x128xf32>
      %get3A_1110 = vector.shape_cast %get3A_1109 : vector<1x256x128xf32> to vector<256x128xf32>
      %convert_element_type3A_1111 = arith.truncf %get3A_1110 : vector<256x128xf32> to vector<256x128xbf16>
      %swap3A_1112 = arith.constant 9 : index
      %swap3A_1113 = arith.constant 0 : index
      %swap3A_1114 = arith.constant 0 : index
      %swap3A_1115 = vector.load %arg18[%swap3A_1112, %swap3A_1113, %swap3A_1114] : memref<16x256x256xbf16, #tpu.memory_space<vmem>>, vector<1x256x128xbf16>
      %swap3A_1116 = vector.shape_cast %swap3A_1115 : vector<1x256x128xbf16> to vector<256x128xbf16>
      %swap3A_1117 = vector.shape_cast %convert_element_type3A_1111 : vector<256x128xbf16> to vector<1x256x128xbf16>
      tpu.vector_store %arg18[%swap3A_1112, %swap3A_1113, %swap3A_1114], %swap3A_1117 {strides = array<i32>} : memref<16x256x256xbf16, #tpu.memory_space<vmem>>, vector<1x256x128xbf16>,
      %get3A_1118 = arith.constant 9 : index
      %get3A_1119 = arith.constant 0 : index
      %get3A_1120 = arith.constant 0 : index
      %get3A_1121 = vector.load %arg13[%get3A_1118, %get3A_1119, %get3A_1120] : memref<16x256x128xf32, #tpu.memory_space<vmem>>, vector<1x256x128xf32>
      %get3A_1122 = vector.shape_cast %get3A_1121 : vector<1x256x128xf32> to vector<256x128xf32>
      %convert_element_type3A_1123 = arith.truncf %get3A_1122 : vector<256x128xf32> to vector<256x128xbf16>
      %swap3A_1124 = arith.constant 9 : index
      %swap3A_1125 = arith.constant 0 : index
      %swap3A_1126 = arith.constant 128 : index
      %swap3A_1127 = vector.load %arg18[%swap3A_1124, %swap3A_1125, %swap3A_1126] : memref<16x256x256xbf16, #tpu.memory_space<vmem>>, vector<1x256x128xbf16>
      %swap3A_1128 = vector.shape_cast %swap3A_1127 : vector<1x256x128xbf16> to vector<256x128xbf16>
      %swap3A_1129 = vector.shape_cast %convert_element_type3A_1123 : vector<256x128xbf16> to vector<1x256x128xbf16>
      tpu.vector_store %arg18[%swap3A_1124, %swap3A_1125, %swap3A_1126], %swap3A_1129 {strides = array<i32>} : memref<16x256x256xbf16, #tpu.memory_space<vmem>>, vector<1x256x128xbf16>,
      %get3A_1130 = arith.constant 9 : index
      %get3A_1131 = arith.constant 0 : index
      %get3A_1132 = vector.load %arg10[%get3A_1130, %get3A_1131] : memref<16x128xf32, #tpu.memory_space<vmem>>, vector<1x128xf32>
      %convert_element_type3A_1133 = arith.truncf %get3A_1132 : vector<1x128xf32> to vector<1x128xbf16>
      %swap3A_1134 = arith.constant 9 : index
      %swap3A_1135 = arith.constant 0 : index
      %swap3A_1136 = vector.load %arg19[%swap3A_1134, %swap3A_1135] : memref<16x256xbf16, #tpu.memory_space<vmem>>, vector<1x128xbf16>
      tpu.vector_store %arg19[%swap3A_1134, %swap3A_1135], %convert_element_type3A_1133 {strides = array<i32>} : memref<16x256xbf16, #tpu.memory_space<vmem>>, vector<1x128xbf16>,
      %get3A_1137 = arith.constant 9 : index
      %get3A_1138 = arith.constant 0 : index
      %get3A_1139 = vector.load %arg14[%get3A_1137, %get3A_1138] : memref<16x128xf32, #tpu.memory_space<vmem>>, vector<1x128xf32>
      %convert_element_type3A_1140 = arith.truncf %get3A_1139 : vector<1x128xf32> to vector<1x128xbf16>
      %swap3A_1141 = arith.constant 9 : index
      %swap3A_1142 = arith.constant 128 : index
      %swap3A_1143 = vector.load %arg19[%swap3A_1141, %swap3A_1142] : memref<16x256xbf16, #tpu.memory_space<vmem>>, vector<1x128xbf16>
      tpu.vector_store %arg19[%swap3A_1141, %swap3A_1142], %convert_element_type3A_1140 {strides = array<i32>} : memref<16x256xbf16, #tpu.memory_space<vmem>>, vector<1x128xbf16>,
      %get3A_1144 = arith.constant 9 : index
      %get3A_1145 = arith.constant 0 : index
      %get3A_1146 = arith.constant 0 : index
      %get3A_1147 = vector.load %arg11[%get3A_1144, %get3A_1145, %get3A_1146] : memref<16x128x32xf32, #tpu.memory_space<vmem>>, vector<1x128x32xf32>
      %get3A_1148 = vector.shape_cast %get3A_1147 : vector<1x128x32xf32> to vector<128x32xf32>
      %convert_element_type3A_1149 = arith.truncf %get3A_1148 : vector<128x32xf32> to vector<128x32xbf16>
      %concatenate3A_1150 = tpu.concatenate %convert_element_type3A_1149, %broadcast_in_dim3A_297 in 1 : vector<128x32xbf16>, vector<128x96xbf16> -> vector<128x128xbf16>
      %swap3A_1151 = arith.constant 9 : index
      %swap3A_1152 = arith.constant 0 : index
      %swap3A_1153 = arith.constant 0 : index
      %swap3A_1154 = vector.load %arg20[%swap3A_1151, %swap3A_1152, %swap3A_1153] : memref<16x256x128xbf16, #tpu.memory_space<vmem>>, vector<1x128x128xbf16>
      %swap3A_1155 = vector.shape_cast %swap3A_1154 : vector<1x128x128xbf16> to vector<128x128xbf16>
      %swap3A_1156 = vector.shape_cast %concatenate3A_1150 : vector<128x128xbf16> to vector<1x128x128xbf16>
      tpu.vector_store %arg20[%swap3A_1151, %swap3A_1152, %swap3A_1153], %swap3A_1156 {strides = array<i32>} : memref<16x256x128xbf16, #tpu.memory_space<vmem>>, vector<1x128x128xbf16>,
      %get3A_1157 = arith.constant 9 : index
      %get3A_1158 = arith.constant 0 : index
      %get3A_1159 = arith.constant 0 : index
      %get3A_1160 = vector.load %arg15[%get3A_1157, %get3A_1158, %get3A_1159] : memref<16x128x1xf32, #tpu.memory_space<vmem>>, vector<1x128x1xf32>
      %get3A_1161 = vector.shape_cast %get3A_1160 : vector<1x128x1xf32> to vector<128x1xf32>
      %broadcast_in_dim3A_1162 = vector.shape_cast %get3A_1161 : vector<128x1xf32> to vector<128x1xf32>
      %broadcast_in_dim3A_1163 = vector.broadcast %broadcast_in_dim3A_1162 : vector<128x1xf32> to vector<128x128xf32>
      %eq3A_1164 = arith.constant 32 : i32
      %eq3A_1165 = vector.broadcast %eq3A_1164 : i32 to vector<128x128xi32>
      %eq3A_1166 = arith.cmpi eq, %iota3A_295, %eq3A_1165 : vector<128x128xi32>
      %jit3A_1167 = arith.constant 0.000000e+00 : f32
      %broadcast_in_dim3A_1168 = vector.broadcast %jit3A_1167 : f32 to vector<128x128xf32>
      %select_n3A_1169 = arith.select %eq3A_1166, %broadcast_in_dim3A_1163, %broadcast_in_dim3A_1168 : vector<128x128xi1>, vector<128x128xf32>
      %convert_element_type3A_1170 = arith.truncf %select_n3A_1169 : vector<128x128xf32> to vector<128x128xbf16>
      %swap3A_1171 = arith.constant 9 : index
      %swap3A_1172 = arith.constant 128 : index
      %swap3A_1173 = arith.constant 0 : index
      %swap3A_1174 = vector.load %arg20[%swap3A_1171, %swap3A_1172, %swap3A_1173] : memref<16x256x128xbf16, #tpu.memory_space<vmem>>, vector<1x128x128xbf16>
      %swap3A_1175 = vector.shape_cast %swap3A_1174 : vector<1x128x128xbf16> to vector<128x128xbf16>
      %swap3A_1176 = vector.shape_cast %convert_element_type3A_1170 : vector<128x128xbf16> to vector<1x128x128xbf16>
      tpu.vector_store %arg20[%swap3A_1171, %swap3A_1172, %swap3A_1173], %swap3A_1176 {strides = array<i32>} : memref<16x256x128xbf16, #tpu.memory_space<vmem>>, vector<1x128x128xbf16>,
      %get3A_1177 = arith.constant 9 : index
      %get3A_1178 = arith.constant 0 : index
      %get3A_1179 = vector.load %arg12[%get3A_1177, %get3A_1178] : memref<16x32xf32, #tpu.memory_space<vmem>>, vector<1x32xf32>
      %concatenate3A_1180 = tpu.concatenate %get3A_1179, %broadcast_in_dim3A_299 in 1 : vector<1x32xf32>, vector<1x96xf32> -> vector<1x128xf32>
      %eq3A_1181 = arith.constant 32 : i32
      %eq3A_1182 = vector.broadcast %eq3A_1181 : i32 to vector<1x128xi32>
      %eq3A_1183 = arith.cmpi eq, %iota3A_296, %eq3A_1182 : vector<1x128xi32>
      %get3A_1184 = arith.constant 9 : index
      %get3A_1185 = arith.constant 0 : index
      %get3A_1186 = vector.load %arg16[%get3A_1184, %get3A_1185] : memref<16x1xf32, #tpu.memory_space<vmem>>, vector<1x1xf32>
      %broadcast_in_dim3A_1187 = vector.shape_cast %get3A_1186 : vector<1x1xf32> to vector<1x1xf32>
      %broadcast_in_dim3A_1188 = vector.broadcast %broadcast_in_dim3A_1187 : vector<1x1xf32> to vector<1x128xf32>
      %jit3A_1189 = arith.constant 0.000000e+00 : f32
      %broadcast_in_dim3A_1190 = vector.broadcast %jit3A_1189 : f32 to vector<1x128xf32>
      %select_n3A_1191 = arith.select %eq3A_1183, %broadcast_in_dim3A_1188, %broadcast_in_dim3A_1190 : vector<1x128xi1>, vector<1x128xf32>
      %add3A_1192 = arith.addf %concatenate3A_1180, %select_n3A_1191 : vector<1x128xf32>
      %swap3A_1193 = arith.constant 9 : index
      %swap3A_1194 = arith.constant 0 : index
      %swap3A_1195 = vector.load %arg21[%swap3A_1193, %swap3A_1194] : memref<16x128xf32, #tpu.memory_space<vmem>>, vector<1x128xf32>
      tpu.vector_store %arg21[%swap3A_1193, %swap3A_1194], %add3A_1192 {strides = array<i32>} : memref<16x128xf32, #tpu.memory_space<vmem>>, vector<1x128xf32>,
      %get3A_1196 = arith.constant 10 : index
      %get3A_1197 = arith.constant 0 : index
      %get3A_1198 = arith.constant 0 : index
      %get3A_1199 = vector.load %arg9[%get3A_1196, %get3A_1197, %get3A_1198] : memref<16x256x128xf32, #tpu.memory_space<vmem>>, vector<1x256x128xf32>
      %get3A_1200 = vector.shape_cast %get3A_1199 : vector<1x256x128xf32> to vector<256x128xf32>
      %convert_element_type3A_1201 = arith.truncf %get3A_1200 : vector<256x128xf32> to vector<256x128xbf16>
      %swap3A_1202 = arith.constant 10 : index
      %swap3A_1203 = arith.constant 0 : index
      %swap3A_1204 = arith.constant 0 : index
      %swap3A_1205 = vector.load %arg18[%swap3A_1202, %swap3A_1203, %swap3A_1204] : memref<16x256x256xbf16, #tpu.memory_space<vmem>>, vector<1x256x128xbf16>
      %swap3A_1206 = vector.shape_cast %swap3A_1205 : vector<1x256x128xbf16> to vector<256x128xbf16>
      %swap3A_1207 = vector.shape_cast %convert_element_type3A_1201 : vector<256x128xbf16> to vector<1x256x128xbf16>
      tpu.vector_store %arg18[%swap3A_1202, %swap3A_1203, %swap3A_1204], %swap3A_1207 {strides = array<i32>} : memref<16x256x256xbf16, #tpu.memory_space<vmem>>, vector<1x256x128xbf16>,
      %get3A_1208 = arith.constant 10 : index
      %get3A_1209 = arith.constant 0 : index
      %get3A_1210 = arith.constant 0 : index
      %get3A_1211 = vector.load %arg13[%get3A_1208, %get3A_1209, %get3A_1210] : memref<16x256x128xf32, #tpu.memory_space<vmem>>, vector<1x256x128xf32>
      %get3A_1212 = vector.shape_cast %get3A_1211 : vector<1x256x128xf32> to vector<256x128xf32>
      %convert_element_type3A_1213 = arith.truncf %get3A_1212 : vector<256x128xf32> to vector<256x128xbf16>
      %swap3A_1214 = arith.constant 10 : index
      %swap3A_1215 = arith.constant 0 : index
      %swap3A_1216 = arith.constant 128 : index
      %swap3A_1217 = vector.load %arg18[%swap3A_1214, %swap3A_1215, %swap3A_1216] : memref<16x256x256xbf16, #tpu.memory_space<vmem>>, vector<1x256x128xbf16>
      %swap3A_1218 = vector.shape_cast %swap3A_1217 : vector<1x256x128xbf16> to vector<256x128xbf16>
      %swap3A_1219 = vector.shape_cast %convert_element_type3A_1213 : vector<256x128xbf16> to vector<1x256x128xbf16>
      tpu.vector_store %arg18[%swap3A_1214, %swap3A_1215, %swap3A_1216], %swap3A_1219 {strides = array<i32>} : memref<16x256x256xbf16, #tpu.memory_space<vmem>>, vector<1x256x128xbf16>,
      %get3A_1220 = arith.constant 10 : index
      %get3A_1221 = arith.constant 0 : index
      %get3A_1222 = vector.load %arg10[%get3A_1220, %get3A_1221] : memref<16x128xf32, #tpu.memory_space<vmem>>, vector<1x128xf32>
      %convert_element_type3A_1223 = arith.truncf %get3A_1222 : vector<1x128xf32> to vector<1x128xbf16>
      %swap3A_1224 = arith.constant 10 : index
      %swap3A_1225 = arith.constant 0 : index
      %swap3A_1226 = vector.load %arg19[%swap3A_1224, %swap3A_1225] : memref<16x256xbf16, #tpu.memory_space<vmem>>, vector<1x128xbf16>
      tpu.vector_store %arg19[%swap3A_1224, %swap3A_1225], %convert_element_type3A_1223 {strides = array<i32>} : memref<16x256xbf16, #tpu.memory_space<vmem>>, vector<1x128xbf16>,
      %get3A_1227 = arith.constant 10 : index
      %get3A_1228 = arith.constant 0 : index
      %get3A_1229 = vector.load %arg14[%get3A_1227, %get3A_1228] : memref<16x128xf32, #tpu.memory_space<vmem>>, vector<1x128xf32>
      %convert_element_type3A_1230 = arith.truncf %get3A_1229 : vector<1x128xf32> to vector<1x128xbf16>
      %swap3A_1231 = arith.constant 10 : index
      %swap3A_1232 = arith.constant 128 : index
      %swap3A_1233 = vector.load %arg19[%swap3A_1231, %swap3A_1232] : memref<16x256xbf16, #tpu.memory_space<vmem>>, vector<1x128xbf16>
      tpu.vector_store %arg19[%swap3A_1231, %swap3A_1232], %convert_element_type3A_1230 {strides = array<i32>} : memref<16x256xbf16, #tpu.memory_space<vmem>>, vector<1x128xbf16>,
      %get3A_1234 = arith.constant 10 : index
      %get3A_1235 = arith.constant 0 : index
      %get3A_1236 = arith.constant 0 : index
      %get3A_1237 = vector.load %arg11[%get3A_1234, %get3A_1235, %get3A_1236] : memref<16x128x32xf32, #tpu.memory_space<vmem>>, vector<1x128x32xf32>
      %get3A_1238 = vector.shape_cast %get3A_1237 : vector<1x128x32xf32> to vector<128x32xf32>
      %convert_element_type3A_1239 = arith.truncf %get3A_1238 : vector<128x32xf32> to vector<128x32xbf16>
      %concatenate3A_1240 = tpu.concatenate %convert_element_type3A_1239, %broadcast_in_dim3A_297 in 1 : vector<128x32xbf16>, vector<128x96xbf16> -> vector<128x128xbf16>
      %swap3A_1241 = arith.constant 10 : index
      %swap3A_1242 = arith.constant 0 : index
      %swap3A_1243 = arith.constant 0 : index
      %swap3A_1244 = vector.load %arg20[%swap3A_1241, %swap3A_1242, %swap3A_1243] : memref<16x256x128xbf16, #tpu.memory_space<vmem>>, vector<1x128x128xbf16>
      %swap3A_1245 = vector.shape_cast %swap3A_1244 : vector<1x128x128xbf16> to vector<128x128xbf16>
      %swap3A_1246 = vector.shape_cast %concatenate3A_1240 : vector<128x128xbf16> to vector<1x128x128xbf16>
      tpu.vector_store %arg20[%swap3A_1241, %swap3A_1242, %swap3A_1243], %swap3A_1246 {strides = array<i32>} : memref<16x256x128xbf16, #tpu.memory_space<vmem>>, vector<1x128x128xbf16>,
      %get3A_1247 = arith.constant 10 : index
      %get3A_1248 = arith.constant 0 : index
      %get3A_1249 = arith.constant 0 : index
      %get3A_1250 = vector.load %arg15[%get3A_1247, %get3A_1248, %get3A_1249] : memref<16x128x1xf32, #tpu.memory_space<vmem>>, vector<1x128x1xf32>
      %get3A_1251 = vector.shape_cast %get3A_1250 : vector<1x128x1xf32> to vector<128x1xf32>
      %broadcast_in_dim3A_1252 = vector.shape_cast %get3A_1251 : vector<128x1xf32> to vector<128x1xf32>
      %broadcast_in_dim3A_1253 = vector.broadcast %broadcast_in_dim3A_1252 : vector<128x1xf32> to vector<128x128xf32>
      %eq3A_1254 = arith.constant 32 : i32
      %eq3A_1255 = vector.broadcast %eq3A_1254 : i32 to vector<128x128xi32>
      %eq3A_1256 = arith.cmpi eq, %iota3A_295, %eq3A_1255 : vector<128x128xi32>
      %jit3A_1257 = arith.constant 0.000000e+00 : f32
      %broadcast_in_dim3A_1258 = vector.broadcast %jit3A_1257 : f32 to vector<128x128xf32>
      %select_n3A_1259 = arith.select %eq3A_1256, %broadcast_in_dim3A_1253, %broadcast_in_dim3A_1258 : vector<128x128xi1>, vector<128x128xf32>
      %convert_element_type3A_1260 = arith.truncf %select_n3A_1259 : vector<128x128xf32> to vector<128x128xbf16>
      %swap3A_1261 = arith.constant 10 : index
      %swap3A_1262 = arith.constant 128 : index
      %swap3A_1263 = arith.constant 0 : index
      %swap3A_1264 = vector.load %arg20[%swap3A_1261, %swap3A_1262, %swap3A_1263] : memref<16x256x128xbf16, #tpu.memory_space<vmem>>, vector<1x128x128xbf16>
      %swap3A_1265 = vector.shape_cast %swap3A_1264 : vector<1x128x128xbf16> to vector<128x128xbf16>
      %swap3A_1266 = vector.shape_cast %convert_element_type3A_1260 : vector<128x128xbf16> to vector<1x128x128xbf16>
      tpu.vector_store %arg20[%swap3A_1261, %swap3A_1262, %swap3A_1263], %swap3A_1266 {strides = array<i32>} : memref<16x256x128xbf16, #tpu.memory_space<vmem>>, vector<1x128x128xbf16>,
      %get3A_1267 = arith.constant 10 : index
      %get3A_1268 = arith.constant 0 : index
      %get3A_1269 = vector.load %arg12[%get3A_1267, %get3A_1268] : memref<16x32xf32, #tpu.memory_space<vmem>>, vector<1x32xf32>
      %concatenate3A_1270 = tpu.concatenate %get3A_1269, %broadcast_in_dim3A_299 in 1 : vector<1x32xf32>, vector<1x96xf32> -> vector<1x128xf32>
      %eq3A_1271 = arith.constant 32 : i32
      %eq3A_1272 = vector.broadcast %eq3A_1271 : i32 to vector<1x128xi32>
      %eq3A_1273 = arith.cmpi eq, %iota3A_296, %eq3A_1272 : vector<1x128xi32>
      %get3A_1274 = arith.constant 10 : index
      %get3A_1275 = arith.constant 0 : index
      %get3A_1276 = vector.load %arg16[%get3A_1274, %get3A_1275] : memref<16x1xf32, #tpu.memory_space<vmem>>, vector<1x1xf32>
      %broadcast_in_dim3A_1277 = vector.shape_cast %get3A_1276 : vector<1x1xf32> to vector<1x1xf32>
      %broadcast_in_dim3A_1278 = vector.broadcast %broadcast_in_dim3A_1277 : vector<1x1xf32> to vector<1x128xf32>
      %jit3A_1279 = arith.constant 0.000000e+00 : f32
      %broadcast_in_dim3A_1280 = vector.broadcast %jit3A_1279 : f32 to vector<1x128xf32>
      %select_n3A_1281 = arith.select %eq3A_1273, %broadcast_in_dim3A_1278, %broadcast_in_dim3A_1280 : vector<1x128xi1>, vector<1x128xf32>
      %add3A_1282 = arith.addf %concatenate3A_1270, %select_n3A_1281 : vector<1x128xf32>
      %swap3A_1283 = arith.constant 10 : index
      %swap3A_1284 = arith.constant 0 : index
      %swap3A_1285 = vector.load %arg21[%swap3A_1283, %swap3A_1284] : memref<16x128xf32, #tpu.memory_space<vmem>>, vector<1x128xf32>
      tpu.vector_store %arg21[%swap3A_1283, %swap3A_1284], %add3A_1282 {strides = array<i32>} : memref<16x128xf32, #tpu.memory_space<vmem>>, vector<1x128xf32>,
      %get3A_1286 = arith.constant 11 : index
      %get3A_1287 = arith.constant 0 : index
      %get3A_1288 = arith.constant 0 : index
      %get3A_1289 = vector.load %arg9[%get3A_1286, %get3A_1287, %get3A_1288] : memref<16x256x128xf32, #tpu.memory_space<vmem>>, vector<1x256x128xf32>
      %get3A_1290 = vector.shape_cast %get3A_1289 : vector<1x256x128xf32> to vector<256x128xf32>
      %convert_element_type3A_1291 = arith.truncf %get3A_1290 : vector<256x128xf32> to vector<256x128xbf16>
      %swap3A_1292 = arith.constant 11 : index
      %swap3A_1293 = arith.constant 0 : index
      %swap3A_1294 = arith.constant 0 : index
      %swap3A_1295 = vector.load %arg18[%swap3A_1292, %swap3A_1293, %swap3A_1294] : memref<16x256x256xbf16, #tpu.memory_space<vmem>>, vector<1x256x128xbf16>
      %swap3A_1296 = vector.shape_cast %swap3A_1295 : vector<1x256x128xbf16> to vector<256x128xbf16>
      %swap3A_1297 = vector.shape_cast %convert_element_type3A_1291 : vector<256x128xbf16> to vector<1x256x128xbf16>
      tpu.vector_store %arg18[%swap3A_1292, %swap3A_1293, %swap3A_1294], %swap3A_1297 {strides = array<i32>} : memref<16x256x256xbf16, #tpu.memory_space<vmem>>, vector<1x256x128xbf16>,
      %get3A_1298 = arith.constant 11 : index
      %get3A_1299 = arith.constant 0 : index
      %get3A_1300 = arith.constant 0 : index
      %get3A_1301 = vector.load %arg13[%get3A_1298, %get3A_1299, %get3A_1300] : memref<16x256x128xf32, #tpu.memory_space<vmem>>, vector<1x256x128xf32>
      %get3A_1302 = vector.shape_cast %get3A_1301 : vector<1x256x128xf32> to vector<256x128xf32>
      %convert_element_type3A_1303 = arith.truncf %get3A_1302 : vector<256x128xf32> to vector<256x128xbf16>
      %swap3A_1304 = arith.constant 11 : index
      %swap3A_1305 = arith.constant 0 : index
      %swap3A_1306 = arith.constant 128 : index
      %swap3A_1307 = vector.load %arg18[%swap3A_1304, %swap3A_1305, %swap3A_1306] : memref<16x256x256xbf16, #tpu.memory_space<vmem>>, vector<1x256x128xbf16>
      %swap3A_1308 = vector.shape_cast %swap3A_1307 : vector<1x256x128xbf16> to vector<256x128xbf16>
      %swap3A_1309 = vector.shape_cast %convert_element_type3A_1303 : vector<256x128xbf16> to vector<1x256x128xbf16>
      tpu.vector_store %arg18[%swap3A_1304, %swap3A_1305, %swap3A_1306], %swap3A_1309 {strides = array<i32>} : memref<16x256x256xbf16, #tpu.memory_space<vmem>>, vector<1x256x128xbf16>,
      %get3A_1310 = arith.constant 11 : index
      %get3A_1311 = arith.constant 0 : index
      %get3A_1312 = vector.load %arg10[%get3A_1310, %get3A_1311] : memref<16x128xf32, #tpu.memory_space<vmem>>, vector<1x128xf32>
      %convert_element_type3A_1313 = arith.truncf %get3A_1312 : vector<1x128xf32> to vector<1x128xbf16>
      %swap3A_1314 = arith.constant 11 : index
      %swap3A_1315 = arith.constant 0 : index
      %swap3A_1316 = vector.load %arg19[%swap3A_1314, %swap3A_1315] : memref<16x256xbf16, #tpu.memory_space<vmem>>, vector<1x128xbf16>
      tpu.vector_store %arg19[%swap3A_1314, %swap3A_1315], %convert_element_type3A_1313 {strides = array<i32>} : memref<16x256xbf16, #tpu.memory_space<vmem>>, vector<1x128xbf16>,
      %get3A_1317 = arith.constant 11 : index
      %get3A_1318 = arith.constant 0 : index
      %get3A_1319 = vector.load %arg14[%get3A_1317, %get3A_1318] : memref<16x128xf32, #tpu.memory_space<vmem>>, vector<1x128xf32>
      %convert_element_type3A_1320 = arith.truncf %get3A_1319 : vector<1x128xf32> to vector<1x128xbf16>
      %swap3A_1321 = arith.constant 11 : index
      %swap3A_1322 = arith.constant 128 : index
      %swap3A_1323 = vector.load %arg19[%swap3A_1321, %swap3A_1322] : memref<16x256xbf16, #tpu.memory_space<vmem>>, vector<1x128xbf16>
      tpu.vector_store %arg19[%swap3A_1321, %swap3A_1322], %convert_element_type3A_1320 {strides = array<i32>} : memref<16x256xbf16, #tpu.memory_space<vmem>>, vector<1x128xbf16>,
      %get3A_1324 = arith.constant 11 : index
      %get3A_1325 = arith.constant 0 : index
      %get3A_1326 = arith.constant 0 : index
      %get3A_1327 = vector.load %arg11[%get3A_1324, %get3A_1325, %get3A_1326] : memref<16x128x32xf32, #tpu.memory_space<vmem>>, vector<1x128x32xf32>
      %get3A_1328 = vector.shape_cast %get3A_1327 : vector<1x128x32xf32> to vector<128x32xf32>
      %convert_element_type3A_1329 = arith.truncf %get3A_1328 : vector<128x32xf32> to vector<128x32xbf16>
      %concatenate3A_1330 = tpu.concatenate %convert_element_type3A_1329, %broadcast_in_dim3A_297 in 1 : vector<128x32xbf16>, vector<128x96xbf16> -> vector<128x128xbf16>
      %swap3A_1331 = arith.constant 11 : index
      %swap3A_1332 = arith.constant 0 : index
      %swap3A_1333 = arith.constant 0 : index
      %swap3A_1334 = vector.load %arg20[%swap3A_1331, %swap3A_1332, %swap3A_1333] : memref<16x256x128xbf16, #tpu.memory_space<vmem>>, vector<1x128x128xbf16>
      %swap3A_1335 = vector.shape_cast %swap3A_1334 : vector<1x128x128xbf16> to vector<128x128xbf16>
      %swap3A_1336 = vector.shape_cast %concatenate3A_1330 : vector<128x128xbf16> to vector<1x128x128xbf16>
      tpu.vector_store %arg20[%swap3A_1331, %swap3A_1332, %swap3A_1333], %swap3A_1336 {strides = array<i32>} : memref<16x256x128xbf16, #tpu.memory_space<vmem>>, vector<1x128x128xbf16>,
      %get3A_1337 = arith.constant 11 : index
      %get3A_1338 = arith.constant 0 : index
      %get3A_1339 = arith.constant 0 : index
      %get3A_1340 = vector.load %arg15[%get3A_1337, %get3A_1338, %get3A_1339] : memref<16x128x1xf32, #tpu.memory_space<vmem>>, vector<1x128x1xf32>
      %get3A_1341 = vector.shape_cast %get3A_1340 : vector<1x128x1xf32> to vector<128x1xf32>
      %broadcast_in_dim3A_1342 = vector.shape_cast %get3A_1341 : vector<128x1xf32> to vector<128x1xf32>
      %broadcast_in_dim3A_1343 = vector.broadcast %broadcast_in_dim3A_1342 : vector<128x1xf32> to vector<128x128xf32>
      %eq3A_1344 = arith.constant 32 : i32
      %eq3A_1345 = vector.broadcast %eq3A_1344 : i32 to vector<128x128xi32>
      %eq3A_1346 = arith.cmpi eq, %iota3A_295, %eq3A_1345 : vector<128x128xi32>
      %jit3A_1347 = arith.constant 0.000000e+00 : f32
      %broadcast_in_dim3A_1348 = vector.broadcast %jit3A_1347 : f32 to vector<128x128xf32>
      %select_n3A_1349 = arith.select %eq3A_1346, %broadcast_in_dim3A_1343, %broadcast_in_dim3A_1348 : vector<128x128xi1>, vector<128x128xf32>
      %convert_element_type3A_1350 = arith.truncf %select_n3A_1349 : vector<128x128xf32> to vector<128x128xbf16>
      %swap3A_1351 = arith.constant 11 : index
      %swap3A_1352 = arith.constant 128 : index
      %swap3A_1353 = arith.constant 0 : index
      %swap3A_1354 = vector.load %arg20[%swap3A_1351, %swap3A_1352, %swap3A_1353] : memref<16x256x128xbf16, #tpu.memory_space<vmem>>, vector<1x128x128xbf16>
      %swap3A_1355 = vector.shape_cast %swap3A_1354 : vector<1x128x128xbf16> to vector<128x128xbf16>
      %swap3A_1356 = vector.shape_cast %convert_element_type3A_1350 : vector<128x128xbf16> to vector<1x128x128xbf16>
      tpu.vector_store %arg20[%swap3A_1351, %swap3A_1352, %swap3A_1353], %swap3A_1356 {strides = array<i32>} : memref<16x256x128xbf16, #tpu.memory_space<vmem>>, vector<1x128x128xbf16>,
      %get3A_1357 = arith.constant 11 : index
      %get3A_1358 = arith.constant 0 : index
      %get3A_1359 = vector.load %arg12[%get3A_1357, %get3A_1358] : memref<16x32xf32, #tpu.memory_space<vmem>>, vector<1x32xf32>
      %concatenate3A_1360 = tpu.concatenate %get3A_1359, %broadcast_in_dim3A_299 in 1 : vector<1x32xf32>, vector<1x96xf32> -> vector<1x128xf32>
      %eq3A_1361 = arith.constant 32 : i32
      %eq3A_1362 = vector.broadcast %eq3A_1361 : i32 to vector<1x128xi32>
      %eq3A_1363 = arith.cmpi eq, %iota3A_296, %eq3A_1362 : vector<1x128xi32>
      %get3A_1364 = arith.constant 11 : index
      %get3A_1365 = arith.constant 0 : index
      %get3A_1366 = vector.load %arg16[%get3A_1364, %get3A_1365] : memref<16x1xf32, #tpu.memory_space<vmem>>, vector<1x1xf32>
      %broadcast_in_dim3A_1367 = vector.shape_cast %get3A_1366 : vector<1x1xf32> to vector<1x1xf32>
      %broadcast_in_dim3A_1368 = vector.broadcast %broadcast_in_dim3A_1367 : vector<1x1xf32> to vector<1x128xf32>
      %jit3A_1369 = arith.constant 0.000000e+00 : f32
      %broadcast_in_dim3A_1370 = vector.broadcast %jit3A_1369 : f32 to vector<1x128xf32>
      %select_n3A_1371 = arith.select %eq3A_1363, %broadcast_in_dim3A_1368, %broadcast_in_dim3A_1370 : vector<1x128xi1>, vector<1x128xf32>
      %add3A_1372 = arith.addf %concatenate3A_1360, %select_n3A_1371 : vector<1x128xf32>
      %swap3A_1373 = arith.constant 11 : index
      %swap3A_1374 = arith.constant 0 : index
      %swap3A_1375 = vector.load %arg21[%swap3A_1373, %swap3A_1374] : memref<16x128xf32, #tpu.memory_space<vmem>>, vector<1x128xf32>
      tpu.vector_store %arg21[%swap3A_1373, %swap3A_1374], %add3A_1372 {strides = array<i32>} : memref<16x128xf32, #tpu.memory_space<vmem>>, vector<1x128xf32>,
      %get3A_1376 = arith.constant 12 : index
      %get3A_1377 = arith.constant 0 : index
      %get3A_1378 = arith.constant 0 : index
      %get3A_1379 = vector.load %arg9[%get3A_1376, %get3A_1377, %get3A_1378] : memref<16x256x128xf32, #tpu.memory_space<vmem>>, vector<1x256x128xf32>
      %get3A_1380 = vector.shape_cast %get3A_1379 : vector<1x256x128xf32> to vector<256x128xf32>
      %convert_element_type3A_1381 = arith.truncf %get3A_1380 : vector<256x128xf32> to vector<256x128xbf16>
      %swap3A_1382 = arith.constant 12 : index
      %swap3A_1383 = arith.constant 0 : index
      %swap3A_1384 = arith.constant 0 : index
      %swap3A_1385 = vector.load %arg18[%swap3A_1382, %swap3A_1383, %swap3A_1384] : memref<16x256x256xbf16, #tpu.memory_space<vmem>>, vector<1x256x128xbf16>
      %swap3A_1386 = vector.shape_cast %swap3A_1385 : vector<1x256x128xbf16> to vector<256x128xbf16>
      %swap3A_1387 = vector.shape_cast %convert_element_type3A_1381 : vector<256x128xbf16> to vector<1x256x128xbf16>
      tpu.vector_store %arg18[%swap3A_1382, %swap3A_1383, %swap3A_1384], %swap3A_1387 {strides = array<i32>} : memref<16x256x256xbf16, #tpu.memory_space<vmem>>, vector<1x256x128xbf16>,
      %get3A_1388 = arith.constant 12 : index
      %get3A_1389 = arith.constant 0 : index
      %get3A_1390 = arith.constant 0 : index
      %get3A_1391 = vector.load %arg13[%get3A_1388, %get3A_1389, %get3A_1390] : memref<16x256x128xf32, #tpu.memory_space<vmem>>, vector<1x256x128xf32>
      %get3A_1392 = vector.shape_cast %get3A_1391 : vector<1x256x128xf32> to vector<256x128xf32>
      %convert_element_type3A_1393 = arith.truncf %get3A_1392 : vector<256x128xf32> to vector<256x128xbf16>
      %swap3A_1394 = arith.constant 12 : index
      %swap3A_1395 = arith.constant 0 : index
      %swap3A_1396 = arith.constant 128 : index
      %swap3A_1397 = vector.load %arg18[%swap3A_1394, %swap3A_1395, %swap3A_1396] : memref<16x256x256xbf16, #tpu.memory_space<vmem>>, vector<1x256x128xbf16>
      %swap3A_1398 = vector.shape_cast %swap3A_1397 : vector<1x256x128xbf16> to vector<256x128xbf16>
      %swap3A_1399 = vector.shape_cast %convert_element_type3A_1393 : vector<256x128xbf16> to vector<1x256x128xbf16>
      tpu.vector_store %arg18[%swap3A_1394, %swap3A_1395, %swap3A_1396], %swap3A_1399 {strides = array<i32>} : memref<16x256x256xbf16, #tpu.memory_space<vmem>>, vector<1x256x128xbf16>,
      %get3A_1400 = arith.constant 12 : index
      %get3A_1401 = arith.constant 0 : index
      %get3A_1402 = vector.load %arg10[%get3A_1400, %get3A_1401] : memref<16x128xf32, #tpu.memory_space<vmem>>, vector<1x128xf32>
      %convert_element_type3A_1403 = arith.truncf %get3A_1402 : vector<1x128xf32> to vector<1x128xbf16>
      %swap3A_1404 = arith.constant 12 : index
      %swap3A_1405 = arith.constant 0 : index
      %swap3A_1406 = vector.load %arg19[%swap3A_1404, %swap3A_1405] : memref<16x256xbf16, #tpu.memory_space<vmem>>, vector<1x128xbf16>
      tpu.vector_store %arg19[%swap3A_1404, %swap3A_1405], %convert_element_type3A_1403 {strides = array<i32>} : memref<16x256xbf16, #tpu.memory_space<vmem>>, vector<1x128xbf16>,
      %get3A_1407 = arith.constant 12 : index
      %get3A_1408 = arith.constant 0 : index
      %get3A_1409 = vector.load %arg14[%get3A_1407, %get3A_1408] : memref<16x128xf32, #tpu.memory_space<vmem>>, vector<1x128xf32>
      %convert_element_type3A_1410 = arith.truncf %get3A_1409 : vector<1x128xf32> to vector<1x128xbf16>
      %swap3A_1411 = arith.constant 12 : index
      %swap3A_1412 = arith.constant 128 : index
      %swap3A_1413 = vector.load %arg19[%swap3A_1411, %swap3A_1412] : memref<16x256xbf16, #tpu.memory_space<vmem>>, vector<1x128xbf16>
      tpu.vector_store %arg19[%swap3A_1411, %swap3A_1412], %convert_element_type3A_1410 {strides = array<i32>} : memref<16x256xbf16, #tpu.memory_space<vmem>>, vector<1x128xbf16>,
      %get3A_1414 = arith.constant 12 : index
      %get3A_1415 = arith.constant 0 : index
      %get3A_1416 = arith.constant 0 : index
      %get3A_1417 = vector.load %arg11[%get3A_1414, %get3A_1415, %get3A_1416] : memref<16x128x32xf32, #tpu.memory_space<vmem>>, vector<1x128x32xf32>
      %get3A_1418 = vector.shape_cast %get3A_1417 : vector<1x128x32xf32> to vector<128x32xf32>
      %convert_element_type3A_1419 = arith.truncf %get3A_1418 : vector<128x32xf32> to vector<128x32xbf16>
      %concatenate3A_1420 = tpu.concatenate %convert_element_type3A_1419, %broadcast_in_dim3A_297 in 1 : vector<128x32xbf16>, vector<128x96xbf16> -> vector<128x128xbf16>
      %swap3A_1421 = arith.constant 12 : index
      %swap3A_1422 = arith.constant 0 : index
      %swap3A_1423 = arith.constant 0 : index
      %swap3A_1424 = vector.load %arg20[%swap3A_1421, %swap3A_1422, %swap3A_1423] : memref<16x256x128xbf16, #tpu.memory_space<vmem>>, vector<1x128x128xbf16>
      %swap3A_1425 = vector.shape_cast %swap3A_1424 : vector<1x128x128xbf16> to vector<128x128xbf16>
      %swap3A_1426 = vector.shape_cast %concatenate3A_1420 : vector<128x128xbf16> to vector<1x128x128xbf16>
      tpu.vector_store %arg20[%swap3A_1421, %swap3A_1422, %swap3A_1423], %swap3A_1426 {strides = array<i32>} : memref<16x256x128xbf16, #tpu.memory_space<vmem>>, vector<1x128x128xbf16>,
      %get3A_1427 = arith.constant 12 : index
      %get3A_1428 = arith.constant 0 : index
      %get3A_1429 = arith.constant 0 : index
      %get3A_1430 = vector.load %arg15[%get3A_1427, %get3A_1428, %get3A_1429] : memref<16x128x1xf32, #tpu.memory_space<vmem>>, vector<1x128x1xf32>
      %get3A_1431 = vector.shape_cast %get3A_1430 : vector<1x128x1xf32> to vector<128x1xf32>
      %broadcast_in_dim3A_1432 = vector.shape_cast %get3A_1431 : vector<128x1xf32> to vector<128x1xf32>
      %broadcast_in_dim3A_1433 = vector.broadcast %broadcast_in_dim3A_1432 : vector<128x1xf32> to vector<128x128xf32>
      %eq3A_1434 = arith.constant 32 : i32
      %eq3A_1435 = vector.broadcast %eq3A_1434 : i32 to vector<128x128xi32>
      %eq3A_1436 = arith.cmpi eq, %iota3A_295, %eq3A_1435 : vector<128x128xi32>
      %jit3A_1437 = arith.constant 0.000000e+00 : f32
      %broadcast_in_dim3A_1438 = vector.broadcast %jit3A_1437 : f32 to vector<128x128xf32>
      %select_n3A_1439 = arith.select %eq3A_1436, %broadcast_in_dim3A_1433, %broadcast_in_dim3A_1438 : vector<128x128xi1>, vector<128x128xf32>
      %convert_element_type3A_1440 = arith.truncf %select_n3A_1439 : vector<128x128xf32> to vector<128x128xbf16>
      %swap3A_1441 = arith.constant 12 : index
      %swap3A_1442 = arith.constant 128 : index
      %swap3A_1443 = arith.constant 0 : index
      %swap3A_1444 = vector.load %arg20[%swap3A_1441, %swap3A_1442, %swap3A_1443] : memref<16x256x128xbf16, #tpu.memory_space<vmem>>, vector<1x128x128xbf16>
      %swap3A_1445 = vector.shape_cast %swap3A_1444 : vector<1x128x128xbf16> to vector<128x128xbf16>
      %swap3A_1446 = vector.shape_cast %convert_element_type3A_1440 : vector<128x128xbf16> to vector<1x128x128xbf16>
      tpu.vector_store %arg20[%swap3A_1441, %swap3A_1442, %swap3A_1443], %swap3A_1446 {strides = array<i32>} : memref<16x256x128xbf16, #tpu.memory_space<vmem>>, vector<1x128x128xbf16>,
      %get3A_1447 = arith.constant 12 : index
      %get3A_1448 = arith.constant 0 : index
      %get3A_1449 = vector.load %arg12[%get3A_1447, %get3A_1448] : memref<16x32xf32, #tpu.memory_space<vmem>>, vector<1x32xf32>
      %concatenate3A_1450 = tpu.concatenate %get3A_1449, %broadcast_in_dim3A_299 in 1 : vector<1x32xf32>, vector<1x96xf32> -> vector<1x128xf32>
      %eq3A_1451 = arith.constant 32 : i32
      %eq3A_1452 = vector.broadcast %eq3A_1451 : i32 to vector<1x128xi32>
      %eq3A_1453 = arith.cmpi eq, %iota3A_296, %eq3A_1452 : vector<1x128xi32>
      %get3A_1454 = arith.constant 12 : index
      %get3A_1455 = arith.constant 0 : index
      %get3A_1456 = vector.load %arg16[%get3A_1454, %get3A_1455] : memref<16x1xf32, #tpu.memory_space<vmem>>, vector<1x1xf32>
      %broadcast_in_dim3A_1457 = vector.shape_cast %get3A_1456 : vector<1x1xf32> to vector<1x1xf32>
      %broadcast_in_dim3A_1458 = vector.broadcast %broadcast_in_dim3A_1457 : vector<1x1xf32> to vector<1x128xf32>
      %jit3A_1459 = arith.constant 0.000000e+00 : f32
      %broadcast_in_dim3A_1460 = vector.broadcast %jit3A_1459 : f32 to vector<1x128xf32>
      %select_n3A_1461 = arith.select %eq3A_1453, %broadcast_in_dim3A_1458, %broadcast_in_dim3A_1460 : vector<1x128xi1>, vector<1x128xf32>
      %add3A_1462 = arith.addf %concatenate3A_1450, %select_n3A_1461 : vector<1x128xf32>
      %swap3A_1463 = arith.constant 12 : index
      %swap3A_1464 = arith.constant 0 : index
      %swap3A_1465 = vector.load %arg21[%swap3A_1463, %swap3A_1464] : memref<16x128xf32, #tpu.memory_space<vmem>>, vector<1x128xf32>
      tpu.vector_store %arg21[%swap3A_1463, %swap3A_1464], %add3A_1462 {strides = array<i32>} : memref<16x128xf32, #tpu.memory_space<vmem>>, vector<1x128xf32>,
      %get3A_1466 = arith.constant 13 : index
      %get3A_1467 = arith.constant 0 : index
      %get3A_1468 = arith.constant 0 : index
      %get3A_1469 = vector.load %arg9[%get3A_1466, %get3A_1467, %get3A_1468] : memref<16x256x128xf32, #tpu.memory_space<vmem>>, vector<1x256x128xf32>
      %get3A_1470 = vector.shape_cast %get3A_1469 : vector<1x256x128xf32> to vector<256x128xf32>
      %convert_element_type3A_1471 = arith.truncf %get3A_1470 : vector<256x128xf32> to vector<256x128xbf16>
      %swap3A_1472 = arith.constant 13 : index
      %swap3A_1473 = arith.constant 0 : index
      %swap3A_1474 = arith.constant 0 : index
      %swap3A_1475 = vector.load %arg18[%swap3A_1472, %swap3A_1473, %swap3A_1474] : memref<16x256x256xbf16, #tpu.memory_space<vmem>>, vector<1x256x128xbf16>
      %swap3A_1476 = vector.shape_cast %swap3A_1475 : vector<1x256x128xbf16> to vector<256x128xbf16>
      %swap3A_1477 = vector.shape_cast %convert_element_type3A_1471 : vector<256x128xbf16> to vector<1x256x128xbf16>
      tpu.vector_store %arg18[%swap3A_1472, %swap3A_1473, %swap3A_1474], %swap3A_1477 {strides = array<i32>} : memref<16x256x256xbf16, #tpu.memory_space<vmem>>, vector<1x256x128xbf16>,
      %get3A_1478 = arith.constant 13 : index
      %get3A_1479 = arith.constant 0 : index
      %get3A_1480 = arith.constant 0 : index
      %get3A_1481 = vector.load %arg13[%get3A_1478, %get3A_1479, %get3A_1480] : memref<16x256x128xf32, #tpu.memory_space<vmem>>, vector<1x256x128xf32>
      %get3A_1482 = vector.shape_cast %get3A_1481 : vector<1x256x128xf32> to vector<256x128xf32>
      %convert_element_type3A_1483 = arith.truncf %get3A_1482 : vector<256x128xf32> to vector<256x128xbf16>
      %swap3A_1484 = arith.constant 13 : index
      %swap3A_1485 = arith.constant 0 : index
      %swap3A_1486 = arith.constant 128 : index
      %swap3A_1487 = vector.load %arg18[%swap3A_1484, %swap3A_1485, %swap3A_1486] : memref<16x256x256xbf16, #tpu.memory_space<vmem>>, vector<1x256x128xbf16>
      %swap3A_1488 = vector.shape_cast %swap3A_1487 : vector<1x256x128xbf16> to vector<256x128xbf16>
      %swap3A_1489 = vector.shape_cast %convert_element_type3A_1483 : vector<256x128xbf16> to vector<1x256x128xbf16>
      tpu.vector_store %arg18[%swap3A_1484, %swap3A_1485, %swap3A_1486], %swap3A_1489 {strides = array<i32>} : memref<16x256x256xbf16, #tpu.memory_space<vmem>>, vector<1x256x128xbf16>,
      %get3A_1490 = arith.constant 13 : index
      %get3A_1491 = arith.constant 0 : index
      %get3A_1492 = vector.load %arg10[%get3A_1490, %get3A_1491] : memref<16x128xf32, #tpu.memory_space<vmem>>, vector<1x128xf32>
      %convert_element_type3A_1493 = arith.truncf %get3A_1492 : vector<1x128xf32> to vector<1x128xbf16>
      %swap3A_1494 = arith.constant 13 : index
      %swap3A_1495 = arith.constant 0 : index
      %swap3A_1496 = vector.load %arg19[%swap3A_1494, %swap3A_1495] : memref<16x256xbf16, #tpu.memory_space<vmem>>, vector<1x128xbf16>
      tpu.vector_store %arg19[%swap3A_1494, %swap3A_1495], %convert_element_type3A_1493 {strides = array<i32>} : memref<16x256xbf16, #tpu.memory_space<vmem>>, vector<1x128xbf16>,
      %get3A_1497 = arith.constant 13 : index
      %get3A_1498 = arith.constant 0 : index
      %get3A_1499 = vector.load %arg14[%get3A_1497, %get3A_1498] : memref<16x128xf32, #tpu.memory_space<vmem>>, vector<1x128xf32>
      %convert_element_type3A_1500 = arith.truncf %get3A_1499 : vector<1x128xf32> to vector<1x128xbf16>
      %swap3A_1501 = arith.constant 13 : index
      %swap3A_1502 = arith.constant 128 : index
      %swap3A_1503 = vector.load %arg19[%swap3A_1501, %swap3A_1502] : memref<16x256xbf16, #tpu.memory_space<vmem>>, vector<1x128xbf16>
      tpu.vector_store %arg19[%swap3A_1501, %swap3A_1502], %convert_element_type3A_1500 {strides = array<i32>} : memref<16x256xbf16, #tpu.memory_space<vmem>>, vector<1x128xbf16>,
      %get3A_1504 = arith.constant 13 : index
      %get3A_1505 = arith.constant 0 : index
      %get3A_1506 = arith.constant 0 : index
      %get3A_1507 = vector.load %arg11[%get3A_1504, %get3A_1505, %get3A_1506] : memref<16x128x32xf32, #tpu.memory_space<vmem>>, vector<1x128x32xf32>
      %get3A_1508 = vector.shape_cast %get3A_1507 : vector<1x128x32xf32> to vector<128x32xf32>
      %convert_element_type3A_1509 = arith.truncf %get3A_1508 : vector<128x32xf32> to vector<128x32xbf16>
      %concatenate3A_1510 = tpu.concatenate %convert_element_type3A_1509, %broadcast_in_dim3A_297 in 1 : vector<128x32xbf16>, vector<128x96xbf16> -> vector<128x128xbf16>
      %swap3A_1511 = arith.constant 13 : index
      %swap3A_1512 = arith.constant 0 : index
      %swap3A_1513 = arith.constant 0 : index
      %swap3A_1514 = vector.load %arg20[%swap3A_1511, %swap3A_1512, %swap3A_1513] : memref<16x256x128xbf16, #tpu.memory_space<vmem>>, vector<1x128x128xbf16>
      %swap3A_1515 = vector.shape_cast %swap3A_1514 : vector<1x128x128xbf16> to vector<128x128xbf16>
      %swap3A_1516 = vector.shape_cast %concatenate3A_1510 : vector<128x128xbf16> to vector<1x128x128xbf16>
      tpu.vector_store %arg20[%swap3A_1511, %swap3A_1512, %swap3A_1513], %swap3A_1516 {strides = array<i32>} : memref<16x256x128xbf16, #tpu.memory_space<vmem>>, vector<1x128x128xbf16>,
      %get3A_1517 = arith.constant 13 : index
      %get3A_1518 = arith.constant 0 : index
      %get3A_1519 = arith.constant 0 : index
      %get3A_1520 = vector.load %arg15[%get3A_1517, %get3A_1518, %get3A_1519] : memref<16x128x1xf32, #tpu.memory_space<vmem>>, vector<1x128x1xf32>
      %get3A_1521 = vector.shape_cast %get3A_1520 : vector<1x128x1xf32> to vector<128x1xf32>
      %broadcast_in_dim3A_1522 = vector.shape_cast %get3A_1521 : vector<128x1xf32> to vector<128x1xf32>
      %broadcast_in_dim3A_1523 = vector.broadcast %broadcast_in_dim3A_1522 : vector<128x1xf32> to vector<128x128xf32>
      %eq3A_1524 = arith.constant 32 : i32
      %eq3A_1525 = vector.broadcast %eq3A_1524 : i32 to vector<128x128xi32>
      %eq3A_1526 = arith.cmpi eq, %iota3A_295, %eq3A_1525 : vector<128x128xi32>
      %jit3A_1527 = arith.constant 0.000000e+00 : f32
      %broadcast_in_dim3A_1528 = vector.broadcast %jit3A_1527 : f32 to vector<128x128xf32>
      %select_n3A_1529 = arith.select %eq3A_1526, %broadcast_in_dim3A_1523, %broadcast_in_dim3A_1528 : vector<128x128xi1>, vector<128x128xf32>
      %convert_element_type3A_1530 = arith.truncf %select_n3A_1529 : vector<128x128xf32> to vector<128x128xbf16>
      %swap3A_1531 = arith.constant 13 : index
      %swap3A_1532 = arith.constant 128 : index
      %swap3A_1533 = arith.constant 0 : index
      %swap3A_1534 = vector.load %arg20[%swap3A_1531, %swap3A_1532, %swap3A_1533] : memref<16x256x128xbf16, #tpu.memory_space<vmem>>, vector<1x128x128xbf16>
      %swap3A_1535 = vector.shape_cast %swap3A_1534 : vector<1x128x128xbf16> to vector<128x128xbf16>
      %swap3A_1536 = vector.shape_cast %convert_element_type3A_1530 : vector<128x128xbf16> to vector<1x128x128xbf16>
      tpu.vector_store %arg20[%swap3A_1531, %swap3A_1532, %swap3A_1533], %swap3A_1536 {strides = array<i32>} : memref<16x256x128xbf16, #tpu.memory_space<vmem>>, vector<1x128x128xbf16>,
      %get3A_1537 = arith.constant 13 : index
      %get3A_1538 = arith.constant 0 : index
      %get3A_1539 = vector.load %arg12[%get3A_1537, %get3A_1538] : memref<16x32xf32, #tpu.memory_space<vmem>>, vector<1x32xf32>
      %concatenate3A_1540 = tpu.concatenate %get3A_1539, %broadcast_in_dim3A_299 in 1 : vector<1x32xf32>, vector<1x96xf32> -> vector<1x128xf32>
      %eq3A_1541 = arith.constant 32 : i32
      %eq3A_1542 = vector.broadcast %eq3A_1541 : i32 to vector<1x128xi32>
      %eq3A_1543 = arith.cmpi eq, %iota3A_296, %eq3A_1542 : vector<1x128xi32>
      %get3A_1544 = arith.constant 13 : index
      %get3A_1545 = arith.constant 0 : index
      %get3A_1546 = vector.load %arg16[%get3A_1544, %get3A_1545] : memref<16x1xf32, #tpu.memory_space<vmem>>, vector<1x1xf32>
      %broadcast_in_dim3A_1547 = vector.shape_cast %get3A_1546 : vector<1x1xf32> to vector<1x1xf32>
      %broadcast_in_dim3A_1548 = vector.broadcast %broadcast_in_dim3A_1547 : vector<1x1xf32> to vector<1x128xf32>
      %jit3A_1549 = arith.constant 0.000000e+00 : f32
      %broadcast_in_dim3A_1550 = vector.broadcast %jit3A_1549 : f32 to vector<1x128xf32>
      %select_n3A_1551 = arith.select %eq3A_1543, %broadcast_in_dim3A_1548, %broadcast_in_dim3A_1550 : vector<1x128xi1>, vector<1x128xf32>
      %add3A_1552 = arith.addf %concatenate3A_1540, %select_n3A_1551 : vector<1x128xf32>
      %swap3A_1553 = arith.constant 13 : index
      %swap3A_1554 = arith.constant 0 : index
      %swap3A_1555 = vector.load %arg21[%swap3A_1553, %swap3A_1554] : memref<16x128xf32, #tpu.memory_space<vmem>>, vector<1x128xf32>
      tpu.vector_store %arg21[%swap3A_1553, %swap3A_1554], %add3A_1552 {strides = array<i32>} : memref<16x128xf32, #tpu.memory_space<vmem>>, vector<1x128xf32>,
      %get3A_1556 = arith.constant 14 : index
      %get3A_1557 = arith.constant 0 : index
      %get3A_1558 = arith.constant 0 : index
      %get3A_1559 = vector.load %arg9[%get3A_1556, %get3A_1557, %get3A_1558] : memref<16x256x128xf32, #tpu.memory_space<vmem>>, vector<1x256x128xf32>
      %get3A_1560 = vector.shape_cast %get3A_1559 : vector<1x256x128xf32> to vector<256x128xf32>
      %convert_element_type3A_1561 = arith.truncf %get3A_1560 : vector<256x128xf32> to vector<256x128xbf16>
      %swap3A_1562 = arith.constant 14 : index
      %swap3A_1563 = arith.constant 0 : index
      %swap3A_1564 = arith.constant 0 : index
      %swap3A_1565 = vector.load %arg18[%swap3A_1562, %swap3A_1563, %swap3A_1564] : memref<16x256x256xbf16, #tpu.memory_space<vmem>>, vector<1x256x128xbf16>
      %swap3A_1566 = vector.shape_cast %swap3A_1565 : vector<1x256x128xbf16> to vector<256x128xbf16>
      %swap3A_1567 = vector.shape_cast %convert_element_type3A_1561 : vector<256x128xbf16> to vector<1x256x128xbf16>
      tpu.vector_store %arg18[%swap3A_1562, %swap3A_1563, %swap3A_1564], %swap3A_1567 {strides = array<i32>} : memref<16x256x256xbf16, #tpu.memory_space<vmem>>, vector<1x256x128xbf16>,
      %get3A_1568 = arith.constant 14 : index
      %get3A_1569 = arith.constant 0 : index
      %get3A_1570 = arith.constant 0 : index
      %get3A_1571 = vector.load %arg13[%get3A_1568, %get3A_1569, %get3A_1570] : memref<16x256x128xf32, #tpu.memory_space<vmem>>, vector<1x256x128xf32>
      %get3A_1572 = vector.shape_cast %get3A_1571 : vector<1x256x128xf32> to vector<256x128xf32>
      %convert_element_type3A_1573 = arith.truncf %get3A_1572 : vector<256x128xf32> to vector<256x128xbf16>
      %swap3A_1574 = arith.constant 14 : index
      %swap3A_1575 = arith.constant 0 : index
      %swap3A_1576 = arith.constant 128 : index
      %swap3A_1577 = vector.load %arg18[%swap3A_1574, %swap3A_1575, %swap3A_1576] : memref<16x256x256xbf16, #tpu.memory_space<vmem>>, vector<1x256x128xbf16>
      %swap3A_1578 = vector.shape_cast %swap3A_1577 : vector<1x256x128xbf16> to vector<256x128xbf16>
      %swap3A_1579 = vector.shape_cast %convert_element_type3A_1573 : vector<256x128xbf16> to vector<1x256x128xbf16>
      tpu.vector_store %arg18[%swap3A_1574, %swap3A_1575, %swap3A_1576], %swap3A_1579 {strides = array<i32>} : memref<16x256x256xbf16, #tpu.memory_space<vmem>>, vector<1x256x128xbf16>,
      %get3A_1580 = arith.constant 14 : index
      %get3A_1581 = arith.constant 0 : index
      %get3A_1582 = vector.load %arg10[%get3A_1580, %get3A_1581] : memref<16x128xf32, #tpu.memory_space<vmem>>, vector<1x128xf32>
      %convert_element_type3A_1583 = arith.truncf %get3A_1582 : vector<1x128xf32> to vector<1x128xbf16>
      %swap3A_1584 = arith.constant 14 : index
      %swap3A_1585 = arith.constant 0 : index
      %swap3A_1586 = vector.load %arg19[%swap3A_1584, %swap3A_1585] : memref<16x256xbf16, #tpu.memory_space<vmem>>, vector<1x128xbf16>
      tpu.vector_store %arg19[%swap3A_1584, %swap3A_1585], %convert_element_type3A_1583 {strides = array<i32>} : memref<16x256xbf16, #tpu.memory_space<vmem>>, vector<1x128xbf16>,
      %get3A_1587 = arith.constant 14 : index
      %get3A_1588 = arith.constant 0 : index
      %get3A_1589 = vector.load %arg14[%get3A_1587, %get3A_1588] : memref<16x128xf32, #tpu.memory_space<vmem>>, vector<1x128xf32>
      %convert_element_type3A_1590 = arith.truncf %get3A_1589 : vector<1x128xf32> to vector<1x128xbf16>
      %swap3A_1591 = arith.constant 14 : index
      %swap3A_1592 = arith.constant 128 : index
      %swap3A_1593 = vector.load %arg19[%swap3A_1591, %swap3A_1592] : memref<16x256xbf16, #tpu.memory_space<vmem>>, vector<1x128xbf16>
      tpu.vector_store %arg19[%swap3A_1591, %swap3A_1592], %convert_element_type3A_1590 {strides = array<i32>} : memref<16x256xbf16, #tpu.memory_space<vmem>>, vector<1x128xbf16>,
      %get3A_1594 = arith.constant 14 : index
      %get3A_1595 = arith.constant 0 : index
      %get3A_1596 = arith.constant 0 : index
      %get3A_1597 = vector.load %arg11[%get3A_1594, %get3A_1595, %get3A_1596] : memref<16x128x32xf32, #tpu.memory_space<vmem>>, vector<1x128x32xf32>
      %get3A_1598 = vector.shape_cast %get3A_1597 : vector<1x128x32xf32> to vector<128x32xf32>
      %convert_element_type3A_1599 = arith.truncf %get3A_1598 : vector<128x32xf32> to vector<128x32xbf16>
      %concatenate3A_1600 = tpu.concatenate %convert_element_type3A_1599, %broadcast_in_dim3A_297 in 1 : vector<128x32xbf16>, vector<128x96xbf16> -> vector<128x128xbf16>
      %swap3A_1601 = arith.constant 14 : index
      %swap3A_1602 = arith.constant 0 : index
      %swap3A_1603 = arith.constant 0 : index
      %swap3A_1604 = vector.load %arg20[%swap3A_1601, %swap3A_1602, %swap3A_1603] : memref<16x256x128xbf16, #tpu.memory_space<vmem>>, vector<1x128x128xbf16>
      %swap3A_1605 = vector.shape_cast %swap3A_1604 : vector<1x128x128xbf16> to vector<128x128xbf16>
      %swap3A_1606 = vector.shape_cast %concatenate3A_1600 : vector<128x128xbf16> to vector<1x128x128xbf16>
      tpu.vector_store %arg20[%swap3A_1601, %swap3A_1602, %swap3A_1603], %swap3A_1606 {strides = array<i32>} : memref<16x256x128xbf16, #tpu.memory_space<vmem>>, vector<1x128x128xbf16>,
      %get3A_1607 = arith.constant 14 : index
      %get3A_1608 = arith.constant 0 : index
      %get3A_1609 = arith.constant 0 : index
      %get3A_1610 = vector.load %arg15[%get3A_1607, %get3A_1608, %get3A_1609] : memref<16x128x1xf32, #tpu.memory_space<vmem>>, vector<1x128x1xf32>
      %get3A_1611 = vector.shape_cast %get3A_1610 : vector<1x128x1xf32> to vector<128x1xf32>
      %broadcast_in_dim3A_1612 = vector.shape_cast %get3A_1611 : vector<128x1xf32> to vector<128x1xf32>
      %broadcast_in_dim3A_1613 = vector.broadcast %broadcast_in_dim3A_1612 : vector<128x1xf32> to vector<128x128xf32>
      %eq3A_1614 = arith.constant 32 : i32
      %eq3A_1615 = vector.broadcast %eq3A_1614 : i32 to vector<128x128xi32>
      %eq3A_1616 = arith.cmpi eq, %iota3A_295, %eq3A_1615 : vector<128x128xi32>
      %jit3A_1617 = arith.constant 0.000000e+00 : f32
      %broadcast_in_dim3A_1618 = vector.broadcast %jit3A_1617 : f32 to vector<128x128xf32>
      %select_n3A_1619 = arith.select %eq3A_1616, %broadcast_in_dim3A_1613, %broadcast_in_dim3A_1618 : vector<128x128xi1>, vector<128x128xf32>
      %convert_element_type3A_1620 = arith.truncf %select_n3A_1619 : vector<128x128xf32> to vector<128x128xbf16>
      %swap3A_1621 = arith.constant 14 : index
      %swap3A_1622 = arith.constant 128 : index
      %swap3A_1623 = arith.constant 0 : index
      %swap3A_1624 = vector.load %arg20[%swap3A_1621, %swap3A_1622, %swap3A_1623] : memref<16x256x128xbf16, #tpu.memory_space<vmem>>, vector<1x128x128xbf16>
      %swap3A_1625 = vector.shape_cast %swap3A_1624 : vector<1x128x128xbf16> to vector<128x128xbf16>
      %swap3A_1626 = vector.shape_cast %convert_element_type3A_1620 : vector<128x128xbf16> to vector<1x128x128xbf16>
      tpu.vector_store %arg20[%swap3A_1621, %swap3A_1622, %swap3A_1623], %swap3A_1626 {strides = array<i32>} : memref<16x256x128xbf16, #tpu.memory_space<vmem>>, vector<1x128x128xbf16>,
      %get3A_1627 = arith.constant 14 : index
      %get3A_1628 = arith.constant 0 : index
      %get3A_1629 = vector.load %arg12[%get3A_1627, %get3A_1628] : memref<16x32xf32, #tpu.memory_space<vmem>>, vector<1x32xf32>
      %concatenate3A_1630 = tpu.concatenate %get3A_1629, %broadcast_in_dim3A_299 in 1 : vector<1x32xf32>, vector<1x96xf32> -> vector<1x128xf32>
      %eq3A_1631 = arith.constant 32 : i32
      %eq3A_1632 = vector.broadcast %eq3A_1631 : i32 to vector<1x128xi32>
      %eq3A_1633 = arith.cmpi eq, %iota3A_296, %eq3A_1632 : vector<1x128xi32>
      %get3A_1634 = arith.constant 14 : index
      %get3A_1635 = arith.constant 0 : index
      %get3A_1636 = vector.load %arg16[%get3A_1634, %get3A_1635] : memref<16x1xf32, #tpu.memory_space<vmem>>, vector<1x1xf32>
      %broadcast_in_dim3A_1637 = vector.shape_cast %get3A_1636 : vector<1x1xf32> to vector<1x1xf32>
      %broadcast_in_dim3A_1638 = vector.broadcast %broadcast_in_dim3A_1637 : vector<1x1xf32> to vector<1x128xf32>
      %jit3A_1639 = arith.constant 0.000000e+00 : f32
      %broadcast_in_dim3A_1640 = vector.broadcast %jit3A_1639 : f32 to vector<1x128xf32>
      %select_n3A_1641 = arith.select %eq3A_1633, %broadcast_in_dim3A_1638, %broadcast_in_dim3A_1640 : vector<1x128xi1>, vector<1x128xf32>
      %add3A_1642 = arith.addf %concatenate3A_1630, %select_n3A_1641 : vector<1x128xf32>
      %swap3A_1643 = arith.constant 14 : index
      %swap3A_1644 = arith.constant 0 : index
      %swap3A_1645 = vector.load %arg21[%swap3A_1643, %swap3A_1644] : memref<16x128xf32, #tpu.memory_space<vmem>>, vector<1x128xf32>
      tpu.vector_store %arg21[%swap3A_1643, %swap3A_1644], %add3A_1642 {strides = array<i32>} : memref<16x128xf32, #tpu.memory_space<vmem>>, vector<1x128xf32>,
      %get3A_1646 = arith.constant 15 : index
      %get3A_1647 = arith.constant 0 : index
      %get3A_1648 = arith.constant 0 : index
      %get3A_1649 = vector.load %arg9[%get3A_1646, %get3A_1647, %get3A_1648] : memref<16x256x128xf32, #tpu.memory_space<vmem>>, vector<1x256x128xf32>
      %get3A_1650 = vector.shape_cast %get3A_1649 : vector<1x256x128xf32> to vector<256x128xf32>
      %convert_element_type3A_1651 = arith.truncf %get3A_1650 : vector<256x128xf32> to vector<256x128xbf16>
      %swap3A_1652 = arith.constant 15 : index
      %swap3A_1653 = arith.constant 0 : index
      %swap3A_1654 = arith.constant 0 : index
      %swap3A_1655 = vector.load %arg18[%swap3A_1652, %swap3A_1653, %swap3A_1654] : memref<16x256x256xbf16, #tpu.memory_space<vmem>>, vector<1x256x128xbf16>
      %swap3A_1656 = vector.shape_cast %swap3A_1655 : vector<1x256x128xbf16> to vector<256x128xbf16>
      %swap3A_1657 = vector.shape_cast %convert_element_type3A_1651 : vector<256x128xbf16> to vector<1x256x128xbf16>
      tpu.vector_store %arg18[%swap3A_1652, %swap3A_1653, %swap3A_1654], %swap3A_1657 {strides = array<i32>} : memref<16x256x256xbf16, #tpu.memory_space<vmem>>, vector<1x256x128xbf16>,
      %get3A_1658 = arith.constant 15 : index
      %get3A_1659 = arith.constant 0 : index
      %get3A_1660 = arith.constant 0 : index
      %get3A_1661 = vector.load %arg13[%get3A_1658, %get3A_1659, %get3A_1660] : memref<16x256x128xf32, #tpu.memory_space<vmem>>, vector<1x256x128xf32>
      %get3A_1662 = vector.shape_cast %get3A_1661 : vector<1x256x128xf32> to vector<256x128xf32>
      %convert_element_type3A_1663 = arith.truncf %get3A_1662 : vector<256x128xf32> to vector<256x128xbf16>
      %swap3A_1664 = arith.constant 15 : index
      %swap3A_1665 = arith.constant 0 : index
      %swap3A_1666 = arith.constant 128 : index
      %swap3A_1667 = vector.load %arg18[%swap3A_1664, %swap3A_1665, %swap3A_1666] : memref<16x256x256xbf16, #tpu.memory_space<vmem>>, vector<1x256x128xbf16>
      %swap3A_1668 = vector.shape_cast %swap3A_1667 : vector<1x256x128xbf16> to vector<256x128xbf16>
      %swap3A_1669 = vector.shape_cast %convert_element_type3A_1663 : vector<256x128xbf16> to vector<1x256x128xbf16>
      tpu.vector_store %arg18[%swap3A_1664, %swap3A_1665, %swap3A_1666], %swap3A_1669 {strides = array<i32>} : memref<16x256x256xbf16, #tpu.memory_space<vmem>>, vector<1x256x128xbf16>,
      %get3A_1670 = arith.constant 15 : index
      %get3A_1671 = arith.constant 0 : index
      %get3A_1672 = vector.load %arg10[%get3A_1670, %get3A_1671] : memref<16x128xf32, #tpu.memory_space<vmem>>, vector<1x128xf32>
      %convert_element_type3A_1673 = arith.truncf %get3A_1672 : vector<1x128xf32> to vector<1x128xbf16>
      %swap3A_1674 = arith.constant 15 : index
      %swap3A_1675 = arith.constant 0 : index
      %swap3A_1676 = vector.load %arg19[%swap3A_1674, %swap3A_1675] : memref<16x256xbf16, #tpu.memory_space<vmem>>, vector<1x128xbf16>
      tpu.vector_store %arg19[%swap3A_1674, %swap3A_1675], %convert_element_type3A_1673 {strides = array<i32>} : memref<16x256xbf16, #tpu.memory_space<vmem>>, vector<1x128xbf16>,
      %get3A_1677 = arith.constant 15 : index
      %get3A_1678 = arith.constant 0 : index
      %get3A_1679 = vector.load %arg14[%get3A_1677, %get3A_1678] : memref<16x128xf32, #tpu.memory_space<vmem>>, vector<1x128xf32>
      %convert_element_type3A_1680 = arith.truncf %get3A_1679 : vector<1x128xf32> to vector<1x128xbf16>
      %swap3A_1681 = arith.constant 15 : index
      %swap3A_1682 = arith.constant 128 : index
      %swap3A_1683 = vector.load %arg19[%swap3A_1681, %swap3A_1682] : memref<16x256xbf16, #tpu.memory_space<vmem>>, vector<1x128xbf16>
      tpu.vector_store %arg19[%swap3A_1681, %swap3A_1682], %convert_element_type3A_1680 {strides = array<i32>} : memref<16x256xbf16, #tpu.memory_space<vmem>>, vector<1x128xbf16>,
      %get3A_1684 = arith.constant 15 : index
      %get3A_1685 = arith.constant 0 : index
      %get3A_1686 = arith.constant 0 : index
      %get3A_1687 = vector.load %arg11[%get3A_1684, %get3A_1685, %get3A_1686] : memref<16x128x32xf32, #tpu.memory_space<vmem>>, vector<1x128x32xf32>
      %get3A_1688 = vector.shape_cast %get3A_1687 : vector<1x128x32xf32> to vector<128x32xf32>
      %convert_element_type3A_1689 = arith.truncf %get3A_1688 : vector<128x32xf32> to vector<128x32xbf16>
      %concatenate3A_1690 = tpu.concatenate %convert_element_type3A_1689, %broadcast_in_dim3A_297 in 1 : vector<128x32xbf16>, vector<128x96xbf16> -> vector<128x128xbf16>
      %swap3A_1691 = arith.constant 15 : index
      %swap3A_1692 = arith.constant 0 : index
      %swap3A_1693 = arith.constant 0 : index
      %swap3A_1694 = vector.load %arg20[%swap3A_1691, %swap3A_1692, %swap3A_1693] : memref<16x256x128xbf16, #tpu.memory_space<vmem>>, vector<1x128x128xbf16>
      %swap3A_1695 = vector.shape_cast %swap3A_1694 : vector<1x128x128xbf16> to vector<128x128xbf16>
      %swap3A_1696 = vector.shape_cast %concatenate3A_1690 : vector<128x128xbf16> to vector<1x128x128xbf16>
      tpu.vector_store %arg20[%swap3A_1691, %swap3A_1692, %swap3A_1693], %swap3A_1696 {strides = array<i32>} : memref<16x256x128xbf16, #tpu.memory_space<vmem>>, vector<1x128x128xbf16>,
      %get3A_1697 = arith.constant 15 : index
      %get3A_1698 = arith.constant 0 : index
      %get3A_1699 = arith.constant 0 : index
      %get3A_1700 = vector.load %arg15[%get3A_1697, %get3A_1698, %get3A_1699] : memref<16x128x1xf32, #tpu.memory_space<vmem>>, vector<1x128x1xf32>
      %get3A_1701 = vector.shape_cast %get3A_1700 : vector<1x128x1xf32> to vector<128x1xf32>
      %broadcast_in_dim3A_1702 = vector.shape_cast %get3A_1701 : vector<128x1xf32> to vector<128x1xf32>
      %broadcast_in_dim3A_1703 = vector.broadcast %broadcast_in_dim3A_1702 : vector<128x1xf32> to vector<128x128xf32>
      %eq3A_1704 = arith.constant 32 : i32
      %eq3A_1705 = vector.broadcast %eq3A_1704 : i32 to vector<128x128xi32>
      %eq3A_1706 = arith.cmpi eq, %iota3A_295, %eq3A_1705 : vector<128x128xi32>
      %jit3A_1707 = arith.constant 0.000000e+00 : f32
      %broadcast_in_dim3A_1708 = vector.broadcast %jit3A_1707 : f32 to vector<128x128xf32>
      %select_n3A_1709 = arith.select %eq3A_1706, %broadcast_in_dim3A_1703, %broadcast_in_dim3A_1708 : vector<128x128xi1>, vector<128x128xf32>
      %convert_element_type3A_1710 = arith.truncf %select_n3A_1709 : vector<128x128xf32> to vector<128x128xbf16>
      %swap3A_1711 = arith.constant 15 : index
      %swap3A_1712 = arith.constant 128 : index
      %swap3A_1713 = arith.constant 0 : index
      %swap3A_1714 = vector.load %arg20[%swap3A_1711, %swap3A_1712, %swap3A_1713] : memref<16x256x128xbf16, #tpu.memory_space<vmem>>, vector<1x128x128xbf16>
      %swap3A_1715 = vector.shape_cast %swap3A_1714 : vector<1x128x128xbf16> to vector<128x128xbf16>
      %swap3A_1716 = vector.shape_cast %convert_element_type3A_1710 : vector<128x128xbf16> to vector<1x128x128xbf16>
      tpu.vector_store %arg20[%swap3A_1711, %swap3A_1712, %swap3A_1713], %swap3A_1716 {strides = array<i32>} : memref<16x256x128xbf16, #tpu.memory_space<vmem>>, vector<1x128x128xbf16>,
      %get3A_1717 = arith.constant 15 : index
      %get3A_1718 = arith.constant 0 : index
      %get3A_1719 = vector.load %arg12[%get3A_1717, %get3A_1718] : memref<16x32xf32, #tpu.memory_space<vmem>>, vector<1x32xf32>
      %concatenate3A_1720 = tpu.concatenate %get3A_1719, %broadcast_in_dim3A_299 in 1 : vector<1x32xf32>, vector<1x96xf32> -> vector<1x128xf32>
      %eq3A_1721 = arith.constant 32 : i32
      %eq3A_1722 = vector.broadcast %eq3A_1721 : i32 to vector<1x128xi32>
      %eq3A_1723 = arith.cmpi eq, %iota3A_296, %eq3A_1722 : vector<1x128xi32>
      %get3A_1724 = arith.constant 15 : index
      %get3A_1725 = arith.constant 0 : index
      %get3A_1726 = vector.load %arg16[%get3A_1724, %get3A_1725] : memref<16x1xf32, #tpu.memory_space<vmem>>, vector<1x1xf32>
      %broadcast_in_dim3A_1727 = vector.shape_cast %get3A_1726 : vector<1x1xf32> to vector<1x1xf32>
      %broadcast_in_dim3A_1728 = vector.broadcast %broadcast_in_dim3A_1727 : vector<1x1xf32> to vector<1x128xf32>
      %jit3A_1729 = arith.constant 0.000000e+00 : f32
      %broadcast_in_dim3A_1730 = vector.broadcast %jit3A_1729 : f32 to vector<1x128xf32>
      %select_n3A_1731 = arith.select %eq3A_1723, %broadcast_in_dim3A_1728, %broadcast_in_dim3A_1730 : vector<1x128xi1>, vector<1x128xf32>
      %add3A_1732 = arith.addf %concatenate3A_1720, %select_n3A_1731 : vector<1x128xf32>
      %swap3A_1733 = arith.constant 15 : index
      %swap3A_1734 = arith.constant 0 : index
      %swap3A_1735 = vector.load %arg21[%swap3A_1733, %swap3A_1734] : memref<16x128xf32, #tpu.memory_space<vmem>>, vector<1x128xf32>
      tpu.vector_store %arg21[%swap3A_1733, %swap3A_1734], %add3A_1732 {strides = array<i32>} : memref<16x128xf32, #tpu.memory_space<vmem>>, vector<1x128xf32>,
    } else {
    }
    %get3A = arith.constant 0 : index
    %get3A_2 = arith.constant 0 : index
    %get3A_3 = vector.load %arg1[%get3A, %get3A_2] : memref<2048x128xf32, #tpu.memory_space<vmem>>, vector<2048x128xf32>
    %convert_element_type3A_4 = arith.truncf %get3A_3 : vector<2048x128xf32> to vector<2048x128xbf16>
    %get3A_5 = arith.constant 0 : index
    %get3A_6 = arith.constant 0 : index
    %get3A_7 = vector.load %arg4[%get3A_5, %get3A_6] : memref<128x256xbf16, #tpu.memory_space<vmem>>, vector<128x256xbf16>
    %dot_general3A = arith.constant dense<0.000000e+00> : vector<2048x256xf32>
    %dot_general3A_8 = tpu.matmul %convert_element_type3A_4, %get3A_7, %dot_general3A {dimension_numbers = #tpu.dot_dimension_numbers<[1], [0], [0], [1], [0, 0, 1, 1], [], []>, transpose_lhs_hint = false} : vector<2048x128xbf16>, vector<128x256xbf16>, vector<2048x256xf32> -> vector<2048x256xf32>
    %get3A_9 = arith.constant 0 : index
    %get3A_10 = arith.constant 0 : index
    %get3A_11 = vector.load %arg2[%get3A_9, %get3A_10] : memref<2048x128xf32, #tpu.memory_space<vmem>>, vector<2048x128xf32>
    %convert_element_type3A_12 = arith.truncf %get3A_11 : vector<2048x128xf32> to vector<2048x128xbf16>
    %get3A_13 = arith.constant 0 : index
    %get3A_14 = arith.constant 0 : index
    %get3A_15 = vector.load %arg5[%get3A_13, %get3A_14] : memref<128x256xbf16, #tpu.memory_space<vmem>>, vector<128x256xbf16>
    %dot_general3A_16 = arith.constant dense<0.000000e+00> : vector<2048x256xf32>
    %dot_general3A_17 = tpu.matmul %convert_element_type3A_12, %get3A_15, %dot_general3A_16 {dimension_numbers = #tpu.dot_dimension_numbers<[1], [0], [0], [1], [0, 0, 1, 1], [], []>, transpose_lhs_hint = false} : vector<2048x128xbf16>, vector<128x256xbf16>, vector<2048x256xf32> -> vector<2048x256xf32>
    %add3A = arith.addf %dot_general3A_8, %dot_general3A_17 : vector<2048x256xf32>
    %get3A_18 = arith.constant 0 : index
    %get3A_19 = arith.constant 0 : index
    %get3A_20 = vector.load %arg6[%get3A_18, %get3A_19] : memref<1x256xbf16, #tpu.memory_space<vmem>>, vector<1x256xbf16>
    %convert_element_type3A_21 = arith.extf %get3A_20 : vector<1x256xbf16> to vector<1x256xf32>
    %add3A_22 = vector.broadcast %convert_element_type3A_21 : vector<1x256xf32> to vector<2048x256xf32>
    %add3A_23 = arith.addf %add3A, %add3A_22 : vector<2048x256xf32>
    %max3A = arith.constant 0.000000e+00 : f32
    %max3A_24 = vector.broadcast %max3A : f32 to vector<2048x256xf32>
    %max3A_25 = arith.maximumf %add3A_23, %max3A_24 : vector<2048x256xf32>
    %convert_element_type3A_26 = arith.truncf %max3A_25 : vector<2048x256xf32> to vector<2048x256xbf16>
    %get3A_27 = arith.constant 0 : index
    %get3A_28 = arith.constant 0 : index
    %get3A_29 = vector.load %arg7[%get3A_27, %get3A_28] : memref<256x256xbf16, #tpu.memory_space<vmem>>, vector<256x256xbf16>
    %dot_general3A_30 = arith.constant dense<0.000000e+00> : vector<2048x256xf32>
    %dot_general3A_31 = tpu.matmul %convert_element_type3A_26, %get3A_29, %dot_general3A_30 {dimension_numbers = #tpu.dot_dimension_numbers<[1], [0], [0], [1], [0, 0, 1, 1], [], []>, transpose_lhs_hint = false} : vector<2048x256xbf16>, vector<256x256xbf16>, vector<2048x256xf32> -> vector<2048x256xf32>
    %get3A_32 = arith.constant 0 : index
    %get3A_33 = arith.constant 0 : index
    %get3A_34 = vector.load %arg8[%get3A_32, %get3A_33] : memref<1x256xbf16, #tpu.memory_space<vmem>>, vector<1x256xbf16>
    %convert_element_type3A_35 = arith.extf %get3A_34 : vector<1x256xbf16> to vector<1x256xf32>
    %add3A_36 = vector.broadcast %convert_element_type3A_35 : vector<1x256xf32> to vector<2048x256xf32>
    %add3A_37 = arith.addf %dot_general3A_31, %add3A_36 : vector<2048x256xf32>
    %max3A_38 = arith.constant 0.000000e+00 : f32
    %max3A_39 = vector.broadcast %max3A_38 : f32 to vector<2048x256xf32>
    %max3A_40 = arith.maximumf %add3A_37, %max3A_39 : vector<2048x256xf32>
    %convert_element_type3A_41 = arith.truncf %max3A_40 : vector<2048x256xf32> to vector<2048x256xbf16>
    %mul3A = arith.constant 2048 : i32
    %mul3A_42 = arith.muli %arg0, %mul3A : i32
    %iota3A = tpu.iota {dimensions = array<i32: 0>} : vector<2048x1xi32>
    %add3A_43 = vector.broadcast %mul3A_42 : i32 to vector<2048x1xi32>
    %add3A_44 = arith.addi %iota3A, %add3A_43 : vector<2048x1xi32>
    %get3A_45 = arith.constant 0 : index
    %get3A_46 = arith.constant 0 : index
    %get3A_47 = vector.load %arg3[%get3A_45, %get3A_46] : memref<16x1xi32, #tpu.memory_space<vmem>>, vector<1x1xi32>
    %get3A_48 = vector.extract %get3A_47[0, 0] : i32 from vector<1x1xi32>
    %get3A_49 = arith.constant 1 : index
    %get3A_50 = arith.constant 0 : index
    %get3A_51 = vector.load %arg3[%get3A_49, %get3A_50] : memref<16x1xi32, #tpu.memory_space<vmem>>, vector<1x1xi32>
    %get3A_52 = vector.extract %get3A_51[0, 0] : i32 from vector<1x1xi32>
    %add3A_53 = arith.constant 2048 : i32
    %add3A_54 = arith.addi %mul3A_42, %add3A_53 : i32
    %lt3A = arith.cmpi slt, %get3A_48, %add3A_54 : i32
    %gt3A = arith.cmpi sgt, %get3A_52, %mul3A_42 : i32
    %and3A = arith.andi %lt3A, %gt3A : i1
    %convert_element_type3A_55 = arith.extui %and3A : i1 to i32
    %cond3A_56 = arith.constant 0 : i32
    %cond3A_57 = arith.cmpi ne, %convert_element_type3A_55, %cond3A_56 : i32
    scf.if %cond3A_57 {
      %get3A_295 = arith.constant 0 : index
      %get3A_296 = arith.constant 0 : index
      %get3A_297 = arith.constant 0 : index
      %get3A_298 = vector.load %arg18[%get3A_295, %get3A_296, %get3A_297] : memref<16x256x256xbf16, #tpu.memory_space<vmem>>, vector<1x256x256xbf16>
      %get3A_299 = vector.shape_cast %get3A_298 : vector<1x256x256xbf16> to vector<256x256xbf16>
      %dot_general3A_300 = arith.constant dense<0.000000e+00> : vector<2048x256xf32>
      %dot_general3A_301 = tpu.matmul %convert_element_type3A_41, %get3A_299, %dot_general3A_300 {dimension_numbers = #tpu.dot_dimension_numbers<[1], [0], [0], [1], [0, 0, 1, 1], [], []>, transpose_lhs_hint = false} : vector<2048x256xbf16>, vector<256x256xbf16>, vector<2048x256xf32> -> vector<2048x256xf32>
      %get3A_302 = arith.constant 0 : index
      %get3A_303 = arith.constant 0 : index
      %get3A_304 = vector.load %arg19[%get3A_302, %get3A_303] : memref<16x256xbf16, #tpu.memory_space<vmem>>, vector<1x256xbf16>
      %convert_element_type3A_305 = arith.extf %get3A_304 : vector<1x256xbf16> to vector<1x256xf32>
      %add3A_306 = vector.broadcast %convert_element_type3A_305 : vector<1x256xf32> to vector<2048x256xf32>
      %add3A_307 = arith.addf %dot_general3A_301, %add3A_306 : vector<2048x256xf32>
      %max3A_308 = arith.constant 0.000000e+00 : f32
      %max3A_309 = vector.broadcast %max3A_308 : f32 to vector<2048x256xf32>
      %max3A_310 = arith.maximumf %add3A_307, %max3A_309 : vector<2048x256xf32>
      %convert_element_type3A_311 = arith.truncf %max3A_310 : vector<2048x256xf32> to vector<2048x256xbf16>
      %get3A_312 = arith.constant 0 : index
      %get3A_313 = arith.constant 0 : index
      %get3A_314 = arith.constant 0 : index
      %get3A_315 = vector.load %arg20[%get3A_312, %get3A_313, %get3A_314] : memref<16x256x128xbf16, #tpu.memory_space<vmem>>, vector<1x256x128xbf16>
      %get3A_316 = vector.shape_cast %get3A_315 : vector<1x256x128xbf16> to vector<256x128xbf16>
      %dot_general3A_317 = arith.constant dense<0.000000e+00> : vector<2048x128xf32>
      %dot_general3A_318 = tpu.matmul %convert_element_type3A_311, %get3A_316, %dot_general3A_317 {dimension_numbers = #tpu.dot_dimension_numbers<[1], [0], [0], [1], [0, 0, 1, 1], [], []>, transpose_lhs_hint = false} : vector<2048x256xbf16>, vector<256x128xbf16>, vector<2048x128xf32> -> vector<2048x128xf32>
      %get3A_319 = arith.constant 0 : index
      %get3A_320 = arith.constant 0 : index
      %get3A_321 = vector.load %arg21[%get3A_319, %get3A_320] : memref<16x128xf32, #tpu.memory_space<vmem>>, vector<1x128xf32>
      %add3A_322 = vector.broadcast %get3A_321 : vector<1x128xf32> to vector<2048x128xf32>
      %add3A_323 = arith.addf %dot_general3A_318, %add3A_322 : vector<2048x128xf32>
      %ge3A = vector.broadcast %get3A_48 : i32 to vector<2048x1xi32>
      %ge3A_324 = arith.cmpi sge, %add3A_44, %ge3A : vector<2048x1xi32>
      %get3A_325 = arith.constant 0 : index
      %get3A_326 = arith.constant 0 : index
      %get3A_327 = vector.load %arg17[%get3A_325, %get3A_326] : memref<2048x128xf32, #tpu.memory_space<vmem>>, vector<2048x128xf32>
      %broadcast_in_dim3A = vector.shape_cast %ge3A_324 : vector<2048x1xi1> to vector<2048x1xi1>
      %broadcast_in_dim3A_328 = vector.broadcast %broadcast_in_dim3A : vector<2048x1xi1> to vector<2048x128xi1>
      %select_n3A = arith.select %broadcast_in_dim3A_328, %add3A_323, %get3A_327 : vector<2048x128xi1>, vector<2048x128xf32>
      %swap3A = arith.constant 0 : index
      %swap3A_329 = arith.constant 0 : index
      %swap3A_330 = vector.load %arg17[%swap3A, %swap3A_329] : memref<2048x128xf32, #tpu.memory_space<vmem>>, vector<2048x128xf32>
      tpu.vector_store %arg17[%swap3A, %swap3A_329], %select_n3A {strides = array<i32>} : memref<2048x128xf32, #tpu.memory_space<vmem>>, vector<2048x128xf32>,
    } else {
    }
    %get3A_58 = arith.constant 1 : index
    %get3A_59 = arith.constant 0 : index
    %get3A_60 = vector.load %arg3[%get3A_58, %get3A_59] : memref<16x1xi32, #tpu.memory_space<vmem>>, vector<1x1xi32>
    %get3A_61 = vector.extract %get3A_60[0, 0] : i32 from vector<1x1xi32>
    %get3A_62 = arith.constant 2 : index
    %get3A_63 = arith.constant 0 : index
    %get3A_64 = vector.load %arg3[%get3A_62, %get3A_63] : memref<16x1xi32, #tpu.memory_space<vmem>>, vector<1x1xi32>
    %get3A_65 = vector.extract %get3A_64[0, 0] : i32 from vector<1x1xi32>
    %add3A_66 = arith.constant 2048 : i32
    %add3A_67 = arith.addi %mul3A_42, %add3A_66 : i32
    %lt3A_68 = arith.cmpi slt, %get3A_61, %add3A_67 : i32
    %gt3A_69 = arith.cmpi sgt, %get3A_65, %mul3A_42 : i32
    %and3A_70 = arith.andi %lt3A_68, %gt3A_69 : i1
    %convert_element_type3A_71 = arith.extui %and3A_70 : i1 to i32
    %cond3A_72 = arith.constant 0 : i32
    %cond3A_73 = arith.cmpi ne, %convert_element_type3A_71, %cond3A_72 : i32
    scf.if %cond3A_73 {
      %get3A_295 = arith.constant 1 : index
      %get3A_296 = arith.constant 0 : index
      %get3A_297 = arith.constant 0 : index
      %get3A_298 = vector.load %arg18[%get3A_295, %get3A_296, %get3A_297] : memref<16x256x256xbf16, #tpu.memory_space<vmem>>, vector<1x256x256xbf16>
      %get3A_299 = vector.shape_cast %get3A_298 : vector<1x256x256xbf16> to vector<256x256xbf16>
      %dot_general3A_300 = arith.constant dense<0.000000e+00> : vector<2048x256xf32>
      %dot_general3A_301 = tpu.matmul %convert_element_type3A_41, %get3A_299, %dot_general3A_300 {dimension_numbers = #tpu.dot_dimension_numbers<[1], [0], [0], [1], [0, 0, 1, 1], [], []>, transpose_lhs_hint = false} : vector<2048x256xbf16>, vector<256x256xbf16>, vector<2048x256xf32> -> vector<2048x256xf32>
      %get3A_302 = arith.constant 1 : index
      %get3A_303 = arith.constant 0 : index
      %get3A_304 = vector.load %arg19[%get3A_302, %get3A_303] : memref<16x256xbf16, #tpu.memory_space<vmem>>, vector<1x256xbf16>
      %convert_element_type3A_305 = arith.extf %get3A_304 : vector<1x256xbf16> to vector<1x256xf32>
      %add3A_306 = vector.broadcast %convert_element_type3A_305 : vector<1x256xf32> to vector<2048x256xf32>
      %add3A_307 = arith.addf %dot_general3A_301, %add3A_306 : vector<2048x256xf32>
      %max3A_308 = arith.constant 0.000000e+00 : f32
      %max3A_309 = vector.broadcast %max3A_308 : f32 to vector<2048x256xf32>
      %max3A_310 = arith.maximumf %add3A_307, %max3A_309 : vector<2048x256xf32>
      %convert_element_type3A_311 = arith.truncf %max3A_310 : vector<2048x256xf32> to vector<2048x256xbf16>
      %get3A_312 = arith.constant 1 : index
      %get3A_313 = arith.constant 0 : index
      %get3A_314 = arith.constant 0 : index
      %get3A_315 = vector.load %arg20[%get3A_312, %get3A_313, %get3A_314] : memref<16x256x128xbf16, #tpu.memory_space<vmem>>, vector<1x256x128xbf16>
      %get3A_316 = vector.shape_cast %get3A_315 : vector<1x256x128xbf16> to vector<256x128xbf16>
      %dot_general3A_317 = arith.constant dense<0.000000e+00> : vector<2048x128xf32>
      %dot_general3A_318 = tpu.matmul %convert_element_type3A_311, %get3A_316, %dot_general3A_317 {dimension_numbers = #tpu.dot_dimension_numbers<[1], [0], [0], [1], [0, 0, 1, 1], [], []>, transpose_lhs_hint = false} : vector<2048x256xbf16>, vector<256x128xbf16>, vector<2048x128xf32> -> vector<2048x128xf32>
      %get3A_319 = arith.constant 1 : index
      %get3A_320 = arith.constant 0 : index
      %get3A_321 = vector.load %arg21[%get3A_319, %get3A_320] : memref<16x128xf32, #tpu.memory_space<vmem>>, vector<1x128xf32>
      %add3A_322 = vector.broadcast %get3A_321 : vector<1x128xf32> to vector<2048x128xf32>
      %add3A_323 = arith.addf %dot_general3A_318, %add3A_322 : vector<2048x128xf32>
      %ge3A = vector.broadcast %get3A_61 : i32 to vector<2048x1xi32>
      %ge3A_324 = arith.cmpi sge, %add3A_44, %ge3A : vector<2048x1xi32>
      %get3A_325 = arith.constant 0 : index
      %get3A_326 = arith.constant 0 : index
      %get3A_327 = vector.load %arg17[%get3A_325, %get3A_326] : memref<2048x128xf32, #tpu.memory_space<vmem>>, vector<2048x128xf32>
      %broadcast_in_dim3A = vector.shape_cast %ge3A_324 : vector<2048x1xi1> to vector<2048x1xi1>
      %broadcast_in_dim3A_328 = vector.broadcast %broadcast_in_dim3A : vector<2048x1xi1> to vector<2048x128xi1>
      %select_n3A = arith.select %broadcast_in_dim3A_328, %add3A_323, %get3A_327 : vector<2048x128xi1>, vector<2048x128xf32>
      %swap3A = arith.constant 0 : index
      %swap3A_329 = arith.constant 0 : index
      %swap3A_330 = vector.load %arg17[%swap3A, %swap3A_329] : memref<2048x128xf32, #tpu.memory_space<vmem>>, vector<2048x128xf32>
      tpu.vector_store %arg17[%swap3A, %swap3A_329], %select_n3A {strides = array<i32>} : memref<2048x128xf32, #tpu.memory_space<vmem>>, vector<2048x128xf32>,
    } else {
    }
    %get3A_74 = arith.constant 2 : index
    %get3A_75 = arith.constant 0 : index
    %get3A_76 = vector.load %arg3[%get3A_74, %get3A_75] : memref<16x1xi32, #tpu.memory_space<vmem>>, vector<1x1xi32>
    %get3A_77 = vector.extract %get3A_76[0, 0] : i32 from vector<1x1xi32>
    %get3A_78 = arith.constant 3 : index
    %get3A_79 = arith.constant 0 : index
    %get3A_80 = vector.load %arg3[%get3A_78, %get3A_79] : memref<16x1xi32, #tpu.memory_space<vmem>>, vector<1x1xi32>
    %get3A_81 = vector.extract %get3A_80[0, 0] : i32 from vector<1x1xi32>
    %add3A_82 = arith.constant 2048 : i32
    %add3A_83 = arith.addi %mul3A_42, %add3A_82 : i32
    %lt3A_84 = arith.cmpi slt, %get3A_77, %add3A_83 : i32
    %gt3A_85 = arith.cmpi sgt, %get3A_81, %mul3A_42 : i32
    %and3A_86 = arith.andi %lt3A_84, %gt3A_85 : i1
    %convert_element_type3A_87 = arith.extui %and3A_86 : i1 to i32
    %cond3A_88 = arith.constant 0 : i32
    %cond3A_89 = arith.cmpi ne, %convert_element_type3A_87, %cond3A_88 : i32
    scf.if %cond3A_89 {
      %get3A_295 = arith.constant 2 : index
      %get3A_296 = arith.constant 0 : index
      %get3A_297 = arith.constant 0 : index
      %get3A_298 = vector.load %arg18[%get3A_295, %get3A_296, %get3A_297] : memref<16x256x256xbf16, #tpu.memory_space<vmem>>, vector<1x256x256xbf16>
      %get3A_299 = vector.shape_cast %get3A_298 : vector<1x256x256xbf16> to vector<256x256xbf16>
      %dot_general3A_300 = arith.constant dense<0.000000e+00> : vector<2048x256xf32>
      %dot_general3A_301 = tpu.matmul %convert_element_type3A_41, %get3A_299, %dot_general3A_300 {dimension_numbers = #tpu.dot_dimension_numbers<[1], [0], [0], [1], [0, 0, 1, 1], [], []>, transpose_lhs_hint = false} : vector<2048x256xbf16>, vector<256x256xbf16>, vector<2048x256xf32> -> vector<2048x256xf32>
      %get3A_302 = arith.constant 2 : index
      %get3A_303 = arith.constant 0 : index
      %get3A_304 = vector.load %arg19[%get3A_302, %get3A_303] : memref<16x256xbf16, #tpu.memory_space<vmem>>, vector<1x256xbf16>
      %convert_element_type3A_305 = arith.extf %get3A_304 : vector<1x256xbf16> to vector<1x256xf32>
      %add3A_306 = vector.broadcast %convert_element_type3A_305 : vector<1x256xf32> to vector<2048x256xf32>
      %add3A_307 = arith.addf %dot_general3A_301, %add3A_306 : vector<2048x256xf32>
      %max3A_308 = arith.constant 0.000000e+00 : f32
      %max3A_309 = vector.broadcast %max3A_308 : f32 to vector<2048x256xf32>
      %max3A_310 = arith.maximumf %add3A_307, %max3A_309 : vector<2048x256xf32>
      %convert_element_type3A_311 = arith.truncf %max3A_310 : vector<2048x256xf32> to vector<2048x256xbf16>
      %get3A_312 = arith.constant 2 : index
      %get3A_313 = arith.constant 0 : index
      %get3A_314 = arith.constant 0 : index
      %get3A_315 = vector.load %arg20[%get3A_312, %get3A_313, %get3A_314] : memref<16x256x128xbf16, #tpu.memory_space<vmem>>, vector<1x256x128xbf16>
      %get3A_316 = vector.shape_cast %get3A_315 : vector<1x256x128xbf16> to vector<256x128xbf16>
      %dot_general3A_317 = arith.constant dense<0.000000e+00> : vector<2048x128xf32>
      %dot_general3A_318 = tpu.matmul %convert_element_type3A_311, %get3A_316, %dot_general3A_317 {dimension_numbers = #tpu.dot_dimension_numbers<[1], [0], [0], [1], [0, 0, 1, 1], [], []>, transpose_lhs_hint = false} : vector<2048x256xbf16>, vector<256x128xbf16>, vector<2048x128xf32> -> vector<2048x128xf32>
      %get3A_319 = arith.constant 2 : index
      %get3A_320 = arith.constant 0 : index
      %get3A_321 = vector.load %arg21[%get3A_319, %get3A_320] : memref<16x128xf32, #tpu.memory_space<vmem>>, vector<1x128xf32>
      %add3A_322 = vector.broadcast %get3A_321 : vector<1x128xf32> to vector<2048x128xf32>
      %add3A_323 = arith.addf %dot_general3A_318, %add3A_322 : vector<2048x128xf32>
      %ge3A = vector.broadcast %get3A_77 : i32 to vector<2048x1xi32>
      %ge3A_324 = arith.cmpi sge, %add3A_44, %ge3A : vector<2048x1xi32>
      %get3A_325 = arith.constant 0 : index
      %get3A_326 = arith.constant 0 : index
      %get3A_327 = vector.load %arg17[%get3A_325, %get3A_326] : memref<2048x128xf32, #tpu.memory_space<vmem>>, vector<2048x128xf32>
      %broadcast_in_dim3A = vector.shape_cast %ge3A_324 : vector<2048x1xi1> to vector<2048x1xi1>
      %broadcast_in_dim3A_328 = vector.broadcast %broadcast_in_dim3A : vector<2048x1xi1> to vector<2048x128xi1>
      %select_n3A = arith.select %broadcast_in_dim3A_328, %add3A_323, %get3A_327 : vector<2048x128xi1>, vector<2048x128xf32>
      %swap3A = arith.constant 0 : index
      %swap3A_329 = arith.constant 0 : index
      %swap3A_330 = vector.load %arg17[%swap3A, %swap3A_329] : memref<2048x128xf32, #tpu.memory_space<vmem>>, vector<2048x128xf32>
      tpu.vector_store %arg17[%swap3A, %swap3A_329], %select_n3A {strides = array<i32>} : memref<2048x128xf32, #tpu.memory_space<vmem>>, vector<2048x128xf32>,
    } else {
    }
    %get3A_90 = arith.constant 3 : index
    %get3A_91 = arith.constant 0 : index
    %get3A_92 = vector.load %arg3[%get3A_90, %get3A_91] : memref<16x1xi32, #tpu.memory_space<vmem>>, vector<1x1xi32>
    %get3A_93 = vector.extract %get3A_92[0, 0] : i32 from vector<1x1xi32>
    %get3A_94 = arith.constant 4 : index
    %get3A_95 = arith.constant 0 : index
    %get3A_96 = vector.load %arg3[%get3A_94, %get3A_95] : memref<16x1xi32, #tpu.memory_space<vmem>>, vector<1x1xi32>
    %get3A_97 = vector.extract %get3A_96[0, 0] : i32 from vector<1x1xi32>
    %add3A_98 = arith.constant 2048 : i32
    %add3A_99 = arith.addi %mul3A_42, %add3A_98 : i32
    %lt3A_100 = arith.cmpi slt, %get3A_93, %add3A_99 : i32
    %gt3A_101 = arith.cmpi sgt, %get3A_97, %mul3A_42 : i32
    %and3A_102 = arith.andi %lt3A_100, %gt3A_101 : i1
    %convert_element_type3A_103 = arith.extui %and3A_102 : i1 to i32
    %cond3A_104 = arith.constant 0 : i32
    %cond3A_105 = arith.cmpi ne, %convert_element_type3A_103, %cond3A_104 : i32
    scf.if %cond3A_105 {
      %get3A_295 = arith.constant 3 : index
      %get3A_296 = arith.constant 0 : index
      %get3A_297 = arith.constant 0 : index
      %get3A_298 = vector.load %arg18[%get3A_295, %get3A_296, %get3A_297] : memref<16x256x256xbf16, #tpu.memory_space<vmem>>, vector<1x256x256xbf16>
      %get3A_299 = vector.shape_cast %get3A_298 : vector<1x256x256xbf16> to vector<256x256xbf16>
      %dot_general3A_300 = arith.constant dense<0.000000e+00> : vector<2048x256xf32>
      %dot_general3A_301 = tpu.matmul %convert_element_type3A_41, %get3A_299, %dot_general3A_300 {dimension_numbers = #tpu.dot_dimension_numbers<[1], [0], [0], [1], [0, 0, 1, 1], [], []>, transpose_lhs_hint = false} : vector<2048x256xbf16>, vector<256x256xbf16>, vector<2048x256xf32> -> vector<2048x256xf32>
      %get3A_302 = arith.constant 3 : index
      %get3A_303 = arith.constant 0 : index
      %get3A_304 = vector.load %arg19[%get3A_302, %get3A_303] : memref<16x256xbf16, #tpu.memory_space<vmem>>, vector<1x256xbf16>
      %convert_element_type3A_305 = arith.extf %get3A_304 : vector<1x256xbf16> to vector<1x256xf32>
      %add3A_306 = vector.broadcast %convert_element_type3A_305 : vector<1x256xf32> to vector<2048x256xf32>
      %add3A_307 = arith.addf %dot_general3A_301, %add3A_306 : vector<2048x256xf32>
      %max3A_308 = arith.constant 0.000000e+00 : f32
      %max3A_309 = vector.broadcast %max3A_308 : f32 to vector<2048x256xf32>
      %max3A_310 = arith.maximumf %add3A_307, %max3A_309 : vector<2048x256xf32>
      %convert_element_type3A_311 = arith.truncf %max3A_310 : vector<2048x256xf32> to vector<2048x256xbf16>
      %get3A_312 = arith.constant 3 : index
      %get3A_313 = arith.constant 0 : index
      %get3A_314 = arith.constant 0 : index
      %get3A_315 = vector.load %arg20[%get3A_312, %get3A_313, %get3A_314] : memref<16x256x128xbf16, #tpu.memory_space<vmem>>, vector<1x256x128xbf16>
      %get3A_316 = vector.shape_cast %get3A_315 : vector<1x256x128xbf16> to vector<256x128xbf16>
      %dot_general3A_317 = arith.constant dense<0.000000e+00> : vector<2048x128xf32>
      %dot_general3A_318 = tpu.matmul %convert_element_type3A_311, %get3A_316, %dot_general3A_317 {dimension_numbers = #tpu.dot_dimension_numbers<[1], [0], [0], [1], [0, 0, 1, 1], [], []>, transpose_lhs_hint = false} : vector<2048x256xbf16>, vector<256x128xbf16>, vector<2048x128xf32> -> vector<2048x128xf32>
      %get3A_319 = arith.constant 3 : index
      %get3A_320 = arith.constant 0 : index
      %get3A_321 = vector.load %arg21[%get3A_319, %get3A_320] : memref<16x128xf32, #tpu.memory_space<vmem>>, vector<1x128xf32>
      %add3A_322 = vector.broadcast %get3A_321 : vector<1x128xf32> to vector<2048x128xf32>
      %add3A_323 = arith.addf %dot_general3A_318, %add3A_322 : vector<2048x128xf32>
      %ge3A = vector.broadcast %get3A_93 : i32 to vector<2048x1xi32>
      %ge3A_324 = arith.cmpi sge, %add3A_44, %ge3A : vector<2048x1xi32>
      %get3A_325 = arith.constant 0 : index
      %get3A_326 = arith.constant 0 : index
      %get3A_327 = vector.load %arg17[%get3A_325, %get3A_326] : memref<2048x128xf32, #tpu.memory_space<vmem>>, vector<2048x128xf32>
      %broadcast_in_dim3A = vector.shape_cast %ge3A_324 : vector<2048x1xi1> to vector<2048x1xi1>
      %broadcast_in_dim3A_328 = vector.broadcast %broadcast_in_dim3A : vector<2048x1xi1> to vector<2048x128xi1>
      %select_n3A = arith.select %broadcast_in_dim3A_328, %add3A_323, %get3A_327 : vector<2048x128xi1>, vector<2048x128xf32>
      %swap3A = arith.constant 0 : index
      %swap3A_329 = arith.constant 0 : index
      %swap3A_330 = vector.load %arg17[%swap3A, %swap3A_329] : memref<2048x128xf32, #tpu.memory_space<vmem>>, vector<2048x128xf32>
      tpu.vector_store %arg17[%swap3A, %swap3A_329], %select_n3A {strides = array<i32>} : memref<2048x128xf32, #tpu.memory_space<vmem>>, vector<2048x128xf32>,
    } else {
    }
    %get3A_106 = arith.constant 4 : index
    %get3A_107 = arith.constant 0 : index
    %get3A_108 = vector.load %arg3[%get3A_106, %get3A_107] : memref<16x1xi32, #tpu.memory_space<vmem>>, vector<1x1xi32>
    %get3A_109 = vector.extract %get3A_108[0, 0] : i32 from vector<1x1xi32>
    %get3A_110 = arith.constant 5 : index
    %get3A_111 = arith.constant 0 : index
    %get3A_112 = vector.load %arg3[%get3A_110, %get3A_111] : memref<16x1xi32, #tpu.memory_space<vmem>>, vector<1x1xi32>
    %get3A_113 = vector.extract %get3A_112[0, 0] : i32 from vector<1x1xi32>
    %add3A_114 = arith.constant 2048 : i32
    %add3A_115 = arith.addi %mul3A_42, %add3A_114 : i32
    %lt3A_116 = arith.cmpi slt, %get3A_109, %add3A_115 : i32
    %gt3A_117 = arith.cmpi sgt, %get3A_113, %mul3A_42 : i32
    %and3A_118 = arith.andi %lt3A_116, %gt3A_117 : i1
    %convert_element_type3A_119 = arith.extui %and3A_118 : i1 to i32
    %cond3A_120 = arith.constant 0 : i32
    %cond3A_121 = arith.cmpi ne, %convert_element_type3A_119, %cond3A_120 : i32
    scf.if %cond3A_121 {
      %get3A_295 = arith.constant 4 : index
      %get3A_296 = arith.constant 0 : index
      %get3A_297 = arith.constant 0 : index
      %get3A_298 = vector.load %arg18[%get3A_295, %get3A_296, %get3A_297] : memref<16x256x256xbf16, #tpu.memory_space<vmem>>, vector<1x256x256xbf16>
      %get3A_299 = vector.shape_cast %get3A_298 : vector<1x256x256xbf16> to vector<256x256xbf16>
      %dot_general3A_300 = arith.constant dense<0.000000e+00> : vector<2048x256xf32>
      %dot_general3A_301 = tpu.matmul %convert_element_type3A_41, %get3A_299, %dot_general3A_300 {dimension_numbers = #tpu.dot_dimension_numbers<[1], [0], [0], [1], [0, 0, 1, 1], [], []>, transpose_lhs_hint = false} : vector<2048x256xbf16>, vector<256x256xbf16>, vector<2048x256xf32> -> vector<2048x256xf32>
      %get3A_302 = arith.constant 4 : index
      %get3A_303 = arith.constant 0 : index
      %get3A_304 = vector.load %arg19[%get3A_302, %get3A_303] : memref<16x256xbf16, #tpu.memory_space<vmem>>, vector<1x256xbf16>
      %convert_element_type3A_305 = arith.extf %get3A_304 : vector<1x256xbf16> to vector<1x256xf32>
      %add3A_306 = vector.broadcast %convert_element_type3A_305 : vector<1x256xf32> to vector<2048x256xf32>
      %add3A_307 = arith.addf %dot_general3A_301, %add3A_306 : vector<2048x256xf32>
      %max3A_308 = arith.constant 0.000000e+00 : f32
      %max3A_309 = vector.broadcast %max3A_308 : f32 to vector<2048x256xf32>
      %max3A_310 = arith.maximumf %add3A_307, %max3A_309 : vector<2048x256xf32>
      %convert_element_type3A_311 = arith.truncf %max3A_310 : vector<2048x256xf32> to vector<2048x256xbf16>
      %get3A_312 = arith.constant 4 : index
      %get3A_313 = arith.constant 0 : index
      %get3A_314 = arith.constant 0 : index
      %get3A_315 = vector.load %arg20[%get3A_312, %get3A_313, %get3A_314] : memref<16x256x128xbf16, #tpu.memory_space<vmem>>, vector<1x256x128xbf16>
      %get3A_316 = vector.shape_cast %get3A_315 : vector<1x256x128xbf16> to vector<256x128xbf16>
      %dot_general3A_317 = arith.constant dense<0.000000e+00> : vector<2048x128xf32>
      %dot_general3A_318 = tpu.matmul %convert_element_type3A_311, %get3A_316, %dot_general3A_317 {dimension_numbers = #tpu.dot_dimension_numbers<[1], [0], [0], [1], [0, 0, 1, 1], [], []>, transpose_lhs_hint = false} : vector<2048x256xbf16>, vector<256x128xbf16>, vector<2048x128xf32> -> vector<2048x128xf32>
      %get3A_319 = arith.constant 4 : index
      %get3A_320 = arith.constant 0 : index
      %get3A_321 = vector.load %arg21[%get3A_319, %get3A_320] : memref<16x128xf32, #tpu.memory_space<vmem>>, vector<1x128xf32>
      %add3A_322 = vector.broadcast %get3A_321 : vector<1x128xf32> to vector<2048x128xf32>
      %add3A_323 = arith.addf %dot_general3A_318, %add3A_322 : vector<2048x128xf32>
      %ge3A = vector.broadcast %get3A_109 : i32 to vector<2048x1xi32>
      %ge3A_324 = arith.cmpi sge, %add3A_44, %ge3A : vector<2048x1xi32>
      %get3A_325 = arith.constant 0 : index
      %get3A_326 = arith.constant 0 : index
      %get3A_327 = vector.load %arg17[%get3A_325, %get3A_326] : memref<2048x128xf32, #tpu.memory_space<vmem>>, vector<2048x128xf32>
      %broadcast_in_dim3A = vector.shape_cast %ge3A_324 : vector<2048x1xi1> to vector<2048x1xi1>
      %broadcast_in_dim3A_328 = vector.broadcast %broadcast_in_dim3A : vector<2048x1xi1> to vector<2048x128xi1>
      %select_n3A = arith.select %broadcast_in_dim3A_328, %add3A_323, %get3A_327 : vector<2048x128xi1>, vector<2048x128xf32>
      %swap3A = arith.constant 0 : index
      %swap3A_329 = arith.constant 0 : index
      %swap3A_330 = vector.load %arg17[%swap3A, %swap3A_329] : memref<2048x128xf32, #tpu.memory_space<vmem>>, vector<2048x128xf32>
      tpu.vector_store %arg17[%swap3A, %swap3A_329], %select_n3A {strides = array<i32>} : memref<2048x128xf32, #tpu.memory_space<vmem>>, vector<2048x128xf32>,
    } else {
    }
    %get3A_122 = arith.constant 5 : index
    %get3A_123 = arith.constant 0 : index
    %get3A_124 = vector.load %arg3[%get3A_122, %get3A_123] : memref<16x1xi32, #tpu.memory_space<vmem>>, vector<1x1xi32>
    %get3A_125 = vector.extract %get3A_124[0, 0] : i32 from vector<1x1xi32>
    %get3A_126 = arith.constant 6 : index
    %get3A_127 = arith.constant 0 : index
    %get3A_128 = vector.load %arg3[%get3A_126, %get3A_127] : memref<16x1xi32, #tpu.memory_space<vmem>>, vector<1x1xi32>
    %get3A_129 = vector.extract %get3A_128[0, 0] : i32 from vector<1x1xi32>
    %add3A_130 = arith.constant 2048 : i32
    %add3A_131 = arith.addi %mul3A_42, %add3A_130 : i32
    %lt3A_132 = arith.cmpi slt, %get3A_125, %add3A_131 : i32
    %gt3A_133 = arith.cmpi sgt, %get3A_129, %mul3A_42 : i32
    %and3A_134 = arith.andi %lt3A_132, %gt3A_133 : i1
    %convert_element_type3A_135 = arith.extui %and3A_134 : i1 to i32
    %cond3A_136 = arith.constant 0 : i32
    %cond3A_137 = arith.cmpi ne, %convert_element_type3A_135, %cond3A_136 : i32
    scf.if %cond3A_137 {
      %get3A_295 = arith.constant 5 : index
      %get3A_296 = arith.constant 0 : index
      %get3A_297 = arith.constant 0 : index
      %get3A_298 = vector.load %arg18[%get3A_295, %get3A_296, %get3A_297] : memref<16x256x256xbf16, #tpu.memory_space<vmem>>, vector<1x256x256xbf16>
      %get3A_299 = vector.shape_cast %get3A_298 : vector<1x256x256xbf16> to vector<256x256xbf16>
      %dot_general3A_300 = arith.constant dense<0.000000e+00> : vector<2048x256xf32>
      %dot_general3A_301 = tpu.matmul %convert_element_type3A_41, %get3A_299, %dot_general3A_300 {dimension_numbers = #tpu.dot_dimension_numbers<[1], [0], [0], [1], [0, 0, 1, 1], [], []>, transpose_lhs_hint = false} : vector<2048x256xbf16>, vector<256x256xbf16>, vector<2048x256xf32> -> vector<2048x256xf32>
      %get3A_302 = arith.constant 5 : index
      %get3A_303 = arith.constant 0 : index
      %get3A_304 = vector.load %arg19[%get3A_302, %get3A_303] : memref<16x256xbf16, #tpu.memory_space<vmem>>, vector<1x256xbf16>
      %convert_element_type3A_305 = arith.extf %get3A_304 : vector<1x256xbf16> to vector<1x256xf32>
      %add3A_306 = vector.broadcast %convert_element_type3A_305 : vector<1x256xf32> to vector<2048x256xf32>
      %add3A_307 = arith.addf %dot_general3A_301, %add3A_306 : vector<2048x256xf32>
      %max3A_308 = arith.constant 0.000000e+00 : f32
      %max3A_309 = vector.broadcast %max3A_308 : f32 to vector<2048x256xf32>
      %max3A_310 = arith.maximumf %add3A_307, %max3A_309 : vector<2048x256xf32>
      %convert_element_type3A_311 = arith.truncf %max3A_310 : vector<2048x256xf32> to vector<2048x256xbf16>
      %get3A_312 = arith.constant 5 : index
      %get3A_313 = arith.constant 0 : index
      %get3A_314 = arith.constant 0 : index
      %get3A_315 = vector.load %arg20[%get3A_312, %get3A_313, %get3A_314] : memref<16x256x128xbf16, #tpu.memory_space<vmem>>, vector<1x256x128xbf16>
      %get3A_316 = vector.shape_cast %get3A_315 : vector<1x256x128xbf16> to vector<256x128xbf16>
      %dot_general3A_317 = arith.constant dense<0.000000e+00> : vector<2048x128xf32>
      %dot_general3A_318 = tpu.matmul %convert_element_type3A_311, %get3A_316, %dot_general3A_317 {dimension_numbers = #tpu.dot_dimension_numbers<[1], [0], [0], [1], [0, 0, 1, 1], [], []>, transpose_lhs_hint = false} : vector<2048x256xbf16>, vector<256x128xbf16>, vector<2048x128xf32> -> vector<2048x128xf32>
      %get3A_319 = arith.constant 5 : index
      %get3A_320 = arith.constant 0 : index
      %get3A_321 = vector.load %arg21[%get3A_319, %get3A_320] : memref<16x128xf32, #tpu.memory_space<vmem>>, vector<1x128xf32>
      %add3A_322 = vector.broadcast %get3A_321 : vector<1x128xf32> to vector<2048x128xf32>
      %add3A_323 = arith.addf %dot_general3A_318, %add3A_322 : vector<2048x128xf32>
      %ge3A = vector.broadcast %get3A_125 : i32 to vector<2048x1xi32>
      %ge3A_324 = arith.cmpi sge, %add3A_44, %ge3A : vector<2048x1xi32>
      %get3A_325 = arith.constant 0 : index
      %get3A_326 = arith.constant 0 : index
      %get3A_327 = vector.load %arg17[%get3A_325, %get3A_326] : memref<2048x128xf32, #tpu.memory_space<vmem>>, vector<2048x128xf32>
      %broadcast_in_dim3A = vector.shape_cast %ge3A_324 : vector<2048x1xi1> to vector<2048x1xi1>
      %broadcast_in_dim3A_328 = vector.broadcast %broadcast_in_dim3A : vector<2048x1xi1> to vector<2048x128xi1>
      %select_n3A = arith.select %broadcast_in_dim3A_328, %add3A_323, %get3A_327 : vector<2048x128xi1>, vector<2048x128xf32>
      %swap3A = arith.constant 0 : index
      %swap3A_329 = arith.constant 0 : index
      %swap3A_330 = vector.load %arg17[%swap3A, %swap3A_329] : memref<2048x128xf32, #tpu.memory_space<vmem>>, vector<2048x128xf32>
      tpu.vector_store %arg17[%swap3A, %swap3A_329], %select_n3A {strides = array<i32>} : memref<2048x128xf32, #tpu.memory_space<vmem>>, vector<2048x128xf32>,
    } else {
    }
    %get3A_138 = arith.constant 6 : index
    %get3A_139 = arith.constant 0 : index
    %get3A_140 = vector.load %arg3[%get3A_138, %get3A_139] : memref<16x1xi32, #tpu.memory_space<vmem>>, vector<1x1xi32>
    %get3A_141 = vector.extract %get3A_140[0, 0] : i32 from vector<1x1xi32>
    %get3A_142 = arith.constant 7 : index
    %get3A_143 = arith.constant 0 : index
    %get3A_144 = vector.load %arg3[%get3A_142, %get3A_143] : memref<16x1xi32, #tpu.memory_space<vmem>>, vector<1x1xi32>
    %get3A_145 = vector.extract %get3A_144[0, 0] : i32 from vector<1x1xi32>
    %add3A_146 = arith.constant 2048 : i32
    %add3A_147 = arith.addi %mul3A_42, %add3A_146 : i32
    %lt3A_148 = arith.cmpi slt, %get3A_141, %add3A_147 : i32
    %gt3A_149 = arith.cmpi sgt, %get3A_145, %mul3A_42 : i32
    %and3A_150 = arith.andi %lt3A_148, %gt3A_149 : i1
    %convert_element_type3A_151 = arith.extui %and3A_150 : i1 to i32
    %cond3A_152 = arith.constant 0 : i32
    %cond3A_153 = arith.cmpi ne, %convert_element_type3A_151, %cond3A_152 : i32
    scf.if %cond3A_153 {
      %get3A_295 = arith.constant 6 : index
      %get3A_296 = arith.constant 0 : index
      %get3A_297 = arith.constant 0 : index
      %get3A_298 = vector.load %arg18[%get3A_295, %get3A_296, %get3A_297] : memref<16x256x256xbf16, #tpu.memory_space<vmem>>, vector<1x256x256xbf16>
      %get3A_299 = vector.shape_cast %get3A_298 : vector<1x256x256xbf16> to vector<256x256xbf16>
      %dot_general3A_300 = arith.constant dense<0.000000e+00> : vector<2048x256xf32>
      %dot_general3A_301 = tpu.matmul %convert_element_type3A_41, %get3A_299, %dot_general3A_300 {dimension_numbers = #tpu.dot_dimension_numbers<[1], [0], [0], [1], [0, 0, 1, 1], [], []>, transpose_lhs_hint = false} : vector<2048x256xbf16>, vector<256x256xbf16>, vector<2048x256xf32> -> vector<2048x256xf32>
      %get3A_302 = arith.constant 6 : index
      %get3A_303 = arith.constant 0 : index
      %get3A_304 = vector.load %arg19[%get3A_302, %get3A_303] : memref<16x256xbf16, #tpu.memory_space<vmem>>, vector<1x256xbf16>
      %convert_element_type3A_305 = arith.extf %get3A_304 : vector<1x256xbf16> to vector<1x256xf32>
      %add3A_306 = vector.broadcast %convert_element_type3A_305 : vector<1x256xf32> to vector<2048x256xf32>
      %add3A_307 = arith.addf %dot_general3A_301, %add3A_306 : vector<2048x256xf32>
      %max3A_308 = arith.constant 0.000000e+00 : f32
      %max3A_309 = vector.broadcast %max3A_308 : f32 to vector<2048x256xf32>
      %max3A_310 = arith.maximumf %add3A_307, %max3A_309 : vector<2048x256xf32>
      %convert_element_type3A_311 = arith.truncf %max3A_310 : vector<2048x256xf32> to vector<2048x256xbf16>
      %get3A_312 = arith.constant 6 : index
      %get3A_313 = arith.constant 0 : index
      %get3A_314 = arith.constant 0 : index
      %get3A_315 = vector.load %arg20[%get3A_312, %get3A_313, %get3A_314] : memref<16x256x128xbf16, #tpu.memory_space<vmem>>, vector<1x256x128xbf16>
      %get3A_316 = vector.shape_cast %get3A_315 : vector<1x256x128xbf16> to vector<256x128xbf16>
      %dot_general3A_317 = arith.constant dense<0.000000e+00> : vector<2048x128xf32>
      %dot_general3A_318 = tpu.matmul %convert_element_type3A_311, %get3A_316, %dot_general3A_317 {dimension_numbers = #tpu.dot_dimension_numbers<[1], [0], [0], [1], [0, 0, 1, 1], [], []>, transpose_lhs_hint = false} : vector<2048x256xbf16>, vector<256x128xbf16>, vector<2048x128xf32> -> vector<2048x128xf32>
      %get3A_319 = arith.constant 6 : index
      %get3A_320 = arith.constant 0 : index
      %get3A_321 = vector.load %arg21[%get3A_319, %get3A_320] : memref<16x128xf32, #tpu.memory_space<vmem>>, vector<1x128xf32>
      %add3A_322 = vector.broadcast %get3A_321 : vector<1x128xf32> to vector<2048x128xf32>
      %add3A_323 = arith.addf %dot_general3A_318, %add3A_322 : vector<2048x128xf32>
      %ge3A = vector.broadcast %get3A_141 : i32 to vector<2048x1xi32>
      %ge3A_324 = arith.cmpi sge, %add3A_44, %ge3A : vector<2048x1xi32>
      %get3A_325 = arith.constant 0 : index
      %get3A_326 = arith.constant 0 : index
      %get3A_327 = vector.load %arg17[%get3A_325, %get3A_326] : memref<2048x128xf32, #tpu.memory_space<vmem>>, vector<2048x128xf32>
      %broadcast_in_dim3A = vector.shape_cast %ge3A_324 : vector<2048x1xi1> to vector<2048x1xi1>
      %broadcast_in_dim3A_328 = vector.broadcast %broadcast_in_dim3A : vector<2048x1xi1> to vector<2048x128xi1>
      %select_n3A = arith.select %broadcast_in_dim3A_328, %add3A_323, %get3A_327 : vector<2048x128xi1>, vector<2048x128xf32>
      %swap3A = arith.constant 0 : index
      %swap3A_329 = arith.constant 0 : index
      %swap3A_330 = vector.load %arg17[%swap3A, %swap3A_329] : memref<2048x128xf32, #tpu.memory_space<vmem>>, vector<2048x128xf32>
      tpu.vector_store %arg17[%swap3A, %swap3A_329], %select_n3A {strides = array<i32>} : memref<2048x128xf32, #tpu.memory_space<vmem>>, vector<2048x128xf32>,
    } else {
    }
    %get3A_154 = arith.constant 7 : index
    %get3A_155 = arith.constant 0 : index
    %get3A_156 = vector.load %arg3[%get3A_154, %get3A_155] : memref<16x1xi32, #tpu.memory_space<vmem>>, vector<1x1xi32>
    %get3A_157 = vector.extract %get3A_156[0, 0] : i32 from vector<1x1xi32>
    %get3A_158 = arith.constant 8 : index
    %get3A_159 = arith.constant 0 : index
    %get3A_160 = vector.load %arg3[%get3A_158, %get3A_159] : memref<16x1xi32, #tpu.memory_space<vmem>>, vector<1x1xi32>
    %get3A_161 = vector.extract %get3A_160[0, 0] : i32 from vector<1x1xi32>
    %add3A_162 = arith.constant 2048 : i32
    %add3A_163 = arith.addi %mul3A_42, %add3A_162 : i32
    %lt3A_164 = arith.cmpi slt, %get3A_157, %add3A_163 : i32
    %gt3A_165 = arith.cmpi sgt, %get3A_161, %mul3A_42 : i32
    %and3A_166 = arith.andi %lt3A_164, %gt3A_165 : i1
    %convert_element_type3A_167 = arith.extui %and3A_166 : i1 to i32
    %cond3A_168 = arith.constant 0 : i32
    %cond3A_169 = arith.cmpi ne, %convert_element_type3A_167, %cond3A_168 : i32
    scf.if %cond3A_169 {
      %get3A_295 = arith.constant 7 : index
      %get3A_296 = arith.constant 0 : index
      %get3A_297 = arith.constant 0 : index
      %get3A_298 = vector.load %arg18[%get3A_295, %get3A_296, %get3A_297] : memref<16x256x256xbf16, #tpu.memory_space<vmem>>, vector<1x256x256xbf16>
      %get3A_299 = vector.shape_cast %get3A_298 : vector<1x256x256xbf16> to vector<256x256xbf16>
      %dot_general3A_300 = arith.constant dense<0.000000e+00> : vector<2048x256xf32>
      %dot_general3A_301 = tpu.matmul %convert_element_type3A_41, %get3A_299, %dot_general3A_300 {dimension_numbers = #tpu.dot_dimension_numbers<[1], [0], [0], [1], [0, 0, 1, 1], [], []>, transpose_lhs_hint = false} : vector<2048x256xbf16>, vector<256x256xbf16>, vector<2048x256xf32> -> vector<2048x256xf32>
      %get3A_302 = arith.constant 7 : index
      %get3A_303 = arith.constant 0 : index
      %get3A_304 = vector.load %arg19[%get3A_302, %get3A_303] : memref<16x256xbf16, #tpu.memory_space<vmem>>, vector<1x256xbf16>
      %convert_element_type3A_305 = arith.extf %get3A_304 : vector<1x256xbf16> to vector<1x256xf32>
      %add3A_306 = vector.broadcast %convert_element_type3A_305 : vector<1x256xf32> to vector<2048x256xf32>
      %add3A_307 = arith.addf %dot_general3A_301, %add3A_306 : vector<2048x256xf32>
      %max3A_308 = arith.constant 0.000000e+00 : f32
      %max3A_309 = vector.broadcast %max3A_308 : f32 to vector<2048x256xf32>
      %max3A_310 = arith.maximumf %add3A_307, %max3A_309 : vector<2048x256xf32>
      %convert_element_type3A_311 = arith.truncf %max3A_310 : vector<2048x256xf32> to vector<2048x256xbf16>
      %get3A_312 = arith.constant 7 : index
      %get3A_313 = arith.constant 0 : index
      %get3A_314 = arith.constant 0 : index
      %get3A_315 = vector.load %arg20[%get3A_312, %get3A_313, %get3A_314] : memref<16x256x128xbf16, #tpu.memory_space<vmem>>, vector<1x256x128xbf16>
      %get3A_316 = vector.shape_cast %get3A_315 : vector<1x256x128xbf16> to vector<256x128xbf16>
      %dot_general3A_317 = arith.constant dense<0.000000e+00> : vector<2048x128xf32>
      %dot_general3A_318 = tpu.matmul %convert_element_type3A_311, %get3A_316, %dot_general3A_317 {dimension_numbers = #tpu.dot_dimension_numbers<[1], [0], [0], [1], [0, 0, 1, 1], [], []>, transpose_lhs_hint = false} : vector<2048x256xbf16>, vector<256x128xbf16>, vector<2048x128xf32> -> vector<2048x128xf32>
      %get3A_319 = arith.constant 7 : index
      %get3A_320 = arith.constant 0 : index
      %get3A_321 = vector.load %arg21[%get3A_319, %get3A_320] : memref<16x128xf32, #tpu.memory_space<vmem>>, vector<1x128xf32>
      %add3A_322 = vector.broadcast %get3A_321 : vector<1x128xf32> to vector<2048x128xf32>
      %add3A_323 = arith.addf %dot_general3A_318, %add3A_322 : vector<2048x128xf32>
      %ge3A = vector.broadcast %get3A_157 : i32 to vector<2048x1xi32>
      %ge3A_324 = arith.cmpi sge, %add3A_44, %ge3A : vector<2048x1xi32>
      %get3A_325 = arith.constant 0 : index
      %get3A_326 = arith.constant 0 : index
      %get3A_327 = vector.load %arg17[%get3A_325, %get3A_326] : memref<2048x128xf32, #tpu.memory_space<vmem>>, vector<2048x128xf32>
      %broadcast_in_dim3A = vector.shape_cast %ge3A_324 : vector<2048x1xi1> to vector<2048x1xi1>
      %broadcast_in_dim3A_328 = vector.broadcast %broadcast_in_dim3A : vector<2048x1xi1> to vector<2048x128xi1>
      %select_n3A = arith.select %broadcast_in_dim3A_328, %add3A_323, %get3A_327 : vector<2048x128xi1>, vector<2048x128xf32>
      %swap3A = arith.constant 0 : index
      %swap3A_329 = arith.constant 0 : index
      %swap3A_330 = vector.load %arg17[%swap3A, %swap3A_329] : memref<2048x128xf32, #tpu.memory_space<vmem>>, vector<2048x128xf32>
      tpu.vector_store %arg17[%swap3A, %swap3A_329], %select_n3A {strides = array<i32>} : memref<2048x128xf32, #tpu.memory_space<vmem>>, vector<2048x128xf32>,
    } else {
    }
    %get3A_170 = arith.constant 8 : index
    %get3A_171 = arith.constant 0 : index
    %get3A_172 = vector.load %arg3[%get3A_170, %get3A_171] : memref<16x1xi32, #tpu.memory_space<vmem>>, vector<1x1xi32>
    %get3A_173 = vector.extract %get3A_172[0, 0] : i32 from vector<1x1xi32>
    %get3A_174 = arith.constant 9 : index
    %get3A_175 = arith.constant 0 : index
    %get3A_176 = vector.load %arg3[%get3A_174, %get3A_175] : memref<16x1xi32, #tpu.memory_space<vmem>>, vector<1x1xi32>
    %get3A_177 = vector.extract %get3A_176[0, 0] : i32 from vector<1x1xi32>
    %add3A_178 = arith.constant 2048 : i32
    %add3A_179 = arith.addi %mul3A_42, %add3A_178 : i32
    %lt3A_180 = arith.cmpi slt, %get3A_173, %add3A_179 : i32
    %gt3A_181 = arith.cmpi sgt, %get3A_177, %mul3A_42 : i32
    %and3A_182 = arith.andi %lt3A_180, %gt3A_181 : i1
    %convert_element_type3A_183 = arith.extui %and3A_182 : i1 to i32
    %cond3A_184 = arith.constant 0 : i32
    %cond3A_185 = arith.cmpi ne, %convert_element_type3A_183, %cond3A_184 : i32
    scf.if %cond3A_185 {
      %get3A_295 = arith.constant 8 : index
      %get3A_296 = arith.constant 0 : index
      %get3A_297 = arith.constant 0 : index
      %get3A_298 = vector.load %arg18[%get3A_295, %get3A_296, %get3A_297] : memref<16x256x256xbf16, #tpu.memory_space<vmem>>, vector<1x256x256xbf16>
      %get3A_299 = vector.shape_cast %get3A_298 : vector<1x256x256xbf16> to vector<256x256xbf16>
      %dot_general3A_300 = arith.constant dense<0.000000e+00> : vector<2048x256xf32>
      %dot_general3A_301 = tpu.matmul %convert_element_type3A_41, %get3A_299, %dot_general3A_300 {dimension_numbers = #tpu.dot_dimension_numbers<[1], [0], [0], [1], [0, 0, 1, 1], [], []>, transpose_lhs_hint = false} : vector<2048x256xbf16>, vector<256x256xbf16>, vector<2048x256xf32> -> vector<2048x256xf32>
      %get3A_302 = arith.constant 8 : index
      %get3A_303 = arith.constant 0 : index
      %get3A_304 = vector.load %arg19[%get3A_302, %get3A_303] : memref<16x256xbf16, #tpu.memory_space<vmem>>, vector<1x256xbf16>
      %convert_element_type3A_305 = arith.extf %get3A_304 : vector<1x256xbf16> to vector<1x256xf32>
      %add3A_306 = vector.broadcast %convert_element_type3A_305 : vector<1x256xf32> to vector<2048x256xf32>
      %add3A_307 = arith.addf %dot_general3A_301, %add3A_306 : vector<2048x256xf32>
      %max3A_308 = arith.constant 0.000000e+00 : f32
      %max3A_309 = vector.broadcast %max3A_308 : f32 to vector<2048x256xf32>
      %max3A_310 = arith.maximumf %add3A_307, %max3A_309 : vector<2048x256xf32>
      %convert_element_type3A_311 = arith.truncf %max3A_310 : vector<2048x256xf32> to vector<2048x256xbf16>
      %get3A_312 = arith.constant 8 : index
      %get3A_313 = arith.constant 0 : index
      %get3A_314 = arith.constant 0 : index
      %get3A_315 = vector.load %arg20[%get3A_312, %get3A_313, %get3A_314] : memref<16x256x128xbf16, #tpu.memory_space<vmem>>, vector<1x256x128xbf16>
      %get3A_316 = vector.shape_cast %get3A_315 : vector<1x256x128xbf16> to vector<256x128xbf16>
      %dot_general3A_317 = arith.constant dense<0.000000e+00> : vector<2048x128xf32>
      %dot_general3A_318 = tpu.matmul %convert_element_type3A_311, %get3A_316, %dot_general3A_317 {dimension_numbers = #tpu.dot_dimension_numbers<[1], [0], [0], [1], [0, 0, 1, 1], [], []>, transpose_lhs_hint = false} : vector<2048x256xbf16>, vector<256x128xbf16>, vector<2048x128xf32> -> vector<2048x128xf32>
      %get3A_319 = arith.constant 8 : index
      %get3A_320 = arith.constant 0 : index
      %get3A_321 = vector.load %arg21[%get3A_319, %get3A_320] : memref<16x128xf32, #tpu.memory_space<vmem>>, vector<1x128xf32>
      %add3A_322 = vector.broadcast %get3A_321 : vector<1x128xf32> to vector<2048x128xf32>
      %add3A_323 = arith.addf %dot_general3A_318, %add3A_322 : vector<2048x128xf32>
      %ge3A = vector.broadcast %get3A_173 : i32 to vector<2048x1xi32>
      %ge3A_324 = arith.cmpi sge, %add3A_44, %ge3A : vector<2048x1xi32>
      %get3A_325 = arith.constant 0 : index
      %get3A_326 = arith.constant 0 : index
      %get3A_327 = vector.load %arg17[%get3A_325, %get3A_326] : memref<2048x128xf32, #tpu.memory_space<vmem>>, vector<2048x128xf32>
      %broadcast_in_dim3A = vector.shape_cast %ge3A_324 : vector<2048x1xi1> to vector<2048x1xi1>
      %broadcast_in_dim3A_328 = vector.broadcast %broadcast_in_dim3A : vector<2048x1xi1> to vector<2048x128xi1>
      %select_n3A = arith.select %broadcast_in_dim3A_328, %add3A_323, %get3A_327 : vector<2048x128xi1>, vector<2048x128xf32>
      %swap3A = arith.constant 0 : index
      %swap3A_329 = arith.constant 0 : index
      %swap3A_330 = vector.load %arg17[%swap3A, %swap3A_329] : memref<2048x128xf32, #tpu.memory_space<vmem>>, vector<2048x128xf32>
      tpu.vector_store %arg17[%swap3A, %swap3A_329], %select_n3A {strides = array<i32>} : memref<2048x128xf32, #tpu.memory_space<vmem>>, vector<2048x128xf32>,
    } else {
    }
    %get3A_186 = arith.constant 9 : index
    %get3A_187 = arith.constant 0 : index
    %get3A_188 = vector.load %arg3[%get3A_186, %get3A_187] : memref<16x1xi32, #tpu.memory_space<vmem>>, vector<1x1xi32>
    %get3A_189 = vector.extract %get3A_188[0, 0] : i32 from vector<1x1xi32>
    %get3A_190 = arith.constant 10 : index
    %get3A_191 = arith.constant 0 : index
    %get3A_192 = vector.load %arg3[%get3A_190, %get3A_191] : memref<16x1xi32, #tpu.memory_space<vmem>>, vector<1x1xi32>
    %get3A_193 = vector.extract %get3A_192[0, 0] : i32 from vector<1x1xi32>
    %add3A_194 = arith.constant 2048 : i32
    %add3A_195 = arith.addi %mul3A_42, %add3A_194 : i32
    %lt3A_196 = arith.cmpi slt, %get3A_189, %add3A_195 : i32
    %gt3A_197 = arith.cmpi sgt, %get3A_193, %mul3A_42 : i32
    %and3A_198 = arith.andi %lt3A_196, %gt3A_197 : i1
    %convert_element_type3A_199 = arith.extui %and3A_198 : i1 to i32
    %cond3A_200 = arith.constant 0 : i32
    %cond3A_201 = arith.cmpi ne, %convert_element_type3A_199, %cond3A_200 : i32
    scf.if %cond3A_201 {
      %get3A_295 = arith.constant 9 : index
      %get3A_296 = arith.constant 0 : index
      %get3A_297 = arith.constant 0 : index
      %get3A_298 = vector.load %arg18[%get3A_295, %get3A_296, %get3A_297] : memref<16x256x256xbf16, #tpu.memory_space<vmem>>, vector<1x256x256xbf16>
      %get3A_299 = vector.shape_cast %get3A_298 : vector<1x256x256xbf16> to vector<256x256xbf16>
      %dot_general3A_300 = arith.constant dense<0.000000e+00> : vector<2048x256xf32>
      %dot_general3A_301 = tpu.matmul %convert_element_type3A_41, %get3A_299, %dot_general3A_300 {dimension_numbers = #tpu.dot_dimension_numbers<[1], [0], [0], [1], [0, 0, 1, 1], [], []>, transpose_lhs_hint = false} : vector<2048x256xbf16>, vector<256x256xbf16>, vector<2048x256xf32> -> vector<2048x256xf32>
      %get3A_302 = arith.constant 9 : index
      %get3A_303 = arith.constant 0 : index
      %get3A_304 = vector.load %arg19[%get3A_302, %get3A_303] : memref<16x256xbf16, #tpu.memory_space<vmem>>, vector<1x256xbf16>
      %convert_element_type3A_305 = arith.extf %get3A_304 : vector<1x256xbf16> to vector<1x256xf32>
      %add3A_306 = vector.broadcast %convert_element_type3A_305 : vector<1x256xf32> to vector<2048x256xf32>
      %add3A_307 = arith.addf %dot_general3A_301, %add3A_306 : vector<2048x256xf32>
      %max3A_308 = arith.constant 0.000000e+00 : f32
      %max3A_309 = vector.broadcast %max3A_308 : f32 to vector<2048x256xf32>
      %max3A_310 = arith.maximumf %add3A_307, %max3A_309 : vector<2048x256xf32>
      %convert_element_type3A_311 = arith.truncf %max3A_310 : vector<2048x256xf32> to vector<2048x256xbf16>
      %get3A_312 = arith.constant 9 : index
      %get3A_313 = arith.constant 0 : index
      %get3A_314 = arith.constant 0 : index
      %get3A_315 = vector.load %arg20[%get3A_312, %get3A_313, %get3A_314] : memref<16x256x128xbf16, #tpu.memory_space<vmem>>, vector<1x256x128xbf16>
      %get3A_316 = vector.shape_cast %get3A_315 : vector<1x256x128xbf16> to vector<256x128xbf16>
      %dot_general3A_317 = arith.constant dense<0.000000e+00> : vector<2048x128xf32>
      %dot_general3A_318 = tpu.matmul %convert_element_type3A_311, %get3A_316, %dot_general3A_317 {dimension_numbers = #tpu.dot_dimension_numbers<[1], [0], [0], [1], [0, 0, 1, 1], [], []>, transpose_lhs_hint = false} : vector<2048x256xbf16>, vector<256x128xbf16>, vector<2048x128xf32> -> vector<2048x128xf32>
      %get3A_319 = arith.constant 9 : index
      %get3A_320 = arith.constant 0 : index
      %get3A_321 = vector.load %arg21[%get3A_319, %get3A_320] : memref<16x128xf32, #tpu.memory_space<vmem>>, vector<1x128xf32>
      %add3A_322 = vector.broadcast %get3A_321 : vector<1x128xf32> to vector<2048x128xf32>
      %add3A_323 = arith.addf %dot_general3A_318, %add3A_322 : vector<2048x128xf32>
      %ge3A = vector.broadcast %get3A_189 : i32 to vector<2048x1xi32>
      %ge3A_324 = arith.cmpi sge, %add3A_44, %ge3A : vector<2048x1xi32>
      %get3A_325 = arith.constant 0 : index
      %get3A_326 = arith.constant 0 : index
      %get3A_327 = vector.load %arg17[%get3A_325, %get3A_326] : memref<2048x128xf32, #tpu.memory_space<vmem>>, vector<2048x128xf32>
      %broadcast_in_dim3A = vector.shape_cast %ge3A_324 : vector<2048x1xi1> to vector<2048x1xi1>
      %broadcast_in_dim3A_328 = vector.broadcast %broadcast_in_dim3A : vector<2048x1xi1> to vector<2048x128xi1>
      %select_n3A = arith.select %broadcast_in_dim3A_328, %add3A_323, %get3A_327 : vector<2048x128xi1>, vector<2048x128xf32>
      %swap3A = arith.constant 0 : index
      %swap3A_329 = arith.constant 0 : index
      %swap3A_330 = vector.load %arg17[%swap3A, %swap3A_329] : memref<2048x128xf32, #tpu.memory_space<vmem>>, vector<2048x128xf32>
      tpu.vector_store %arg17[%swap3A, %swap3A_329], %select_n3A {strides = array<i32>} : memref<2048x128xf32, #tpu.memory_space<vmem>>, vector<2048x128xf32>,
    } else {
    }
    %get3A_202 = arith.constant 10 : index
    %get3A_203 = arith.constant 0 : index
    %get3A_204 = vector.load %arg3[%get3A_202, %get3A_203] : memref<16x1xi32, #tpu.memory_space<vmem>>, vector<1x1xi32>
    %get3A_205 = vector.extract %get3A_204[0, 0] : i32 from vector<1x1xi32>
    %get3A_206 = arith.constant 11 : index
    %get3A_207 = arith.constant 0 : index
    %get3A_208 = vector.load %arg3[%get3A_206, %get3A_207] : memref<16x1xi32, #tpu.memory_space<vmem>>, vector<1x1xi32>
    %get3A_209 = vector.extract %get3A_208[0, 0] : i32 from vector<1x1xi32>
    %add3A_210 = arith.constant 2048 : i32
    %add3A_211 = arith.addi %mul3A_42, %add3A_210 : i32
    %lt3A_212 = arith.cmpi slt, %get3A_205, %add3A_211 : i32
    %gt3A_213 = arith.cmpi sgt, %get3A_209, %mul3A_42 : i32
    %and3A_214 = arith.andi %lt3A_212, %gt3A_213 : i1
    %convert_element_type3A_215 = arith.extui %and3A_214 : i1 to i32
    %cond3A_216 = arith.constant 0 : i32
    %cond3A_217 = arith.cmpi ne, %convert_element_type3A_215, %cond3A_216 : i32
    scf.if %cond3A_217 {
      %get3A_295 = arith.constant 10 : index
      %get3A_296 = arith.constant 0 : index
      %get3A_297 = arith.constant 0 : index
      %get3A_298 = vector.load %arg18[%get3A_295, %get3A_296, %get3A_297] : memref<16x256x256xbf16, #tpu.memory_space<vmem>>, vector<1x256x256xbf16>
      %get3A_299 = vector.shape_cast %get3A_298 : vector<1x256x256xbf16> to vector<256x256xbf16>
      %dot_general3A_300 = arith.constant dense<0.000000e+00> : vector<2048x256xf32>
      %dot_general3A_301 = tpu.matmul %convert_element_type3A_41, %get3A_299, %dot_general3A_300 {dimension_numbers = #tpu.dot_dimension_numbers<[1], [0], [0], [1], [0, 0, 1, 1], [], []>, transpose_lhs_hint = false} : vector<2048x256xbf16>, vector<256x256xbf16>, vector<2048x256xf32> -> vector<2048x256xf32>
      %get3A_302 = arith.constant 10 : index
      %get3A_303 = arith.constant 0 : index
      %get3A_304 = vector.load %arg19[%get3A_302, %get3A_303] : memref<16x256xbf16, #tpu.memory_space<vmem>>, vector<1x256xbf16>
      %convert_element_type3A_305 = arith.extf %get3A_304 : vector<1x256xbf16> to vector<1x256xf32>
      %add3A_306 = vector.broadcast %convert_element_type3A_305 : vector<1x256xf32> to vector<2048x256xf32>
      %add3A_307 = arith.addf %dot_general3A_301, %add3A_306 : vector<2048x256xf32>
      %max3A_308 = arith.constant 0.000000e+00 : f32
      %max3A_309 = vector.broadcast %max3A_308 : f32 to vector<2048x256xf32>
      %max3A_310 = arith.maximumf %add3A_307, %max3A_309 : vector<2048x256xf32>
      %convert_element_type3A_311 = arith.truncf %max3A_310 : vector<2048x256xf32> to vector<2048x256xbf16>
      %get3A_312 = arith.constant 10 : index
      %get3A_313 = arith.constant 0 : index
      %get3A_314 = arith.constant 0 : index
      %get3A_315 = vector.load %arg20[%get3A_312, %get3A_313, %get3A_314] : memref<16x256x128xbf16, #tpu.memory_space<vmem>>, vector<1x256x128xbf16>
      %get3A_316 = vector.shape_cast %get3A_315 : vector<1x256x128xbf16> to vector<256x128xbf16>
      %dot_general3A_317 = arith.constant dense<0.000000e+00> : vector<2048x128xf32>
      %dot_general3A_318 = tpu.matmul %convert_element_type3A_311, %get3A_316, %dot_general3A_317 {dimension_numbers = #tpu.dot_dimension_numbers<[1], [0], [0], [1], [0, 0, 1, 1], [], []>, transpose_lhs_hint = false} : vector<2048x256xbf16>, vector<256x128xbf16>, vector<2048x128xf32> -> vector<2048x128xf32>
      %get3A_319 = arith.constant 10 : index
      %get3A_320 = arith.constant 0 : index
      %get3A_321 = vector.load %arg21[%get3A_319, %get3A_320] : memref<16x128xf32, #tpu.memory_space<vmem>>, vector<1x128xf32>
      %add3A_322 = vector.broadcast %get3A_321 : vector<1x128xf32> to vector<2048x128xf32>
      %add3A_323 = arith.addf %dot_general3A_318, %add3A_322 : vector<2048x128xf32>
      %ge3A = vector.broadcast %get3A_205 : i32 to vector<2048x1xi32>
      %ge3A_324 = arith.cmpi sge, %add3A_44, %ge3A : vector<2048x1xi32>
      %get3A_325 = arith.constant 0 : index
      %get3A_326 = arith.constant 0 : index
      %get3A_327 = vector.load %arg17[%get3A_325, %get3A_326] : memref<2048x128xf32, #tpu.memory_space<vmem>>, vector<2048x128xf32>
      %broadcast_in_dim3A = vector.shape_cast %ge3A_324 : vector<2048x1xi1> to vector<2048x1xi1>
      %broadcast_in_dim3A_328 = vector.broadcast %broadcast_in_dim3A : vector<2048x1xi1> to vector<2048x128xi1>
      %select_n3A = arith.select %broadcast_in_dim3A_328, %add3A_323, %get3A_327 : vector<2048x128xi1>, vector<2048x128xf32>
      %swap3A = arith.constant 0 : index
      %swap3A_329 = arith.constant 0 : index
      %swap3A_330 = vector.load %arg17[%swap3A, %swap3A_329] : memref<2048x128xf32, #tpu.memory_space<vmem>>, vector<2048x128xf32>
      tpu.vector_store %arg17[%swap3A, %swap3A_329], %select_n3A {strides = array<i32>} : memref<2048x128xf32, #tpu.memory_space<vmem>>, vector<2048x128xf32>,
    } else {
    }
    %get3A_218 = arith.constant 11 : index
    %get3A_219 = arith.constant 0 : index
    %get3A_220 = vector.load %arg3[%get3A_218, %get3A_219] : memref<16x1xi32, #tpu.memory_space<vmem>>, vector<1x1xi32>
    %get3A_221 = vector.extract %get3A_220[0, 0] : i32 from vector<1x1xi32>
    %get3A_222 = arith.constant 12 : index
    %get3A_223 = arith.constant 0 : index
    %get3A_224 = vector.load %arg3[%get3A_222, %get3A_223] : memref<16x1xi32, #tpu.memory_space<vmem>>, vector<1x1xi32>
    %get3A_225 = vector.extract %get3A_224[0, 0] : i32 from vector<1x1xi32>
    %add3A_226 = arith.constant 2048 : i32
    %add3A_227 = arith.addi %mul3A_42, %add3A_226 : i32
    %lt3A_228 = arith.cmpi slt, %get3A_221, %add3A_227 : i32
    %gt3A_229 = arith.cmpi sgt, %get3A_225, %mul3A_42 : i32
    %and3A_230 = arith.andi %lt3A_228, %gt3A_229 : i1
    %convert_element_type3A_231 = arith.extui %and3A_230 : i1 to i32
    %cond3A_232 = arith.constant 0 : i32
    %cond3A_233 = arith.cmpi ne, %convert_element_type3A_231, %cond3A_232 : i32
    scf.if %cond3A_233 {
      %get3A_295 = arith.constant 11 : index
      %get3A_296 = arith.constant 0 : index
      %get3A_297 = arith.constant 0 : index
      %get3A_298 = vector.load %arg18[%get3A_295, %get3A_296, %get3A_297] : memref<16x256x256xbf16, #tpu.memory_space<vmem>>, vector<1x256x256xbf16>
      %get3A_299 = vector.shape_cast %get3A_298 : vector<1x256x256xbf16> to vector<256x256xbf16>
      %dot_general3A_300 = arith.constant dense<0.000000e+00> : vector<2048x256xf32>
      %dot_general3A_301 = tpu.matmul %convert_element_type3A_41, %get3A_299, %dot_general3A_300 {dimension_numbers = #tpu.dot_dimension_numbers<[1], [0], [0], [1], [0, 0, 1, 1], [], []>, transpose_lhs_hint = false} : vector<2048x256xbf16>, vector<256x256xbf16>, vector<2048x256xf32> -> vector<2048x256xf32>
      %get3A_302 = arith.constant 11 : index
      %get3A_303 = arith.constant 0 : index
      %get3A_304 = vector.load %arg19[%get3A_302, %get3A_303] : memref<16x256xbf16, #tpu.memory_space<vmem>>, vector<1x256xbf16>
      %convert_element_type3A_305 = arith.extf %get3A_304 : vector<1x256xbf16> to vector<1x256xf32>
      %add3A_306 = vector.broadcast %convert_element_type3A_305 : vector<1x256xf32> to vector<2048x256xf32>
      %add3A_307 = arith.addf %dot_general3A_301, %add3A_306 : vector<2048x256xf32>
      %max3A_308 = arith.constant 0.000000e+00 : f32
      %max3A_309 = vector.broadcast %max3A_308 : f32 to vector<2048x256xf32>
      %max3A_310 = arith.maximumf %add3A_307, %max3A_309 : vector<2048x256xf32>
      %convert_element_type3A_311 = arith.truncf %max3A_310 : vector<2048x256xf32> to vector<2048x256xbf16>
      %get3A_312 = arith.constant 11 : index
      %get3A_313 = arith.constant 0 : index
      %get3A_314 = arith.constant 0 : index
      %get3A_315 = vector.load %arg20[%get3A_312, %get3A_313, %get3A_314] : memref<16x256x128xbf16, #tpu.memory_space<vmem>>, vector<1x256x128xbf16>
      %get3A_316 = vector.shape_cast %get3A_315 : vector<1x256x128xbf16> to vector<256x128xbf16>
      %dot_general3A_317 = arith.constant dense<0.000000e+00> : vector<2048x128xf32>
      %dot_general3A_318 = tpu.matmul %convert_element_type3A_311, %get3A_316, %dot_general3A_317 {dimension_numbers = #tpu.dot_dimension_numbers<[1], [0], [0], [1], [0, 0, 1, 1], [], []>, transpose_lhs_hint = false} : vector<2048x256xbf16>, vector<256x128xbf16>, vector<2048x128xf32> -> vector<2048x128xf32>
      %get3A_319 = arith.constant 11 : index
      %get3A_320 = arith.constant 0 : index
      %get3A_321 = vector.load %arg21[%get3A_319, %get3A_320] : memref<16x128xf32, #tpu.memory_space<vmem>>, vector<1x128xf32>
      %add3A_322 = vector.broadcast %get3A_321 : vector<1x128xf32> to vector<2048x128xf32>
      %add3A_323 = arith.addf %dot_general3A_318, %add3A_322 : vector<2048x128xf32>
      %ge3A = vector.broadcast %get3A_221 : i32 to vector<2048x1xi32>
      %ge3A_324 = arith.cmpi sge, %add3A_44, %ge3A : vector<2048x1xi32>
      %get3A_325 = arith.constant 0 : index
      %get3A_326 = arith.constant 0 : index
      %get3A_327 = vector.load %arg17[%get3A_325, %get3A_326] : memref<2048x128xf32, #tpu.memory_space<vmem>>, vector<2048x128xf32>
      %broadcast_in_dim3A = vector.shape_cast %ge3A_324 : vector<2048x1xi1> to vector<2048x1xi1>
      %broadcast_in_dim3A_328 = vector.broadcast %broadcast_in_dim3A : vector<2048x1xi1> to vector<2048x128xi1>
      %select_n3A = arith.select %broadcast_in_dim3A_328, %add3A_323, %get3A_327 : vector<2048x128xi1>, vector<2048x128xf32>
      %swap3A = arith.constant 0 : index
      %swap3A_329 = arith.constant 0 : index
      %swap3A_330 = vector.load %arg17[%swap3A, %swap3A_329] : memref<2048x128xf32, #tpu.memory_space<vmem>>, vector<2048x128xf32>
      tpu.vector_store %arg17[%swap3A, %swap3A_329], %select_n3A {strides = array<i32>} : memref<2048x128xf32, #tpu.memory_space<vmem>>, vector<2048x128xf32>,
    } else {
    }
    %get3A_234 = arith.constant 12 : index
    %get3A_235 = arith.constant 0 : index
    %get3A_236 = vector.load %arg3[%get3A_234, %get3A_235] : memref<16x1xi32, #tpu.memory_space<vmem>>, vector<1x1xi32>
    %get3A_237 = vector.extract %get3A_236[0, 0] : i32 from vector<1x1xi32>
    %get3A_238 = arith.constant 13 : index
    %get3A_239 = arith.constant 0 : index
    %get3A_240 = vector.load %arg3[%get3A_238, %get3A_239] : memref<16x1xi32, #tpu.memory_space<vmem>>, vector<1x1xi32>
    %get3A_241 = vector.extract %get3A_240[0, 0] : i32 from vector<1x1xi32>
    %add3A_242 = arith.constant 2048 : i32
    %add3A_243 = arith.addi %mul3A_42, %add3A_242 : i32
    %lt3A_244 = arith.cmpi slt, %get3A_237, %add3A_243 : i32
    %gt3A_245 = arith.cmpi sgt, %get3A_241, %mul3A_42 : i32
    %and3A_246 = arith.andi %lt3A_244, %gt3A_245 : i1
    %convert_element_type3A_247 = arith.extui %and3A_246 : i1 to i32
    %cond3A_248 = arith.constant 0 : i32
    %cond3A_249 = arith.cmpi ne, %convert_element_type3A_247, %cond3A_248 : i32
    scf.if %cond3A_249 {
      %get3A_295 = arith.constant 12 : index
      %get3A_296 = arith.constant 0 : index
      %get3A_297 = arith.constant 0 : index
      %get3A_298 = vector.load %arg18[%get3A_295, %get3A_296, %get3A_297] : memref<16x256x256xbf16, #tpu.memory_space<vmem>>, vector<1x256x256xbf16>
      %get3A_299 = vector.shape_cast %get3A_298 : vector<1x256x256xbf16> to vector<256x256xbf16>
      %dot_general3A_300 = arith.constant dense<0.000000e+00> : vector<2048x256xf32>
      %dot_general3A_301 = tpu.matmul %convert_element_type3A_41, %get3A_299, %dot_general3A_300 {dimension_numbers = #tpu.dot_dimension_numbers<[1], [0], [0], [1], [0, 0, 1, 1], [], []>, transpose_lhs_hint = false} : vector<2048x256xbf16>, vector<256x256xbf16>, vector<2048x256xf32> -> vector<2048x256xf32>
      %get3A_302 = arith.constant 12 : index
      %get3A_303 = arith.constant 0 : index
      %get3A_304 = vector.load %arg19[%get3A_302, %get3A_303] : memref<16x256xbf16, #tpu.memory_space<vmem>>, vector<1x256xbf16>
      %convert_element_type3A_305 = arith.extf %get3A_304 : vector<1x256xbf16> to vector<1x256xf32>
      %add3A_306 = vector.broadcast %convert_element_type3A_305 : vector<1x256xf32> to vector<2048x256xf32>
      %add3A_307 = arith.addf %dot_general3A_301, %add3A_306 : vector<2048x256xf32>
      %max3A_308 = arith.constant 0.000000e+00 : f32
      %max3A_309 = vector.broadcast %max3A_308 : f32 to vector<2048x256xf32>
      %max3A_310 = arith.maximumf %add3A_307, %max3A_309 : vector<2048x256xf32>
      %convert_element_type3A_311 = arith.truncf %max3A_310 : vector<2048x256xf32> to vector<2048x256xbf16>
      %get3A_312 = arith.constant 12 : index
      %get3A_313 = arith.constant 0 : index
      %get3A_314 = arith.constant 0 : index
      %get3A_315 = vector.load %arg20[%get3A_312, %get3A_313, %get3A_314] : memref<16x256x128xbf16, #tpu.memory_space<vmem>>, vector<1x256x128xbf16>
      %get3A_316 = vector.shape_cast %get3A_315 : vector<1x256x128xbf16> to vector<256x128xbf16>
      %dot_general3A_317 = arith.constant dense<0.000000e+00> : vector<2048x128xf32>
      %dot_general3A_318 = tpu.matmul %convert_element_type3A_311, %get3A_316, %dot_general3A_317 {dimension_numbers = #tpu.dot_dimension_numbers<[1], [0], [0], [1], [0, 0, 1, 1], [], []>, transpose_lhs_hint = false} : vector<2048x256xbf16>, vector<256x128xbf16>, vector<2048x128xf32> -> vector<2048x128xf32>
      %get3A_319 = arith.constant 12 : index
      %get3A_320 = arith.constant 0 : index
      %get3A_321 = vector.load %arg21[%get3A_319, %get3A_320] : memref<16x128xf32, #tpu.memory_space<vmem>>, vector<1x128xf32>
      %add3A_322 = vector.broadcast %get3A_321 : vector<1x128xf32> to vector<2048x128xf32>
      %add3A_323 = arith.addf %dot_general3A_318, %add3A_322 : vector<2048x128xf32>
      %ge3A = vector.broadcast %get3A_237 : i32 to vector<2048x1xi32>
      %ge3A_324 = arith.cmpi sge, %add3A_44, %ge3A : vector<2048x1xi32>
      %get3A_325 = arith.constant 0 : index
      %get3A_326 = arith.constant 0 : index
      %get3A_327 = vector.load %arg17[%get3A_325, %get3A_326] : memref<2048x128xf32, #tpu.memory_space<vmem>>, vector<2048x128xf32>
      %broadcast_in_dim3A = vector.shape_cast %ge3A_324 : vector<2048x1xi1> to vector<2048x1xi1>
      %broadcast_in_dim3A_328 = vector.broadcast %broadcast_in_dim3A : vector<2048x1xi1> to vector<2048x128xi1>
      %select_n3A = arith.select %broadcast_in_dim3A_328, %add3A_323, %get3A_327 : vector<2048x128xi1>, vector<2048x128xf32>
      %swap3A = arith.constant 0 : index
      %swap3A_329 = arith.constant 0 : index
      %swap3A_330 = vector.load %arg17[%swap3A, %swap3A_329] : memref<2048x128xf32, #tpu.memory_space<vmem>>, vector<2048x128xf32>
      tpu.vector_store %arg17[%swap3A, %swap3A_329], %select_n3A {strides = array<i32>} : memref<2048x128xf32, #tpu.memory_space<vmem>>, vector<2048x128xf32>,
    } else {
    }
    %get3A_250 = arith.constant 13 : index
    %get3A_251 = arith.constant 0 : index
    %get3A_252 = vector.load %arg3[%get3A_250, %get3A_251] : memref<16x1xi32, #tpu.memory_space<vmem>>, vector<1x1xi32>
    %get3A_253 = vector.extract %get3A_252[0, 0] : i32 from vector<1x1xi32>
    %get3A_254 = arith.constant 14 : index
    %get3A_255 = arith.constant 0 : index
    %get3A_256 = vector.load %arg3[%get3A_254, %get3A_255] : memref<16x1xi32, #tpu.memory_space<vmem>>, vector<1x1xi32>
    %get3A_257 = vector.extract %get3A_256[0, 0] : i32 from vector<1x1xi32>
    %add3A_258 = arith.constant 2048 : i32
    %add3A_259 = arith.addi %mul3A_42, %add3A_258 : i32
    %lt3A_260 = arith.cmpi slt, %get3A_253, %add3A_259 : i32
    %gt3A_261 = arith.cmpi sgt, %get3A_257, %mul3A_42 : i32
    %and3A_262 = arith.andi %lt3A_260, %gt3A_261 : i1
    %convert_element_type3A_263 = arith.extui %and3A_262 : i1 to i32
    %cond3A_264 = arith.constant 0 : i32
    %cond3A_265 = arith.cmpi ne, %convert_element_type3A_263, %cond3A_264 : i32
    scf.if %cond3A_265 {
      %get3A_295 = arith.constant 13 : index
      %get3A_296 = arith.constant 0 : index
      %get3A_297 = arith.constant 0 : index
      %get3A_298 = vector.load %arg18[%get3A_295, %get3A_296, %get3A_297] : memref<16x256x256xbf16, #tpu.memory_space<vmem>>, vector<1x256x256xbf16>
      %get3A_299 = vector.shape_cast %get3A_298 : vector<1x256x256xbf16> to vector<256x256xbf16>
      %dot_general3A_300 = arith.constant dense<0.000000e+00> : vector<2048x256xf32>
      %dot_general3A_301 = tpu.matmul %convert_element_type3A_41, %get3A_299, %dot_general3A_300 {dimension_numbers = #tpu.dot_dimension_numbers<[1], [0], [0], [1], [0, 0, 1, 1], [], []>, transpose_lhs_hint = false} : vector<2048x256xbf16>, vector<256x256xbf16>, vector<2048x256xf32> -> vector<2048x256xf32>
      %get3A_302 = arith.constant 13 : index
      %get3A_303 = arith.constant 0 : index
      %get3A_304 = vector.load %arg19[%get3A_302, %get3A_303] : memref<16x256xbf16, #tpu.memory_space<vmem>>, vector<1x256xbf16>
      %convert_element_type3A_305 = arith.extf %get3A_304 : vector<1x256xbf16> to vector<1x256xf32>
      %add3A_306 = vector.broadcast %convert_element_type3A_305 : vector<1x256xf32> to vector<2048x256xf32>
      %add3A_307 = arith.addf %dot_general3A_301, %add3A_306 : vector<2048x256xf32>
      %max3A_308 = arith.constant 0.000000e+00 : f32
      %max3A_309 = vector.broadcast %max3A_308 : f32 to vector<2048x256xf32>
      %max3A_310 = arith.maximumf %add3A_307, %max3A_309 : vector<2048x256xf32>
      %convert_element_type3A_311 = arith.truncf %max3A_310 : vector<2048x256xf32> to vector<2048x256xbf16>
      %get3A_312 = arith.constant 13 : index
      %get3A_313 = arith.constant 0 : index
      %get3A_314 = arith.constant 0 : index
      %get3A_315 = vector.load %arg20[%get3A_312, %get3A_313, %get3A_314] : memref<16x256x128xbf16, #tpu.memory_space<vmem>>, vector<1x256x128xbf16>
      %get3A_316 = vector.shape_cast %get3A_315 : vector<1x256x128xbf16> to vector<256x128xbf16>
      %dot_general3A_317 = arith.constant dense<0.000000e+00> : vector<2048x128xf32>
      %dot_general3A_318 = tpu.matmul %convert_element_type3A_311, %get3A_316, %dot_general3A_317 {dimension_numbers = #tpu.dot_dimension_numbers<[1], [0], [0], [1], [0, 0, 1, 1], [], []>, transpose_lhs_hint = false} : vector<2048x256xbf16>, vector<256x128xbf16>, vector<2048x128xf32> -> vector<2048x128xf32>
      %get3A_319 = arith.constant 13 : index
      %get3A_320 = arith.constant 0 : index
      %get3A_321 = vector.load %arg21[%get3A_319, %get3A_320] : memref<16x128xf32, #tpu.memory_space<vmem>>, vector<1x128xf32>
      %add3A_322 = vector.broadcast %get3A_321 : vector<1x128xf32> to vector<2048x128xf32>
      %add3A_323 = arith.addf %dot_general3A_318, %add3A_322 : vector<2048x128xf32>
      %ge3A = vector.broadcast %get3A_253 : i32 to vector<2048x1xi32>
      %ge3A_324 = arith.cmpi sge, %add3A_44, %ge3A : vector<2048x1xi32>
      %get3A_325 = arith.constant 0 : index
      %get3A_326 = arith.constant 0 : index
      %get3A_327 = vector.load %arg17[%get3A_325, %get3A_326] : memref<2048x128xf32, #tpu.memory_space<vmem>>, vector<2048x128xf32>
      %broadcast_in_dim3A = vector.shape_cast %ge3A_324 : vector<2048x1xi1> to vector<2048x1xi1>
      %broadcast_in_dim3A_328 = vector.broadcast %broadcast_in_dim3A : vector<2048x1xi1> to vector<2048x128xi1>
      %select_n3A = arith.select %broadcast_in_dim3A_328, %add3A_323, %get3A_327 : vector<2048x128xi1>, vector<2048x128xf32>
      %swap3A = arith.constant 0 : index
      %swap3A_329 = arith.constant 0 : index
      %swap3A_330 = vector.load %arg17[%swap3A, %swap3A_329] : memref<2048x128xf32, #tpu.memory_space<vmem>>, vector<2048x128xf32>
      tpu.vector_store %arg17[%swap3A, %swap3A_329], %select_n3A {strides = array<i32>} : memref<2048x128xf32, #tpu.memory_space<vmem>>, vector<2048x128xf32>,
    } else {
    }
    %get3A_266 = arith.constant 14 : index
    %get3A_267 = arith.constant 0 : index
    %get3A_268 = vector.load %arg3[%get3A_266, %get3A_267] : memref<16x1xi32, #tpu.memory_space<vmem>>, vector<1x1xi32>
    %get3A_269 = vector.extract %get3A_268[0, 0] : i32 from vector<1x1xi32>
    %get3A_270 = arith.constant 15 : index
    %get3A_271 = arith.constant 0 : index
    %get3A_272 = vector.load %arg3[%get3A_270, %get3A_271] : memref<16x1xi32, #tpu.memory_space<vmem>>, vector<1x1xi32>
    %get3A_273 = vector.extract %get3A_272[0, 0] : i32 from vector<1x1xi32>
    %add3A_274 = arith.constant 2048 : i32
    %add3A_275 = arith.addi %mul3A_42, %add3A_274 : i32
    %lt3A_276 = arith.cmpi slt, %get3A_269, %add3A_275 : i32
    %gt3A_277 = arith.cmpi sgt, %get3A_273, %mul3A_42 : i32
    %and3A_278 = arith.andi %lt3A_276, %gt3A_277 : i1
    %convert_element_type3A_279 = arith.extui %and3A_278 : i1 to i32
    %cond3A_280 = arith.constant 0 : i32
    %cond3A_281 = arith.cmpi ne, %convert_element_type3A_279, %cond3A_280 : i32
    scf.if %cond3A_281 {
      %get3A_295 = arith.constant 14 : index
      %get3A_296 = arith.constant 0 : index
      %get3A_297 = arith.constant 0 : index
      %get3A_298 = vector.load %arg18[%get3A_295, %get3A_296, %get3A_297] : memref<16x256x256xbf16, #tpu.memory_space<vmem>>, vector<1x256x256xbf16>
      %get3A_299 = vector.shape_cast %get3A_298 : vector<1x256x256xbf16> to vector<256x256xbf16>
      %dot_general3A_300 = arith.constant dense<0.000000e+00> : vector<2048x256xf32>
      %dot_general3A_301 = tpu.matmul %convert_element_type3A_41, %get3A_299, %dot_general3A_300 {dimension_numbers = #tpu.dot_dimension_numbers<[1], [0], [0], [1], [0, 0, 1, 1], [], []>, transpose_lhs_hint = false} : vector<2048x256xbf16>, vector<256x256xbf16>, vector<2048x256xf32> -> vector<2048x256xf32>
      %get3A_302 = arith.constant 14 : index
      %get3A_303 = arith.constant 0 : index
      %get3A_304 = vector.load %arg19[%get3A_302, %get3A_303] : memref<16x256xbf16, #tpu.memory_space<vmem>>, vector<1x256xbf16>
      %convert_element_type3A_305 = arith.extf %get3A_304 : vector<1x256xbf16> to vector<1x256xf32>
      %add3A_306 = vector.broadcast %convert_element_type3A_305 : vector<1x256xf32> to vector<2048x256xf32>
      %add3A_307 = arith.addf %dot_general3A_301, %add3A_306 : vector<2048x256xf32>
      %max3A_308 = arith.constant 0.000000e+00 : f32
      %max3A_309 = vector.broadcast %max3A_308 : f32 to vector<2048x256xf32>
      %max3A_310 = arith.maximumf %add3A_307, %max3A_309 : vector<2048x256xf32>
      %convert_element_type3A_311 = arith.truncf %max3A_310 : vector<2048x256xf32> to vector<2048x256xbf16>
      %get3A_312 = arith.constant 14 : index
      %get3A_313 = arith.constant 0 : index
      %get3A_314 = arith.constant 0 : index
      %get3A_315 = vector.load %arg20[%get3A_312, %get3A_313, %get3A_314] : memref<16x256x128xbf16, #tpu.memory_space<vmem>>, vector<1x256x128xbf16>
      %get3A_316 = vector.shape_cast %get3A_315 : vector<1x256x128xbf16> to vector<256x128xbf16>
      %dot_general3A_317 = arith.constant dense<0.000000e+00> : vector<2048x128xf32>
      %dot_general3A_318 = tpu.matmul %convert_element_type3A_311, %get3A_316, %dot_general3A_317 {dimension_numbers = #tpu.dot_dimension_numbers<[1], [0], [0], [1], [0, 0, 1, 1], [], []>, transpose_lhs_hint = false} : vector<2048x256xbf16>, vector<256x128xbf16>, vector<2048x128xf32> -> vector<2048x128xf32>
      %get3A_319 = arith.constant 14 : index
      %get3A_320 = arith.constant 0 : index
      %get3A_321 = vector.load %arg21[%get3A_319, %get3A_320] : memref<16x128xf32, #tpu.memory_space<vmem>>, vector<1x128xf32>
      %add3A_322 = vector.broadcast %get3A_321 : vector<1x128xf32> to vector<2048x128xf32>
      %add3A_323 = arith.addf %dot_general3A_318, %add3A_322 : vector<2048x128xf32>
      %ge3A = vector.broadcast %get3A_269 : i32 to vector<2048x1xi32>
      %ge3A_324 = arith.cmpi sge, %add3A_44, %ge3A : vector<2048x1xi32>
      %get3A_325 = arith.constant 0 : index
      %get3A_326 = arith.constant 0 : index
      %get3A_327 = vector.load %arg17[%get3A_325, %get3A_326] : memref<2048x128xf32, #tpu.memory_space<vmem>>, vector<2048x128xf32>
      %broadcast_in_dim3A = vector.shape_cast %ge3A_324 : vector<2048x1xi1> to vector<2048x1xi1>
      %broadcast_in_dim3A_328 = vector.broadcast %broadcast_in_dim3A : vector<2048x1xi1> to vector<2048x128xi1>
      %select_n3A = arith.select %broadcast_in_dim3A_328, %add3A_323, %get3A_327 : vector<2048x128xi1>, vector<2048x128xf32>
      %swap3A = arith.constant 0 : index
      %swap3A_329 = arith.constant 0 : index
      %swap3A_330 = vector.load %arg17[%swap3A, %swap3A_329] : memref<2048x128xf32, #tpu.memory_space<vmem>>, vector<2048x128xf32>
      tpu.vector_store %arg17[%swap3A, %swap3A_329], %select_n3A {strides = array<i32>} : memref<2048x128xf32, #tpu.memory_space<vmem>>, vector<2048x128xf32>,
    } else {
    }
    %get3A_282 = arith.constant 15 : index
    %get3A_283 = arith.constant 0 : index
    %get3A_284 = vector.load %arg3[%get3A_282, %get3A_283] : memref<16x1xi32, #tpu.memory_space<vmem>>, vector<1x1xi32>
    %get3A_285 = vector.extract %get3A_284[0, 0] : i32 from vector<1x1xi32>
    %add3A_286 = arith.constant 2048 : i32
    %add3A_287 = arith.addi %mul3A_42, %add3A_286 : i32
    %lt3A_288 = arith.cmpi slt, %get3A_285, %add3A_287 : i32
    %lt3A_289 = arith.constant 16384 : i32
    %lt3A_290 = arith.cmpi slt, %mul3A_42, %lt3A_289 : i32
    %and3A_291 = arith.andi %lt3A_288, %lt3A_290 : i1
    %convert_element_type3A_292 = arith.extui %and3A_291 : i1 to i32
    %cond3A_293 = arith.constant 0 : i32
    %cond3A_294 = arith.cmpi ne, %convert_element_type3A_292, %cond3A_293 : i32
    scf.if %cond3A_294 {
      %get3A_295 = arith.constant 15 : index
      %get3A_296 = arith.constant 0 : index
      %get3A_297 = arith.constant 0 : index
      %get3A_298 = vector.load %arg18[%get3A_295, %get3A_296, %get3A_297] : memref<16x256x256xbf16, #tpu.memory_space<vmem>>, vector<1x256x256xbf16>
      %get3A_299 = vector.shape_cast %get3A_298 : vector<1x256x256xbf16> to vector<256x256xbf16>
      %dot_general3A_300 = arith.constant dense<0.000000e+00> : vector<2048x256xf32>
      %dot_general3A_301 = tpu.matmul %convert_element_type3A_41, %get3A_299, %dot_general3A_300 {dimension_numbers = #tpu.dot_dimension_numbers<[1], [0], [0], [1], [0, 0, 1, 1], [], []>, transpose_lhs_hint = false} : vector<2048x256xbf16>, vector<256x256xbf16>, vector<2048x256xf32> -> vector<2048x256xf32>
      %get3A_302 = arith.constant 15 : index
      %get3A_303 = arith.constant 0 : index
      %get3A_304 = vector.load %arg19[%get3A_302, %get3A_303] : memref<16x256xbf16, #tpu.memory_space<vmem>>, vector<1x256xbf16>
      %convert_element_type3A_305 = arith.extf %get3A_304 : vector<1x256xbf16> to vector<1x256xf32>
      %add3A_306 = vector.broadcast %convert_element_type3A_305 : vector<1x256xf32> to vector<2048x256xf32>
      %add3A_307 = arith.addf %dot_general3A_301, %add3A_306 : vector<2048x256xf32>
      %max3A_308 = arith.constant 0.000000e+00 : f32
      %max3A_309 = vector.broadcast %max3A_308 : f32 to vector<2048x256xf32>
      %max3A_310 = arith.maximumf %add3A_307, %max3A_309 : vector<2048x256xf32>
      %convert_element_type3A_311 = arith.truncf %max3A_310 : vector<2048x256xf32> to vector<2048x256xbf16>
      %get3A_312 = arith.constant 15 : index
      %get3A_313 = arith.constant 0 : index
      %get3A_314 = arith.constant 0 : index
      %get3A_315 = vector.load %arg20[%get3A_312, %get3A_313, %get3A_314] : memref<16x256x128xbf16, #tpu.memory_space<vmem>>, vector<1x256x128xbf16>
      %get3A_316 = vector.shape_cast %get3A_315 : vector<1x256x128xbf16> to vector<256x128xbf16>
      %dot_general3A_317 = arith.constant dense<0.000000e+00> : vector<2048x128xf32>
      %dot_general3A_318 = tpu.matmul %convert_element_type3A_311, %get3A_316, %dot_general3A_317 {dimension_numbers = #tpu.dot_dimension_numbers<[1], [0], [0], [1], [0, 0, 1, 1], [], []>, transpose_lhs_hint = false} : vector<2048x256xbf16>, vector<256x128xbf16>, vector<2048x128xf32> -> vector<2048x128xf32>
      %get3A_319 = arith.constant 15 : index
      %get3A_320 = arith.constant 0 : index
      %get3A_321 = vector.load %arg21[%get3A_319, %get3A_320] : memref<16x128xf32, #tpu.memory_space<vmem>>, vector<1x128xf32>
      %add3A_322 = vector.broadcast %get3A_321 : vector<1x128xf32> to vector<2048x128xf32>
      %add3A_323 = arith.addf %dot_general3A_318, %add3A_322 : vector<2048x128xf32>
      %ge3A = vector.broadcast %get3A_285 : i32 to vector<2048x1xi32>
      %ge3A_324 = arith.cmpi sge, %add3A_44, %ge3A : vector<2048x1xi32>
      %get3A_325 = arith.constant 0 : index
      %get3A_326 = arith.constant 0 : index
      %get3A_327 = vector.load %arg17[%get3A_325, %get3A_326] : memref<2048x128xf32, #tpu.memory_space<vmem>>, vector<2048x128xf32>
      %broadcast_in_dim3A = vector.shape_cast %ge3A_324 : vector<2048x1xi1> to vector<2048x1xi1>
      %broadcast_in_dim3A_328 = vector.broadcast %broadcast_in_dim3A : vector<2048x1xi1> to vector<2048x128xi1>
      %select_n3A = arith.select %broadcast_in_dim3A_328, %add3A_323, %get3A_327 : vector<2048x128xi1>, vector<2048x128xf32>
      %swap3A = arith.constant 0 : index
      %swap3A_329 = arith.constant 0 : index
      %swap3A_330 = vector.load %arg17[%swap3A, %swap3A_329] : memref<2048x128xf32, #tpu.memory_space<vmem>>, vector<2048x128xf32>
      tpu.vector_store %arg17[%swap3A, %swap3A_329], %select_n3A {strides = array<i32>} : memref<2048x128xf32, #tpu.memory_space<vmem>>, vector<2048x128xf32>,
    } else {
    }
    return
  }
  func.func @transform_0(%arg0: i32) -> (i32, i32) {
    %c0_i32 = arith.constant 0 : i32
    %c0_i32_0 = arith.constant 0 : i32
    return %arg0, %c0_i32 : i32, i32
  }
  func.func @transform_1(%arg0: i32) -> (i32, i32) {
    %c0_i32 = arith.constant 0 : i32
    %c0_i32_0 = arith.constant 0 : i32
    return %arg0, %c0_i32 : i32, i32
  }
  func.func @transform_2(%arg0: i32) -> (i32, i32) {
    %c0_i32 = arith.constant 0 : i32
    %c0_i32_0 = arith.constant 0 : i32
    %c0_i32_1 = arith.constant 0 : i32
    return %c0_i32, %c0_i32_0 : i32, i32
  }
  func.func @transform_3(%arg0: i32) -> (i32, i32) {
    %c0_i32 = arith.constant 0 : i32
    %c0_i32_0 = arith.constant 0 : i32
    %c0_i32_1 = arith.constant 0 : i32
    return %c0_i32, %c0_i32_0 : i32, i32
  }
  func.func @transform_4(%arg0: i32) -> (i32, i32) {
    %c0_i32 = arith.constant 0 : i32
    %c0_i32_0 = arith.constant 0 : i32
    %c0_i32_1 = arith.constant 0 : i32
    return %c0_i32, %c0_i32_0 : i32, i32
  }
  func.func @transform_5(%arg0: i32) -> (i32, i32) {
    %c0_i32 = arith.constant 0 : i32
    %c0_i32_0 = arith.constant 0 : i32
    %c0_i32_1 = arith.constant 0 : i32
    return %c0_i32, %c0_i32_0 : i32, i32
  }
  func.func @transform_6(%arg0: i32) -> (i32, i32) {
    %c0_i32 = arith.constant 0 : i32
    %c0_i32_0 = arith.constant 0 : i32
    %c0_i32_1 = arith.constant 0 : i32
    return %c0_i32, %c0_i32_0 : i32, i32
  }
  func.func @transform_7(%arg0: i32) -> (i32, i32) {
    %c0_i32 = arith.constant 0 : i32
    %c0_i32_0 = arith.constant 0 : i32
    %c0_i32_1 = arith.constant 0 : i32
    return %c0_i32, %c0_i32_0 : i32, i32
  }
  func.func @transform_8(%arg0: i32) -> (i32, i32, i32) {
    %c0_i32 = arith.constant 0 : i32
    %c0_i32_0 = arith.constant 0 : i32
    %c0_i32_1 = arith.constant 0 : i32
    %c0_i32_2 = arith.constant 0 : i32
    return %c0_i32, %c0_i32_0, %c0_i32_1 : i32, i32, i32
  }
  func.func @transform_9(%arg0: i32) -> (i32, i32) {
    %c0_i32 = arith.constant 0 : i32
    %c0_i32_0 = arith.constant 0 : i32
    %c0_i32_1 = arith.constant 0 : i32
    return %c0_i32, %c0_i32_0 : i32, i32
  }
  func.func @transform_10(%arg0: i32) -> (i32, i32, i32) {
    %c0_i32 = arith.constant 0 : i32
    %c0_i32_0 = arith.constant 0 : i32
    %c0_i32_1 = arith.constant 0 : i32
    %c0_i32_2 = arith.constant 0 : i32
    return %c0_i32, %c0_i32_0, %c0_i32_1 : i32, i32, i32
  }
  func.func @transform_11(%arg0: i32) -> (i32, i32) {
    %c0_i32 = arith.constant 0 : i32
    %c0_i32_0 = arith.constant 0 : i32
    %c0_i32_1 = arith.constant 0 : i32
    return %c0_i32, %c0_i32_0 : i32, i32
  }
  func.func @transform_12(%arg0: i32) -> (i32, i32, i32) {
    %c0_i32 = arith.constant 0 : i32
    %c0_i32_0 = arith.constant 0 : i32
    %c0_i32_1 = arith.constant 0 : i32
    %c0_i32_2 = arith.constant 0 : i32
    return %c0_i32, %c0_i32_0, %c0_i32_1 : i32, i32, i32
  }
  func.func @transform_13(%arg0: i32) -> (i32, i32) {
    %c0_i32 = arith.constant 0 : i32
    %c0_i32_0 = arith.constant 0 : i32
    %c0_i32_1 = arith.constant 0 : i32
    return %c0_i32, %c0_i32_0 : i32, i32
  }
  func.func @transform_14(%arg0: i32) -> (i32, i32, i32) {
    %c0_i32 = arith.constant 0 : i32
    %c0_i32_0 = arith.constant 0 : i32
    %c0_i32_1 = arith.constant 0 : i32
    %c0_i32_2 = arith.constant 0 : i32
    return %c0_i32, %c0_i32_0, %c0_i32_1 : i32, i32, i32
  }
  func.func @transform_15(%arg0: i32) -> (i32, i32) {
    %c0_i32 = arith.constant 0 : i32
    %c0_i32_0 = arith.constant 0 : i32
    %c0_i32_1 = arith.constant 0 : i32
    return %c0_i32, %c0_i32_0 : i32, i32
  }
  func.func @transform_16(%arg0: i32) -> (i32, i32) {
    %c0_i32 = arith.constant 0 : i32
    %c0_i32_0 = arith.constant 0 : i32
    return %arg0, %c0_i32 : i32, i32
  }
}

</mosaic_0001>

<sc_bundles>
// kernel: kernel.10.cloned.1.call-start
scs
__scs_entry_jumppad:
0x0: {  	(pc) =	sbr.rel $0x88, $3  }
0x1: {  	(tag) =	ssettag $0x0;
	lr =	simm.s32 $0x1  }
0x2: {  	[smem:$0x3F92] =	sst lr;
	_ =	strace $0xD0000000  }
0x3: {  	_ = 	snop  }
0x4: {  	_ = 	snop  }
0x5: {  	_ = 	snop  }
0x6: {  	_ = 	snop  }
0x7: {  	_ = 	snop  }
__scs_overlays_trampoline_lowered:
0x8: {  	[smem:$0x3FA1] =	sst s0  }
0x9: {  	[smem:$0x3FA2] =	sst s1  }
0xa: {  	[smem:$0x3FA3] =	sst s2  }
0xb: {  	[smem:$0x3FA4] =	sst s3  }
0xc: {  	[smem:$0x3FA5] =	sst s4  }
0xd: {  	[smem:$0x3FA6] =	sst s5  }
0xe: {  	[smem:$0x3FA7] =	sst s6  }
0xf: {  	[smem:$0x3FA8] =	sst s7  }
0x10: {  	[smem:$0x3FA9] =	sst s8  }
0x11: {  	[smem:$0x3FAA] =	sst s9;
	s0 =	simm.s32 @!p0 $0x0  }
0x12: {  	s1 =	sld [smem:$0x3F90];
	s0 =	simm.s32 @p0 $0x1  }
0x13: {  	[smem:$0x3FAB] =	sst s0;
	s0 =	simm.s32 @!p1 $0x0  }
0x14: {  	s2 =	sld [smem:$0x3F8F];
	s0 =	simm.s32 @p1 $0x1  }
0x15: {  	[smem:$0x3FAC] =	sst s0;
	s0 =	simm.s32 @!p2 $0x0  }
0x16: {  	s3 =	sld [smem:$0x3FDB];
	s0 =	simm.s32 @p2 $0x1  }
0x17: {  	s4 =	simm.s32 $0x1BF5;
	[smem:$0x3FAE] =	sst s0  }
0x18: {  	s0 =	sld [smem:$0x3F91];
	_ =	swait.ge [sflag:s4], $0x0  }
0x19: {  	s7 =	sld [smem:$0x3F92]  }
0x1a: {  	s8 =	sadd.s32 $0xFFFFE003, lr  }
0x1b: {  	s9 =	sadd.s32 $0xFFFFFEF7, lr;
	s5 =	simm.s32 $0xFFFFFFFF;
	p2 =	slt.u32 s8, $0xFFFFF086  }
0x1c: {  	p1 =	slt.u32 s9, $0xF7A;
	s5 =	simm.s32 @!p2 $0x0  }
0x1d: {  	s5 =	simm.s32 @p1 $0x1;
	p0 =	seq.s32 s7, s2  }
0x1e: {  	s7 =	smul.u32 @!p0 $0xF7A, s2;
	p2 =	seq.s32 @!p0 s5, $0x0  }
0x1f: {  	s9 =	smul.u32 $0xF7A, s1;
	s8 =	simm.s32 @!p0 $0x1BF5;
	p2 =	por !p2, p0  }
0x20: {  	[sflag:s8] =	ssyncset.s32 @!p0 $0xFFFFF086;
	s6 =	sadd.s32 @!p0 s3, s7;
	s7 =	simm.s32 @!p0 $0x108  }
0x21: {  	s3 =	sadd.s32 s3, s9;
	s6 =	sadd.s32 @!p0 $0x88, s6;
	s7 =	simm.s32 @p2 $0x1082  }
0x22: {  	[simem:s7], [sflag:s8] =	dma.local @!p0 [hbm:s6], $0xF7A  }
0x23: {  	s9 =	sor.u32 $0xD0000000, s2;
	s6 =	simm.s32 $0x108;
	_ =	swait.ge @!p0 [sflag:s8], $0x0  }
0x24: {  	s3 =	sadd.s32 $0x88, s3;
	s6 =	simm.s32 @!p1 $0x1082;
	[sflag:s4] =	ssyncset.s32 $0xFFFFF086  }
0x25: {  	[simem:s6], [sflag:s4] =	dma.local [hbm:s3], $0xF7A  }
0x26: {  	[smem:$0x3F92] =	sst s1;
	(tag) =	ssettag s2;
	_ =	strace s9  }
0x27: {  	s1 =	sld [smem:$0x3FA2]  }
0x28: {  	s2 =	sld [smem:$0x3FA3]  }
0x29: {  	s4 =	sld [smem:$0x3FA5]  }
0x2a: {  	p0 =	seq.s32 s5, $0x0;
	s5 =	sld [smem:$0x3FA6]  }
0x2b: {  	s6 =	sld [smem:$0x3FA7]  }
0x2c: {  	s7 =	sld [smem:$0x3FA8]  }
0x2d: {  	s3 =	simm.s32 $0x108;
	s8 =	sld [smem:$0x3FA9]  }
0x2e: {  	s3 =	simm.s32 @!p0 $0x1082;
	s9 =	sld [smem:$0x3FAA]  }
0x2f: {  	lr =	sadd.s32 s0, s3;
	s0 =	sld [smem:$0x3FA1]  }
0x30: {  	s3 =	sld [smem:$0x3FA4]  }
0x31: {  	[smem:$0x3FAD] =	sst s10  }
0x32: {  	s10 =	sld [smem:$0x3FAB];
	_ =	sdelay $0x3  }
0x33: {  	p0 =	seq.s32 s10, $0x1;
	s10 =	sld [smem:$0x3FAD];
	_ =	sdelay $0x3  }
0x34: {  	[smem:$0x3FAD] =	sst s10  }
0x35: {  	s10 =	sld [smem:$0x3FAC];
	_ =	sdelay $0x3  }
0x36: {  	p1 =	seq.s32 s10, $0x1;
	s10 =	sld [smem:$0x3FAD];
	_ =	sdelay $0x3  }
0x37: {  	[smem:$0x3FAD] =	sst s10  }
0x38: {  	s10 =	sld [smem:$0x3FAE]  }
0x39: {  	_ = 	snop;
	(pc) =	sbr.ind lr, $3  }
0x3a: {  	_ = 	snop  }
0x3b: {  	_ = 	snop  }
0x3c: {  	p2 =	seq.s32 s10, $0x1;
	s10 =	sld [smem:$0x3FAD]  }
0x3d: {  	_ =	shalt  }
0x3e: {  	_ =	shalt  }
0x3f: {  	_ =	shalt  }
0x40: {  	_ =	shalt  }
0x41: {  	_ =	shalt  }
0x42: {  	_ =	shalt  }
0x43: {  	_ =	shalt  }
0x44: {  	_ =	shalt  }
0x45: {  	_ =	shalt  }
0x46: {  	_ =	shalt  }
0x47: {  	_ =	shalt  }
0x48: {  	_ =	shalt  }
0x49: {  	_ =	shalt  }
0x4a: {  	_ =	shalt  }
0x4b: {  	_ =	shalt  }
0x4c: {  	_ =	shalt  }
0x4d: {  	_ =	shalt  }
0x4e: {  	_ =	shalt  }
0x4f: {  	_ =	shalt  }
0x50: {  	_ =	shalt  }
0x51: {  	_ =	shalt  }
0x52: {  	_ =	shalt  }
0x53: {  	_ =	shalt  }
0x54: {  	_ =	shalt  }
0x55: {  	_ =	shalt  }
0x56: {  	_ =	shalt  }
0x57: {  	_ =	shalt  }
0x58: {  	_ =	shalt  }
0x59: {  	_ =	shalt  }
0x5a: {  	_ =	shalt  }
0x5b: {  	_ =	shalt  }
0x5c: {  	_ =	shalt  }
0x5d: {  	_ =	shalt  }
0x5e: {  	_ =	shalt  }
0x5f: {  	_ =	shalt  }
0x60: {  	_ =	shalt  }
0x61: {  	_ =	shalt  }
0x62: {  	_ =	shalt  }
0x63: {  	_ =	shalt  }
0x64: {  	_ =	shalt  }
0x65: {  	_ =	shalt  }
0x66: {  	_ =	shalt  }
0x67: {  	_ =	shalt  }
0x68: {  	_ =	shalt  }
0x69: {  	_ =	shalt  }
0x6a: {  	_ =	shalt  }
0x6b: {  	_ =	shalt  }
0x6c: {  	_ =	shalt  }
0x6d: {  	_ =	shalt  }
0x6e: {  	_ =	shalt  }
0x6f: {  	_ =	shalt  }
0x70: {  	_ =	shalt  }
0x71: {  	_ =	shalt  }
0x72: {  	_ =	shalt  }
0x73: {  	_ =	shalt  }
0x74: {  	_ =	shalt  }
0x75: {  	_ =	shalt  }
0x76: {  	_ =	shalt  }
0x77: {  	_ =	shalt  }
0x78: {  	_ =	shalt  }
0x79: {  	_ =	shalt  }
0x7a: {  	_ =	shalt  }
0x7b: {  	_ =	shalt  }
0x7c: {  	_ =	shalt  }
0x7d: {  	_ =	shalt  }
0x7e: {  	_ =	shalt  }
0x7f: {  	_ =	shalt  }
0x80: {  	_ =	shalt  }
0x81: {  	_ =	shalt  }
0x82: {  	_ =	shalt  }
0x83: {  	_ =	shalt  }
0x84: {  	_ =	shalt  }
0x85: {  	_ =	shalt  }
0x86: {  	_ =	shalt  }
0x87: {  	_ =	shalt  }
.Lfunc_end0:
.L_simem_size_0:
called_computation.1_lowered:
.L_overlay_start_0:
0x88: {  	s2 =	sld [smem:$0x3FD9]  }
0x89: {  	s3 =	sld [smem:$0x3FFE];
	_ =	sdelay $0x1  }
0x8a: {  	s1 =	srdreg.scid  }
0x8b: {  	s0 =	sand.u32 $0x1, s1  }
0x8c: {  	s14 =	sshll.u32 s0, $0xA;
	s2 =	sadd.s32 s3, s2  }
0x8d: {  	s2 =	sadd.s32 s2, s14  }
0x8e: {  	[smem:$0x3FB9] =	sst s2  }
0x8f: {  	_ = 	snop  }
0x90: {  	s2 =	sld [smem:$0x3FD0];
	_ =	sdelay $0x2  }
0x91: {  	s15 =	simm.s32 $0xA;
	s4 =	simm.s32 $0x10  }
0x92: {  	[smem:s4], [sflag:s15] =	dma.local [hbm:s2], $0x1  }
0x93: {  	_ =	swait.eq [sflag:s15], $0x1  }
0x94: {  	[sflag:s15] =	ssyncset.done $0x0  }
0x95: {  	[sflag:s15] =	ssyncadd.s32 $0xFFFFFFFF  }
0x96: {  	s16 =	sld [smem:$0x11];
	(tm) =	ssettm $0x1  }
0x97: {  	s17 =	sld [smem:$0x3FFB];
	_ =	sdelay $0x3  }
0x98: {  	_ =	strace s17  }
0x99: {  	s3 =	sld [smem:$0x3FFC];
	_ =	sdelay $0x3  }
0x9a: {  	_ =	strace s3  }
0x9b: {  	s3 =	sld [smem:$0x3FFD];
	_ =	sdelay $0x3  }
0x9c: {  	_ =	strace s3  }
0x9d: {  	_ =	strace $0x8FFFFFFF  }
0x9e: {  	s18 =	sld [smem:$0x3FDB];
	_ =	sdelay $0x1  }
0x9f: {  	s19 =	simm.s32 $_scs_section_size  }
0xa0: {  	s5 =	simm.s32 $_size__tile_overlayer_lowered;
	s6 =	simm.s32 $_tile_overlayer_lowered  }
0xa1: {  	s22 =	simm.s32 $0x1BFF;
	s21 =	sshll.u32 s6, $0x1;
	s3 =	sadd.s32 s19, s18  }
0xa2: {  	s7 =	simm.s32 $0x0;
	s20 =	sshll.u32 s5, $0x1;
	s5 =	sadd.s32 s21, s3  }
0xa3: {  	[timem:s7], [sflag:s22] =	dma.local [hbm:s5], s20  }
0xa4: {  	_ =	swait.ge [sflag:s22], s20  }
0xa5: {  	s4 =	ssub.s32 $0x0, s20;
	[sflag:s22] =	ssyncset.done $0x0  }
0xa6: {  	[sflag:s22] =	ssyncadd.s32 s4;
	_ =	sdelay $0x1  }
0xa7: {  	s23 =	simm.s32 $0x1B8B  }
0xa8: {  	_ =	swait.ge [sflag:s23], $0x1  }
0xa9: {  	[sflag:s23] =	ssyncset.done $0x0  }
0xaa: {  	s25 =	simm.s32 $0x1B8E;
	s24 =	sld [smem:$0x3FFE];
	[sflag:s23] =	ssyncadd.s32 $0xFFFFFFFF  }
0xab: {  	s26 =	simm.s32 $execute0_lowered;
	[smem:$0x3FD2] =	sst s25  }
0xac: {  	s5 =	sshll.u32 s26, $0x1;
	_ =	strace $0x80000049;
	[dreg:$0x1] =	wrdreg $0xFFFFFFFF  }
0xad: {  	s28 =	simm.s32 $_size_execute0_lowered;
	s3 =	sadd.s32 s3, s5;
	[dreg:$0x0] =	wrdreg $0x0  }
0xae: {  	s5 =	sshll.u32 s28, $0x1;
	[dreg:$0x2] =	wrdreg s3  }
0xaf: {  	[dreg:$0x3] =	wrdreg s5  }
0xb0: {  	[dreg:$0x4] =	wrdreg $0xC0  }
0xb1: {  	_ =	task [dreg:s7], $0x5FFFF  }
0xb2: {  	[dreg:$0x1] =	wrdreg $0xFFFFFFFF  }
0xb3: {  	[dreg:$0x0] =	wrdreg $0x60  }
0xb4: {  	[dreg:$0x2] =	wrdreg s24  }
0xb5: {  	[dreg:$0x3] =	wrdreg s16  }
0xb6: {  	[dreg:$0x4] =	wrdreg $0x9  }
0xb7: {  	_ =	task.clear_ibuf [dreg:s7], $0x5FFFF;
	_ =	strace $0x90000049  }
0xb8: {  	s29 =	simm.s32 $0x9;
	_ =	strace $0x8000004B  }
0xb9: {  	_ =	swait.ge [sflag:s29], $0x1  }
0xba: {  	[sflag:s29] =	ssyncadd.s32 $0xFFFFFFFF  }
0xbb: {  	_ =	strace $0x9000004B  }
0xbc: {  	_ =	sfence  }
0xbd: {  	s30 =	sld [smem:$0x0];
	_ =	sdelay $0x2  }
0xbe: {  	s31 =	sshll.u32 s1, $0xD;
	s1 =	sshrl.u32 s1, $0x2  }
0xbf: {  	s3 =	sand.u32 $0x4000, s31;
	s1 =	sadd.s32 s1, s30  }
0xc0: {  	s0 =	sor.u32 s3, s0;
	s1 =	sshll.u32 s1, $0x11  }
0xc1: {  	s0 =	sor.u32 s1, s0  }
0xc2: {  	s0 =	sadd.s32 $0x8F2B, s0  }
0xc3: {  	[sflag:s0] =	ssyncadd.remote.s32 $0x1  }
0xc4: {  	_ =	sfence.sel $0xFFFF  }
0xc5: {  	[dreg:$0x0] =	wrdreg $0xFFFFFFFF;
	(pc) =	sbr.abs _section_cstart, $3  }
0xc6: {  	[dreg:$0x1] =	wrdreg $0xFFFFFFFF  }
0xc7: {  	_ =	task.clear_ibuf [dreg:s7], $0x2FFFF;
	_ =	strace $0x9FFFFFFF  }
0xc8: {  	(tm) =	ssettm $0x7FFFFFFF  }
0xc9: {  	_ =	shalt  }
tec
execute0_lowered:
.L_overlay_start_1:
0x0: {  	(tag) =	ssettag $0x1  }
0x1: {  	s14 =	rddreg [dreg:$0x0]  }
0x2: {  	s3 =	rddreg [dreg:$0x1];
	s1 =	srdreg.scid  }
0x3: {  	s0 =	rddreg [dreg:$0x2];
	s17 =	sand.u32 $0x1, s1  }
0x4: {  	s2 =	simm.s32 $0x0;
	s1 =	stileid.u32;
	s4 =	sshll.u32 s17, $0x6  }
0x5: {  	[smem:$0x7FF] =	sst s2;
	s5 =	sshll.u32 s1, $0x7;
	s3 =	sadd.s32 s3, s4  }
0x6: {  	_ =	strace $0x8000004A;
	s4 =	sadd.s32 s5, s3;
	s3 =	simm.s32 $0x2  }
0x7: {  	[tilespmem:s2], [sflag:$0x2] =	stream.linear.gather [hbm4b:s4+s2], $0x200, $0x38;
	[tilespmem:$0x10200] =	vst v63  }
0x8: {  	_ =	swait.ge [sflag:s3], $0x200  }
0x9: {  	s6 =	simm.s32 $0x80;
	[sflag:s3] =	ssyncset.done $0x0  }
0xa: {  	s7 =	simm.s32 $0x200;
	s5 =	sadd.s32 $0x3400, s14;
	[sflag:s3] =	ssyncadd.s32 $0xFFFFFE00  }
0xb: {  	[tilespmem:s7], [sflag:$0x1] =	stream.indirect.gather [hbm4b:s5+s6], $0x80, s2, s6, $0xb8;
	[tilespmem:$0x10200] =	vst v63  }
0xc: {  	s8 =	simm.s32 $0x4200;
	s9 =	simm.s32 $0x100  }
0xd: {  	[tilespmem:s8], [sflag:$0x1] =	stream.indirect.gather [hbm4b:s5+s6], $0x80, s6, s6, $0xb8;
	[tilespmem:$0x10200] =	vst v63  }
0xe: {  	s10 =	simm.s32 $0x8200;
	s11 =	simm.s32 $0x180;
	s12 =	simm.s32 $0xC200  }
0xf: {  	[tilespmem:s10], [sflag:$0x1] =	stream.indirect.gather [hbm4b:s5+s6], $0x80, s9, s6, $0xb8;
	[tilespmem:$0x10200] =	vst v63  }
0x10: {  	s13 =	simm.s32 $0x1;
	s15 =	sshll.u32 s1, $0xE;
	s16 =	sshll.u32 s17, $0xD  }
0x11: {  	[tilespmem:s12], [sflag:$0x1] =	stream.indirect.gather [hbm4b:s5+s6], $0x80, s11, s6, $0xb8;
	[tilespmem:$0x10200] =	vst v63  }
0x12: {  	s15 =	sor.u32 s16, s15;
	_ =	swait.ge [sflag:s13], $0x4000  }
0x13: {  	s18 =	sadd.s32 s15, s14;
	[sflag:s13] =	ssyncset.done $0x0  }
0x14: {  	s14 =	sadd.s32 $0x43400, s18;
	[sflag:s13] =	ssyncadd.s32 $0xFFFFC000  }
0x15: {  	[hbm4b:s14+s2] =	stream.linear.scatter [tilespmem:s7], [sflag:$0x2], $0x4000, $0x38;
	[tilespmem:$0x10200] =	vst v63  }
0x16: {  	_ =	swait.ge [sflag:s3], $0x4000  }
0x17: {  	[sflag:s3] =	ssyncset.done $0x0  }
0x18: {  	[sflag:s3] =	ssyncadd.s32 $0xFFFFC000  }
0x19: {  	_ =	swait.ge [sflag:s13], $0x4000  }
0x1a: {  	[sflag:s13] =	ssyncset.done $0x0  }
0x1b: {  	s15 =	sadd.s32 $0x43C00, s18;
	[sflag:s13] =	ssyncadd.s32 $0xFFFFC000  }
0x1c: {  	[hbm4b:s15+s2] =	stream.linear.scatter [tilespmem:s8], [sflag:$0x2], $0x4000, $0x38;
	[tilespmem:$0x10200] =	vst v63  }
0x1d: {  	_ =	swait.ge [sflag:s3], $0x4000  }
0x1e: {  	[sflag:s3] =	ssyncset.done $0x0  }
0x1f: {  	[sflag:s3] =	ssyncadd.s32 $0xFFFFC000  }
0x20: {  	_ =	swait.ge [sflag:s13], $0x4000  }
0x21: {  	[sflag:s13] =	ssyncset.done $0x0  }
0x22: {  	s17 =	ssub.s32 $0x2, s17;
	s16 =	sadd.s32 $0x44400, s18;
	[sflag:s13] =	ssyncadd.s32 $0xFFFFC000  }
0x23: {  	[hbm4b:s16+s2] =	stream.linear.scatter [tilespmem:s10], [sflag:$0x2], $0x4000, $0x38;
	[tilespmem:$0x10200] =	vst v63  }
0x24: {  	s19 =	sshrl.u32 s17, $0x1;
	_ =	swait.ge [sflag:s3], $0x4000  }
0x25: {  	s19 =	ssub.s32 s17, s19;
	[sflag:s3] =	ssyncset.done $0x0  }
0x26: {  	s31 =	smax.u32 s19, $0x1;
	[sflag:s3] =	ssyncadd.s32 $0xFFFFC000  }
0x27: {  	p0 =	sne.s32 s31, $0x1;
	_ =	swait.ge [sflag:s13], $0x4000  }
.Ltmp0:
0x28: {  	[sflag:s13] =	ssyncset.done $0x0;
	(pc) =	sbr.rel @!p0 .LBB2_2-.Ltmp0, $4  }
0x29: {  	s17 =	sadd.s32 $0x44C00, s18;
	[sflag:s13] =	ssyncadd.s32 $0xFFFFC000  }
0x2a: {  	[hbm4b:s17+s2] =	stream.linear.scatter [tilespmem:s12], [sflag:$0x2], $0x4000, $0x38;
	[tilespmem:$0x10200] =	vst v63  }
0x2b: {  	_ =	swait.ge [sflag:s3], $0x4000  }
0x2c: {  	s18 =	sadd.s32 $0xFFFFFFFF, s31;
	[sflag:s3] =	ssyncset.done $0x0  }
.LBB2_1:
0x2d: {  	p0 =	sne.s32 s18, $0x1;
	s18 =	sadd.s32 $0xFFFFFFFF, s18;
	[sflag:s3] =	ssyncadd.s32 $0xFFFFC000  }
0x2e: {  	[tilespmem:s2], [sflag:$0x2] =	stream.linear.gather [hbm4b:s4+s2], $0x200, $0x38;
	[tilespmem:$0x10200] =	vst v63  }
0x2f: {  	_ =	swait.ge [sflag:s3], $0x200  }
0x30: {  	[sflag:s3] =	ssyncset.done $0x0  }
0x31: {  	[sflag:s3] =	ssyncadd.s32 $0xFFFFFE00  }
0x32: {  	[tilespmem:s7], [sflag:$0x1] =	stream.indirect.gather [hbm4b:s5+s6], $0x80, s2, s6, $0xb8;
	[tilespmem:$0x10200] =	vst v63  }
0x33: {  	_ = 	snop  }
0x34: {  	[tilespmem:s8], [sflag:$0x1] =	stream.indirect.gather [hbm4b:s5+s6], $0x80, s6, s6, $0xb8;
	[tilespmem:$0x10200] =	vst v63  }
0x35: {  	_ = 	snop  }
0x36: {  	[tilespmem:s10], [sflag:$0x1] =	stream.indirect.gather [hbm4b:s5+s6], $0x80, s9, s6, $0xb8;
	[tilespmem:$0x10200] =	vst v63  }
0x37: {  	_ = 	snop  }
0x38: {  	[tilespmem:s12], [sflag:$0x1] =	stream.indirect.gather [hbm4b:s5+s6], $0x80, s11, s6, $0xb8;
	[tilespmem:$0x10200] =	vst v63  }
0x39: {  	_ =	swait.ge [sflag:s13], $0x4000  }
0x3a: {  	[sflag:s13] =	ssyncset.done $0x0  }
0x3b: {  	[sflag:s13] =	ssyncadd.s32 $0xFFFFC000  }
0x3c: {  	[hbm4b:s14+s2] =	stream.linear.scatter [tilespmem:s7], [sflag:$0x2], $0x4000, $0x38;
	[tilespmem:$0x10200] =	vst v63  }
0x3d: {  	_ =	swait.ge [sflag:s3], $0x4000  }
0x3e: {  	[sflag:s3] =	ssyncset.done $0x0  }
0x3f: {  	[sflag:s3] =	ssyncadd.s32 $0xFFFFC000  }
0x40: {  	_ =	swait.ge [sflag:s13], $0x4000  }
0x41: {  	[sflag:s13] =	ssyncset.done $0x0  }
0x42: {  	[sflag:s13] =	ssyncadd.s32 $0xFFFFC000  }
0x43: {  	[hbm4b:s15+s2] =	stream.linear.scatter [tilespmem:s8], [sflag:$0x2], $0x4000, $0x38;
	[tilespmem:$0x10200] =	vst v63  }
0x44: {  	_ =	swait.ge [sflag:s3], $0x4000  }
0x45: {  	[sflag:s3] =	ssyncset.done $0x0  }
0x46: {  	[sflag:s3] =	ssyncadd.s32 $0xFFFFC000  }
0x47: {  	_ =	swait.ge [sflag:s13], $0x4000  }
0x48: {  	[sflag:s13] =	ssyncset.done $0x0  }
0x49: {  	[sflag:s13] =	ssyncadd.s32 $0xFFFFC000  }
0x4a: {  	[hbm4b:s16+s2] =	stream.linear.scatter [tilespmem:s10], [sflag:$0x2], $0x4000, $0x38;
	[tilespmem:$0x10200] =	vst v63  }
0x4b: {  	_ =	swait.ge [sflag:s3], $0x4000  }
0x4c: {  	[sflag:s3] =	ssyncset.done $0x0  }
0x4d: {  	[sflag:s3] =	ssyncadd.s32 $0xFFFFC000  }
0x4e: {  	_ =	swait.ge [sflag:s13], $0x4000  }
.Ltmp1:
0x4f: {  	[sflag:s13] =	ssyncset.done $0x0;
	(pc) =	sbr.rel @p0 .LBB2_1-.Ltmp1, $4  }
0x50: {  	[sflag:s13] =	ssyncadd.s32 $0xFFFFC000  }
0x51: {  	[hbm4b:s17+s2] =	stream.linear.scatter [tilespmem:s12], [sflag:$0x2], $0x4000, $0x38;
	[tilespmem:$0x10200] =	vst v63  }
0x52: {  	_ =	swait.ge [sflag:s3], $0x4000  }
0x53: {  	[sflag:s3] =	ssyncset.done $0x0  }
.LBB2_2:
0x54: {  	[sflag:s3] =	ssyncadd.s32 $0xFFFFC000  }
0x55: {  	_ =	sfence.sel $0x180000  }
0x56: {  	[bflag:$0x0] =	sbarrier.arrive $0xFFFF  }
0x57: {  	p0 =	sne.s32 s1, $0x0;
	_ =	strace $0x9000004A  }
0x58: {  	s0 =	sadd.s32 @!p0 $0x100000, s0;
	[bflag:$0x2] =	sbarrier.arrive $0xFFFF  }
0x59: {  	[sflag:s0] =	ssyncadd.tile.s32 @!p0 $0x1;
	_ =	shalt  }
.Lfunc_end2:
_tile_overlayer_lowered:
.L_overlay_start_2:
0x5a: {  	(tag) =	ssettag $0x2  }
0x5b: {  	s0 =	rddreg [dreg:$0x0];
	s2 =	stileid.u32  }
0x5c: {  	s1 =	rddreg [dreg:$0x1];
	p0 =	sne.s32 s2, $0x0  }
0x5d: {  	s3 =	rddreg [dreg:$0x2];
	[bflag:$0x3] =	sbarrier.arrive $0xFFFF;
	s2 =	simm.s32 @!p0 $0x1C02  }
0x5e: {  	[timem:s3], [sflag:s2] =	dma.local @!p0 [hbm:s0], s1  }
0x5f: {  	s0 =	simm.s32 @!p0 $0x2  }
0x60: {  	_ =	swait.ge @!p0 [sflag:s0], s1  }
0x61: {  	s1 =	ssub.s32 @!p0 $0x0, s1;
	[sflag:s0] =	ssyncset.done @!p0 $0x0  }
0x62: {  	[sflag:s0] =	ssyncadd.s32 @!p0 s1  }
0x63: {  	[bflag:$0x3] =	sbarrier.arrive $0xFFFF  }
0x64: {  	_ =	shalt  }

// kernel: kernel.7.cloned.1.call-start
scs
__scs_entry_jumppad:
0x0: {  	(pc) =	sbr.rel $0x88, $3  }
0x1: {  	(tag) =	ssettag $0x0;
	lr =	simm.s32 $0x1  }
0x2: {  	[smem:$0x3F92] =	sst lr;
	_ =	strace $0xD0000000  }
0x3: {  	_ = 	snop  }
0x4: {  	_ = 	snop  }
0x5: {  	_ = 	snop  }
0x6: {  	_ = 	snop  }
0x7: {  	_ = 	snop  }
__scs_overlays_trampoline_lowered:
0x8: {  	[smem:$0x3FA1] =	sst s0  }
0x9: {  	[smem:$0x3FA2] =	sst s1  }
0xa: {  	[smem:$0x3FA3] =	sst s2  }
0xb: {  	[smem:$0x3FA4] =	sst s3  }
0xc: {  	[smem:$0x3FA5] =	sst s4  }
0xd: {  	[smem:$0x3FA6] =	sst s5  }
0xe: {  	[smem:$0x3FA7] =	sst s6  }
0xf: {  	[smem:$0x3FA8] =	sst s7  }
0x10: {  	[smem:$0x3FA9] =	sst s8  }
0x11: {  	[smem:$0x3FAA] =	sst s9;
	s0 =	simm.s32 @!p0 $0x0  }
0x12: {  	s1 =	sld [smem:$0x3F90];
	s0 =	simm.s32 @p0 $0x1  }
0x13: {  	[smem:$0x3FAB] =	sst s0;
	s0 =	simm.s32 @!p1 $0x0  }
0x14: {  	s2 =	sld [smem:$0x3F8F];
	s0 =	simm.s32 @p1 $0x1  }
0x15: {  	[smem:$0x3FAC] =	sst s0;
	s0 =	simm.s32 @!p2 $0x0  }
0x16: {  	s3 =	sld [smem:$0x3FDB];
	s0 =	simm.s32 @p2 $0x1  }
0x17: {  	s4 =	simm.s32 $0x1BF5;
	[smem:$0x3FAE] =	sst s0  }
0x18: {  	s0 =	sld [smem:$0x3F91];
	_ =	swait.ge [sflag:s4], $0x0  }
0x19: {  	s7 =	sld [smem:$0x3F92]  }
0x1a: {  	s8 =	sadd.s32 $0xFFFFE003, lr  }
0x1b: {  	s9 =	sadd.s32 $0xFFFFFEF7, lr;
	s5 =	simm.s32 $0xFFFFFFFF;
	p2 =	slt.u32 s8, $0xFFFFF086  }
0x1c: {  	p1 =	slt.u32 s9, $0xF7A;
	s5 =	simm.s32 @!p2 $0x0  }
0x1d: {  	s5 =	simm.s32 @p1 $0x1;
	p0 =	seq.s32 s7, s2  }
0x1e: {  	s7 =	smul.u32 @!p0 $0xF7A, s2;
	p2 =	seq.s32 @!p0 s5, $0x0  }
0x1f: {  	s9 =	smul.u32 $0xF7A, s1;
	s8 =	simm.s32 @!p0 $0x1BF5;
	p2 =	por !p2, p0  }
0x20: {  	[sflag:s8] =	ssyncset.s32 @!p0 $0xFFFFF086;
	s6 =	sadd.s32 @!p0 s3, s7;
	s7 =	simm.s32 @!p0 $0x108  }
0x21: {  	s3 =	sadd.s32 s3, s9;
	s6 =	sadd.s32 @!p0 $0x88, s6;
	s7 =	simm.s32 @p2 $0x1082  }
0x22: {  	[simem:s7], [sflag:s8] =	dma.local @!p0 [hbm:s6], $0xF7A  }
0x23: {  	s9 =	sor.u32 $0xD0000000, s2;
	s6 =	simm.s32 $0x108;
	_ =	swait.ge @!p0 [sflag:s8], $0x0  }
0x24: {  	s3 =	sadd.s32 $0x88, s3;
	s6 =	simm.s32 @!p1 $0x1082;
	[sflag:s4] =	ssyncset.s32 $0xFFFFF086  }
0x25: {  	[simem:s6], [sflag:s4] =	dma.local [hbm:s3], $0xF7A  }
0x26: {  	[smem:$0x3F92] =	sst s1;
	(tag) =	ssettag s2;
	_ =	strace s9  }
0x27: {  	s1 =	sld [smem:$0x3FA2]  }
0x28: {  	s2 =	sld [smem:$0x3FA3]  }
0x29: {  	s4 =	sld [smem:$0x3FA5]  }
0x2a: {  	p0 =	seq.s32 s5, $0x0;
	s5 =	sld [smem:$0x3FA6]  }
0x2b: {  	s6 =	sld [smem:$0x3FA7]  }
0x2c: {  	s7 =	sld [smem:$0x3FA8]  }
0x2d: {  	s3 =	simm.s32 $0x108;
	s8 =	sld [smem:$0x3FA9]  }
0x2e: {  	s3 =	simm.s32 @!p0 $0x1082;
	s9 =	sld [smem:$0x3FAA]  }
0x2f: {  	lr =	sadd.s32 s0, s3;
	s0 =	sld [smem:$0x3FA1]  }
0x30: {  	s3 =	sld [smem:$0x3FA4]  }
0x31: {  	[smem:$0x3FAD] =	sst s10  }
0x32: {  	s10 =	sld [smem:$0x3FAB];
	_ =	sdelay $0x3  }
0x33: {  	p0 =	seq.s32 s10, $0x1;
	s10 =	sld [smem:$0x3FAD];
	_ =	sdelay $0x3  }
0x34: {  	[smem:$0x3FAD] =	sst s10  }
0x35: {  	s10 =	sld [smem:$0x3FAC];
	_ =	sdelay $0x3  }
0x36: {  	p1 =	seq.s32 s10, $0x1;
	s10 =	sld [smem:$0x3FAD];
	_ =	sdelay $0x3  }
0x37: {  	[smem:$0x3FAD] =	sst s10  }
0x38: {  	s10 =	sld [smem:$0x3FAE]  }
0x39: {  	_ = 	snop;
	(pc) =	sbr.ind lr, $3  }
0x3a: {  	_ = 	snop  }
0x3b: {  	_ = 	snop  }
0x3c: {  	p2 =	seq.s32 s10, $0x1;
	s10 =	sld [smem:$0x3FAD]  }
0x3d: {  	_ =	shalt  }
0x3e: {  	_ =	shalt  }
0x3f: {  	_ =	shalt  }
0x40: {  	_ =	shalt  }
0x41: {  	_ =	shalt  }
0x42: {  	_ =	shalt  }
0x43: {  	_ =	shalt  }
0x44: {  	_ =	shalt  }
0x45: {  	_ =	shalt  }
0x46: {  	_ =	shalt  }
0x47: {  	_ =	shalt  }
0x48: {  	_ =	shalt  }
0x49: {  	_ =	shalt  }
0x4a: {  	_ =	shalt  }
0x4b: {  	_ =	shalt  }
0x4c: {  	_ =	shalt  }
0x4d: {  	_ =	shalt  }
0x4e: {  	_ =	shalt  }
0x4f: {  	_ =	shalt  }
0x50: {  	_ =	shalt  }
0x51: {  	_ =	shalt  }
0x52: {  	_ =	shalt  }
0x53: {  	_ =	shalt  }
0x54: {  	_ =	shalt  }
0x55: {  	_ =	shalt  }
0x56: {  	_ =	shalt  }
0x57: {  	_ =	shalt  }
0x58: {  	_ =	shalt  }
0x59: {  	_ =	shalt  }
0x5a: {  	_ =	shalt  }
0x5b: {  	_ =	shalt  }
0x5c: {  	_ =	shalt  }
0x5d: {  	_ =	shalt  }
0x5e: {  	_ =	shalt  }
0x5f: {  	_ =	shalt  }
0x60: {  	_ =	shalt  }
0x61: {  	_ =	shalt  }
0x62: {  	_ =	shalt  }
0x63: {  	_ =	shalt  }
0x64: {  	_ =	shalt  }
0x65: {  	_ =	shalt  }
0x66: {  	_ =	shalt  }
0x67: {  	_ =	shalt  }
0x68: {  	_ =	shalt  }
0x69: {  	_ =	shalt  }
0x6a: {  	_ =	shalt  }
0x6b: {  	_ =	shalt  }
0x6c: {  	_ =	shalt  }
0x6d: {  	_ =	shalt  }
0x6e: {  	_ =	shalt  }
0x6f: {  	_ =	shalt  }
0x70: {  	_ =	shalt  }
0x71: {  	_ =	shalt  }
0x72: {  	_ =	shalt  }
0x73: {  	_ =	shalt  }
0x74: {  	_ =	shalt  }
0x75: {  	_ =	shalt  }
0x76: {  	_ =	shalt  }
0x77: {  	_ =	shalt  }
0x78: {  	_ =	shalt  }
0x79: {  	_ =	shalt  }
0x7a: {  	_ =	shalt  }
0x7b: {  	_ =	shalt  }
0x7c: {  	_ =	shalt  }
0x7d: {  	_ =	shalt  }
0x7e: {  	_ =	shalt  }
0x7f: {  	_ =	shalt  }
0x80: {  	_ =	shalt  }
0x81: {  	_ =	shalt  }
0x82: {  	_ =	shalt  }
0x83: {  	_ =	shalt  }
0x84: {  	_ =	shalt  }
0x85: {  	_ =	shalt  }
0x86: {  	_ =	shalt  }
0x87: {  	_ =	shalt  }
.Lfunc_end0:
.L_simem_size_0:
called_computation_lowered:
.L_overlay_start_0:
0x88: {  	s2 =	sld [smem:$0x3FD9]  }
0x89: {  	s3 =	sld [smem:$0x3FFE];
	_ =	sdelay $0x1  }
0x8a: {  	s1 =	srdreg.scid  }
0x8b: {  	s0 =	sand.u32 $0x1, s1  }
0x8c: {  	s14 =	sshll.u32 s0, $0xA;
	s2 =	sadd.s32 s3, s2  }
0x8d: {  	s2 =	sadd.s32 s2, s14  }
0x8e: {  	[smem:$0x3FB9] =	sst s2  }
0x8f: {  	_ = 	snop  }
0x90: {  	s2 =	sld [smem:$0x3FD0];
	_ =	sdelay $0x2  }
0x91: {  	s4 =	simm.s32 $0xA;
	s5 =	simm.s32 $0x10;
	s15 =	sld [smem:$0x3FC9]  }
0x92: {  	[smem:s5], [sflag:s4] =	dma.local [hbm:s2], $0x1  }
0x93: {  	_ =	swait.eq [sflag:s4], $0x1  }
0x94: {  	[sflag:s4] =	ssyncset.done $0x0  }
0x95: {  	[sflag:s4] =	ssyncadd.s32 $0xFFFFFFFF  }
0x96: {  	s16 =	sld [smem:$0x11];
	(tm) =	ssettm $0x1  }
0x97: {  	s17 =	sld [smem:$0x3FFB];
	_ =	sdelay $0x3  }
0x98: {  	_ =	strace s17  }
0x99: {  	s4 =	sld [smem:$0x3FFC];
	_ =	sdelay $0x3  }
0x9a: {  	_ =	strace s4  }
0x9b: {  	s4 =	sld [smem:$0x3FFD];
	_ =	sdelay $0x3  }
0x9c: {  	_ =	strace s4  }
0x9d: {  	_ =	strace $0x8FFFFFFF  }
0x9e: {  	s18 =	sld [smem:$0x3FDB];
	_ =	sdelay $0x1  }
0x9f: {  	s19 =	simm.s32 $_scs_section_size  }
0xa0: {  	s6 =	simm.s32 $_size__tile_overlayer_lowered;
	s7 =	simm.s32 $_tile_overlayer_lowered  }
0xa1: {  	s22 =	simm.s32 $0x1BFF;
	s21 =	sshll.u32 s7, $0x1;
	s4 =	sadd.s32 s19, s18  }
0xa2: {  	s8 =	simm.s32 $0x0;
	s20 =	sshll.u32 s6, $0x1;
	s6 =	sadd.s32 s21, s4  }
0xa3: {  	[timem:s8], [sflag:s22] =	dma.local [hbm:s6], s20  }
0xa4: {  	_ =	swait.ge [sflag:s22], s20  }
0xa5: {  	s5 =	ssub.s32 $0x0, s20;
	[sflag:s22] =	ssyncset.done $0x0  }
0xa6: {  	[sflag:s22] =	ssyncadd.s32 s5;
	_ =	sdelay $0x1  }
0xa7: {  	s23 =	simm.s32 $0x1B8B  }
0xa8: {  	_ =	swait.ge [sflag:s23], $0x1  }
0xa9: {  	[sflag:s23] =	ssyncset.done $0x0  }
0xaa: {  	s25 =	simm.s32 $0x1B8E;
	s24 =	sld [smem:$0x3FFE];
	[sflag:s23] =	ssyncadd.s32 $0xFFFFFFFF  }
0xab: {  	s26 =	simm.s32 $execute0_lowered;
	[smem:$0x3FD2] =	sst s25  }
0xac: {  	s6 =	sshll.u32 s26, $0x1;
	_ =	strace $0x80000046;
	[dreg:$0x1] =	wrdreg $0xFFFFFFFF  }
0xad: {  	s28 =	simm.s32 $_size_execute0_lowered;
	s4 =	sadd.s32 s4, s6;
	[dreg:$0x0] =	wrdreg $0x0  }
0xae: {  	s6 =	sshll.u32 s28, $0x1;
	[dreg:$0x2] =	wrdreg s4  }
0xaf: {  	[dreg:$0x3] =	wrdreg s6  }
0xb0: {  	[dreg:$0x4] =	wrdreg $0xC0  }
0xb1: {  	_ =	task [dreg:s8], $0x5FFFF  }
0xb2: {  	[dreg:$0x1] =	wrdreg $0xFFFFFFFF  }
0xb3: {  	[dreg:$0x0] =	wrdreg $0x60  }
0xb4: {  	[dreg:$0x2] =	wrdreg s15  }
0xb5: {  	[dreg:$0x3] =	wrdreg s24  }
0xb6: {  	[dreg:$0x4] =	wrdreg s16  }
0xb7: {  	[dreg:$0x5] =	wrdreg $0x9  }
0xb8: {  	_ =	task.clear_ibuf [dreg:s8], $0x6FFFF;
	_ =	strace $0x90000046  }
0xb9: {  	s29 =	simm.s32 $0x9;
	_ =	strace $0x80000048  }
0xba: {  	_ =	swait.ge [sflag:s29], $0x1  }
0xbb: {  	[sflag:s29] =	ssyncadd.s32 $0xFFFFFFFF  }
0xbc: {  	_ =	strace $0x90000048  }
0xbd: {  	_ =	sfence  }
0xbe: {  	s30 =	sld [smem:$0x0];
	_ =	sdelay $0x2  }
0xbf: {  	s31 =	sshll.u32 s1, $0xD;
	s1 =	sshrl.u32 s1, $0x2  }
0xc0: {  	s3 =	sand.u32 $0x4000, s31;
	s1 =	sadd.s32 s1, s30  }
0xc1: {  	s0 =	sor.u32 s3, s0;
	s1 =	sshll.u32 s1, $0x11  }
0xc2: {  	s0 =	sor.u32 s1, s0  }
0xc3: {  	s0 =	sadd.s32 $0x8F2B, s0  }
0xc4: {  	[sflag:s0] =	ssyncadd.remote.s32 $0x1  }
0xc5: {  	_ =	sfence.sel $0xFFFF  }
0xc6: {  	[dreg:$0x0] =	wrdreg $0xFFFFFFFF;
	(pc) =	sbr.abs _section_cstart, $3  }
0xc7: {  	[dreg:$0x1] =	wrdreg $0xFFFFFFFF  }
0xc8: {  	_ =	task.clear_ibuf [dreg:s8], $0x2FFFF;
	_ =	strace $0x9FFFFFFF  }
0xc9: {  	(tm) =	ssettm $0x7FFFFFFF  }
tec
execute0_lowered:
.L_overlay_start_1:
0x0: {  	(tag) =	ssettag $0x1  }
0x1: {  	s20 =	rddreg [dreg:$0x0]  }
0x2: {  	s11 =	rddreg [dreg:$0x1]  }
0x3: {  	s3 =	rddreg [dreg:$0x2];
	s1 =	srdreg.scid  }
0x4: {  	s0 =	rddreg [dreg:$0x3];
	s23 =	sand.u32 $0x1, s1  }
0x5: {  	s2 =	simm.s32 $0x0;
	s1 =	stileid.u32;
	s4 =	sshll.u32 s23, $0x6  }
0x6: {  	[smem:$0x7FF] =	sst s2;
	s5 =	sshll.u32 s1, $0x7;
	s3 =	sadd.s32 s3, s4  }
0x7: {  	_ =	strace $0x80000047;
	s4 =	simm.s32 $0x2;
	s3 =	sadd.s32 s5, s3  }
0x8: {  	[tilespmem:s2], [sflag:$0x2] =	stream.linear.gather [hbm4b:s3+s2], $0x200, $0x38;
	[tilespmem:$0x10200] =	vst v63  }
0x9: {  	s30 =	sshll.u32 s1, $0xE;
	s6 =	sshll.u32 s23, $0xD;
	_ =	swait.ge [sflag:s4], $0x200  }
0xa: {  	s21 =	sor.u32 s6, s30;
	[sflag:s4] =	ssyncset.done $0x0  }
0xb: {  	s6 =	simm.s32 $0x200;
	s5 =	sadd.s32 s20, s21;
	[sflag:s4] =	ssyncadd.s32 $0xFFFFFE00  }
0xc: {  	[tilespmem:s6], [sflag:$0x2] =	stream.linear.gather [hbm4b:s5+s2], $0x4000, $0x38;
	[tilespmem:$0x10200] =	vst v63  }
0xd: {  	_ =	swait.ge [sflag:s4], $0x4000  }
0xe: {  	s8 =	simm.s32 $0x80;
	[sflag:s4] =	ssyncset.done $0x0  }
0xf: {  	s22 =	sadd.s32 $0x3400, s11;
	s7 =	sadd.s32 $0x43400, s11;
	[sflag:s4] =	ssyncadd.s32 $0xFFFFC000  }
0x10: {  	[hbm4b:s7+s8] =	stream.indirect.scatter [tilespmem:s6], [sflag:$0x1], $0x80, s2, s8, $0xb8;
	[tilespmem:$0x10200] =	vst v63  }
0x11: {  	s10 =	simm.s32 $0x8200;
	s9 =	sadd.s32 s22, s21  }
0x12: {  	[tilespmem:s10], [sflag:$0x2] =	stream.linear.gather [hbm4b:s9+s2], $0x4000, $0x38;
	[tilespmem:$0x10200] =	vst v63  }
0x13: {  	_ =	swait.ge [sflag:s4], $0x4000  }
0x14: {  	[sflag:s4] =	ssyncset.done $0x0  }
0x15: {  	s11 =	sadd.s32 $0x83400, s11;
	s14 =	sor.u32 $0x800, s21;
	[sflag:s4] =	ssyncadd.s32 $0xFFFFC000  }
0x16: {  	[hbm4b:s11+s8] =	stream.indirect.scatter [tilespmem:s10], [sflag:$0x1], $0x80, s2, s8, $0xb8;
	[tilespmem:$0x10200] =	vst v63  }
0x17: {  	s13 =	simm.s32 $0x4200;
	s12 =	sadd.s32 s20, s14  }
0x18: {  	[tilespmem:s13], [sflag:$0x2] =	stream.linear.gather [hbm4b:s12+s2], $0x4000, $0x38;
	[tilespmem:$0x10200] =	vst v63  }
0x19: {  	_ =	swait.ge [sflag:s4], $0x4000  }
0x1a: {  	[sflag:s4] =	ssyncset.done $0x0  }
0x1b: {  	[sflag:s4] =	ssyncadd.s32 $0xFFFFC000  }
0x1c: {  	[hbm4b:s7+s8] =	stream.indirect.scatter [tilespmem:s13], [sflag:$0x1], $0x80, s8, s8, $0xb8;
	[tilespmem:$0x10200] =	vst v63  }
0x1d: {  	s15 =	simm.s32 $0xC200;
	s14 =	sadd.s32 s22, s14  }
0x1e: {  	[tilespmem:s15], [sflag:$0x2] =	stream.linear.gather [hbm4b:s14+s2], $0x4000, $0x38;
	[tilespmem:$0x10200] =	vst v63  }
0x1f: {  	_ =	swait.ge [sflag:s4], $0x4000  }
0x20: {  	[sflag:s4] =	ssyncset.done $0x0  }
0x21: {  	s16 =	simm.s32 $0x1;
	[sflag:s4] =	ssyncadd.s32 $0xFFFFC000  }
0x22: {  	[hbm4b:s11+s8] =	stream.indirect.scatter [tilespmem:s15], [sflag:$0x1], $0x80, s8, s8, $0xb8;
	[tilespmem:$0x10200] =	vst v63  }
0x23: {  	_ =	swait.ge [sflag:s16], $0x4000  }
0x24: {  	[sflag:s16] =	ssyncset.done $0x0  }
0x25: {  	[sflag:s16] =	ssyncadd.s32 $0xFFFFC000  }
0x26: {  	_ =	swait.ge [sflag:s16], $0x4000  }
0x27: {  	s19 =	sor.u32 $0x1000, s21;
	[sflag:s16] =	ssyncset.done $0x0  }
0x28: {  	s17 =	sadd.s32 s20, s19;
	[sflag:s16] =	ssyncadd.s32 $0xFFFFC000  }
0x29: {  	[tilespmem:s6], [sflag:$0x2] =	stream.linear.gather [hbm4b:s17+s2], $0x4000, $0x38;
	[tilespmem:$0x10200] =	vst v63  }
0x2a: {  	_ =	swait.ge [sflag:s4], $0x4000  }
0x2b: {  	[sflag:s4] =	ssyncset.done $0x0  }
0x2c: {  	s18 =	simm.s32 $0x100;
	[sflag:s4] =	ssyncadd.s32 $0xFFFFC000  }
0x2d: {  	[hbm4b:s7+s8] =	stream.indirect.scatter [tilespmem:s6], [sflag:$0x1], $0x80, s18, s8, $0xb8;
	[tilespmem:$0x10200] =	vst v63  }
0x2e: {  	s19 =	sadd.s32 s22, s19  }
0x2f: {  	[tilespmem:s10], [sflag:$0x2] =	stream.linear.gather [hbm4b:s19+s2], $0x4000, $0x38;
	[tilespmem:$0x10200] =	vst v63  }
0x30: {  	_ =	swait.ge [sflag:s4], $0x4000  }
0x31: {  	[sflag:s4] =	ssyncset.done $0x0  }
0x32: {  	[sflag:s4] =	ssyncadd.s32 $0xFFFFC000  }
0x33: {  	[hbm4b:s11+s8] =	stream.indirect.scatter [tilespmem:s10], [sflag:$0x1], $0x80, s18, s8, $0xb8;
	[tilespmem:$0x10200] =	vst v63  }
0x34: {  	_ =	swait.ge [sflag:s16], $0x4000  }
0x35: {  	[sflag:s16] =	ssyncset.done $0x0  }
0x36: {  	[sflag:s16] =	ssyncadd.s32 $0xFFFFC000  }
0x37: {  	_ =	swait.ge [sflag:s16], $0x4000  }
0x38: {  	s24 =	sor.u32 $0x1800, s21;
	[sflag:s16] =	ssyncset.done $0x0  }
0x39: {  	s20 =	sadd.s32 s20, s24;
	[sflag:s16] =	ssyncadd.s32 $0xFFFFC000  }
0x3a: {  	[tilespmem:s13], [sflag:$0x2] =	stream.linear.gather [hbm4b:s20+s2], $0x4000, $0x38;
	[tilespmem:$0x10200] =	vst v63  }
0x3b: {  	_ =	swait.ge [sflag:s4], $0x4000  }
0x3c: {  	[sflag:s4] =	ssyncset.done $0x0  }
0x3d: {  	s21 =	simm.s32 $0x180;
	[sflag:s4] =	ssyncadd.s32 $0xFFFFC000  }
0x3e: {  	[hbm4b:s7+s8] =	stream.indirect.scatter [tilespmem:s13], [sflag:$0x1], $0x80, s21, s8, $0xb8;
	[tilespmem:$0x10200] =	vst v63  }
0x3f: {  	s22 =	sadd.s32 s22, s24  }
0x40: {  	[tilespmem:s15], [sflag:$0x2] =	stream.linear.gather [hbm4b:s22+s2], $0x4000, $0x38;
	[tilespmem:$0x10200] =	vst v63  }
0x41: {  	_ =	swait.ge [sflag:s4], $0x4000  }
0x42: {  	[sflag:s4] =	ssyncset.done $0x0  }
0x43: {  	[sflag:s4] =	ssyncadd.s32 $0xFFFFC000  }
0x44: {  	[hbm4b:s11+s8] =	stream.indirect.scatter [tilespmem:s15], [sflag:$0x1], $0x80, s21, s8, $0xb8;
	[tilespmem:$0x10200] =	vst v63  }
0x45: {  	_ =	swait.ge [sflag:s16], $0x4000  }
0x46: {  	s23 =	ssub.s32 $0x2, s23;
	[sflag:s16] =	ssyncset.done $0x0  }
0x47: {  	s31 =	sshrl.u32 s23, $0x1;
	[sflag:s16] =	ssyncadd.s32 $0xFFFFC000  }
0x48: {  	s23 =	ssub.s32 s23, s31;
	_ =	swait.ge [sflag:s16], $0x4000  }
0x49: {  	s23 =	smax.u32 s23, $0x1;
	[sflag:s16] =	ssyncset.done $0x0  }
0x4a: {  	p0 =	sne.s32 s23, $0x1;
	[sflag:s16] =	ssyncadd.s32 $0xFFFFC000  }
.Ltmp0:
0x4b: {  	_ =	swait.ge [sflag:s16], $0x4000;
	(pc) =	sbr.rel @!p0 .LBB2_2-.Ltmp0, $4  }
0x4c: {  	[sflag:s16] =	ssyncset.done $0x0  }
0x4d: {  	[sflag:s16] =	ssyncadd.s32 $0xFFFFC000  }
0x4e: {  	_ =	swait.ge [sflag:s16], $0x4000  }
0x4f: {  	s23 =	sadd.s32 $0xFFFFFFFF, s23;
	[sflag:s16] =	ssyncset.done $0x0  }
.LBB2_1:
0x50: {  	p0 =	sne.s32 s23, $0x1;
	s23 =	sadd.s32 $0xFFFFFFFF, s23;
	[sflag:s16] =	ssyncadd.s32 $0xFFFFC000  }
0x51: {  	[tilespmem:s2], [sflag:$0x2] =	stream.linear.gather [hbm4b:s3+s2], $0x200, $0x38;
	[tilespmem:$0x10200] =	vst v63  }
0x52: {  	_ =	swait.ge [sflag:s4], $0x200  }
0x53: {  	[sflag:s4] =	ssyncset.done $0x0  }
0x54: {  	[sflag:s4] =	ssyncadd.s32 $0xFFFFFE00  }
0x55: {  	[tilespmem:s6], [sflag:$0x2] =	stream.linear.gather [hbm4b:s5+s2], $0x4000, $0x38;
	[tilespmem:$0x10200] =	vst v63  }
0x56: {  	_ =	swait.ge [sflag:s4], $0x4000  }
0x57: {  	[sflag:s4] =	ssyncset.done $0x0  }
0x58: {  	[sflag:s4] =	ssyncadd.s32 $0xFFFFC000  }
0x59: {  	[hbm4b:s7+s8] =	stream.indirect.scatter [tilespmem:s6], [sflag:$0x1], $0x80, s2, s8, $0xb8;
	[tilespmem:$0x10200] =	vst v63  }
0x5a: {  	_ = 	snop  }
0x5b: {  	[tilespmem:s10], [sflag:$0x2] =	stream.linear.gather [hbm4b:s9+s2], $0x4000, $0x38;
	[tilespmem:$0x10200] =	vst v63  }
0x5c: {  	_ =	swait.ge [sflag:s4], $0x4000  }
0x5d: {  	[sflag:s4] =	ssyncset.done $0x0  }
0x5e: {  	[sflag:s4] =	ssyncadd.s32 $0xFFFFC000  }
0x5f: {  	[hbm4b:s11+s8] =	stream.indirect.scatter [tilespmem:s10], [sflag:$0x1], $0x80, s2, s8, $0xb8;
	[tilespmem:$0x10200] =	vst v63  }
0x60: {  	_ = 	snop  }
0x61: {  	[tilespmem:s13], [sflag:$0x2] =	stream.linear.gather [hbm4b:s12+s2], $0x4000, $0x38;
	[tilespmem:$0x10200] =	vst v63  }
0x62: {  	_ =	swait.ge [sflag:s4], $0x4000  }
0x63: {  	[sflag:s4] =	ssyncset.done $0x0  }
0x64: {  	[sflag:s4] =	ssyncadd.s32 $0xFFFFC000  }
0x65: {  	[hbm4b:s7+s8] =	stream.indirect.scatter [tilespmem:s13], [sflag:$0x1], $0x80, s8, s8, $0xb8;
	[tilespmem:$0x10200] =	vst v63  }
0x66: {  	_ = 	snop  }
0x67: {  	[tilespmem:s15], [sflag:$0x2] =	stream.linear.gather [hbm4b:s14+s2], $0x4000, $0x38;
	[tilespmem:$0x10200] =	vst v63  }
0x68: {  	_ =	swait.ge [sflag:s4], $0x4000  }
0x69: {  	[sflag:s4] =	ssyncset.done $0x0  }
0x6a: {  	[sflag:s4] =	ssyncadd.s32 $0xFFFFC000  }
0x6b: {  	[hbm4b:s11+s8] =	stream.indirect.scatter [tilespmem:s15], [sflag:$0x1], $0x80, s8, s8, $0xb8;
	[tilespmem:$0x10200] =	vst v63  }
0x6c: {  	_ =	swait.ge [sflag:s16], $0x4000  }
0x6d: {  	[sflag:s16] =	ssyncset.done $0x0  }
0x6e: {  	[sflag:s16] =	ssyncadd.s32 $0xFFFFC000  }
0x6f: {  	_ =	swait.ge [sflag:s16], $0x4000  }
0x70: {  	[sflag:s16] =	ssyncset.done $0x0  }
0x71: {  	[sflag:s16] =	ssyncadd.s32 $0xFFFFC000  }
0x72: {  	[tilespmem:s6], [sflag:$0x2] =	stream.linear.gather [hbm4b:s17+s2], $0x4000, $0x38;
	[tilespmem:$0x10200] =	vst v63  }
0x73: {  	_ =	swait.ge [sflag:s4], $0x4000  }
0x74: {  	[sflag:s4] =	ssyncset.done $0x0  }
0x75: {  	[sflag:s4] =	ssyncadd.s32 $0xFFFFC000  }
0x76: {  	[hbm4b:s7+s8] =	stream.indirect.scatter [tilespmem:s6], [sflag:$0x1], $0x80, s18, s8, $0xb8;
	[tilespmem:$0x10200] =	vst v63  }
0x77: {  	_ = 	snop  }
0x78: {  	[tilespmem:s10], [sflag:$0x2] =	stream.linear.gather [hbm4b:s19+s2], $0x4000, $0x38;
	[tilespmem:$0x10200] =	vst v63  }
0x79: {  	_ =	swait.ge [sflag:s4], $0x4000  }
0x7a: {  	[sflag:s4] =	ssyncset.done $0x0  }
0x7b: {  	[sflag:s4] =	ssyncadd.s32 $0xFFFFC000  }
0x7c: {  	[hbm4b:s11+s8] =	stream.indirect.scatter [tilespmem:s10], [sflag:$0x1], $0x80, s18, s8, $0xb8;
	[tilespmem:$0x10200] =	vst v63  }
0x7d: {  	_ =	swait.ge [sflag:s16], $0x4000  }
0x7e: {  	[sflag:s16] =	ssyncset.done $0x0  }
0x7f: {  	[sflag:s16] =	ssyncadd.s32 $0xFFFFC000  }
0x80: {  	_ =	swait.ge [sflag:s16], $0x4000  }
0x81: {  	[sflag:s16] =	ssyncset.done $0x0  }
0x82: {  	[sflag:s16] =	ssyncadd.s32 $0xFFFFC000  }
0x83: {  	[tilespmem:s13], [sflag:$0x2] =	stream.linear.gather [hbm4b:s20+s2], $0x4000, $0x38;
	[tilespmem:$0x10200] =	vst v63  }
0x84: {  	_ =	swait.ge [sflag:s4], $0x4000  }
0x85: {  	[sflag:s4] =	ssyncset.done $0x0  }
0x86: {  	[sflag:s4] =	ssyncadd.s32 $0xFFFFC000  }
0x87: {  	[hbm4b:s7+s8] =	stream.indirect.scatter [tilespmem:s13], [sflag:$0x1], $0x80, s21, s8, $0xb8;
	[tilespmem:$0x10200] =	vst v63  }
0x88: {  	_ = 	snop  }
0x89: {  	[tilespmem:s15], [sflag:$0x2] =	stream.linear.gather [hbm4b:s22+s2], $0x4000, $0x38;
	[tilespmem:$0x10200] =	vst v63  }
0x8a: {  	_ =	swait.ge [sflag:s4], $0x4000  }
0x8b: {  	[sflag:s4] =	ssyncset.done $0x0  }
0x8c: {  	[sflag:s4] =	ssyncadd.s32 $0xFFFFC000  }
0x8d: {  	[hbm4b:s11+s8] =	stream.indirect.scatter [tilespmem:s15], [sflag:$0x1], $0x80, s21, s8, $0xb8;
	[tilespmem:$0x10200] =	vst v63  }
0x8e: {  	_ =	swait.ge [sflag:s16], $0x4000  }
0x8f: {  	[sflag:s16] =	ssyncset.done $0x0  }
0x90: {  	[sflag:s16] =	ssyncadd.s32 $0xFFFFC000  }
0x91: {  	_ =	swait.ge [sflag:s16], $0x4000  }
0x92: {  	[sflag:s16] =	ssyncset.done $0x0  }
0x93: {  	[sflag:s16] =	ssyncadd.s32 $0xFFFFC000  }
.Ltmp1:
0x94: {  	_ =	swait.ge [sflag:s16], $0x4000;
	(pc) =	sbr.rel @p0 .LBB2_1-.Ltmp1, $4  }
0x95: {  	[sflag:s16] =	ssyncset.done $0x0  }
0x96: {  	[sflag:s16] =	ssyncadd.s32 $0xFFFFC000  }
0x97: {  	_ =	swait.ge [sflag:s16], $0x4000  }
0x98: {  	[sflag:s16] =	ssyncset.done $0x0  }
.LBB2_2:
0x99: {  	[sflag:s16] =	ssyncadd.s32 $0xFFFFC000  }
0x9a: {  	_ =	sfence.sel $0x180000  }
0x9b: {  	[bflag:$0x0] =	sbarrier.arrive $0xFFFF  }
0x9c: {  	p0 =	sne.s32 s1, $0x0;
	_ =	strace $0x90000047  }
0x9d: {  	s0 =	sadd.s32 @!p0 $0x100000, s0;
	[bflag:$0x2] =	sbarrier.arrive $0xFFFF  }
0x9e: {  	[sflag:s0] =	ssyncadd.tile.s32 @!p0 $0x1;
	_ =	shalt  }
.Lfunc_end2:
_tile_overlayer_lowered:
.L_overlay_start_2:
0x9f: {  	(tag) =	ssettag $0x2  }
0xa0: {  	s0 =	rddreg [dreg:$0x0];
	s2 =	stileid.u32  }
0xa1: {  	s1 =	rddreg [dreg:$0x1];
	p0 =	sne.s32 s2, $0x0  }
0xa2: {  	s3 =	rddreg [dreg:$0x2];
	[bflag:$0x3] =	sbarrier.arrive $0xFFFF;
	s2 =	simm.s32 @!p0 $0x1C02  }
0xa3: {  	[timem:s3], [sflag:s2] =	dma.local @!p0 [hbm:s0], s1  }
0xa4: {  	s0 =	simm.s32 @!p0 $0x2  }
0xa5: {  	_ =	swait.ge @!p0 [sflag:s0], s1  }
0xa6: {  	s1 =	ssub.s32 @!p0 $0x0, s1;
	[sflag:s0] =	ssyncset.done @!p0 $0x0  }
0xa7: {  	[sflag:s0] =	ssyncadd.s32 @!p0 s1  }
0xa8: {  	[bflag:$0x3] =	sbarrier.arrive $0xFFFF  }
0xa9: {  	_ =	shalt  }

</sc_bundles>
